<compile_context>
chip_gen: v7x
topology: tpu7x:2x2x1
jax: 0.10.2.dev20260603
libtpu: 0.0.44.dev20260713+nightly
codegen_flags: <defaults>
</compile_context>

<pallas_src>
import functools

import jax
import jax.numpy as jnp
from jax import lax
from jax.experimental import pallas as pl
from jax.experimental.pallas import tpu as pltpu
from jax.experimental.pallas import tpu_sc as plsc

B = 16384
HID = 32
OUT = 3
NBIN = 11
VSPC, VNTA = 133, 188
OFF_SPC = 1 << NBIN
VSPC4 = 136
OFF_NTA = OFF_SPC + VSPC4
VTOT = OFF_NTA + VNTA
DBIG = 16
TOT = 2 * NBIN + 2 * DBIG + 1
NC, NS, L = 2, 16, 16
NW = NC * NS
BPW = B // NW
GR = 128
NG = BPW // GR
PK = 4
B4 = B // PK
PPW = BPW // PK

_dn = (((1,), (1,)), ((), ()))


def _prep_tables(bin_embs, emb_spc, emb_nta, W1, b1, W2, b2, W3, b3):

    def body(*refs):
        eb = refs[:NBIN]
        (espc_ref, enta_ref, w1_ref, b1_ref, w2_ref, b2_ref, w3_ref, b3_ref,
         tab_ref, w2p_ref, w3p_ref, mn_ref, b2p_ref, b3p_ref) = refs[NBIN:]
        w1 = w1_ref[...]
        const = b1_ref[...][None, :]
        deltas = []
        for c in range(NBIN):
            tc = lax.dot_general(eb[c][...], w1[:, 2 * c:2 * c + 2], _dn,
                                 preferred_element_type=jnp.float32)
            const = const + tc[0:1]
            deltas.append(tc[1:2] - tc[0:1])
        delta = jnp.concatenate(deltas, axis=0)

        jj = lax.broadcasted_iota(jnp.int32, ((1 << NBIN) // PK, PK * NBIN), 0)
        qq = lax.broadcasted_iota(jnp.int32, ((1 << NBIN) // PK, PK * NBIN), 1)
        bitsp = (((PK * jj + qq // NBIN) >> (qq % NBIN)) & 1).astype(jnp.float32)
        zc = jnp.zeros((1, HID), jnp.float32)
        zd = jnp.zeros((NBIN, HID), jnp.float32)
        deltap = jnp.concatenate(
            [jnp.concatenate([delta if i == k else zd for k in range(PK)],
                             axis=1) for i in range(PK)], axis=0)
        constp = jnp.concatenate([const] * PK, axis=1)
        bin_p = constp + jnp.dot(bitsp, deltap,
                                 preferred_element_type=jnp.float32)

        off = 2 * NBIN
        t_spc = lax.dot_general(espc_ref[...], w1[:, off:off + DBIG], _dn,
                                preferred_element_type=jnp.float32)
        t_nta = lax.dot_general(enta_ref[...], w1[:, off + DBIG:off + 2 * DBIG],
                                _dn, preferred_element_type=jnp.float32)

        def pack_rows(t, vp):
            v = t.shape[0]
            cols = []
            for a in range(PK):
                ji = lax.broadcasted_iota(jnp.int32, (vp // PK, v), 0)
                ri = lax.broadcasted_iota(jnp.int32, (vp // PK, v), 1)
                sel = (ri == PK * ji + a).astype(jnp.float32)
                cols.append(jnp.dot(sel, t, preferred_element_type=jnp.float32))
            return jnp.concatenate(cols, axis=1)

        spc_p = pack_rows(t_spc, VSPC4)
        nta_p = pack_rows(t_nta, VNTA)
        wnum = w1[:, TOT - 1:TOT]
        wnum_row = lax.dot_general(jnp.ones((1, 1), jnp.float32), wnum, _dn,
                                   preferred_element_type=jnp.float32)
        wnum_p = jnp.concatenate([wnum_row] * PK, axis=1)
        tab_ref[...] = jnp.concatenate([bin_p, spc_p, nta_p, wnum_p], axis=0)
        zc = jnp.zeros((1, HID), jnp.float32)
        mn_ref[...] = jnp.concatenate(
            [jnp.concatenate([wnum_row if i == k else zc for k in range(PK)],
                             axis=1) for i in range(PK)], axis=0)

        w2 = w2_ref[...]
        z32 = jnp.zeros((HID, HID), jnp.float32)
        w2p_ref[...] = jnp.concatenate(
            [jnp.concatenate([w2 if i == k else z32 for k in range(PK)], axis=1)
             for i in range(PK)], axis=0)
        w3 = w3_ref[...]
        z1 = jnp.zeros((1, HID), jnp.float32)
        w3p_ref[...] = jnp.concatenate(
            [jnp.concatenate([w3[o:o + 1] if k == a else z1
                              for k in range(PK)], axis=1)
             for o in range(OUT) for a in range(PK)], axis=0)
        b2r = b2_ref[...][None, :]
        b2p_ref[...] = jnp.concatenate([b2r] * PK, axis=1)
        b3r = b3_ref[...][None, :]
        b3p_ref[...] = jnp.concatenate(
            [b3r[:, o:o + 1] for o in range(OUT) for a in range(PK)],
            axis=1)

    out_shapes = (
        jax.ShapeDtypeStruct((VTOT // PK + 1, PK * HID), jnp.float32),
        jax.ShapeDtypeStruct((PK * HID, PK * HID), jnp.float32),
        jax.ShapeDtypeStruct((PK * OUT, PK * HID), jnp.float32),
        jax.ShapeDtypeStruct((PK, PK * HID), jnp.float32),
        jax.ShapeDtypeStruct((1, PK * HID), jnp.float32),
        jax.ShapeDtypeStruct((1, PK * OUT), jnp.float32),
    )
    return pl.pallas_call(body, out_shape=out_shapes)(
        *bin_embs, emb_spc, emb_nta, W1, b1, W2, b2, W3, b3)


def _sc_gather_sum(idxs_and_table):
    mesh = plsc.VectorSubcoreMesh(core_axis_name="c", subcore_axis_name="s")

    scratch = [pltpu.VMEM((BPW,), jnp.int32) for _ in range(NBIN + 2)]
    scratch += [pltpu.VMEM((BPW,), jnp.int32) for _ in range(3)]
    scratch += [pltpu.VMEM((BPW, HID), jnp.float32) for _ in range(3)]
    scratch.append(pltpu.VMEM((PPW, PK * HID), jnp.float32))
    scratch += [pltpu.SemaphoreType.DMA for _ in range(NG)]
    scratch += [pltpu.SemaphoreType.DMA for _ in range(NG)]
    scratch.append(pltpu.SemaphoreType.DMA)

    @functools.partial(
        pl.kernel,
        out_type=jax.ShapeDtypeStruct((B4, PK * HID), jnp.float32),
        mesh=mesh,
        scratch_types=scratch,
        compiler_params=pltpu.CompilerParams(use_tc_tiling_on_sc=False),
    )
    def body(*refs):
        idx_hbm = refs[:NBIN + 2]
        tab_hbm = refs[NBIN + 2]
        out = refs[NBIN + 3]
        idx_v = refs[NBIN + 4:2 * NBIN + 6]
        key_v = refs[2 * NBIN + 6:2 * NBIN + 9]
        r = refs[2 * NBIN + 9:2 * NBIN + 12]
        rp = refs[2 * NBIN + 12]
        isems = refs[2 * NBIN + 13:2 * NBIN + 13 + NG]
        gsems = refs[2 * NBIN + 13 + NG:2 * NBIN + 13 + 2 * NG]
        osem = refs[2 * NBIN + 13 + 2 * NG]

        wid = lax.axis_index("s") * NC + lax.axis_index("c")
        order = [NBIN, NBIN + 1] + list(range(NBIN))
        idx_cps = {}
        for c in order:
            idx_cps[c] = [
                pltpu.async_copy(idx_hbm[c].at[pl.ds(B4 * a + GR * wid, GR)],
                                 idx_v[c].at[pl.ds(a * GR, GR)], isems[a])
                for a in range(NG)]
        for c in order:
            for cp in idx_cps[c]:
                cp.wait()

        def keys(k, _):
            lanes = pl.ds(k * L, L)
            key_v[1][lanes] = idx_v[NBIN][lanes] + OFF_SPC
            key_v[2][lanes] = idx_v[NBIN + 1][lanes] + OFF_NTA
            acc = idx_v[0][lanes]
            for c in range(1, NBIN):
                acc = acc | (idx_v[c][lanes] << c)
            key_v[0][lanes] = acc
            return 0
        lax.fori_loop(0, BPW // L, keys, 0, unroll=2)

        copies = [[None] * 3 for _ in range(NG)]
        for g in range(NG):
            rows = pl.ds(g * GR, GR)
            for t in range(3):
                copies[g][t] = pltpu.async_copy(
                    tab_hbm.at[key_v[t].at[rows]], r[t].at[rows], gsems[g])

        for g in range(NG):
            for t in range(3):
                copies[g][t].wait()

            @plsc.parallel_loop(0, PPW, 1, unroll=2)
            def _pack(pj, g=g):
                i = g * GR + pj
                for half in range(HID // L):
                    s = pl.ds(half * L, L)
                    rp[pj, pl.ds(g * HID + half * L, L)] = (
                        r[0][i, s] + r[1][i, s] + r[2][i, s])

        pltpu.async_copy(rp, out.at[pl.ds(wid * PPW, PPW)], osem).wait()

    return body(*idxs_and_table)


def _tc_mlp(h4, n128, w2p, b2p, w3p, b3p, mn):
    BR4 = B4
    NB = BR4 // 128

    def body(h_ref, n0_ref, n1_ref, n2_ref, n3_ref, w2_ref, b2_ref,
             w3_ref, b3_ref, mn_ref, o_ref):
        m1a = lax.broadcasted_iota(jnp.int32, (BR4, NB), 0) // 128
        m1b = lax.broadcasted_iota(jnp.int32, (BR4, NB), 1)
        m1 = (m1a == m1b).astype(jnp.float32)
        da = lax.broadcasted_iota(jnp.int32, (BR4, 128), 0) % 128
        db = lax.broadcasted_iota(jnp.int32, (BR4, 128), 1)
        dmask = (da == db).astype(jnp.float32)
        cols = []
        for n_ref in (n0_ref, n1_ref, n2_ref, n3_ref):
            spread = jnp.dot(m1, n_ref[...],
                             preferred_element_type=jnp.float32)
            cols.append(jnp.sum(spread * dmask, axis=1, keepdims=True))
        numt4 = jnp.concatenate(cols, axis=1)

        h = h_ref[...] + jnp.dot(numt4, mn_ref[...],
                                 preferred_element_type=jnp.float32)
        h = jnp.maximum(h, 0.0)
        h = lax.dot_general(h, w2_ref[...], _dn,
                            preferred_element_type=jnp.float32) + b2_ref[...]
        h = jnp.maximum(h, 0.0)
        lo = lax.dot_general(h, w3_ref[...], _dn,
                             preferred_element_type=jnp.float32) + b3_ref[...]
        m = jnp.max(lo, axis=1, keepdims=True)
        e = jnp.exp(lo - m)
        qa = lax.broadcasted_iota(jnp.int32, (PK * OUT, PK * OUT), 0) % PK
        qb = lax.broadcasted_iota(jnp.int32, (PK * OUT, PK * OUT), 1) % PK
        q = (qa == qb).astype(jnp.float32)
        den = jnp.dot(e, q, preferred_element_type=jnp.float32)
        o_ref[...] = jnp.transpose(e / den)

    rep = lambda shape: pl.BlockSpec(shape, lambda i: tuple(0 for _ in shape))
    nspec = lambda a: pl.BlockSpec((NB, 128), lambda i, a=a: (a, 0))
    return pl.pallas_call(
        body,
        grid=(B4 // BR4,),
        in_specs=[
            pl.BlockSpec((BR4, PK * HID), lambda i: (i, 0)),
            nspec(0), nspec(1), nspec(2), nspec(3),
            rep((PK * HID, PK * HID)),
            rep((1, PK * HID)),
            rep((PK * OUT, PK * HID)),
            rep((1, PK * OUT)),
            rep((PK, PK * HID)),
        ],
        out_specs=pl.BlockSpec((PK * OUT, BR4), lambda i: (0, i)),
        out_shape=jax.ShapeDtypeStruct((PK * OUT, B4), jnp.float32),
    )(h4, n128, n128, n128, n128, w2p, b2p, w3p, b3p, mn)


def kernel(numerical_features,
           idx_root_stone, emb_root_stone,
           idx_root_grate, emb_root_grate,
           idx_root_other, emb_root_other,
           idx_trunk_wire, emb_trunk_wire,
           idx_trnk_light, emb_trnk_light,
           idx_trnk_other, emb_trnk_other,
           idx_brch_light, emb_brch_light,
           idx_brch_shoe, emb_brch_shoe,
           idx_brch_other, emb_brch_other,
           idx_curb_loc, emb_curb_loc,
           idx_sidewalk, emb_sidewalk,
           idx_spc_common, emb_spc_common,
           idx_nta, emb_nta,
           W1, b1, W2, b2, W3, b3):
    idxs = [idx_root_stone, idx_root_grate, idx_root_other, idx_trunk_wire,
            idx_trnk_light, idx_trnk_other, idx_brch_light, idx_brch_shoe,
            idx_brch_other, idx_curb_loc, idx_sidewalk, idx_spc_common, idx_nta]
    bin_embs = [emb_root_stone, emb_root_grate, emb_root_other, emb_trunk_wire,
                emb_trnk_light, emb_trnk_other, emb_brch_light, emb_brch_shoe,
                emb_brch_other, emb_curb_loc, emb_sidewalk]

    tab4, w2p, w3p, mn, b2p, b3p = _prep_tables(
        bin_embs, emb_spc_common, emb_nta, W1, b1, W2, b2, W3, b3)
    tab = jnp.reshape(tab4, (VTOT + PK, HID))
    idxs32 = [i.astype(jnp.int32) for i in idxs]
    h4 = _sc_gather_sum(idxs32 + [tab])
    n128 = jnp.reshape(numerical_features, (128, 128))
    o12 = _tc_mlp(h4, n128, w2p, b2p, w3p, b3p, mn)
    return jnp.transpose(jnp.reshape(o12, (OUT, B)))

# --- scband reference (transcript-rebuilt; emitter-appended) ---
"""Pipeline reference for scband-tabular-nn-2534030705005 (READ-ONLY COPY).

The authoritative reference and input builder live on the scoring server;
editing this copy changes nothing except your own understanding.
"""

import jax, jax.numpy as jnp
import numpy as np

COLS = ['root_stone','root_grate','root_other','trunk_wire','trnk_light','trnk_other','brch_light','brch_shoe','brch_other','curb_loc','sidewalk','spc_common','nta']
VOCAB = {c: 2 for c in COLS[:11]}
VOCAB['spc_common'] = 133
VOCAB['nta'] = 188
DIMS = {c: 2 for c in COLS[:11]}
DIMS['spc_common'] = 16
DIMS['nta'] = 16
B = 16384
NUM = 1
HID = 32
OUT = 3
TOTAL = sum(DIMS.values()) + NUM  # 39


def setup_inputs(seed: int = 0) -> dict:
    key = jax.random.key(seed)
    inp = {}
    inp['numerical_features'] = jax.random.normal(jax.random.fold_in(key, 1000), (B, NUM), dtype=jnp.float32)
    for i, c in enumerate(COLS):
        inp['idx_' + c] = jax.random.randint(jax.random.fold_in(key, i), (B,), 0, VOCAB[c], dtype=jnp.int64 if jax.config.jax_enable_x64 else jnp.int32)
        inp['emb_' + c] = jax.random.normal(jax.random.fold_in(key, 100 + i), (VOCAB[c], DIMS[c]), dtype=jnp.float32) * 0.05
    inp['W1'] = jax.random.normal(jax.random.fold_in(key, 201), (HID, TOTAL), dtype=jnp.float32) * (1.0 / np.sqrt(TOTAL))
    inp['b1'] = jnp.zeros((HID,), dtype=jnp.float32)
    inp['W2'] = jax.random.normal(jax.random.fold_in(key, 202), (HID, HID), dtype=jnp.float32) * (1.0 / np.sqrt(HID))
    inp['b2'] = jnp.zeros((HID,), dtype=jnp.float32)
    inp['W3'] = jax.random.normal(jax.random.fold_in(key, 203), (OUT, HID), dtype=jnp.float32) * (1.0 / np.sqrt(HID))
    inp['b3'] = jnp.zeros((OUT,), dtype=jnp.float32)
    return inp


def reference(numerical_features,
              idx_root_stone, emb_root_stone,
              idx_root_grate, emb_root_grate,
              idx_root_other, emb_root_other,
              idx_trunk_wire, emb_trunk_wire,
              idx_trnk_light, emb_trnk_light,
              idx_trnk_other, emb_trnk_other,
              idx_brch_light, emb_brch_light,
              idx_brch_shoe, emb_brch_shoe,
              idx_brch_other, emb_brch_other,
              idx_curb_loc, emb_curb_loc,
              idx_sidewalk, emb_sidewalk,
              idx_spc_common, emb_spc_common,
              idx_nta, emb_nta,
              W1, b1, W2, b2, W3, b3):
    inp = dict(locals())
    # embedding lookups (gathers), one per categorical column
    embs = [jnp.take(inp['emb_' + c], inp['idx_' + c], axis=0) for c in COLS]
    embedded = jnp.concatenate(embs, axis=1)
    combined = jnp.concatenate([embedded, inp['numerical_features']], axis=1)
    h = jax.nn.relu(combined @ inp['W1'].T + inp['b1'])
    h = jax.nn.relu(h @ inp['W2'].T + inp['b2'])
    logits = h @ inp['W3'].T + inp['b3']
    # torch.nn.Softmax() with dim=None on a 2D input applies softmax over dim=1
    return jax.nn.softmax(logits, axis=1)

if __name__ == "__main__":
    import jax
    _d = setup_inputs()
    print(jax.jit(kernel)(*tuple(_d.values())))

</pallas_src>

<mosaic_0001>
#map = affine_map<(d0, d1) -> (0)>
#map1 = affine_map<(d0, d1) -> (0, 0)>
module attributes {stable_mosaic.version = 14 : i64} {
  func.func @body(%arg0: i32, %arg1: i32, %arg2: memref<16384xi32, #tpu.memory_space<hbm>>, %arg3: memref<16384xi32, #tpu.memory_space<hbm>>, %arg4: memref<16384xi32, #tpu.memory_space<hbm>>, %arg5: memref<16384xi32, #tpu.memory_space<hbm>>, %arg6: memref<16384xi32, #tpu.memory_space<hbm>>, %arg7: memref<16384xi32, #tpu.memory_space<hbm>>, %arg8: memref<16384xi32, #tpu.memory_space<hbm>>, %arg9: memref<16384xi32, #tpu.memory_space<hbm>>, %arg10: memref<16384xi32, #tpu.memory_space<hbm>>, %arg11: memref<16384xi32, #tpu.memory_space<hbm>>, %arg12: memref<16384xi32, #tpu.memory_space<hbm>>, %arg13: memref<16384xi32, #tpu.memory_space<hbm>>, %arg14: memref<16384xi32, #tpu.memory_space<hbm>>, %arg15: memref<2376x32xf32, #tpu.memory_space<hbm>>, %arg16: memref<4096x128xf32, #tpu.memory_space<hbm>>, %arg17: memref<512xi32, #tpu.memory_space<vmem>>, %arg18: memref<512xi32, #tpu.memory_space<vmem>>, %arg19: memref<512xi32, #tpu.memory_space<vmem>>, %arg20: memref<512xi32, #tpu.memory_space<vmem>>, %arg21: memref<512xi32, #tpu.memory_space<vmem>>, %arg22: memref<512xi32, #tpu.memory_space<vmem>>, %arg23: memref<512xi32, #tpu.memory_space<vmem>>, %arg24: memref<512xi32, #tpu.memory_space<vmem>>, %arg25: memref<512xi32, #tpu.memory_space<vmem>>, %arg26: memref<512xi32, #tpu.memory_space<vmem>>, %arg27: memref<512xi32, #tpu.memory_space<vmem>>, %arg28: memref<512xi32, #tpu.memory_space<vmem>>, %arg29: memref<512xi32, #tpu.memory_space<vmem>>, %arg30: memref<512xi32, #tpu.memory_space<vmem>>, %arg31: memref<512xi32, #tpu.memory_space<vmem>>, %arg32: memref<512xi32, #tpu.memory_space<vmem>>, %arg33: memref<512x32xf32, #tpu.memory_space<vmem>>, %arg34: memref<512x32xf32, #tpu.memory_space<vmem>>, %arg35: memref<512x32xf32, #tpu.memory_space<vmem>>, %arg36: memref<128x128xf32, #tpu.memory_space<vmem>>, %arg37: memref<!tpu.dma_semaphore, #tpu.memory_space<semaphore_mem>>, %arg38: memref<!tpu.dma_semaphore, #tpu.memory_space<semaphore_mem>>, %arg39: memref<!tpu.dma_semaphore, #tpu.memory_space<semaphore_mem>>, %arg40: memref<!tpu.dma_semaphore, #tpu.memory_space<semaphore_mem>>, %arg41: memref<!tpu.dma_semaphore, #tpu.memory_space<semaphore_mem>>, %arg42: memref<!tpu.dma_semaphore, #tpu.memory_space<semaphore_mem>>, %arg43: memref<!tpu.dma_semaphore, #tpu.memory_space<semaphore_mem>>, %arg44: memref<!tpu.dma_semaphore, #tpu.memory_space<semaphore_mem>>, %arg45: memref<!tpu.dma_semaphore, #tpu.memory_space<semaphore_mem>>) attributes {dimension_semantics = [#tpu.dimension_semantics<core_parallel>, #tpu.dimension_semantics<subcore_parallel>], iteration_bounds = array<i64: 2, 16>, scalar_prefetch = 0 : i64, scratch_operands = 29 : i64, tpu.core_type = #tpu.core_type<sc_vector_subcore>, window_params = [{transform_indices = #map}, {transform_indices = #map}, {transform_indices = #map}, {transform_indices = #map}, {transform_indices = #map}, {transform_indices = #map}, {transform_indices = #map}, {transform_indices = #map}, {transform_indices = #map}, {transform_indices = #map}, {transform_indices = #map}, {transform_indices = #map}, {transform_indices = #map}, {transform_indices = #map1}, {transform_indices = #map1}]} {
    %mul3A = arith.constant 2 : i32
    %mul3A_0 = arith.muli %arg1, %mul3A : i32
    %add3A = arith.addi %mul3A_0, %arg0 : i32
    %mul3A_1 = arith.constant 128 : i32
    %mul3A_2 = arith.muli %mul3A_1, %add3A : i32
    %add3A_3 = arith.constant 0 : i32
    %add3A_4 = arith.addi %add3A_3, %mul3A_2 : i32
    %dma_start3A = arith.constant 0 : i32
    %dma_start3A_5 = tpu.memref_slice %arg28[%dma_start3A] : memref<512xi32, #tpu.memory_space<vmem>> -> memref<128xi32, #tpu.memory_space<vmem>>
    %dma_start3A_6 = tpu.memref_slice %arg13[%add3A_4] : memref<16384xi32, #tpu.memory_space<hbm>> -> memref<128xi32, #tpu.memory_space<hbm>>
    %dma_start3A_7 = arith.constant 0 : i32
    %dma_start3A_8 = tpu.memref_slice %arg28[%dma_start3A_7] : memref<512xi32, #tpu.memory_space<vmem>> -> memref<128xi32, #tpu.memory_space<vmem>>
    %dma_start3A_9 = tpu.memref_slice %arg13[%add3A_4] : memref<16384xi32, #tpu.memory_space<hbm>> -> memref<128xi32, #tpu.memory_space<hbm>>
    tpu.enqueue_dma source(%dma_start3A_9 : memref<128xi32, #tpu.memory_space<hbm>>) target(%dma_start3A_8 : memref<128xi32, #tpu.memory_space<vmem>>) target_semaphore(%arg37 : memref<!tpu.dma_semaphore, #tpu.memory_space<semaphore_mem>>)
    %mul3A_10 = arith.constant 128 : i32
    %mul3A_11 = arith.muli %mul3A_10, %add3A : i32
    %add3A_12 = arith.constant 4096 : i32
    %add3A_13 = arith.addi %add3A_12, %mul3A_11 : i32
    %dma_start3A_14 = arith.constant 128 : i32
    %dma_start3A_15 = tpu.memref_slice %arg28[%dma_start3A_14] : memref<512xi32, #tpu.memory_space<vmem>> -> memref<128xi32, #tpu.memory_space<vmem>>
    %dma_start3A_16 = tpu.memref_slice %arg13[%add3A_13] : memref<16384xi32, #tpu.memory_space<hbm>> -> memref<128xi32, #tpu.memory_space<hbm>>
    %dma_start3A_17 = arith.constant 128 : i32
    %dma_start3A_18 = tpu.memref_slice %arg28[%dma_start3A_17] : memref<512xi32, #tpu.memory_space<vmem>> -> memref<128xi32, #tpu.memory_space<vmem>>
    %dma_start3A_19 = tpu.memref_slice %arg13[%add3A_13] : memref<16384xi32, #tpu.memory_space<hbm>> -> memref<128xi32, #tpu.memory_space<hbm>>
    tpu.enqueue_dma source(%dma_start3A_19 : memref<128xi32, #tpu.memory_space<hbm>>) target(%dma_start3A_18 : memref<128xi32, #tpu.memory_space<vmem>>) target_semaphore(%arg38 : memref<!tpu.dma_semaphore, #tpu.memory_space<semaphore_mem>>)
    %mul3A_20 = arith.constant 128 : i32
    %mul3A_21 = arith.muli %mul3A_20, %add3A : i32
    %add3A_22 = arith.constant 8192 : i32
    %add3A_23 = arith.addi %add3A_22, %mul3A_21 : i32
    %dma_start3A_24 = arith.constant 256 : i32
    %dma_start3A_25 = tpu.memref_slice %arg28[%dma_start3A_24] : memref<512xi32, #tpu.memory_space<vmem>> -> memref<128xi32, #tpu.memory_space<vmem>>
    %dma_start3A_26 = tpu.memref_slice %arg13[%add3A_23] : memref<16384xi32, #tpu.memory_space<hbm>> -> memref<128xi32, #tpu.memory_space<hbm>>
    %dma_start3A_27 = arith.constant 256 : i32
    %dma_start3A_28 = tpu.memref_slice %arg28[%dma_start3A_27] : memref<512xi32, #tpu.memory_space<vmem>> -> memref<128xi32, #tpu.memory_space<vmem>>
    %dma_start3A_29 = tpu.memref_slice %arg13[%add3A_23] : memref<16384xi32, #tpu.memory_space<hbm>> -> memref<128xi32, #tpu.memory_space<hbm>>
    tpu.enqueue_dma source(%dma_start3A_29 : memref<128xi32, #tpu.memory_space<hbm>>) target(%dma_start3A_28 : memref<128xi32, #tpu.memory_space<vmem>>) target_semaphore(%arg39 : memref<!tpu.dma_semaphore, #tpu.memory_space<semaphore_mem>>)
    %mul3A_30 = arith.constant 128 : i32
    %mul3A_31 = arith.muli %mul3A_30, %add3A : i32
    %add3A_32 = arith.constant 12288 : i32
    %add3A_33 = arith.addi %add3A_32, %mul3A_31 : i32
    %dma_start3A_34 = arith.constant 384 : i32
    %dma_start3A_35 = tpu.memref_slice %arg28[%dma_start3A_34] : memref<512xi32, #tpu.memory_space<vmem>> -> memref<128xi32, #tpu.memory_space<vmem>>
    %dma_start3A_36 = tpu.memref_slice %arg13[%add3A_33] : memref<16384xi32, #tpu.memory_space<hbm>> -> memref<128xi32, #tpu.memory_space<hbm>>
    %dma_start3A_37 = arith.constant 384 : i32
    %dma_start3A_38 = tpu.memref_slice %arg28[%dma_start3A_37] : memref<512xi32, #tpu.memory_space<vmem>> -> memref<128xi32, #tpu.memory_space<vmem>>
    %dma_start3A_39 = tpu.memref_slice %arg13[%add3A_33] : memref<16384xi32, #tpu.memory_space<hbm>> -> memref<128xi32, #tpu.memory_space<hbm>>
    tpu.enqueue_dma source(%dma_start3A_39 : memref<128xi32, #tpu.memory_space<hbm>>) target(%dma_start3A_38 : memref<128xi32, #tpu.memory_space<vmem>>) target_semaphore(%arg40 : memref<!tpu.dma_semaphore, #tpu.memory_space<semaphore_mem>>)
    %mul3A_40 = arith.constant 128 : i32
    %mul3A_41 = arith.muli %mul3A_40, %add3A : i32
    %add3A_42 = arith.constant 0 : i32
    %add3A_43 = arith.addi %add3A_42, %mul3A_41 : i32
    %dma_start3A_44 = arith.constant 0 : i32
    %dma_start3A_45 = tpu.memref_slice %arg29[%dma_start3A_44] : memref<512xi32, #tpu.memory_space<vmem>> -> memref<128xi32, #tpu.memory_space<vmem>>
    %dma_start3A_46 = tpu.memref_slice %arg14[%add3A_43] : memref<16384xi32, #tpu.memory_space<hbm>> -> memref<128xi32, #tpu.memory_space<hbm>>
    %dma_start3A_47 = arith.constant 0 : i32
    %dma_start3A_48 = tpu.memref_slice %arg29[%dma_start3A_47] : memref<512xi32, #tpu.memory_space<vmem>> -> memref<128xi32, #tpu.memory_space<vmem>>
    %dma_start3A_49 = tpu.memref_slice %arg14[%add3A_43] : memref<16384xi32, #tpu.memory_space<hbm>> -> memref<128xi32, #tpu.memory_space<hbm>>
    tpu.enqueue_dma source(%dma_start3A_49 : memref<128xi32, #tpu.memory_space<hbm>>) target(%dma_start3A_48 : memref<128xi32, #tpu.memory_space<vmem>>) target_semaphore(%arg37 : memref<!tpu.dma_semaphore, #tpu.memory_space<semaphore_mem>>)
    %mul3A_50 = arith.constant 128 : i32
    %mul3A_51 = arith.muli %mul3A_50, %add3A : i32
    %add3A_52 = arith.constant 4096 : i32
    %add3A_53 = arith.addi %add3A_52, %mul3A_51 : i32
    %dma_start3A_54 = arith.constant 128 : i32
    %dma_start3A_55 = tpu.memref_slice %arg29[%dma_start3A_54] : memref<512xi32, #tpu.memory_space<vmem>> -> memref<128xi32, #tpu.memory_space<vmem>>
    %dma_start3A_56 = tpu.memref_slice %arg14[%add3A_53] : memref<16384xi32, #tpu.memory_space<hbm>> -> memref<128xi32, #tpu.memory_space<hbm>>
    %dma_start3A_57 = arith.constant 128 : i32
    %dma_start3A_58 = tpu.memref_slice %arg29[%dma_start3A_57] : memref<512xi32, #tpu.memory_space<vmem>> -> memref<128xi32, #tpu.memory_space<vmem>>
    %dma_start3A_59 = tpu.memref_slice %arg14[%add3A_53] : memref<16384xi32, #tpu.memory_space<hbm>> -> memref<128xi32, #tpu.memory_space<hbm>>
    tpu.enqueue_dma source(%dma_start3A_59 : memref<128xi32, #tpu.memory_space<hbm>>) target(%dma_start3A_58 : memref<128xi32, #tpu.memory_space<vmem>>) target_semaphore(%arg38 : memref<!tpu.dma_semaphore, #tpu.memory_space<semaphore_mem>>)
    %mul3A_60 = arith.constant 128 : i32
    %mul3A_61 = arith.muli %mul3A_60, %add3A : i32
    %add3A_62 = arith.constant 8192 : i32
    %add3A_63 = arith.addi %add3A_62, %mul3A_61 : i32
    %dma_start3A_64 = arith.constant 256 : i32
    %dma_start3A_65 = tpu.memref_slice %arg29[%dma_start3A_64] : memref<512xi32, #tpu.memory_space<vmem>> -> memref<128xi32, #tpu.memory_space<vmem>>
    %dma_start3A_66 = tpu.memref_slice %arg14[%add3A_63] : memref<16384xi32, #tpu.memory_space<hbm>> -> memref<128xi32, #tpu.memory_space<hbm>>
    %dma_start3A_67 = arith.constant 256 : i32
    %dma_start3A_68 = tpu.memref_slice %arg29[%dma_start3A_67] : memref<512xi32, #tpu.memory_space<vmem>> -> memref<128xi32, #tpu.memory_space<vmem>>
    %dma_start3A_69 = tpu.memref_slice %arg14[%add3A_63] : memref<16384xi32, #tpu.memory_space<hbm>> -> memref<128xi32, #tpu.memory_space<hbm>>
    tpu.enqueue_dma source(%dma_start3A_69 : memref<128xi32, #tpu.memory_space<hbm>>) target(%dma_start3A_68 : memref<128xi32, #tpu.memory_space<vmem>>) target_semaphore(%arg39 : memref<!tpu.dma_semaphore, #tpu.memory_space<semaphore_mem>>)
    %mul3A_70 = arith.constant 128 : i32
    %mul3A_71 = arith.muli %mul3A_70, %add3A : i32
    %add3A_72 = arith.constant 12288 : i32
    %add3A_73 = arith.addi %add3A_72, %mul3A_71 : i32
    %dma_start3A_74 = arith.constant 384 : i32
    %dma_start3A_75 = tpu.memref_slice %arg29[%dma_start3A_74] : memref<512xi32, #tpu.memory_space<vmem>> -> memref<128xi32, #tpu.memory_space<vmem>>
    %dma_start3A_76 = tpu.memref_slice %arg14[%add3A_73] : memref<16384xi32, #tpu.memory_space<hbm>> -> memref<128xi32, #tpu.memory_space<hbm>>
    %dma_start3A_77 = arith.constant 384 : i32
    %dma_start3A_78 = tpu.memref_slice %arg29[%dma_start3A_77] : memref<512xi32, #tpu.memory_space<vmem>> -> memref<128xi32, #tpu.memory_space<vmem>>
    %dma_start3A_79 = tpu.memref_slice %arg14[%add3A_73] : memref<16384xi32, #tpu.memory_space<hbm>> -> memref<128xi32, #tpu.memory_space<hbm>>
    tpu.enqueue_dma source(%dma_start3A_79 : memref<128xi32, #tpu.memory_space<hbm>>) target(%dma_start3A_78 : memref<128xi32, #tpu.memory_space<vmem>>) target_semaphore(%arg40 : memref<!tpu.dma_semaphore, #tpu.memory_space<semaphore_mem>>)
    %mul3A_80 = arith.constant 128 : i32
    %mul3A_81 = arith.muli %mul3A_80, %add3A : i32
    %add3A_82 = arith.constant 0 : i32
    %add3A_83 = arith.addi %add3A_82, %mul3A_81 : i32
    %dma_start3A_84 = arith.constant 0 : i32
    %dma_start3A_85 = tpu.memref_slice %arg17[%dma_start3A_84] : memref<512xi32, #tpu.memory_space<vmem>> -> memref<128xi32, #tpu.memory_space<vmem>>
    %dma_start3A_86 = tpu.memref_slice %arg2[%add3A_83] : memref<16384xi32, #tpu.memory_space<hbm>> -> memref<128xi32, #tpu.memory_space<hbm>>
    %dma_start3A_87 = arith.constant 0 : i32
    %dma_start3A_88 = tpu.memref_slice %arg17[%dma_start3A_87] : memref<512xi32, #tpu.memory_space<vmem>> -> memref<128xi32, #tpu.memory_space<vmem>>
    %dma_start3A_89 = tpu.memref_slice %arg2[%add3A_83] : memref<16384xi32, #tpu.memory_space<hbm>> -> memref<128xi32, #tpu.memory_space<hbm>>
    tpu.enqueue_dma source(%dma_start3A_89 : memref<128xi32, #tpu.memory_space<hbm>>) target(%dma_start3A_88 : memref<128xi32, #tpu.memory_space<vmem>>) target_semaphore(%arg37 : memref<!tpu.dma_semaphore, #tpu.memory_space<semaphore_mem>>)
    %mul3A_90 = arith.constant 128 : i32
    %mul3A_91 = arith.muli %mul3A_90, %add3A : i32
    %add3A_92 = arith.constant 4096 : i32
    %add3A_93 = arith.addi %add3A_92, %mul3A_91 : i32
    %dma_start3A_94 = arith.constant 128 : i32
    %dma_start3A_95 = tpu.memref_slice %arg17[%dma_start3A_94] : memref<512xi32, #tpu.memory_space<vmem>> -> memref<128xi32, #tpu.memory_space<vmem>>
    %dma_start3A_96 = tpu.memref_slice %arg2[%add3A_93] : memref<16384xi32, #tpu.memory_space<hbm>> -> memref<128xi32, #tpu.memory_space<hbm>>
    %dma_start3A_97 = arith.constant 128 : i32
    %dma_start3A_98 = tpu.memref_slice %arg17[%dma_start3A_97] : memref<512xi32, #tpu.memory_space<vmem>> -> memref<128xi32, #tpu.memory_space<vmem>>
    %dma_start3A_99 = tpu.memref_slice %arg2[%add3A_93] : memref<16384xi32, #tpu.memory_space<hbm>> -> memref<128xi32, #tpu.memory_space<hbm>>
    tpu.enqueue_dma source(%dma_start3A_99 : memref<128xi32, #tpu.memory_space<hbm>>) target(%dma_start3A_98 : memref<128xi32, #tpu.memory_space<vmem>>) target_semaphore(%arg38 : memref<!tpu.dma_semaphore, #tpu.memory_space<semaphore_mem>>)
    %mul3A_100 = arith.constant 128 : i32
    %mul3A_101 = arith.muli %mul3A_100, %add3A : i32
    %add3A_102 = arith.constant 8192 : i32
    %add3A_103 = arith.addi %add3A_102, %mul3A_101 : i32
    %dma_start3A_104 = arith.constant 256 : i32
    %dma_start3A_105 = tpu.memref_slice %arg17[%dma_start3A_104] : memref<512xi32, #tpu.memory_space<vmem>> -> memref<128xi32, #tpu.memory_space<vmem>>
    %dma_start3A_106 = tpu.memref_slice %arg2[%add3A_103] : memref<16384xi32, #tpu.memory_space<hbm>> -> memref<128xi32, #tpu.memory_space<hbm>>
    %dma_start3A_107 = arith.constant 256 : i32
    %dma_start3A_108 = tpu.memref_slice %arg17[%dma_start3A_107] : memref<512xi32, #tpu.memory_space<vmem>> -> memref<128xi32, #tpu.memory_space<vmem>>
    %dma_start3A_109 = tpu.memref_slice %arg2[%add3A_103] : memref<16384xi32, #tpu.memory_space<hbm>> -> memref<128xi32, #tpu.memory_space<hbm>>
    tpu.enqueue_dma source(%dma_start3A_109 : memref<128xi32, #tpu.memory_space<hbm>>) target(%dma_start3A_108 : memref<128xi32, #tpu.memory_space<vmem>>) target_semaphore(%arg39 : memref<!tpu.dma_semaphore, #tpu.memory_space<semaphore_mem>>)
    %mul3A_110 = arith.constant 128 : i32
    %mul3A_111 = arith.muli %mul3A_110, %add3A : i32
    %add3A_112 = arith.constant 12288 : i32
    %add3A_113 = arith.addi %add3A_112, %mul3A_111 : i32
    %dma_start3A_114 = arith.constant 384 : i32
    %dma_start3A_115 = tpu.memref_slice %arg17[%dma_start3A_114] : memref<512xi32, #tpu.memory_space<vmem>> -> memref<128xi32, #tpu.memory_space<vmem>>
    %dma_start3A_116 = tpu.memref_slice %arg2[%add3A_113] : memref<16384xi32, #tpu.memory_space<hbm>> -> memref<128xi32, #tpu.memory_space<hbm>>
    %dma_start3A_117 = arith.constant 384 : i32
    %dma_start3A_118 = tpu.memref_slice %arg17[%dma_start3A_117] : memref<512xi32, #tpu.memory_space<vmem>> -> memref<128xi32, #tpu.memory_space<vmem>>
    %dma_start3A_119 = tpu.memref_slice %arg2[%add3A_113] : memref<16384xi32, #tpu.memory_space<hbm>> -> memref<128xi32, #tpu.memory_space<hbm>>
    tpu.enqueue_dma source(%dma_start3A_119 : memref<128xi32, #tpu.memory_space<hbm>>) target(%dma_start3A_118 : memref<128xi32, #tpu.memory_space<vmem>>) target_semaphore(%arg40 : memref<!tpu.dma_semaphore, #tpu.memory_space<semaphore_mem>>)
    %mul3A_120 = arith.constant 128 : i32
    %mul3A_121 = arith.muli %mul3A_120, %add3A : i32
    %add3A_122 = arith.constant 0 : i32
    %add3A_123 = arith.addi %add3A_122, %mul3A_121 : i32
    %dma_start3A_124 = arith.constant 0 : i32
    %dma_start3A_125 = tpu.memref_slice %arg18[%dma_start3A_124] : memref<512xi32, #tpu.memory_space<vmem>> -> memref<128xi32, #tpu.memory_space<vmem>>
    %dma_start3A_126 = tpu.memref_slice %arg3[%add3A_123] : memref<16384xi32, #tpu.memory_space<hbm>> -> memref<128xi32, #tpu.memory_space<hbm>>
    %dma_start3A_127 = arith.constant 0 : i32
    %dma_start3A_128 = tpu.memref_slice %arg18[%dma_start3A_127] : memref<512xi32, #tpu.memory_space<vmem>> -> memref<128xi32, #tpu.memory_space<vmem>>
    %dma_start3A_129 = tpu.memref_slice %arg3[%add3A_123] : memref<16384xi32, #tpu.memory_space<hbm>> -> memref<128xi32, #tpu.memory_space<hbm>>
    tpu.enqueue_dma source(%dma_start3A_129 : memref<128xi32, #tpu.memory_space<hbm>>) target(%dma_start3A_128 : memref<128xi32, #tpu.memory_space<vmem>>) target_semaphore(%arg37 : memref<!tpu.dma_semaphore, #tpu.memory_space<semaphore_mem>>)
    %mul3A_130 = arith.constant 128 : i32
    %mul3A_131 = arith.muli %mul3A_130, %add3A : i32
    %add3A_132 = arith.constant 4096 : i32
    %add3A_133 = arith.addi %add3A_132, %mul3A_131 : i32
    %dma_start3A_134 = arith.constant 128 : i32
    %dma_start3A_135 = tpu.memref_slice %arg18[%dma_start3A_134] : memref<512xi32, #tpu.memory_space<vmem>> -> memref<128xi32, #tpu.memory_space<vmem>>
    %dma_start3A_136 = tpu.memref_slice %arg3[%add3A_133] : memref<16384xi32, #tpu.memory_space<hbm>> -> memref<128xi32, #tpu.memory_space<hbm>>
    %dma_start3A_137 = arith.constant 128 : i32
    %dma_start3A_138 = tpu.memref_slice %arg18[%dma_start3A_137] : memref<512xi32, #tpu.memory_space<vmem>> -> memref<128xi32, #tpu.memory_space<vmem>>
    %dma_start3A_139 = tpu.memref_slice %arg3[%add3A_133] : memref<16384xi32, #tpu.memory_space<hbm>> -> memref<128xi32, #tpu.memory_space<hbm>>
    tpu.enqueue_dma source(%dma_start3A_139 : memref<128xi32, #tpu.memory_space<hbm>>) target(%dma_start3A_138 : memref<128xi32, #tpu.memory_space<vmem>>) target_semaphore(%arg38 : memref<!tpu.dma_semaphore, #tpu.memory_space<semaphore_mem>>)
    %mul3A_140 = arith.constant 128 : i32
    %mul3A_141 = arith.muli %mul3A_140, %add3A : i32
    %add3A_142 = arith.constant 8192 : i32
    %add3A_143 = arith.addi %add3A_142, %mul3A_141 : i32
    %dma_start3A_144 = arith.constant 256 : i32
    %dma_start3A_145 = tpu.memref_slice %arg18[%dma_start3A_144] : memref<512xi32, #tpu.memory_space<vmem>> -> memref<128xi32, #tpu.memory_space<vmem>>
    %dma_start3A_146 = tpu.memref_slice %arg3[%add3A_143] : memref<16384xi32, #tpu.memory_space<hbm>> -> memref<128xi32, #tpu.memory_space<hbm>>
    %dma_start3A_147 = arith.constant 256 : i32
    %dma_start3A_148 = tpu.memref_slice %arg18[%dma_start3A_147] : memref<512xi32, #tpu.memory_space<vmem>> -> memref<128xi32, #tpu.memory_space<vmem>>
    %dma_start3A_149 = tpu.memref_slice %arg3[%add3A_143] : memref<16384xi32, #tpu.memory_space<hbm>> -> memref<128xi32, #tpu.memory_space<hbm>>
    tpu.enqueue_dma source(%dma_start3A_149 : memref<128xi32, #tpu.memory_space<hbm>>) target(%dma_start3A_148 : memref<128xi32, #tpu.memory_space<vmem>>) target_semaphore(%arg39 : memref<!tpu.dma_semaphore, #tpu.memory_space<semaphore_mem>>)
    %mul3A_150 = arith.constant 128 : i32
    %mul3A_151 = arith.muli %mul3A_150, %add3A : i32
    %add3A_152 = arith.constant 12288 : i32
    %add3A_153 = arith.addi %add3A_152, %mul3A_151 : i32
    %dma_start3A_154 = arith.constant 384 : i32
    %dma_start3A_155 = tpu.memref_slice %arg18[%dma_start3A_154] : memref<512xi32, #tpu.memory_space<vmem>> -> memref<128xi32, #tpu.memory_space<vmem>>
    %dma_start3A_156 = tpu.memref_slice %arg3[%add3A_153] : memref<16384xi32, #tpu.memory_space<hbm>> -> memref<128xi32, #tpu.memory_space<hbm>>
    %dma_start3A_157 = arith.constant 384 : i32
    %dma_start3A_158 = tpu.memref_slice %arg18[%dma_start3A_157] : memref<512xi32, #tpu.memory_space<vmem>> -> memref<128xi32, #tpu.memory_space<vmem>>
    %dma_start3A_159 = tpu.memref_slice %arg3[%add3A_153] : memref<16384xi32, #tpu.memory_space<hbm>> -> memref<128xi32, #tpu.memory_space<hbm>>
    tpu.enqueue_dma source(%dma_start3A_159 : memref<128xi32, #tpu.memory_space<hbm>>) target(%dma_start3A_158 : memref<128xi32, #tpu.memory_space<vmem>>) target_semaphore(%arg40 : memref<!tpu.dma_semaphore, #tpu.memory_space<semaphore_mem>>)
    %mul3A_160 = arith.constant 128 : i32
    %mul3A_161 = arith.muli %mul3A_160, %add3A : i32
    %add3A_162 = arith.constant 0 : i32
    %add3A_163 = arith.addi %add3A_162, %mul3A_161 : i32
    %dma_start3A_164 = arith.constant 0 : i32
    %dma_start3A_165 = tpu.memref_slice %arg19[%dma_start3A_164] : memref<512xi32, #tpu.memory_space<vmem>> -> memref<128xi32, #tpu.memory_space<vmem>>
    %dma_start3A_166 = tpu.memref_slice %arg4[%add3A_163] : memref<16384xi32, #tpu.memory_space<hbm>> -> memref<128xi32, #tpu.memory_space<hbm>>
    %dma_start3A_167 = arith.constant 0 : i32
    %dma_start3A_168 = tpu.memref_slice %arg19[%dma_start3A_167] : memref<512xi32, #tpu.memory_space<vmem>> -> memref<128xi32, #tpu.memory_space<vmem>>
    %dma_start3A_169 = tpu.memref_slice %arg4[%add3A_163] : memref<16384xi32, #tpu.memory_space<hbm>> -> memref<128xi32, #tpu.memory_space<hbm>>
    tpu.enqueue_dma source(%dma_start3A_169 : memref<128xi32, #tpu.memory_space<hbm>>) target(%dma_start3A_168 : memref<128xi32, #tpu.memory_space<vmem>>) target_semaphore(%arg37 : memref<!tpu.dma_semaphore, #tpu.memory_space<semaphore_mem>>)
    %mul3A_170 = arith.constant 128 : i32
    %mul3A_171 = arith.muli %mul3A_170, %add3A : i32
    %add3A_172 = arith.constant 4096 : i32
    %add3A_173 = arith.addi %add3A_172, %mul3A_171 : i32
    %dma_start3A_174 = arith.constant 128 : i32
    %dma_start3A_175 = tpu.memref_slice %arg19[%dma_start3A_174] : memref<512xi32, #tpu.memory_space<vmem>> -> memref<128xi32, #tpu.memory_space<vmem>>
    %dma_start3A_176 = tpu.memref_slice %arg4[%add3A_173] : memref<16384xi32, #tpu.memory_space<hbm>> -> memref<128xi32, #tpu.memory_space<hbm>>
    %dma_start3A_177 = arith.constant 128 : i32
    %dma_start3A_178 = tpu.memref_slice %arg19[%dma_start3A_177] : memref<512xi32, #tpu.memory_space<vmem>> -> memref<128xi32, #tpu.memory_space<vmem>>
    %dma_start3A_179 = tpu.memref_slice %arg4[%add3A_173] : memref<16384xi32, #tpu.memory_space<hbm>> -> memref<128xi32, #tpu.memory_space<hbm>>
    tpu.enqueue_dma source(%dma_start3A_179 : memref<128xi32, #tpu.memory_space<hbm>>) target(%dma_start3A_178 : memref<128xi32, #tpu.memory_space<vmem>>) target_semaphore(%arg38 : memref<!tpu.dma_semaphore, #tpu.memory_space<semaphore_mem>>)
    %mul3A_180 = arith.constant 128 : i32
    %mul3A_181 = arith.muli %mul3A_180, %add3A : i32
    %add3A_182 = arith.constant 8192 : i32
    %add3A_183 = arith.addi %add3A_182, %mul3A_181 : i32
    %dma_start3A_184 = arith.constant 256 : i32
    %dma_start3A_185 = tpu.memref_slice %arg19[%dma_start3A_184] : memref<512xi32, #tpu.memory_space<vmem>> -> memref<128xi32, #tpu.memory_space<vmem>>
    %dma_start3A_186 = tpu.memref_slice %arg4[%add3A_183] : memref<16384xi32, #tpu.memory_space<hbm>> -> memref<128xi32, #tpu.memory_space<hbm>>
    %dma_start3A_187 = arith.constant 256 : i32
    %dma_start3A_188 = tpu.memref_slice %arg19[%dma_start3A_187] : memref<512xi32, #tpu.memory_space<vmem>> -> memref<128xi32, #tpu.memory_space<vmem>>
    %dma_start3A_189 = tpu.memref_slice %arg4[%add3A_183] : memref<16384xi32, #tpu.memory_space<hbm>> -> memref<128xi32, #tpu.memory_space<hbm>>
    tpu.enqueue_dma source(%dma_start3A_189 : memref<128xi32, #tpu.memory_space<hbm>>) target(%dma_start3A_188 : memref<128xi32, #tpu.memory_space<vmem>>) target_semaphore(%arg39 : memref<!tpu.dma_semaphore, #tpu.memory_space<semaphore_mem>>)
    %mul3A_190 = arith.constant 128 : i32
    %mul3A_191 = arith.muli %mul3A_190, %add3A : i32
    %add3A_192 = arith.constant 12288 : i32
    %add3A_193 = arith.addi %add3A_192, %mul3A_191 : i32
    %dma_start3A_194 = arith.constant 384 : i32
    %dma_start3A_195 = tpu.memref_slice %arg19[%dma_start3A_194] : memref<512xi32, #tpu.memory_space<vmem>> -> memref<128xi32, #tpu.memory_space<vmem>>
    %dma_start3A_196 = tpu.memref_slice %arg4[%add3A_193] : memref<16384xi32, #tpu.memory_space<hbm>> -> memref<128xi32, #tpu.memory_space<hbm>>
    %dma_start3A_197 = arith.constant 384 : i32
    %dma_start3A_198 = tpu.memref_slice %arg19[%dma_start3A_197] : memref<512xi32, #tpu.memory_space<vmem>> -> memref<128xi32, #tpu.memory_space<vmem>>
    %dma_start3A_199 = tpu.memref_slice %arg4[%add3A_193] : memref<16384xi32, #tpu.memory_space<hbm>> -> memref<128xi32, #tpu.memory_space<hbm>>
    tpu.enqueue_dma source(%dma_start3A_199 : memref<128xi32, #tpu.memory_space<hbm>>) target(%dma_start3A_198 : memref<128xi32, #tpu.memory_space<vmem>>) target_semaphore(%arg40 : memref<!tpu.dma_semaphore, #tpu.memory_space<semaphore_mem>>)
    %mul3A_200 = arith.constant 128 : i32
    %mul3A_201 = arith.muli %mul3A_200, %add3A : i32
    %add3A_202 = arith.constant 0 : i32
    %add3A_203 = arith.addi %add3A_202, %mul3A_201 : i32
    %dma_start3A_204 = arith.constant 0 : i32
    %dma_start3A_205 = tpu.memref_slice %arg20[%dma_start3A_204] : memref<512xi32, #tpu.memory_space<vmem>> -> memref<128xi32, #tpu.memory_space<vmem>>
    %dma_start3A_206 = tpu.memref_slice %arg5[%add3A_203] : memref<16384xi32, #tpu.memory_space<hbm>> -> memref<128xi32, #tpu.memory_space<hbm>>
    %dma_start3A_207 = arith.constant 0 : i32
    %dma_start3A_208 = tpu.memref_slice %arg20[%dma_start3A_207] : memref<512xi32, #tpu.memory_space<vmem>> -> memref<128xi32, #tpu.memory_space<vmem>>
    %dma_start3A_209 = tpu.memref_slice %arg5[%add3A_203] : memref<16384xi32, #tpu.memory_space<hbm>> -> memref<128xi32, #tpu.memory_space<hbm>>
    tpu.enqueue_dma source(%dma_start3A_209 : memref<128xi32, #tpu.memory_space<hbm>>) target(%dma_start3A_208 : memref<128xi32, #tpu.memory_space<vmem>>) target_semaphore(%arg37 : memref<!tpu.dma_semaphore, #tpu.memory_space<semaphore_mem>>)
    %mul3A_210 = arith.constant 128 : i32
    %mul3A_211 = arith.muli %mul3A_210, %add3A : i32
    %add3A_212 = arith.constant 4096 : i32
    %add3A_213 = arith.addi %add3A_212, %mul3A_211 : i32
    %dma_start3A_214 = arith.constant 128 : i32
    %dma_start3A_215 = tpu.memref_slice %arg20[%dma_start3A_214] : memref<512xi32, #tpu.memory_space<vmem>> -> memref<128xi32, #tpu.memory_space<vmem>>
    %dma_start3A_216 = tpu.memref_slice %arg5[%add3A_213] : memref<16384xi32, #tpu.memory_space<hbm>> -> memref<128xi32, #tpu.memory_space<hbm>>
    %dma_start3A_217 = arith.constant 128 : i32
    %dma_start3A_218 = tpu.memref_slice %arg20[%dma_start3A_217] : memref<512xi32, #tpu.memory_space<vmem>> -> memref<128xi32, #tpu.memory_space<vmem>>
    %dma_start3A_219 = tpu.memref_slice %arg5[%add3A_213] : memref<16384xi32, #tpu.memory_space<hbm>> -> memref<128xi32, #tpu.memory_space<hbm>>
    tpu.enqueue_dma source(%dma_start3A_219 : memref<128xi32, #tpu.memory_space<hbm>>) target(%dma_start3A_218 : memref<128xi32, #tpu.memory_space<vmem>>) target_semaphore(%arg38 : memref<!tpu.dma_semaphore, #tpu.memory_space<semaphore_mem>>)
    %mul3A_220 = arith.constant 128 : i32
    %mul3A_221 = arith.muli %mul3A_220, %add3A : i32
    %add3A_222 = arith.constant 8192 : i32
    %add3A_223 = arith.addi %add3A_222, %mul3A_221 : i32
    %dma_start3A_224 = arith.constant 256 : i32
    %dma_start3A_225 = tpu.memref_slice %arg20[%dma_start3A_224] : memref<512xi32, #tpu.memory_space<vmem>> -> memref<128xi32, #tpu.memory_space<vmem>>
    %dma_start3A_226 = tpu.memref_slice %arg5[%add3A_223] : memref<16384xi32, #tpu.memory_space<hbm>> -> memref<128xi32, #tpu.memory_space<hbm>>
    %dma_start3A_227 = arith.constant 256 : i32
    %dma_start3A_228 = tpu.memref_slice %arg20[%dma_start3A_227] : memref<512xi32, #tpu.memory_space<vmem>> -> memref<128xi32, #tpu.memory_space<vmem>>
    %dma_start3A_229 = tpu.memref_slice %arg5[%add3A_223] : memref<16384xi32, #tpu.memory_space<hbm>> -> memref<128xi32, #tpu.memory_space<hbm>>
    tpu.enqueue_dma source(%dma_start3A_229 : memref<128xi32, #tpu.memory_space<hbm>>) target(%dma_start3A_228 : memref<128xi32, #tpu.memory_space<vmem>>) target_semaphore(%arg39 : memref<!tpu.dma_semaphore, #tpu.memory_space<semaphore_mem>>)
    %mul3A_230 = arith.constant 128 : i32
    %mul3A_231 = arith.muli %mul3A_230, %add3A : i32
    %add3A_232 = arith.constant 12288 : i32
    %add3A_233 = arith.addi %add3A_232, %mul3A_231 : i32
    %dma_start3A_234 = arith.constant 384 : i32
    %dma_start3A_235 = tpu.memref_slice %arg20[%dma_start3A_234] : memref<512xi32, #tpu.memory_space<vmem>> -> memref<128xi32, #tpu.memory_space<vmem>>
    %dma_start3A_236 = tpu.memref_slice %arg5[%add3A_233] : memref<16384xi32, #tpu.memory_space<hbm>> -> memref<128xi32, #tpu.memory_space<hbm>>
    %dma_start3A_237 = arith.constant 384 : i32
    %dma_start3A_238 = tpu.memref_slice %arg20[%dma_start3A_237] : memref<512xi32, #tpu.memory_space<vmem>> -> memref<128xi32, #tpu.memory_space<vmem>>
    %dma_start3A_239 = tpu.memref_slice %arg5[%add3A_233] : memref<16384xi32, #tpu.memory_space<hbm>> -> memref<128xi32, #tpu.memory_space<hbm>>
    tpu.enqueue_dma source(%dma_start3A_239 : memref<128xi32, #tpu.memory_space<hbm>>) target(%dma_start3A_238 : memref<128xi32, #tpu.memory_space<vmem>>) target_semaphore(%arg40 : memref<!tpu.dma_semaphore, #tpu.memory_space<semaphore_mem>>)
    %mul3A_240 = arith.constant 128 : i32
    %mul3A_241 = arith.muli %mul3A_240, %add3A : i32
    %add3A_242 = arith.constant 0 : i32
    %add3A_243 = arith.addi %add3A_242, %mul3A_241 : i32
    %dma_start3A_244 = arith.constant 0 : i32
    %dma_start3A_245 = tpu.memref_slice %arg21[%dma_start3A_244] : memref<512xi32, #tpu.memory_space<vmem>> -> memref<128xi32, #tpu.memory_space<vmem>>
    %dma_start3A_246 = tpu.memref_slice %arg6[%add3A_243] : memref<16384xi32, #tpu.memory_space<hbm>> -> memref<128xi32, #tpu.memory_space<hbm>>
    %dma_start3A_247 = arith.constant 0 : i32
    %dma_start3A_248 = tpu.memref_slice %arg21[%dma_start3A_247] : memref<512xi32, #tpu.memory_space<vmem>> -> memref<128xi32, #tpu.memory_space<vmem>>
    %dma_start3A_249 = tpu.memref_slice %arg6[%add3A_243] : memref<16384xi32, #tpu.memory_space<hbm>> -> memref<128xi32, #tpu.memory_space<hbm>>
    tpu.enqueue_dma source(%dma_start3A_249 : memref<128xi32, #tpu.memory_space<hbm>>) target(%dma_start3A_248 : memref<128xi32, #tpu.memory_space<vmem>>) target_semaphore(%arg37 : memref<!tpu.dma_semaphore, #tpu.memory_space<semaphore_mem>>)
    %mul3A_250 = arith.constant 128 : i32
    %mul3A_251 = arith.muli %mul3A_250, %add3A : i32
    %add3A_252 = arith.constant 4096 : i32
    %add3A_253 = arith.addi %add3A_252, %mul3A_251 : i32
    %dma_start3A_254 = arith.constant 128 : i32
    %dma_start3A_255 = tpu.memref_slice %arg21[%dma_start3A_254] : memref<512xi32, #tpu.memory_space<vmem>> -> memref<128xi32, #tpu.memory_space<vmem>>
    %dma_start3A_256 = tpu.memref_slice %arg6[%add3A_253] : memref<16384xi32, #tpu.memory_space<hbm>> -> memref<128xi32, #tpu.memory_space<hbm>>
    %dma_start3A_257 = arith.constant 128 : i32
    %dma_start3A_258 = tpu.memref_slice %arg21[%dma_start3A_257] : memref<512xi32, #tpu.memory_space<vmem>> -> memref<128xi32, #tpu.memory_space<vmem>>
    %dma_start3A_259 = tpu.memref_slice %arg6[%add3A_253] : memref<16384xi32, #tpu.memory_space<hbm>> -> memref<128xi32, #tpu.memory_space<hbm>>
    tpu.enqueue_dma source(%dma_start3A_259 : memref<128xi32, #tpu.memory_space<hbm>>) target(%dma_start3A_258 : memref<128xi32, #tpu.memory_space<vmem>>) target_semaphore(%arg38 : memref<!tpu.dma_semaphore, #tpu.memory_space<semaphore_mem>>)
    %mul3A_260 = arith.constant 128 : i32
    %mul3A_261 = arith.muli %mul3A_260, %add3A : i32
    %add3A_262 = arith.constant 8192 : i32
    %add3A_263 = arith.addi %add3A_262, %mul3A_261 : i32
    %dma_start3A_264 = arith.constant 256 : i32
    %dma_start3A_265 = tpu.memref_slice %arg21[%dma_start3A_264] : memref<512xi32, #tpu.memory_space<vmem>> -> memref<128xi32, #tpu.memory_space<vmem>>
    %dma_start3A_266 = tpu.memref_slice %arg6[%add3A_263] : memref<16384xi32, #tpu.memory_space<hbm>> -> memref<128xi32, #tpu.memory_space<hbm>>
    %dma_start3A_267 = arith.constant 256 : i32
    %dma_start3A_268 = tpu.memref_slice %arg21[%dma_start3A_267] : memref<512xi32, #tpu.memory_space<vmem>> -> memref<128xi32, #tpu.memory_space<vmem>>
    %dma_start3A_269 = tpu.memref_slice %arg6[%add3A_263] : memref<16384xi32, #tpu.memory_space<hbm>> -> memref<128xi32, #tpu.memory_space<hbm>>
    tpu.enqueue_dma source(%dma_start3A_269 : memref<128xi32, #tpu.memory_space<hbm>>) target(%dma_start3A_268 : memref<128xi32, #tpu.memory_space<vmem>>) target_semaphore(%arg39 : memref<!tpu.dma_semaphore, #tpu.memory_space<semaphore_mem>>)
    %mul3A_270 = arith.constant 128 : i32
    %mul3A_271 = arith.muli %mul3A_270, %add3A : i32
    %add3A_272 = arith.constant 12288 : i32
    %add3A_273 = arith.addi %add3A_272, %mul3A_271 : i32
    %dma_start3A_274 = arith.constant 384 : i32
    %dma_start3A_275 = tpu.memref_slice %arg21[%dma_start3A_274] : memref<512xi32, #tpu.memory_space<vmem>> -> memref<128xi32, #tpu.memory_space<vmem>>
    %dma_start3A_276 = tpu.memref_slice %arg6[%add3A_273] : memref<16384xi32, #tpu.memory_space<hbm>> -> memref<128xi32, #tpu.memory_space<hbm>>
    %dma_start3A_277 = arith.constant 384 : i32
    %dma_start3A_278 = tpu.memref_slice %arg21[%dma_start3A_277] : memref<512xi32, #tpu.memory_space<vmem>> -> memref<128xi32, #tpu.memory_space<vmem>>
    %dma_start3A_279 = tpu.memref_slice %arg6[%add3A_273] : memref<16384xi32, #tpu.memory_space<hbm>> -> memref<128xi32, #tpu.memory_space<hbm>>
    tpu.enqueue_dma source(%dma_start3A_279 : memref<128xi32, #tpu.memory_space<hbm>>) target(%dma_start3A_278 : memref<128xi32, #tpu.memory_space<vmem>>) target_semaphore(%arg40 : memref<!tpu.dma_semaphore, #tpu.memory_space<semaphore_mem>>)
    %mul3A_280 = arith.constant 128 : i32
    %mul3A_281 = arith.muli %mul3A_280, %add3A : i32
    %add3A_282 = arith.constant 0 : i32
    %add3A_283 = arith.addi %add3A_282, %mul3A_281 : i32
    %dma_start3A_284 = arith.constant 0 : i32
    %dma_start3A_285 = tpu.memref_slice %arg22[%dma_start3A_284] : memref<512xi32, #tpu.memory_space<vmem>> -> memref<128xi32, #tpu.memory_space<vmem>>
    %dma_start3A_286 = tpu.memref_slice %arg7[%add3A_283] : memref<16384xi32, #tpu.memory_space<hbm>> -> memref<128xi32, #tpu.memory_space<hbm>>
    %dma_start3A_287 = arith.constant 0 : i32
    %dma_start3A_288 = tpu.memref_slice %arg22[%dma_start3A_287] : memref<512xi32, #tpu.memory_space<vmem>> -> memref<128xi32, #tpu.memory_space<vmem>>
    %dma_start3A_289 = tpu.memref_slice %arg7[%add3A_283] : memref<16384xi32, #tpu.memory_space<hbm>> -> memref<128xi32, #tpu.memory_space<hbm>>
    tpu.enqueue_dma source(%dma_start3A_289 : memref<128xi32, #tpu.memory_space<hbm>>) target(%dma_start3A_288 : memref<128xi32, #tpu.memory_space<vmem>>) target_semaphore(%arg37 : memref<!tpu.dma_semaphore, #tpu.memory_space<semaphore_mem>>)
    %mul3A_290 = arith.constant 128 : i32
    %mul3A_291 = arith.muli %mul3A_290, %add3A : i32
    %add3A_292 = arith.constant 4096 : i32
    %add3A_293 = arith.addi %add3A_292, %mul3A_291 : i32
    %dma_start3A_294 = arith.constant 128 : i32
    %dma_start3A_295 = tpu.memref_slice %arg22[%dma_start3A_294] : memref<512xi32, #tpu.memory_space<vmem>> -> memref<128xi32, #tpu.memory_space<vmem>>
    %dma_start3A_296 = tpu.memref_slice %arg7[%add3A_293] : memref<16384xi32, #tpu.memory_space<hbm>> -> memref<128xi32, #tpu.memory_space<hbm>>
    %dma_start3A_297 = arith.constant 128 : i32
    %dma_start3A_298 = tpu.memref_slice %arg22[%dma_start3A_297] : memref<512xi32, #tpu.memory_space<vmem>> -> memref<128xi32, #tpu.memory_space<vmem>>
    %dma_start3A_299 = tpu.memref_slice %arg7[%add3A_293] : memref<16384xi32, #tpu.memory_space<hbm>> -> memref<128xi32, #tpu.memory_space<hbm>>
    tpu.enqueue_dma source(%dma_start3A_299 : memref<128xi32, #tpu.memory_space<hbm>>) target(%dma_start3A_298 : memref<128xi32, #tpu.memory_space<vmem>>) target_semaphore(%arg38 : memref<!tpu.dma_semaphore, #tpu.memory_space<semaphore_mem>>)
    %mul3A_300 = arith.constant 128 : i32
    %mul3A_301 = arith.muli %mul3A_300, %add3A : i32
    %add3A_302 = arith.constant 8192 : i32
    %add3A_303 = arith.addi %add3A_302, %mul3A_301 : i32
    %dma_start3A_304 = arith.constant 256 : i32
    %dma_start3A_305 = tpu.memref_slice %arg22[%dma_start3A_304] : memref<512xi32, #tpu.memory_space<vmem>> -> memref<128xi32, #tpu.memory_space<vmem>>
    %dma_start3A_306 = tpu.memref_slice %arg7[%add3A_303] : memref<16384xi32, #tpu.memory_space<hbm>> -> memref<128xi32, #tpu.memory_space<hbm>>
    %dma_start3A_307 = arith.constant 256 : i32
    %dma_start3A_308 = tpu.memref_slice %arg22[%dma_start3A_307] : memref<512xi32, #tpu.memory_space<vmem>> -> memref<128xi32, #tpu.memory_space<vmem>>
    %dma_start3A_309 = tpu.memref_slice %arg7[%add3A_303] : memref<16384xi32, #tpu.memory_space<hbm>> -> memref<128xi32, #tpu.memory_space<hbm>>
    tpu.enqueue_dma source(%dma_start3A_309 : memref<128xi32, #tpu.memory_space<hbm>>) target(%dma_start3A_308 : memref<128xi32, #tpu.memory_space<vmem>>) target_semaphore(%arg39 : memref<!tpu.dma_semaphore, #tpu.memory_space<semaphore_mem>>)
    %mul3A_310 = arith.constant 128 : i32
    %mul3A_311 = arith.muli %mul3A_310, %add3A : i32
    %add3A_312 = arith.constant 12288 : i32
    %add3A_313 = arith.addi %add3A_312, %mul3A_311 : i32
    %dma_start3A_314 = arith.constant 384 : i32
    %dma_start3A_315 = tpu.memref_slice %arg22[%dma_start3A_314] : memref<512xi32, #tpu.memory_space<vmem>> -> memref<128xi32, #tpu.memory_space<vmem>>
    %dma_start3A_316 = tpu.memref_slice %arg7[%add3A_313] : memref<16384xi32, #tpu.memory_space<hbm>> -> memref<128xi32, #tpu.memory_space<hbm>>
    %dma_start3A_317 = arith.constant 384 : i32
    %dma_start3A_318 = tpu.memref_slice %arg22[%dma_start3A_317] : memref<512xi32, #tpu.memory_space<vmem>> -> memref<128xi32, #tpu.memory_space<vmem>>
    %dma_start3A_319 = tpu.memref_slice %arg7[%add3A_313] : memref<16384xi32, #tpu.memory_space<hbm>> -> memref<128xi32, #tpu.memory_space<hbm>>
    tpu.enqueue_dma source(%dma_start3A_319 : memref<128xi32, #tpu.memory_space<hbm>>) target(%dma_start3A_318 : memref<128xi32, #tpu.memory_space<vmem>>) target_semaphore(%arg40 : memref<!tpu.dma_semaphore, #tpu.memory_space<semaphore_mem>>)
    %mul3A_320 = arith.constant 128 : i32
    %mul3A_321 = arith.muli %mul3A_320, %add3A : i32
    %add3A_322 = arith.constant 0 : i32
    %add3A_323 = arith.addi %add3A_322, %mul3A_321 : i32
    %dma_start3A_324 = arith.constant 0 : i32
    %dma_start3A_325 = tpu.memref_slice %arg23[%dma_start3A_324] : memref<512xi32, #tpu.memory_space<vmem>> -> memref<128xi32, #tpu.memory_space<vmem>>
    %dma_start3A_326 = tpu.memref_slice %arg8[%add3A_323] : memref<16384xi32, #tpu.memory_space<hbm>> -> memref<128xi32, #tpu.memory_space<hbm>>
    %dma_start3A_327 = arith.constant 0 : i32
    %dma_start3A_328 = tpu.memref_slice %arg23[%dma_start3A_327] : memref<512xi32, #tpu.memory_space<vmem>> -> memref<128xi32, #tpu.memory_space<vmem>>
    %dma_start3A_329 = tpu.memref_slice %arg8[%add3A_323] : memref<16384xi32, #tpu.memory_space<hbm>> -> memref<128xi32, #tpu.memory_space<hbm>>
    tpu.enqueue_dma source(%dma_start3A_329 : memref<128xi32, #tpu.memory_space<hbm>>) target(%dma_start3A_328 : memref<128xi32, #tpu.memory_space<vmem>>) target_semaphore(%arg37 : memref<!tpu.dma_semaphore, #tpu.memory_space<semaphore_mem>>)
    %mul3A_330 = arith.constant 128 : i32
    %mul3A_331 = arith.muli %mul3A_330, %add3A : i32
    %add3A_332 = arith.constant 4096 : i32
    %add3A_333 = arith.addi %add3A_332, %mul3A_331 : i32
    %dma_start3A_334 = arith.constant 128 : i32
    %dma_start3A_335 = tpu.memref_slice %arg23[%dma_start3A_334] : memref<512xi32, #tpu.memory_space<vmem>> -> memref<128xi32, #tpu.memory_space<vmem>>
    %dma_start3A_336 = tpu.memref_slice %arg8[%add3A_333] : memref<16384xi32, #tpu.memory_space<hbm>> -> memref<128xi32, #tpu.memory_space<hbm>>
    %dma_start3A_337 = arith.constant 128 : i32
    %dma_start3A_338 = tpu.memref_slice %arg23[%dma_start3A_337] : memref<512xi32, #tpu.memory_space<vmem>> -> memref<128xi32, #tpu.memory_space<vmem>>
    %dma_start3A_339 = tpu.memref_slice %arg8[%add3A_333] : memref<16384xi32, #tpu.memory_space<hbm>> -> memref<128xi32, #tpu.memory_space<hbm>>
    tpu.enqueue_dma source(%dma_start3A_339 : memref<128xi32, #tpu.memory_space<hbm>>) target(%dma_start3A_338 : memref<128xi32, #tpu.memory_space<vmem>>) target_semaphore(%arg38 : memref<!tpu.dma_semaphore, #tpu.memory_space<semaphore_mem>>)
    %mul3A_340 = arith.constant 128 : i32
    %mul3A_341 = arith.muli %mul3A_340, %add3A : i32
    %add3A_342 = arith.constant 8192 : i32
    %add3A_343 = arith.addi %add3A_342, %mul3A_341 : i32
    %dma_start3A_344 = arith.constant 256 : i32
    %dma_start3A_345 = tpu.memref_slice %arg23[%dma_start3A_344] : memref<512xi32, #tpu.memory_space<vmem>> -> memref<128xi32, #tpu.memory_space<vmem>>
    %dma_start3A_346 = tpu.memref_slice %arg8[%add3A_343] : memref<16384xi32, #tpu.memory_space<hbm>> -> memref<128xi32, #tpu.memory_space<hbm>>
    %dma_start3A_347 = arith.constant 256 : i32
    %dma_start3A_348 = tpu.memref_slice %arg23[%dma_start3A_347] : memref<512xi32, #tpu.memory_space<vmem>> -> memref<128xi32, #tpu.memory_space<vmem>>
    %dma_start3A_349 = tpu.memref_slice %arg8[%add3A_343] : memref<16384xi32, #tpu.memory_space<hbm>> -> memref<128xi32, #tpu.memory_space<hbm>>
    tpu.enqueue_dma source(%dma_start3A_349 : memref<128xi32, #tpu.memory_space<hbm>>) target(%dma_start3A_348 : memref<128xi32, #tpu.memory_space<vmem>>) target_semaphore(%arg39 : memref<!tpu.dma_semaphore, #tpu.memory_space<semaphore_mem>>)
    %mul3A_350 = arith.constant 128 : i32
    %mul3A_351 = arith.muli %mul3A_350, %add3A : i32
    %add3A_352 = arith.constant 12288 : i32
    %add3A_353 = arith.addi %add3A_352, %mul3A_351 : i32
    %dma_start3A_354 = arith.constant 384 : i32
    %dma_start3A_355 = tpu.memref_slice %arg23[%dma_start3A_354] : memref<512xi32, #tpu.memory_space<vmem>> -> memref<128xi32, #tpu.memory_space<vmem>>
    %dma_start3A_356 = tpu.memref_slice %arg8[%add3A_353] : memref<16384xi32, #tpu.memory_space<hbm>> -> memref<128xi32, #tpu.memory_space<hbm>>
    %dma_start3A_357 = arith.constant 384 : i32
    %dma_start3A_358 = tpu.memref_slice %arg23[%dma_start3A_357] : memref<512xi32, #tpu.memory_space<vmem>> -> memref<128xi32, #tpu.memory_space<vmem>>
    %dma_start3A_359 = tpu.memref_slice %arg8[%add3A_353] : memref<16384xi32, #tpu.memory_space<hbm>> -> memref<128xi32, #tpu.memory_space<hbm>>
    tpu.enqueue_dma source(%dma_start3A_359 : memref<128xi32, #tpu.memory_space<hbm>>) target(%dma_start3A_358 : memref<128xi32, #tpu.memory_space<vmem>>) target_semaphore(%arg40 : memref<!tpu.dma_semaphore, #tpu.memory_space<semaphore_mem>>)
    %mul3A_360 = arith.constant 128 : i32
    %mul3A_361 = arith.muli %mul3A_360, %add3A : i32
    %add3A_362 = arith.constant 0 : i32
    %add3A_363 = arith.addi %add3A_362, %mul3A_361 : i32
    %dma_start3A_364 = arith.constant 0 : i32
    %dma_start3A_365 = tpu.memref_slice %arg24[%dma_start3A_364] : memref<512xi32, #tpu.memory_space<vmem>> -> memref<128xi32, #tpu.memory_space<vmem>>
    %dma_start3A_366 = tpu.memref_slice %arg9[%add3A_363] : memref<16384xi32, #tpu.memory_space<hbm>> -> memref<128xi32, #tpu.memory_space<hbm>>
    %dma_start3A_367 = arith.constant 0 : i32
    %dma_start3A_368 = tpu.memref_slice %arg24[%dma_start3A_367] : memref<512xi32, #tpu.memory_space<vmem>> -> memref<128xi32, #tpu.memory_space<vmem>>
    %dma_start3A_369 = tpu.memref_slice %arg9[%add3A_363] : memref<16384xi32, #tpu.memory_space<hbm>> -> memref<128xi32, #tpu.memory_space<hbm>>
    tpu.enqueue_dma source(%dma_start3A_369 : memref<128xi32, #tpu.memory_space<hbm>>) target(%dma_start3A_368 : memref<128xi32, #tpu.memory_space<vmem>>) target_semaphore(%arg37 : memref<!tpu.dma_semaphore, #tpu.memory_space<semaphore_mem>>)
    %mul3A_370 = arith.constant 128 : i32
    %mul3A_371 = arith.muli %mul3A_370, %add3A : i32
    %add3A_372 = arith.constant 4096 : i32
    %add3A_373 = arith.addi %add3A_372, %mul3A_371 : i32
    %dma_start3A_374 = arith.constant 128 : i32
    %dma_start3A_375 = tpu.memref_slice %arg24[%dma_start3A_374] : memref<512xi32, #tpu.memory_space<vmem>> -> memref<128xi32, #tpu.memory_space<vmem>>
    %dma_start3A_376 = tpu.memref_slice %arg9[%add3A_373] : memref<16384xi32, #tpu.memory_space<hbm>> -> memref<128xi32, #tpu.memory_space<hbm>>
    %dma_start3A_377 = arith.constant 128 : i32
    %dma_start3A_378 = tpu.memref_slice %arg24[%dma_start3A_377] : memref<512xi32, #tpu.memory_space<vmem>> -> memref<128xi32, #tpu.memory_space<vmem>>
    %dma_start3A_379 = tpu.memref_slice %arg9[%add3A_373] : memref<16384xi32, #tpu.memory_space<hbm>> -> memref<128xi32, #tpu.memory_space<hbm>>
    tpu.enqueue_dma source(%dma_start3A_379 : memref<128xi32, #tpu.memory_space<hbm>>) target(%dma_start3A_378 : memref<128xi32, #tpu.memory_space<vmem>>) target_semaphore(%arg38 : memref<!tpu.dma_semaphore, #tpu.memory_space<semaphore_mem>>)
    %mul3A_380 = arith.constant 128 : i32
    %mul3A_381 = arith.muli %mul3A_380, %add3A : i32
    %add3A_382 = arith.constant 8192 : i32
    %add3A_383 = arith.addi %add3A_382, %mul3A_381 : i32
    %dma_start3A_384 = arith.constant 256 : i32
    %dma_start3A_385 = tpu.memref_slice %arg24[%dma_start3A_384] : memref<512xi32, #tpu.memory_space<vmem>> -> memref<128xi32, #tpu.memory_space<vmem>>
    %dma_start3A_386 = tpu.memref_slice %arg9[%add3A_383] : memref<16384xi32, #tpu.memory_space<hbm>> -> memref<128xi32, #tpu.memory_space<hbm>>
    %dma_start3A_387 = arith.constant 256 : i32
    %dma_start3A_388 = tpu.memref_slice %arg24[%dma_start3A_387] : memref<512xi32, #tpu.memory_space<vmem>> -> memref<128xi32, #tpu.memory_space<vmem>>
    %dma_start3A_389 = tpu.memref_slice %arg9[%add3A_383] : memref<16384xi32, #tpu.memory_space<hbm>> -> memref<128xi32, #tpu.memory_space<hbm>>
    tpu.enqueue_dma source(%dma_start3A_389 : memref<128xi32, #tpu.memory_space<hbm>>) target(%dma_start3A_388 : memref<128xi32, #tpu.memory_space<vmem>>) target_semaphore(%arg39 : memref<!tpu.dma_semaphore, #tpu.memory_space<semaphore_mem>>)
    %mul3A_390 = arith.constant 128 : i32
    %mul3A_391 = arith.muli %mul3A_390, %add3A : i32
    %add3A_392 = arith.constant 12288 : i32
    %add3A_393 = arith.addi %add3A_392, %mul3A_391 : i32
    %dma_start3A_394 = arith.constant 384 : i32
    %dma_start3A_395 = tpu.memref_slice %arg24[%dma_start3A_394] : memref<512xi32, #tpu.memory_space<vmem>> -> memref<128xi32, #tpu.memory_space<vmem>>
    %dma_start3A_396 = tpu.memref_slice %arg9[%add3A_393] : memref<16384xi32, #tpu.memory_space<hbm>> -> memref<128xi32, #tpu.memory_space<hbm>>
    %dma_start3A_397 = arith.constant 384 : i32
    %dma_start3A_398 = tpu.memref_slice %arg24[%dma_start3A_397] : memref<512xi32, #tpu.memory_space<vmem>> -> memref<128xi32, #tpu.memory_space<vmem>>
    %dma_start3A_399 = tpu.memref_slice %arg9[%add3A_393] : memref<16384xi32, #tpu.memory_space<hbm>> -> memref<128xi32, #tpu.memory_space<hbm>>
    tpu.enqueue_dma source(%dma_start3A_399 : memref<128xi32, #tpu.memory_space<hbm>>) target(%dma_start3A_398 : memref<128xi32, #tpu.memory_space<vmem>>) target_semaphore(%arg40 : memref<!tpu.dma_semaphore, #tpu.memory_space<semaphore_mem>>)
    %mul3A_400 = arith.constant 128 : i32
    %mul3A_401 = arith.muli %mul3A_400, %add3A : i32
    %add3A_402 = arith.constant 0 : i32
    %add3A_403 = arith.addi %add3A_402, %mul3A_401 : i32
    %dma_start3A_404 = arith.constant 0 : i32
    %dma_start3A_405 = tpu.memref_slice %arg25[%dma_start3A_404] : memref<512xi32, #tpu.memory_space<vmem>> -> memref<128xi32, #tpu.memory_space<vmem>>
    %dma_start3A_406 = tpu.memref_slice %arg10[%add3A_403] : memref<16384xi32, #tpu.memory_space<hbm>> -> memref<128xi32, #tpu.memory_space<hbm>>
    %dma_start3A_407 = arith.constant 0 : i32
    %dma_start3A_408 = tpu.memref_slice %arg25[%dma_start3A_407] : memref<512xi32, #tpu.memory_space<vmem>> -> memref<128xi32, #tpu.memory_space<vmem>>
    %dma_start3A_409 = tpu.memref_slice %arg10[%add3A_403] : memref<16384xi32, #tpu.memory_space<hbm>> -> memref<128xi32, #tpu.memory_space<hbm>>
    tpu.enqueue_dma source(%dma_start3A_409 : memref<128xi32, #tpu.memory_space<hbm>>) target(%dma_start3A_408 : memref<128xi32, #tpu.memory_space<vmem>>) target_semaphore(%arg37 : memref<!tpu.dma_semaphore, #tpu.memory_space<semaphore_mem>>)
    %mul3A_410 = arith.constant 128 : i32
    %mul3A_411 = arith.muli %mul3A_410, %add3A : i32
    %add3A_412 = arith.constant 4096 : i32
    %add3A_413 = arith.addi %add3A_412, %mul3A_411 : i32
    %dma_start3A_414 = arith.constant 128 : i32
    %dma_start3A_415 = tpu.memref_slice %arg25[%dma_start3A_414] : memref<512xi32, #tpu.memory_space<vmem>> -> memref<128xi32, #tpu.memory_space<vmem>>
    %dma_start3A_416 = tpu.memref_slice %arg10[%add3A_413] : memref<16384xi32, #tpu.memory_space<hbm>> -> memref<128xi32, #tpu.memory_space<hbm>>
    %dma_start3A_417 = arith.constant 128 : i32
    %dma_start3A_418 = tpu.memref_slice %arg25[%dma_start3A_417] : memref<512xi32, #tpu.memory_space<vmem>> -> memref<128xi32, #tpu.memory_space<vmem>>
    %dma_start3A_419 = tpu.memref_slice %arg10[%add3A_413] : memref<16384xi32, #tpu.memory_space<hbm>> -> memref<128xi32, #tpu.memory_space<hbm>>
    tpu.enqueue_dma source(%dma_start3A_419 : memref<128xi32, #tpu.memory_space<hbm>>) target(%dma_start3A_418 : memref<128xi32, #tpu.memory_space<vmem>>) target_semaphore(%arg38 : memref<!tpu.dma_semaphore, #tpu.memory_space<semaphore_mem>>)
    %mul3A_420 = arith.constant 128 : i32
    %mul3A_421 = arith.muli %mul3A_420, %add3A : i32
    %add3A_422 = arith.constant 8192 : i32
    %add3A_423 = arith.addi %add3A_422, %mul3A_421 : i32
    %dma_start3A_424 = arith.constant 256 : i32
    %dma_start3A_425 = tpu.memref_slice %arg25[%dma_start3A_424] : memref<512xi32, #tpu.memory_space<vmem>> -> memref<128xi32, #tpu.memory_space<vmem>>
    %dma_start3A_426 = tpu.memref_slice %arg10[%add3A_423] : memref<16384xi32, #tpu.memory_space<hbm>> -> memref<128xi32, #tpu.memory_space<hbm>>
    %dma_start3A_427 = arith.constant 256 : i32
    %dma_start3A_428 = tpu.memref_slice %arg25[%dma_start3A_427] : memref<512xi32, #tpu.memory_space<vmem>> -> memref<128xi32, #tpu.memory_space<vmem>>
    %dma_start3A_429 = tpu.memref_slice %arg10[%add3A_423] : memref<16384xi32, #tpu.memory_space<hbm>> -> memref<128xi32, #tpu.memory_space<hbm>>
    tpu.enqueue_dma source(%dma_start3A_429 : memref<128xi32, #tpu.memory_space<hbm>>) target(%dma_start3A_428 : memref<128xi32, #tpu.memory_space<vmem>>) target_semaphore(%arg39 : memref<!tpu.dma_semaphore, #tpu.memory_space<semaphore_mem>>)
    %mul3A_430 = arith.constant 128 : i32
    %mul3A_431 = arith.muli %mul3A_430, %add3A : i32
    %add3A_432 = arith.constant 12288 : i32
    %add3A_433 = arith.addi %add3A_432, %mul3A_431 : i32
    %dma_start3A_434 = arith.constant 384 : i32
    %dma_start3A_435 = tpu.memref_slice %arg25[%dma_start3A_434] : memref<512xi32, #tpu.memory_space<vmem>> -> memref<128xi32, #tpu.memory_space<vmem>>
    %dma_start3A_436 = tpu.memref_slice %arg10[%add3A_433] : memref<16384xi32, #tpu.memory_space<hbm>> -> memref<128xi32, #tpu.memory_space<hbm>>
    %dma_start3A_437 = arith.constant 384 : i32
    %dma_start3A_438 = tpu.memref_slice %arg25[%dma_start3A_437] : memref<512xi32, #tpu.memory_space<vmem>> -> memref<128xi32, #tpu.memory_space<vmem>>
    %dma_start3A_439 = tpu.memref_slice %arg10[%add3A_433] : memref<16384xi32, #tpu.memory_space<hbm>> -> memref<128xi32, #tpu.memory_space<hbm>>
    tpu.enqueue_dma source(%dma_start3A_439 : memref<128xi32, #tpu.memory_space<hbm>>) target(%dma_start3A_438 : memref<128xi32, #tpu.memory_space<vmem>>) target_semaphore(%arg40 : memref<!tpu.dma_semaphore, #tpu.memory_space<semaphore_mem>>)
    %mul3A_440 = arith.constant 128 : i32
    %mul3A_441 = arith.muli %mul3A_440, %add3A : i32
    %add3A_442 = arith.constant 0 : i32
    %add3A_443 = arith.addi %add3A_442, %mul3A_441 : i32
    %dma_start3A_444 = arith.constant 0 : i32
    %dma_start3A_445 = tpu.memref_slice %arg26[%dma_start3A_444] : memref<512xi32, #tpu.memory_space<vmem>> -> memref<128xi32, #tpu.memory_space<vmem>>
    %dma_start3A_446 = tpu.memref_slice %arg11[%add3A_443] : memref<16384xi32, #tpu.memory_space<hbm>> -> memref<128xi32, #tpu.memory_space<hbm>>
    %dma_start3A_447 = arith.constant 0 : i32
    %dma_start3A_448 = tpu.memref_slice %arg26[%dma_start3A_447] : memref<512xi32, #tpu.memory_space<vmem>> -> memref<128xi32, #tpu.memory_space<vmem>>
    %dma_start3A_449 = tpu.memref_slice %arg11[%add3A_443] : memref<16384xi32, #tpu.memory_space<hbm>> -> memref<128xi32, #tpu.memory_space<hbm>>
    tpu.enqueue_dma source(%dma_start3A_449 : memref<128xi32, #tpu.memory_space<hbm>>) target(%dma_start3A_448 : memref<128xi32, #tpu.memory_space<vmem>>) target_semaphore(%arg37 : memref<!tpu.dma_semaphore, #tpu.memory_space<semaphore_mem>>)
    %mul3A_450 = arith.constant 128 : i32
    %mul3A_451 = arith.muli %mul3A_450, %add3A : i32
    %add3A_452 = arith.constant 4096 : i32
    %add3A_453 = arith.addi %add3A_452, %mul3A_451 : i32
    %dma_start3A_454 = arith.constant 128 : i32
    %dma_start3A_455 = tpu.memref_slice %arg26[%dma_start3A_454] : memref<512xi32, #tpu.memory_space<vmem>> -> memref<128xi32, #tpu.memory_space<vmem>>
    %dma_start3A_456 = tpu.memref_slice %arg11[%add3A_453] : memref<16384xi32, #tpu.memory_space<hbm>> -> memref<128xi32, #tpu.memory_space<hbm>>
    %dma_start3A_457 = arith.constant 128 : i32
    %dma_start3A_458 = tpu.memref_slice %arg26[%dma_start3A_457] : memref<512xi32, #tpu.memory_space<vmem>> -> memref<128xi32, #tpu.memory_space<vmem>>
    %dma_start3A_459 = tpu.memref_slice %arg11[%add3A_453] : memref<16384xi32, #tpu.memory_space<hbm>> -> memref<128xi32, #tpu.memory_space<hbm>>
    tpu.enqueue_dma source(%dma_start3A_459 : memref<128xi32, #tpu.memory_space<hbm>>) target(%dma_start3A_458 : memref<128xi32, #tpu.memory_space<vmem>>) target_semaphore(%arg38 : memref<!tpu.dma_semaphore, #tpu.memory_space<semaphore_mem>>)
    %mul3A_460 = arith.constant 128 : i32
    %mul3A_461 = arith.muli %mul3A_460, %add3A : i32
    %add3A_462 = arith.constant 8192 : i32
    %add3A_463 = arith.addi %add3A_462, %mul3A_461 : i32
    %dma_start3A_464 = arith.constant 256 : i32
    %dma_start3A_465 = tpu.memref_slice %arg26[%dma_start3A_464] : memref<512xi32, #tpu.memory_space<vmem>> -> memref<128xi32, #tpu.memory_space<vmem>>
    %dma_start3A_466 = tpu.memref_slice %arg11[%add3A_463] : memref<16384xi32, #tpu.memory_space<hbm>> -> memref<128xi32, #tpu.memory_space<hbm>>
    %dma_start3A_467 = arith.constant 256 : i32
    %dma_start3A_468 = tpu.memref_slice %arg26[%dma_start3A_467] : memref<512xi32, #tpu.memory_space<vmem>> -> memref<128xi32, #tpu.memory_space<vmem>>
    %dma_start3A_469 = tpu.memref_slice %arg11[%add3A_463] : memref<16384xi32, #tpu.memory_space<hbm>> -> memref<128xi32, #tpu.memory_space<hbm>>
    tpu.enqueue_dma source(%dma_start3A_469 : memref<128xi32, #tpu.memory_space<hbm>>) target(%dma_start3A_468 : memref<128xi32, #tpu.memory_space<vmem>>) target_semaphore(%arg39 : memref<!tpu.dma_semaphore, #tpu.memory_space<semaphore_mem>>)
    %mul3A_470 = arith.constant 128 : i32
    %mul3A_471 = arith.muli %mul3A_470, %add3A : i32
    %add3A_472 = arith.constant 12288 : i32
    %add3A_473 = arith.addi %add3A_472, %mul3A_471 : i32
    %dma_start3A_474 = arith.constant 384 : i32
    %dma_start3A_475 = tpu.memref_slice %arg26[%dma_start3A_474] : memref<512xi32, #tpu.memory_space<vmem>> -> memref<128xi32, #tpu.memory_space<vmem>>
    %dma_start3A_476 = tpu.memref_slice %arg11[%add3A_473] : memref<16384xi32, #tpu.memory_space<hbm>> -> memref<128xi32, #tpu.memory_space<hbm>>
    %dma_start3A_477 = arith.constant 384 : i32
    %dma_start3A_478 = tpu.memref_slice %arg26[%dma_start3A_477] : memref<512xi32, #tpu.memory_space<vmem>> -> memref<128xi32, #tpu.memory_space<vmem>>
    %dma_start3A_479 = tpu.memref_slice %arg11[%add3A_473] : memref<16384xi32, #tpu.memory_space<hbm>> -> memref<128xi32, #tpu.memory_space<hbm>>
    tpu.enqueue_dma source(%dma_start3A_479 : memref<128xi32, #tpu.memory_space<hbm>>) target(%dma_start3A_478 : memref<128xi32, #tpu.memory_space<vmem>>) target_semaphore(%arg40 : memref<!tpu.dma_semaphore, #tpu.memory_space<semaphore_mem>>)
    %mul3A_480 = arith.constant 128 : i32
    %mul3A_481 = arith.muli %mul3A_480, %add3A : i32
    %add3A_482 = arith.constant 0 : i32
    %add3A_483 = arith.addi %add3A_482, %mul3A_481 : i32
    %dma_start3A_484 = arith.constant 0 : i32
    %dma_start3A_485 = tpu.memref_slice %arg27[%dma_start3A_484] : memref<512xi32, #tpu.memory_space<vmem>> -> memref<128xi32, #tpu.memory_space<vmem>>
    %dma_start3A_486 = tpu.memref_slice %arg12[%add3A_483] : memref<16384xi32, #tpu.memory_space<hbm>> -> memref<128xi32, #tpu.memory_space<hbm>>
    %dma_start3A_487 = arith.constant 0 : i32
    %dma_start3A_488 = tpu.memref_slice %arg27[%dma_start3A_487] : memref<512xi32, #tpu.memory_space<vmem>> -> memref<128xi32, #tpu.memory_space<vmem>>
    %dma_start3A_489 = tpu.memref_slice %arg12[%add3A_483] : memref<16384xi32, #tpu.memory_space<hbm>> -> memref<128xi32, #tpu.memory_space<hbm>>
    tpu.enqueue_dma source(%dma_start3A_489 : memref<128xi32, #tpu.memory_space<hbm>>) target(%dma_start3A_488 : memref<128xi32, #tpu.memory_space<vmem>>) target_semaphore(%arg37 : memref<!tpu.dma_semaphore, #tpu.memory_space<semaphore_mem>>)
    %mul3A_490 = arith.constant 128 : i32
    %mul3A_491 = arith.muli %mul3A_490, %add3A : i32
    %add3A_492 = arith.constant 4096 : i32
    %add3A_493 = arith.addi %add3A_492, %mul3A_491 : i32
    %dma_start3A_494 = arith.constant 128 : i32
    %dma_start3A_495 = tpu.memref_slice %arg27[%dma_start3A_494] : memref<512xi32, #tpu.memory_space<vmem>> -> memref<128xi32, #tpu.memory_space<vmem>>
    %dma_start3A_496 = tpu.memref_slice %arg12[%add3A_493] : memref<16384xi32, #tpu.memory_space<hbm>> -> memref<128xi32, #tpu.memory_space<hbm>>
    %dma_start3A_497 = arith.constant 128 : i32
    %dma_start3A_498 = tpu.memref_slice %arg27[%dma_start3A_497] : memref<512xi32, #tpu.memory_space<vmem>> -> memref<128xi32, #tpu.memory_space<vmem>>
    %dma_start3A_499 = tpu.memref_slice %arg12[%add3A_493] : memref<16384xi32, #tpu.memory_space<hbm>> -> memref<128xi32, #tpu.memory_space<hbm>>
    tpu.enqueue_dma source(%dma_start3A_499 : memref<128xi32, #tpu.memory_space<hbm>>) target(%dma_start3A_498 : memref<128xi32, #tpu.memory_space<vmem>>) target_semaphore(%arg38 : memref<!tpu.dma_semaphore, #tpu.memory_space<semaphore_mem>>)
    %mul3A_500 = arith.constant 128 : i32
    %mul3A_501 = arith.muli %mul3A_500, %add3A : i32
    %add3A_502 = arith.constant 8192 : i32
    %add3A_503 = arith.addi %add3A_502, %mul3A_501 : i32
    %dma_start3A_504 = arith.constant 256 : i32
    %dma_start3A_505 = tpu.memref_slice %arg27[%dma_start3A_504] : memref<512xi32, #tpu.memory_space<vmem>> -> memref<128xi32, #tpu.memory_space<vmem>>
    %dma_start3A_506 = tpu.memref_slice %arg12[%add3A_503] : memref<16384xi32, #tpu.memory_space<hbm>> -> memref<128xi32, #tpu.memory_space<hbm>>
    %dma_start3A_507 = arith.constant 256 : i32
    %dma_start3A_508 = tpu.memref_slice %arg27[%dma_start3A_507] : memref<512xi32, #tpu.memory_space<vmem>> -> memref<128xi32, #tpu.memory_space<vmem>>
    %dma_start3A_509 = tpu.memref_slice %arg12[%add3A_503] : memref<16384xi32, #tpu.memory_space<hbm>> -> memref<128xi32, #tpu.memory_space<hbm>>
    tpu.enqueue_dma source(%dma_start3A_509 : memref<128xi32, #tpu.memory_space<hbm>>) target(%dma_start3A_508 : memref<128xi32, #tpu.memory_space<vmem>>) target_semaphore(%arg39 : memref<!tpu.dma_semaphore, #tpu.memory_space<semaphore_mem>>)
    %mul3A_510 = arith.constant 128 : i32
    %mul3A_511 = arith.muli %mul3A_510, %add3A : i32
    %add3A_512 = arith.constant 12288 : i32
    %add3A_513 = arith.addi %add3A_512, %mul3A_511 : i32
    %dma_start3A_514 = arith.constant 384 : i32
    %dma_start3A_515 = tpu.memref_slice %arg27[%dma_start3A_514] : memref<512xi32, #tpu.memory_space<vmem>> -> memref<128xi32, #tpu.memory_space<vmem>>
    %dma_start3A_516 = tpu.memref_slice %arg12[%add3A_513] : memref<16384xi32, #tpu.memory_space<hbm>> -> memref<128xi32, #tpu.memory_space<hbm>>
    %dma_start3A_517 = arith.constant 384 : i32
    %dma_start3A_518 = tpu.memref_slice %arg27[%dma_start3A_517] : memref<512xi32, #tpu.memory_space<vmem>> -> memref<128xi32, #tpu.memory_space<vmem>>
    %dma_start3A_519 = tpu.memref_slice %arg12[%add3A_513] : memref<16384xi32, #tpu.memory_space<hbm>> -> memref<128xi32, #tpu.memory_space<hbm>>
    tpu.enqueue_dma source(%dma_start3A_519 : memref<128xi32, #tpu.memory_space<hbm>>) target(%dma_start3A_518 : memref<128xi32, #tpu.memory_space<vmem>>) target_semaphore(%arg40 : memref<!tpu.dma_semaphore, #tpu.memory_space<semaphore_mem>>)
    %dma_wait3A = arith.constant 0 : i32
    %dma_wait3A_520 = tpu.memref_slice %arg28[%dma_wait3A] : memref<512xi32, #tpu.memory_space<vmem>> -> memref<128xi32, #tpu.memory_space<vmem>>
    %dma_wait3A_521 = tpu.memref_slice %arg13[%add3A_4] : memref<16384xi32, #tpu.memory_space<hbm>> -> memref<128xi32, #tpu.memory_space<hbm>>
    %dma_wait3A_522 = arith.constant 0 : i32
    %dma_wait3A_523 = tpu.memref_slice %arg28[%dma_wait3A_522] : memref<512xi32, #tpu.memory_space<vmem>> -> memref<128xi32, #tpu.memory_space<vmem>>
    %dma_wait3A_524 = tpu.memref_slice %arg13[%add3A_4] : memref<16384xi32, #tpu.memory_space<hbm>> -> memref<128xi32, #tpu.memory_space<hbm>>
    tpu.wait_dma2 semaphore(%arg37 : memref<!tpu.dma_semaphore, #tpu.memory_space<semaphore_mem>>) src(%dma_wait3A_524 : memref<128xi32, #tpu.memory_space<hbm>>) dst(%dma_wait3A_523 : memref<128xi32, #tpu.memory_space<vmem>>)
    %dma_wait3A_525 = arith.constant 128 : i32
    %dma_wait3A_526 = tpu.memref_slice %arg28[%dma_wait3A_525] : memref<512xi32, #tpu.memory_space<vmem>> -> memref<128xi32, #tpu.memory_space<vmem>>
    %dma_wait3A_527 = tpu.memref_slice %arg13[%add3A_13] : memref<16384xi32, #tpu.memory_space<hbm>> -> memref<128xi32, #tpu.memory_space<hbm>>
    %dma_wait3A_528 = arith.constant 128 : i32
    %dma_wait3A_529 = tpu.memref_slice %arg28[%dma_wait3A_528] : memref<512xi32, #tpu.memory_space<vmem>> -> memref<128xi32, #tpu.memory_space<vmem>>
    %dma_wait3A_530 = tpu.memref_slice %arg13[%add3A_13] : memref<16384xi32, #tpu.memory_space<hbm>> -> memref<128xi32, #tpu.memory_space<hbm>>
    tpu.wait_dma2 semaphore(%arg38 : memref<!tpu.dma_semaphore, #tpu.memory_space<semaphore_mem>>) src(%dma_wait3A_530 : memref<128xi32, #tpu.memory_space<hbm>>) dst(%dma_wait3A_529 : memref<128xi32, #tpu.memory_space<vmem>>)
    %dma_wait3A_531 = arith.constant 256 : i32
    %dma_wait3A_532 = tpu.memref_slice %arg28[%dma_wait3A_531] : memref<512xi32, #tpu.memory_space<vmem>> -> memref<128xi32, #tpu.memory_space<vmem>>
    %dma_wait3A_533 = tpu.memref_slice %arg13[%add3A_23] : memref<16384xi32, #tpu.memory_space<hbm>> -> memref<128xi32, #tpu.memory_space<hbm>>
    %dma_wait3A_534 = arith.constant 256 : i32
    %dma_wait3A_535 = tpu.memref_slice %arg28[%dma_wait3A_534] : memref<512xi32, #tpu.memory_space<vmem>> -> memref<128xi32, #tpu.memory_space<vmem>>
    %dma_wait3A_536 = tpu.memref_slice %arg13[%add3A_23] : memref<16384xi32, #tpu.memory_space<hbm>> -> memref<128xi32, #tpu.memory_space<hbm>>
    tpu.wait_dma2 semaphore(%arg39 : memref<!tpu.dma_semaphore, #tpu.memory_space<semaphore_mem>>) src(%dma_wait3A_536 : memref<128xi32, #tpu.memory_space<hbm>>) dst(%dma_wait3A_535 : memref<128xi32, #tpu.memory_space<vmem>>)
    %dma_wait3A_537 = arith.constant 384 : i32
    %dma_wait3A_538 = tpu.memref_slice %arg28[%dma_wait3A_537] : memref<512xi32, #tpu.memory_space<vmem>> -> memref<128xi32, #tpu.memory_space<vmem>>
    %dma_wait3A_539 = tpu.memref_slice %arg13[%add3A_33] : memref<16384xi32, #tpu.memory_space<hbm>> -> memref<128xi32, #tpu.memory_space<hbm>>
    %dma_wait3A_540 = arith.constant 384 : i32
    %dma_wait3A_541 = tpu.memref_slice %arg28[%dma_wait3A_540] : memref<512xi32, #tpu.memory_space<vmem>> -> memref<128xi32, #tpu.memory_space<vmem>>
    %dma_wait3A_542 = tpu.memref_slice %arg13[%add3A_33] : memref<16384xi32, #tpu.memory_space<hbm>> -> memref<128xi32, #tpu.memory_space<hbm>>
    tpu.wait_dma2 semaphore(%arg40 : memref<!tpu.dma_semaphore, #tpu.memory_space<semaphore_mem>>) src(%dma_wait3A_542 : memref<128xi32, #tpu.memory_space<hbm>>) dst(%dma_wait3A_541 : memref<128xi32, #tpu.memory_space<vmem>>)
    %dma_wait3A_543 = arith.constant 0 : i32
    %dma_wait3A_544 = tpu.memref_slice %arg29[%dma_wait3A_543] : memref<512xi32, #tpu.memory_space<vmem>> -> memref<128xi32, #tpu.memory_space<vmem>>
    %dma_wait3A_545 = tpu.memref_slice %arg14[%add3A_43] : memref<16384xi32, #tpu.memory_space<hbm>> -> memref<128xi32, #tpu.memory_space<hbm>>
    %dma_wait3A_546 = arith.constant 0 : i32
    %dma_wait3A_547 = tpu.memref_slice %arg29[%dma_wait3A_546] : memref<512xi32, #tpu.memory_space<vmem>> -> memref<128xi32, #tpu.memory_space<vmem>>
    %dma_wait3A_548 = tpu.memref_slice %arg14[%add3A_43] : memref<16384xi32, #tpu.memory_space<hbm>> -> memref<128xi32, #tpu.memory_space<hbm>>
    tpu.wait_dma2 semaphore(%arg37 : memref<!tpu.dma_semaphore, #tpu.memory_space<semaphore_mem>>) src(%dma_wait3A_548 : memref<128xi32, #tpu.memory_space<hbm>>) dst(%dma_wait3A_547 : memref<128xi32, #tpu.memory_space<vmem>>)
    %dma_wait3A_549 = arith.constant 128 : i32
    %dma_wait3A_550 = tpu.memref_slice %arg29[%dma_wait3A_549] : memref<512xi32, #tpu.memory_space<vmem>> -> memref<128xi32, #tpu.memory_space<vmem>>
    %dma_wait3A_551 = tpu.memref_slice %arg14[%add3A_53] : memref<16384xi32, #tpu.memory_space<hbm>> -> memref<128xi32, #tpu.memory_space<hbm>>
    %dma_wait3A_552 = arith.constant 128 : i32
    %dma_wait3A_553 = tpu.memref_slice %arg29[%dma_wait3A_552] : memref<512xi32, #tpu.memory_space<vmem>> -> memref<128xi32, #tpu.memory_space<vmem>>
    %dma_wait3A_554 = tpu.memref_slice %arg14[%add3A_53] : memref<16384xi32, #tpu.memory_space<hbm>> -> memref<128xi32, #tpu.memory_space<hbm>>
    tpu.wait_dma2 semaphore(%arg38 : memref<!tpu.dma_semaphore, #tpu.memory_space<semaphore_mem>>) src(%dma_wait3A_554 : memref<128xi32, #tpu.memory_space<hbm>>) dst(%dma_wait3A_553 : memref<128xi32, #tpu.memory_space<vmem>>)
    %dma_wait3A_555 = arith.constant 256 : i32
    %dma_wait3A_556 = tpu.memref_slice %arg29[%dma_wait3A_555] : memref<512xi32, #tpu.memory_space<vmem>> -> memref<128xi32, #tpu.memory_space<vmem>>
    %dma_wait3A_557 = tpu.memref_slice %arg14[%add3A_63] : memref<16384xi32, #tpu.memory_space<hbm>> -> memref<128xi32, #tpu.memory_space<hbm>>
    %dma_wait3A_558 = arith.constant 256 : i32
    %dma_wait3A_559 = tpu.memref_slice %arg29[%dma_wait3A_558] : memref<512xi32, #tpu.memory_space<vmem>> -> memref<128xi32, #tpu.memory_space<vmem>>
    %dma_wait3A_560 = tpu.memref_slice %arg14[%add3A_63] : memref<16384xi32, #tpu.memory_space<hbm>> -> memref<128xi32, #tpu.memory_space<hbm>>
    tpu.wait_dma2 semaphore(%arg39 : memref<!tpu.dma_semaphore, #tpu.memory_space<semaphore_mem>>) src(%dma_wait3A_560 : memref<128xi32, #tpu.memory_space<hbm>>) dst(%dma_wait3A_559 : memref<128xi32, #tpu.memory_space<vmem>>)
    %dma_wait3A_561 = arith.constant 384 : i32
    %dma_wait3A_562 = tpu.memref_slice %arg29[%dma_wait3A_561] : memref<512xi32, #tpu.memory_space<vmem>> -> memref<128xi32, #tpu.memory_space<vmem>>
    %dma_wait3A_563 = tpu.memref_slice %arg14[%add3A_73] : memref<16384xi32, #tpu.memory_space<hbm>> -> memref<128xi32, #tpu.memory_space<hbm>>
    %dma_wait3A_564 = arith.constant 384 : i32
    %dma_wait3A_565 = tpu.memref_slice %arg29[%dma_wait3A_564] : memref<512xi32, #tpu.memory_space<vmem>> -> memref<128xi32, #tpu.memory_space<vmem>>
    %dma_wait3A_566 = tpu.memref_slice %arg14[%add3A_73] : memref<16384xi32, #tpu.memory_space<hbm>> -> memref<128xi32, #tpu.memory_space<hbm>>
    tpu.wait_dma2 semaphore(%arg40 : memref<!tpu.dma_semaphore, #tpu.memory_space<semaphore_mem>>) src(%dma_wait3A_566 : memref<128xi32, #tpu.memory_space<hbm>>) dst(%dma_wait3A_565 : memref<128xi32, #tpu.memory_space<vmem>>)
    %dma_wait3A_567 = arith.constant 0 : i32
    %dma_wait3A_568 = tpu.memref_slice %arg17[%dma_wait3A_567] : memref<512xi32, #tpu.memory_space<vmem>> -> memref<128xi32, #tpu.memory_space<vmem>>
    %dma_wait3A_569 = tpu.memref_slice %arg2[%add3A_83] : memref<16384xi32, #tpu.memory_space<hbm>> -> memref<128xi32, #tpu.memory_space<hbm>>
    %dma_wait3A_570 = arith.constant 0 : i32
    %dma_wait3A_571 = tpu.memref_slice %arg17[%dma_wait3A_570] : memref<512xi32, #tpu.memory_space<vmem>> -> memref<128xi32, #tpu.memory_space<vmem>>
    %dma_wait3A_572 = tpu.memref_slice %arg2[%add3A_83] : memref<16384xi32, #tpu.memory_space<hbm>> -> memref<128xi32, #tpu.memory_space<hbm>>
    tpu.wait_dma2 semaphore(%arg37 : memref<!tpu.dma_semaphore, #tpu.memory_space<semaphore_mem>>) src(%dma_wait3A_572 : memref<128xi32, #tpu.memory_space<hbm>>) dst(%dma_wait3A_571 : memref<128xi32, #tpu.memory_space<vmem>>)
    %dma_wait3A_573 = arith.constant 128 : i32
    %dma_wait3A_574 = tpu.memref_slice %arg17[%dma_wait3A_573] : memref<512xi32, #tpu.memory_space<vmem>> -> memref<128xi32, #tpu.memory_space<vmem>>
    %dma_wait3A_575 = tpu.memref_slice %arg2[%add3A_93] : memref<16384xi32, #tpu.memory_space<hbm>> -> memref<128xi32, #tpu.memory_space<hbm>>
    %dma_wait3A_576 = arith.constant 128 : i32
    %dma_wait3A_577 = tpu.memref_slice %arg17[%dma_wait3A_576] : memref<512xi32, #tpu.memory_space<vmem>> -> memref<128xi32, #tpu.memory_space<vmem>>
    %dma_wait3A_578 = tpu.memref_slice %arg2[%add3A_93] : memref<16384xi32, #tpu.memory_space<hbm>> -> memref<128xi32, #tpu.memory_space<hbm>>
    tpu.wait_dma2 semaphore(%arg38 : memref<!tpu.dma_semaphore, #tpu.memory_space<semaphore_mem>>) src(%dma_wait3A_578 : memref<128xi32, #tpu.memory_space<hbm>>) dst(%dma_wait3A_577 : memref<128xi32, #tpu.memory_space<vmem>>)
    %dma_wait3A_579 = arith.constant 256 : i32
    %dma_wait3A_580 = tpu.memref_slice %arg17[%dma_wait3A_579] : memref<512xi32, #tpu.memory_space<vmem>> -> memref<128xi32, #tpu.memory_space<vmem>>
    %dma_wait3A_581 = tpu.memref_slice %arg2[%add3A_103] : memref<16384xi32, #tpu.memory_space<hbm>> -> memref<128xi32, #tpu.memory_space<hbm>>
    %dma_wait3A_582 = arith.constant 256 : i32
    %dma_wait3A_583 = tpu.memref_slice %arg17[%dma_wait3A_582] : memref<512xi32, #tpu.memory_space<vmem>> -> memref<128xi32, #tpu.memory_space<vmem>>
    %dma_wait3A_584 = tpu.memref_slice %arg2[%add3A_103] : memref<16384xi32, #tpu.memory_space<hbm>> -> memref<128xi32, #tpu.memory_space<hbm>>
    tpu.wait_dma2 semaphore(%arg39 : memref<!tpu.dma_semaphore, #tpu.memory_space<semaphore_mem>>) src(%dma_wait3A_584 : memref<128xi32, #tpu.memory_space<hbm>>) dst(%dma_wait3A_583 : memref<128xi32, #tpu.memory_space<vmem>>)
    %dma_wait3A_585 = arith.constant 384 : i32
    %dma_wait3A_586 = tpu.memref_slice %arg17[%dma_wait3A_585] : memref<512xi32, #tpu.memory_space<vmem>> -> memref<128xi32, #tpu.memory_space<vmem>>
    %dma_wait3A_587 = tpu.memref_slice %arg2[%add3A_113] : memref<16384xi32, #tpu.memory_space<hbm>> -> memref<128xi32, #tpu.memory_space<hbm>>
    %dma_wait3A_588 = arith.constant 384 : i32
    %dma_wait3A_589 = tpu.memref_slice %arg17[%dma_wait3A_588] : memref<512xi32, #tpu.memory_space<vmem>> -> memref<128xi32, #tpu.memory_space<vmem>>
    %dma_wait3A_590 = tpu.memref_slice %arg2[%add3A_113] : memref<16384xi32, #tpu.memory_space<hbm>> -> memref<128xi32, #tpu.memory_space<hbm>>
    tpu.wait_dma2 semaphore(%arg40 : memref<!tpu.dma_semaphore, #tpu.memory_space<semaphore_mem>>) src(%dma_wait3A_590 : memref<128xi32, #tpu.memory_space<hbm>>) dst(%dma_wait3A_589 : memref<128xi32, #tpu.memory_space<vmem>>)
    %dma_wait3A_591 = arith.constant 0 : i32
    %dma_wait3A_592 = tpu.memref_slice %arg18[%dma_wait3A_591] : memref<512xi32, #tpu.memory_space<vmem>> -> memref<128xi32, #tpu.memory_space<vmem>>
    %dma_wait3A_593 = tpu.memref_slice %arg3[%add3A_123] : memref<16384xi32, #tpu.memory_space<hbm>> -> memref<128xi32, #tpu.memory_space<hbm>>
    %dma_wait3A_594 = arith.constant 0 : i32
    %dma_wait3A_595 = tpu.memref_slice %arg18[%dma_wait3A_594] : memref<512xi32, #tpu.memory_space<vmem>> -> memref<128xi32, #tpu.memory_space<vmem>>
    %dma_wait3A_596 = tpu.memref_slice %arg3[%add3A_123] : memref<16384xi32, #tpu.memory_space<hbm>> -> memref<128xi32, #tpu.memory_space<hbm>>
    tpu.wait_dma2 semaphore(%arg37 : memref<!tpu.dma_semaphore, #tpu.memory_space<semaphore_mem>>) src(%dma_wait3A_596 : memref<128xi32, #tpu.memory_space<hbm>>) dst(%dma_wait3A_595 : memref<128xi32, #tpu.memory_space<vmem>>)
    %dma_wait3A_597 = arith.constant 128 : i32
    %dma_wait3A_598 = tpu.memref_slice %arg18[%dma_wait3A_597] : memref<512xi32, #tpu.memory_space<vmem>> -> memref<128xi32, #tpu.memory_space<vmem>>
    %dma_wait3A_599 = tpu.memref_slice %arg3[%add3A_133] : memref<16384xi32, #tpu.memory_space<hbm>> -> memref<128xi32, #tpu.memory_space<hbm>>
    %dma_wait3A_600 = arith.constant 128 : i32
    %dma_wait3A_601 = tpu.memref_slice %arg18[%dma_wait3A_600] : memref<512xi32, #tpu.memory_space<vmem>> -> memref<128xi32, #tpu.memory_space<vmem>>
    %dma_wait3A_602 = tpu.memref_slice %arg3[%add3A_133] : memref<16384xi32, #tpu.memory_space<hbm>> -> memref<128xi32, #tpu.memory_space<hbm>>
    tpu.wait_dma2 semaphore(%arg38 : memref<!tpu.dma_semaphore, #tpu.memory_space<semaphore_mem>>) src(%dma_wait3A_602 : memref<128xi32, #tpu.memory_space<hbm>>) dst(%dma_wait3A_601 : memref<128xi32, #tpu.memory_space<vmem>>)
    %dma_wait3A_603 = arith.constant 256 : i32
    %dma_wait3A_604 = tpu.memref_slice %arg18[%dma_wait3A_603] : memref<512xi32, #tpu.memory_space<vmem>> -> memref<128xi32, #tpu.memory_space<vmem>>
    %dma_wait3A_605 = tpu.memref_slice %arg3[%add3A_143] : memref<16384xi32, #tpu.memory_space<hbm>> -> memref<128xi32, #tpu.memory_space<hbm>>
    %dma_wait3A_606 = arith.constant 256 : i32
    %dma_wait3A_607 = tpu.memref_slice %arg18[%dma_wait3A_606] : memref<512xi32, #tpu.memory_space<vmem>> -> memref<128xi32, #tpu.memory_space<vmem>>
    %dma_wait3A_608 = tpu.memref_slice %arg3[%add3A_143] : memref<16384xi32, #tpu.memory_space<hbm>> -> memref<128xi32, #tpu.memory_space<hbm>>
    tpu.wait_dma2 semaphore(%arg39 : memref<!tpu.dma_semaphore, #tpu.memory_space<semaphore_mem>>) src(%dma_wait3A_608 : memref<128xi32, #tpu.memory_space<hbm>>) dst(%dma_wait3A_607 : memref<128xi32, #tpu.memory_space<vmem>>)
    %dma_wait3A_609 = arith.constant 384 : i32
    %dma_wait3A_610 = tpu.memref_slice %arg18[%dma_wait3A_609] : memref<512xi32, #tpu.memory_space<vmem>> -> memref<128xi32, #tpu.memory_space<vmem>>
    %dma_wait3A_611 = tpu.memref_slice %arg3[%add3A_153] : memref<16384xi32, #tpu.memory_space<hbm>> -> memref<128xi32, #tpu.memory_space<hbm>>
    %dma_wait3A_612 = arith.constant 384 : i32
    %dma_wait3A_613 = tpu.memref_slice %arg18[%dma_wait3A_612] : memref<512xi32, #tpu.memory_space<vmem>> -> memref<128xi32, #tpu.memory_space<vmem>>
    %dma_wait3A_614 = tpu.memref_slice %arg3[%add3A_153] : memref<16384xi32, #tpu.memory_space<hbm>> -> memref<128xi32, #tpu.memory_space<hbm>>
    tpu.wait_dma2 semaphore(%arg40 : memref<!tpu.dma_semaphore, #tpu.memory_space<semaphore_mem>>) src(%dma_wait3A_614 : memref<128xi32, #tpu.memory_space<hbm>>) dst(%dma_wait3A_613 : memref<128xi32, #tpu.memory_space<vmem>>)
    %dma_wait3A_615 = arith.constant 0 : i32
    %dma_wait3A_616 = tpu.memref_slice %arg19[%dma_wait3A_615] : memref<512xi32, #tpu.memory_space<vmem>> -> memref<128xi32, #tpu.memory_space<vmem>>
    %dma_wait3A_617 = tpu.memref_slice %arg4[%add3A_163] : memref<16384xi32, #tpu.memory_space<hbm>> -> memref<128xi32, #tpu.memory_space<hbm>>
    %dma_wait3A_618 = arith.constant 0 : i32
    %dma_wait3A_619 = tpu.memref_slice %arg19[%dma_wait3A_618] : memref<512xi32, #tpu.memory_space<vmem>> -> memref<128xi32, #tpu.memory_space<vmem>>
    %dma_wait3A_620 = tpu.memref_slice %arg4[%add3A_163] : memref<16384xi32, #tpu.memory_space<hbm>> -> memref<128xi32, #tpu.memory_space<hbm>>
    tpu.wait_dma2 semaphore(%arg37 : memref<!tpu.dma_semaphore, #tpu.memory_space<semaphore_mem>>) src(%dma_wait3A_620 : memref<128xi32, #tpu.memory_space<hbm>>) dst(%dma_wait3A_619 : memref<128xi32, #tpu.memory_space<vmem>>)
    %dma_wait3A_621 = arith.constant 128 : i32
    %dma_wait3A_622 = tpu.memref_slice %arg19[%dma_wait3A_621] : memref<512xi32, #tpu.memory_space<vmem>> -> memref<128xi32, #tpu.memory_space<vmem>>
    %dma_wait3A_623 = tpu.memref_slice %arg4[%add3A_173] : memref<16384xi32, #tpu.memory_space<hbm>> -> memref<128xi32, #tpu.memory_space<hbm>>
    %dma_wait3A_624 = arith.constant 128 : i32
    %dma_wait3A_625 = tpu.memref_slice %arg19[%dma_wait3A_624] : memref<512xi32, #tpu.memory_space<vmem>> -> memref<128xi32, #tpu.memory_space<vmem>>
    %dma_wait3A_626 = tpu.memref_slice %arg4[%add3A_173] : memref<16384xi32, #tpu.memory_space<hbm>> -> memref<128xi32, #tpu.memory_space<hbm>>
    tpu.wait_dma2 semaphore(%arg38 : memref<!tpu.dma_semaphore, #tpu.memory_space<semaphore_mem>>) src(%dma_wait3A_626 : memref<128xi32, #tpu.memory_space<hbm>>) dst(%dma_wait3A_625 : memref<128xi32, #tpu.memory_space<vmem>>)
    %dma_wait3A_627 = arith.constant 256 : i32
    %dma_wait3A_628 = tpu.memref_slice %arg19[%dma_wait3A_627] : memref<512xi32, #tpu.memory_space<vmem>> -> memref<128xi32, #tpu.memory_space<vmem>>
    %dma_wait3A_629 = tpu.memref_slice %arg4[%add3A_183] : memref<16384xi32, #tpu.memory_space<hbm>> -> memref<128xi32, #tpu.memory_space<hbm>>
    %dma_wait3A_630 = arith.constant 256 : i32
    %dma_wait3A_631 = tpu.memref_slice %arg19[%dma_wait3A_630] : memref<512xi32, #tpu.memory_space<vmem>> -> memref<128xi32, #tpu.memory_space<vmem>>
    %dma_wait3A_632 = tpu.memref_slice %arg4[%add3A_183] : memref<16384xi32, #tpu.memory_space<hbm>> -> memref<128xi32, #tpu.memory_space<hbm>>
    tpu.wait_dma2 semaphore(%arg39 : memref<!tpu.dma_semaphore, #tpu.memory_space<semaphore_mem>>) src(%dma_wait3A_632 : memref<128xi32, #tpu.memory_space<hbm>>) dst(%dma_wait3A_631 : memref<128xi32, #tpu.memory_space<vmem>>)
    %dma_wait3A_633 = arith.constant 384 : i32
    %dma_wait3A_634 = tpu.memref_slice %arg19[%dma_wait3A_633] : memref<512xi32, #tpu.memory_space<vmem>> -> memref<128xi32, #tpu.memory_space<vmem>>
    %dma_wait3A_635 = tpu.memref_slice %arg4[%add3A_193] : memref<16384xi32, #tpu.memory_space<hbm>> -> memref<128xi32, #tpu.memory_space<hbm>>
    %dma_wait3A_636 = arith.constant 384 : i32
    %dma_wait3A_637 = tpu.memref_slice %arg19[%dma_wait3A_636] : memref<512xi32, #tpu.memory_space<vmem>> -> memref<128xi32, #tpu.memory_space<vmem>>
    %dma_wait3A_638 = tpu.memref_slice %arg4[%add3A_193] : memref<16384xi32, #tpu.memory_space<hbm>> -> memref<128xi32, #tpu.memory_space<hbm>>
    tpu.wait_dma2 semaphore(%arg40 : memref<!tpu.dma_semaphore, #tpu.memory_space<semaphore_mem>>) src(%dma_wait3A_638 : memref<128xi32, #tpu.memory_space<hbm>>) dst(%dma_wait3A_637 : memref<128xi32, #tpu.memory_space<vmem>>)
    %dma_wait3A_639 = arith.constant 0 : i32
    %dma_wait3A_640 = tpu.memref_slice %arg20[%dma_wait3A_639] : memref<512xi32, #tpu.memory_space<vmem>> -> memref<128xi32, #tpu.memory_space<vmem>>
    %dma_wait3A_641 = tpu.memref_slice %arg5[%add3A_203] : memref<16384xi32, #tpu.memory_space<hbm>> -> memref<128xi32, #tpu.memory_space<hbm>>
    %dma_wait3A_642 = arith.constant 0 : i32
    %dma_wait3A_643 = tpu.memref_slice %arg20[%dma_wait3A_642] : memref<512xi32, #tpu.memory_space<vmem>> -> memref<128xi32, #tpu.memory_space<vmem>>
    %dma_wait3A_644 = tpu.memref_slice %arg5[%add3A_203] : memref<16384xi32, #tpu.memory_space<hbm>> -> memref<128xi32, #tpu.memory_space<hbm>>
    tpu.wait_dma2 semaphore(%arg37 : memref<!tpu.dma_semaphore, #tpu.memory_space<semaphore_mem>>) src(%dma_wait3A_644 : memref<128xi32, #tpu.memory_space<hbm>>) dst(%dma_wait3A_643 : memref<128xi32, #tpu.memory_space<vmem>>)
    %dma_wait3A_645 = arith.constant 128 : i32
    %dma_wait3A_646 = tpu.memref_slice %arg20[%dma_wait3A_645] : memref<512xi32, #tpu.memory_space<vmem>> -> memref<128xi32, #tpu.memory_space<vmem>>
    %dma_wait3A_647 = tpu.memref_slice %arg5[%add3A_213] : memref<16384xi32, #tpu.memory_space<hbm>> -> memref<128xi32, #tpu.memory_space<hbm>>
    %dma_wait3A_648 = arith.constant 128 : i32
    %dma_wait3A_649 = tpu.memref_slice %arg20[%dma_wait3A_648] : memref<512xi32, #tpu.memory_space<vmem>> -> memref<128xi32, #tpu.memory_space<vmem>>
    %dma_wait3A_650 = tpu.memref_slice %arg5[%add3A_213] : memref<16384xi32, #tpu.memory_space<hbm>> -> memref<128xi32, #tpu.memory_space<hbm>>
    tpu.wait_dma2 semaphore(%arg38 : memref<!tpu.dma_semaphore, #tpu.memory_space<semaphore_mem>>) src(%dma_wait3A_650 : memref<128xi32, #tpu.memory_space<hbm>>) dst(%dma_wait3A_649 : memref<128xi32, #tpu.memory_space<vmem>>)
    %dma_wait3A_651 = arith.constant 256 : i32
    %dma_wait3A_652 = tpu.memref_slice %arg20[%dma_wait3A_651] : memref<512xi32, #tpu.memory_space<vmem>> -> memref<128xi32, #tpu.memory_space<vmem>>
    %dma_wait3A_653 = tpu.memref_slice %arg5[%add3A_223] : memref<16384xi32, #tpu.memory_space<hbm>> -> memref<128xi32, #tpu.memory_space<hbm>>
    %dma_wait3A_654 = arith.constant 256 : i32
    %dma_wait3A_655 = tpu.memref_slice %arg20[%dma_wait3A_654] : memref<512xi32, #tpu.memory_space<vmem>> -> memref<128xi32, #tpu.memory_space<vmem>>
    %dma_wait3A_656 = tpu.memref_slice %arg5[%add3A_223] : memref<16384xi32, #tpu.memory_space<hbm>> -> memref<128xi32, #tpu.memory_space<hbm>>
    tpu.wait_dma2 semaphore(%arg39 : memref<!tpu.dma_semaphore, #tpu.memory_space<semaphore_mem>>) src(%dma_wait3A_656 : memref<128xi32, #tpu.memory_space<hbm>>) dst(%dma_wait3A_655 : memref<128xi32, #tpu.memory_space<vmem>>)
    %dma_wait3A_657 = arith.constant 384 : i32
    %dma_wait3A_658 = tpu.memref_slice %arg20[%dma_wait3A_657] : memref<512xi32, #tpu.memory_space<vmem>> -> memref<128xi32, #tpu.memory_space<vmem>>
    %dma_wait3A_659 = tpu.memref_slice %arg5[%add3A_233] : memref<16384xi32, #tpu.memory_space<hbm>> -> memref<128xi32, #tpu.memory_space<hbm>>
    %dma_wait3A_660 = arith.constant 384 : i32
    %dma_wait3A_661 = tpu.memref_slice %arg20[%dma_wait3A_660] : memref<512xi32, #tpu.memory_space<vmem>> -> memref<128xi32, #tpu.memory_space<vmem>>
    %dma_wait3A_662 = tpu.memref_slice %arg5[%add3A_233] : memref<16384xi32, #tpu.memory_space<hbm>> -> memref<128xi32, #tpu.memory_space<hbm>>
    tpu.wait_dma2 semaphore(%arg40 : memref<!tpu.dma_semaphore, #tpu.memory_space<semaphore_mem>>) src(%dma_wait3A_662 : memref<128xi32, #tpu.memory_space<hbm>>) dst(%dma_wait3A_661 : memref<128xi32, #tpu.memory_space<vmem>>)
    %dma_wait3A_663 = arith.constant 0 : i32
    %dma_wait3A_664 = tpu.memref_slice %arg21[%dma_wait3A_663] : memref<512xi32, #tpu.memory_space<vmem>> -> memref<128xi32, #tpu.memory_space<vmem>>
    %dma_wait3A_665 = tpu.memref_slice %arg6[%add3A_243] : memref<16384xi32, #tpu.memory_space<hbm>> -> memref<128xi32, #tpu.memory_space<hbm>>
    %dma_wait3A_666 = arith.constant 0 : i32
    %dma_wait3A_667 = tpu.memref_slice %arg21[%dma_wait3A_666] : memref<512xi32, #tpu.memory_space<vmem>> -> memref<128xi32, #tpu.memory_space<vmem>>
    %dma_wait3A_668 = tpu.memref_slice %arg6[%add3A_243] : memref<16384xi32, #tpu.memory_space<hbm>> -> memref<128xi32, #tpu.memory_space<hbm>>
    tpu.wait_dma2 semaphore(%arg37 : memref<!tpu.dma_semaphore, #tpu.memory_space<semaphore_mem>>) src(%dma_wait3A_668 : memref<128xi32, #tpu.memory_space<hbm>>) dst(%dma_wait3A_667 : memref<128xi32, #tpu.memory_space<vmem>>)
    %dma_wait3A_669 = arith.constant 128 : i32
    %dma_wait3A_670 = tpu.memref_slice %arg21[%dma_wait3A_669] : memref<512xi32, #tpu.memory_space<vmem>> -> memref<128xi32, #tpu.memory_space<vmem>>
    %dma_wait3A_671 = tpu.memref_slice %arg6[%add3A_253] : memref<16384xi32, #tpu.memory_space<hbm>> -> memref<128xi32, #tpu.memory_space<hbm>>
    %dma_wait3A_672 = arith.constant 128 : i32
    %dma_wait3A_673 = tpu.memref_slice %arg21[%dma_wait3A_672] : memref<512xi32, #tpu.memory_space<vmem>> -> memref<128xi32, #tpu.memory_space<vmem>>
    %dma_wait3A_674 = tpu.memref_slice %arg6[%add3A_253] : memref<16384xi32, #tpu.memory_space<hbm>> -> memref<128xi32, #tpu.memory_space<hbm>>
    tpu.wait_dma2 semaphore(%arg38 : memref<!tpu.dma_semaphore, #tpu.memory_space<semaphore_mem>>) src(%dma_wait3A_674 : memref<128xi32, #tpu.memory_space<hbm>>) dst(%dma_wait3A_673 : memref<128xi32, #tpu.memory_space<vmem>>)
    %dma_wait3A_675 = arith.constant 256 : i32
    %dma_wait3A_676 = tpu.memref_slice %arg21[%dma_wait3A_675] : memref<512xi32, #tpu.memory_space<vmem>> -> memref<128xi32, #tpu.memory_space<vmem>>
    %dma_wait3A_677 = tpu.memref_slice %arg6[%add3A_263] : memref<16384xi32, #tpu.memory_space<hbm>> -> memref<128xi32, #tpu.memory_space<hbm>>
    %dma_wait3A_678 = arith.constant 256 : i32
    %dma_wait3A_679 = tpu.memref_slice %arg21[%dma_wait3A_678] : memref<512xi32, #tpu.memory_space<vmem>> -> memref<128xi32, #tpu.memory_space<vmem>>
    %dma_wait3A_680 = tpu.memref_slice %arg6[%add3A_263] : memref<16384xi32, #tpu.memory_space<hbm>> -> memref<128xi32, #tpu.memory_space<hbm>>
    tpu.wait_dma2 semaphore(%arg39 : memref<!tpu.dma_semaphore, #tpu.memory_space<semaphore_mem>>) src(%dma_wait3A_680 : memref<128xi32, #tpu.memory_space<hbm>>) dst(%dma_wait3A_679 : memref<128xi32, #tpu.memory_space<vmem>>)
    %dma_wait3A_681 = arith.constant 384 : i32
    %dma_wait3A_682 = tpu.memref_slice %arg21[%dma_wait3A_681] : memref<512xi32, #tpu.memory_space<vmem>> -> memref<128xi32, #tpu.memory_space<vmem>>
    %dma_wait3A_683 = tpu.memref_slice %arg6[%add3A_273] : memref<16384xi32, #tpu.memory_space<hbm>> -> memref<128xi32, #tpu.memory_space<hbm>>
    %dma_wait3A_684 = arith.constant 384 : i32
    %dma_wait3A_685 = tpu.memref_slice %arg21[%dma_wait3A_684] : memref<512xi32, #tpu.memory_space<vmem>> -> memref<128xi32, #tpu.memory_space<vmem>>
    %dma_wait3A_686 = tpu.memref_slice %arg6[%add3A_273] : memref<16384xi32, #tpu.memory_space<hbm>> -> memref<128xi32, #tpu.memory_space<hbm>>
    tpu.wait_dma2 semaphore(%arg40 : memref<!tpu.dma_semaphore, #tpu.memory_space<semaphore_mem>>) src(%dma_wait3A_686 : memref<128xi32, #tpu.memory_space<hbm>>) dst(%dma_wait3A_685 : memref<128xi32, #tpu.memory_space<vmem>>)
    %dma_wait3A_687 = arith.constant 0 : i32
    %dma_wait3A_688 = tpu.memref_slice %arg22[%dma_wait3A_687] : memref<512xi32, #tpu.memory_space<vmem>> -> memref<128xi32, #tpu.memory_space<vmem>>
    %dma_wait3A_689 = tpu.memref_slice %arg7[%add3A_283] : memref<16384xi32, #tpu.memory_space<hbm>> -> memref<128xi32, #tpu.memory_space<hbm>>
    %dma_wait3A_690 = arith.constant 0 : i32
    %dma_wait3A_691 = tpu.memref_slice %arg22[%dma_wait3A_690] : memref<512xi32, #tpu.memory_space<vmem>> -> memref<128xi32, #tpu.memory_space<vmem>>
    %dma_wait3A_692 = tpu.memref_slice %arg7[%add3A_283] : memref<16384xi32, #tpu.memory_space<hbm>> -> memref<128xi32, #tpu.memory_space<hbm>>
    tpu.wait_dma2 semaphore(%arg37 : memref<!tpu.dma_semaphore, #tpu.memory_space<semaphore_mem>>) src(%dma_wait3A_692 : memref<128xi32, #tpu.memory_space<hbm>>) dst(%dma_wait3A_691 : memref<128xi32, #tpu.memory_space<vmem>>)
    %dma_wait3A_693 = arith.constant 128 : i32
    %dma_wait3A_694 = tpu.memref_slice %arg22[%dma_wait3A_693] : memref<512xi32, #tpu.memory_space<vmem>> -> memref<128xi32, #tpu.memory_space<vmem>>
    %dma_wait3A_695 = tpu.memref_slice %arg7[%add3A_293] : memref<16384xi32, #tpu.memory_space<hbm>> -> memref<128xi32, #tpu.memory_space<hbm>>
    %dma_wait3A_696 = arith.constant 128 : i32
    %dma_wait3A_697 = tpu.memref_slice %arg22[%dma_wait3A_696] : memref<512xi32, #tpu.memory_space<vmem>> -> memref<128xi32, #tpu.memory_space<vmem>>
    %dma_wait3A_698 = tpu.memref_slice %arg7[%add3A_293] : memref<16384xi32, #tpu.memory_space<hbm>> -> memref<128xi32, #tpu.memory_space<hbm>>
    tpu.wait_dma2 semaphore(%arg38 : memref<!tpu.dma_semaphore, #tpu.memory_space<semaphore_mem>>) src(%dma_wait3A_698 : memref<128xi32, #tpu.memory_space<hbm>>) dst(%dma_wait3A_697 : memref<128xi32, #tpu.memory_space<vmem>>)
    %dma_wait3A_699 = arith.constant 256 : i32
    %dma_wait3A_700 = tpu.memref_slice %arg22[%dma_wait3A_699] : memref<512xi32, #tpu.memory_space<vmem>> -> memref<128xi32, #tpu.memory_space<vmem>>
    %dma_wait3A_701 = tpu.memref_slice %arg7[%add3A_303] : memref<16384xi32, #tpu.memory_space<hbm>> -> memref<128xi32, #tpu.memory_space<hbm>>
    %dma_wait3A_702 = arith.constant 256 : i32
    %dma_wait3A_703 = tpu.memref_slice %arg22[%dma_wait3A_702] : memref<512xi32, #tpu.memory_space<vmem>> -> memref<128xi32, #tpu.memory_space<vmem>>
    %dma_wait3A_704 = tpu.memref_slice %arg7[%add3A_303] : memref<16384xi32, #tpu.memory_space<hbm>> -> memref<128xi32, #tpu.memory_space<hbm>>
    tpu.wait_dma2 semaphore(%arg39 : memref<!tpu.dma_semaphore, #tpu.memory_space<semaphore_mem>>) src(%dma_wait3A_704 : memref<128xi32, #tpu.memory_space<hbm>>) dst(%dma_wait3A_703 : memref<128xi32, #tpu.memory_space<vmem>>)
    %dma_wait3A_705 = arith.constant 384 : i32
    %dma_wait3A_706 = tpu.memref_slice %arg22[%dma_wait3A_705] : memref<512xi32, #tpu.memory_space<vmem>> -> memref<128xi32, #tpu.memory_space<vmem>>
    %dma_wait3A_707 = tpu.memref_slice %arg7[%add3A_313] : memref<16384xi32, #tpu.memory_space<hbm>> -> memref<128xi32, #tpu.memory_space<hbm>>
    %dma_wait3A_708 = arith.constant 384 : i32
    %dma_wait3A_709 = tpu.memref_slice %arg22[%dma_wait3A_708] : memref<512xi32, #tpu.memory_space<vmem>> -> memref<128xi32, #tpu.memory_space<vmem>>
    %dma_wait3A_710 = tpu.memref_slice %arg7[%add3A_313] : memref<16384xi32, #tpu.memory_space<hbm>> -> memref<128xi32, #tpu.memory_space<hbm>>
    tpu.wait_dma2 semaphore(%arg40 : memref<!tpu.dma_semaphore, #tpu.memory_space<semaphore_mem>>) src(%dma_wait3A_710 : memref<128xi32, #tpu.memory_space<hbm>>) dst(%dma_wait3A_709 : memref<128xi32, #tpu.memory_space<vmem>>)
    %dma_wait3A_711 = arith.constant 0 : i32
    %dma_wait3A_712 = tpu.memref_slice %arg23[%dma_wait3A_711] : memref<512xi32, #tpu.memory_space<vmem>> -> memref<128xi32, #tpu.memory_space<vmem>>
    %dma_wait3A_713 = tpu.memref_slice %arg8[%add3A_323] : memref<16384xi32, #tpu.memory_space<hbm>> -> memref<128xi32, #tpu.memory_space<hbm>>
    %dma_wait3A_714 = arith.constant 0 : i32
    %dma_wait3A_715 = tpu.memref_slice %arg23[%dma_wait3A_714] : memref<512xi32, #tpu.memory_space<vmem>> -> memref<128xi32, #tpu.memory_space<vmem>>
    %dma_wait3A_716 = tpu.memref_slice %arg8[%add3A_323] : memref<16384xi32, #tpu.memory_space<hbm>> -> memref<128xi32, #tpu.memory_space<hbm>>
    tpu.wait_dma2 semaphore(%arg37 : memref<!tpu.dma_semaphore, #tpu.memory_space<semaphore_mem>>) src(%dma_wait3A_716 : memref<128xi32, #tpu.memory_space<hbm>>) dst(%dma_wait3A_715 : memref<128xi32, #tpu.memory_space<vmem>>)
    %dma_wait3A_717 = arith.constant 128 : i32
    %dma_wait3A_718 = tpu.memref_slice %arg23[%dma_wait3A_717] : memref<512xi32, #tpu.memory_space<vmem>> -> memref<128xi32, #tpu.memory_space<vmem>>
    %dma_wait3A_719 = tpu.memref_slice %arg8[%add3A_333] : memref<16384xi32, #tpu.memory_space<hbm>> -> memref<128xi32, #tpu.memory_space<hbm>>
    %dma_wait3A_720 = arith.constant 128 : i32
    %dma_wait3A_721 = tpu.memref_slice %arg23[%dma_wait3A_720] : memref<512xi32, #tpu.memory_space<vmem>> -> memref<128xi32, #tpu.memory_space<vmem>>
    %dma_wait3A_722 = tpu.memref_slice %arg8[%add3A_333] : memref<16384xi32, #tpu.memory_space<hbm>> -> memref<128xi32, #tpu.memory_space<hbm>>
    tpu.wait_dma2 semaphore(%arg38 : memref<!tpu.dma_semaphore, #tpu.memory_space<semaphore_mem>>) src(%dma_wait3A_722 : memref<128xi32, #tpu.memory_space<hbm>>) dst(%dma_wait3A_721 : memref<128xi32, #tpu.memory_space<vmem>>)
    %dma_wait3A_723 = arith.constant 256 : i32
    %dma_wait3A_724 = tpu.memref_slice %arg23[%dma_wait3A_723] : memref<512xi32, #tpu.memory_space<vmem>> -> memref<128xi32, #tpu.memory_space<vmem>>
    %dma_wait3A_725 = tpu.memref_slice %arg8[%add3A_343] : memref<16384xi32, #tpu.memory_space<hbm>> -> memref<128xi32, #tpu.memory_space<hbm>>
    %dma_wait3A_726 = arith.constant 256 : i32
    %dma_wait3A_727 = tpu.memref_slice %arg23[%dma_wait3A_726] : memref<512xi32, #tpu.memory_space<vmem>> -> memref<128xi32, #tpu.memory_space<vmem>>
    %dma_wait3A_728 = tpu.memref_slice %arg8[%add3A_343] : memref<16384xi32, #tpu.memory_space<hbm>> -> memref<128xi32, #tpu.memory_space<hbm>>
    tpu.wait_dma2 semaphore(%arg39 : memref<!tpu.dma_semaphore, #tpu.memory_space<semaphore_mem>>) src(%dma_wait3A_728 : memref<128xi32, #tpu.memory_space<hbm>>) dst(%dma_wait3A_727 : memref<128xi32, #tpu.memory_space<vmem>>)
    %dma_wait3A_729 = arith.constant 384 : i32
    %dma_wait3A_730 = tpu.memref_slice %arg23[%dma_wait3A_729] : memref<512xi32, #tpu.memory_space<vmem>> -> memref<128xi32, #tpu.memory_space<vmem>>
    %dma_wait3A_731 = tpu.memref_slice %arg8[%add3A_353] : memref<16384xi32, #tpu.memory_space<hbm>> -> memref<128xi32, #tpu.memory_space<hbm>>
    %dma_wait3A_732 = arith.constant 384 : i32
    %dma_wait3A_733 = tpu.memref_slice %arg23[%dma_wait3A_732] : memref<512xi32, #tpu.memory_space<vmem>> -> memref<128xi32, #tpu.memory_space<vmem>>
    %dma_wait3A_734 = tpu.memref_slice %arg8[%add3A_353] : memref<16384xi32, #tpu.memory_space<hbm>> -> memref<128xi32, #tpu.memory_space<hbm>>
    tpu.wait_dma2 semaphore(%arg40 : memref<!tpu.dma_semaphore, #tpu.memory_space<semaphore_mem>>) src(%dma_wait3A_734 : memref<128xi32, #tpu.memory_space<hbm>>) dst(%dma_wait3A_733 : memref<128xi32, #tpu.memory_space<vmem>>)
    %dma_wait3A_735 = arith.constant 0 : i32
    %dma_wait3A_736 = tpu.memref_slice %arg24[%dma_wait3A_735] : memref<512xi32, #tpu.memory_space<vmem>> -> memref<128xi32, #tpu.memory_space<vmem>>
    %dma_wait3A_737 = tpu.memref_slice %arg9[%add3A_363] : memref<16384xi32, #tpu.memory_space<hbm>> -> memref<128xi32, #tpu.memory_space<hbm>>
    %dma_wait3A_738 = arith.constant 0 : i32
    %dma_wait3A_739 = tpu.memref_slice %arg24[%dma_wait3A_738] : memref<512xi32, #tpu.memory_space<vmem>> -> memref<128xi32, #tpu.memory_space<vmem>>
    %dma_wait3A_740 = tpu.memref_slice %arg9[%add3A_363] : memref<16384xi32, #tpu.memory_space<hbm>> -> memref<128xi32, #tpu.memory_space<hbm>>
    tpu.wait_dma2 semaphore(%arg37 : memref<!tpu.dma_semaphore, #tpu.memory_space<semaphore_mem>>) src(%dma_wait3A_740 : memref<128xi32, #tpu.memory_space<hbm>>) dst(%dma_wait3A_739 : memref<128xi32, #tpu.memory_space<vmem>>)
    %dma_wait3A_741 = arith.constant 128 : i32
    %dma_wait3A_742 = tpu.memref_slice %arg24[%dma_wait3A_741] : memref<512xi32, #tpu.memory_space<vmem>> -> memref<128xi32, #tpu.memory_space<vmem>>
    %dma_wait3A_743 = tpu.memref_slice %arg9[%add3A_373] : memref<16384xi32, #tpu.memory_space<hbm>> -> memref<128xi32, #tpu.memory_space<hbm>>
    %dma_wait3A_744 = arith.constant 128 : i32
    %dma_wait3A_745 = tpu.memref_slice %arg24[%dma_wait3A_744] : memref<512xi32, #tpu.memory_space<vmem>> -> memref<128xi32, #tpu.memory_space<vmem>>
    %dma_wait3A_746 = tpu.memref_slice %arg9[%add3A_373] : memref<16384xi32, #tpu.memory_space<hbm>> -> memref<128xi32, #tpu.memory_space<hbm>>
    tpu.wait_dma2 semaphore(%arg38 : memref<!tpu.dma_semaphore, #tpu.memory_space<semaphore_mem>>) src(%dma_wait3A_746 : memref<128xi32, #tpu.memory_space<hbm>>) dst(%dma_wait3A_745 : memref<128xi32, #tpu.memory_space<vmem>>)
    %dma_wait3A_747 = arith.constant 256 : i32
    %dma_wait3A_748 = tpu.memref_slice %arg24[%dma_wait3A_747] : memref<512xi32, #tpu.memory_space<vmem>> -> memref<128xi32, #tpu.memory_space<vmem>>
    %dma_wait3A_749 = tpu.memref_slice %arg9[%add3A_383] : memref<16384xi32, #tpu.memory_space<hbm>> -> memref<128xi32, #tpu.memory_space<hbm>>
    %dma_wait3A_750 = arith.constant 256 : i32
    %dma_wait3A_751 = tpu.memref_slice %arg24[%dma_wait3A_750] : memref<512xi32, #tpu.memory_space<vmem>> -> memref<128xi32, #tpu.memory_space<vmem>>
    %dma_wait3A_752 = tpu.memref_slice %arg9[%add3A_383] : memref<16384xi32, #tpu.memory_space<hbm>> -> memref<128xi32, #tpu.memory_space<hbm>>
    tpu.wait_dma2 semaphore(%arg39 : memref<!tpu.dma_semaphore, #tpu.memory_space<semaphore_mem>>) src(%dma_wait3A_752 : memref<128xi32, #tpu.memory_space<hbm>>) dst(%dma_wait3A_751 : memref<128xi32, #tpu.memory_space<vmem>>)
    %dma_wait3A_753 = arith.constant 384 : i32
    %dma_wait3A_754 = tpu.memref_slice %arg24[%dma_wait3A_753] : memref<512xi32, #tpu.memory_space<vmem>> -> memref<128xi32, #tpu.memory_space<vmem>>
    %dma_wait3A_755 = tpu.memref_slice %arg9[%add3A_393] : memref<16384xi32, #tpu.memory_space<hbm>> -> memref<128xi32, #tpu.memory_space<hbm>>
    %dma_wait3A_756 = arith.constant 384 : i32
    %dma_wait3A_757 = tpu.memref_slice %arg24[%dma_wait3A_756] : memref<512xi32, #tpu.memory_space<vmem>> -> memref<128xi32, #tpu.memory_space<vmem>>
    %dma_wait3A_758 = tpu.memref_slice %arg9[%add3A_393] : memref<16384xi32, #tpu.memory_space<hbm>> -> memref<128xi32, #tpu.memory_space<hbm>>
    tpu.wait_dma2 semaphore(%arg40 : memref<!tpu.dma_semaphore, #tpu.memory_space<semaphore_mem>>) src(%dma_wait3A_758 : memref<128xi32, #tpu.memory_space<hbm>>) dst(%dma_wait3A_757 : memref<128xi32, #tpu.memory_space<vmem>>)
    %dma_wait3A_759 = arith.constant 0 : i32
    %dma_wait3A_760 = tpu.memref_slice %arg25[%dma_wait3A_759] : memref<512xi32, #tpu.memory_space<vmem>> -> memref<128xi32, #tpu.memory_space<vmem>>
    %dma_wait3A_761 = tpu.memref_slice %arg10[%add3A_403] : memref<16384xi32, #tpu.memory_space<hbm>> -> memref<128xi32, #tpu.memory_space<hbm>>
    %dma_wait3A_762 = arith.constant 0 : i32
    %dma_wait3A_763 = tpu.memref_slice %arg25[%dma_wait3A_762] : memref<512xi32, #tpu.memory_space<vmem>> -> memref<128xi32, #tpu.memory_space<vmem>>
    %dma_wait3A_764 = tpu.memref_slice %arg10[%add3A_403] : memref<16384xi32, #tpu.memory_space<hbm>> -> memref<128xi32, #tpu.memory_space<hbm>>
    tpu.wait_dma2 semaphore(%arg37 : memref<!tpu.dma_semaphore, #tpu.memory_space<semaphore_mem>>) src(%dma_wait3A_764 : memref<128xi32, #tpu.memory_space<hbm>>) dst(%dma_wait3A_763 : memref<128xi32, #tpu.memory_space<vmem>>)
    %dma_wait3A_765 = arith.constant 128 : i32
    %dma_wait3A_766 = tpu.memref_slice %arg25[%dma_wait3A_765] : memref<512xi32, #tpu.memory_space<vmem>> -> memref<128xi32, #tpu.memory_space<vmem>>
    %dma_wait3A_767 = tpu.memref_slice %arg10[%add3A_413] : memref<16384xi32, #tpu.memory_space<hbm>> -> memref<128xi32, #tpu.memory_space<hbm>>
    %dma_wait3A_768 = arith.constant 128 : i32
    %dma_wait3A_769 = tpu.memref_slice %arg25[%dma_wait3A_768] : memref<512xi32, #tpu.memory_space<vmem>> -> memref<128xi32, #tpu.memory_space<vmem>>
    %dma_wait3A_770 = tpu.memref_slice %arg10[%add3A_413] : memref<16384xi32, #tpu.memory_space<hbm>> -> memref<128xi32, #tpu.memory_space<hbm>>
    tpu.wait_dma2 semaphore(%arg38 : memref<!tpu.dma_semaphore, #tpu.memory_space<semaphore_mem>>) src(%dma_wait3A_770 : memref<128xi32, #tpu.memory_space<hbm>>) dst(%dma_wait3A_769 : memref<128xi32, #tpu.memory_space<vmem>>)
    %dma_wait3A_771 = arith.constant 256 : i32
    %dma_wait3A_772 = tpu.memref_slice %arg25[%dma_wait3A_771] : memref<512xi32, #tpu.memory_space<vmem>> -> memref<128xi32, #tpu.memory_space<vmem>>
    %dma_wait3A_773 = tpu.memref_slice %arg10[%add3A_423] : memref<16384xi32, #tpu.memory_space<hbm>> -> memref<128xi32, #tpu.memory_space<hbm>>
    %dma_wait3A_774 = arith.constant 256 : i32
    %dma_wait3A_775 = tpu.memref_slice %arg25[%dma_wait3A_774] : memref<512xi32, #tpu.memory_space<vmem>> -> memref<128xi32, #tpu.memory_space<vmem>>
    %dma_wait3A_776 = tpu.memref_slice %arg10[%add3A_423] : memref<16384xi32, #tpu.memory_space<hbm>> -> memref<128xi32, #tpu.memory_space<hbm>>
    tpu.wait_dma2 semaphore(%arg39 : memref<!tpu.dma_semaphore, #tpu.memory_space<semaphore_mem>>) src(%dma_wait3A_776 : memref<128xi32, #tpu.memory_space<hbm>>) dst(%dma_wait3A_775 : memref<128xi32, #tpu.memory_space<vmem>>)
    %dma_wait3A_777 = arith.constant 384 : i32
    %dma_wait3A_778 = tpu.memref_slice %arg25[%dma_wait3A_777] : memref<512xi32, #tpu.memory_space<vmem>> -> memref<128xi32, #tpu.memory_space<vmem>>
    %dma_wait3A_779 = tpu.memref_slice %arg10[%add3A_433] : memref<16384xi32, #tpu.memory_space<hbm>> -> memref<128xi32, #tpu.memory_space<hbm>>
    %dma_wait3A_780 = arith.constant 384 : i32
    %dma_wait3A_781 = tpu.memref_slice %arg25[%dma_wait3A_780] : memref<512xi32, #tpu.memory_space<vmem>> -> memref<128xi32, #tpu.memory_space<vmem>>
    %dma_wait3A_782 = tpu.memref_slice %arg10[%add3A_433] : memref<16384xi32, #tpu.memory_space<hbm>> -> memref<128xi32, #tpu.memory_space<hbm>>
    tpu.wait_dma2 semaphore(%arg40 : memref<!tpu.dma_semaphore, #tpu.memory_space<semaphore_mem>>) src(%dma_wait3A_782 : memref<128xi32, #tpu.memory_space<hbm>>) dst(%dma_wait3A_781 : memref<128xi32, #tpu.memory_space<vmem>>)
    %dma_wait3A_783 = arith.constant 0 : i32
    %dma_wait3A_784 = tpu.memref_slice %arg26[%dma_wait3A_783] : memref<512xi32, #tpu.memory_space<vmem>> -> memref<128xi32, #tpu.memory_space<vmem>>
    %dma_wait3A_785 = tpu.memref_slice %arg11[%add3A_443] : memref<16384xi32, #tpu.memory_space<hbm>> -> memref<128xi32, #tpu.memory_space<hbm>>
    %dma_wait3A_786 = arith.constant 0 : i32
    %dma_wait3A_787 = tpu.memref_slice %arg26[%dma_wait3A_786] : memref<512xi32, #tpu.memory_space<vmem>> -> memref<128xi32, #tpu.memory_space<vmem>>
    %dma_wait3A_788 = tpu.memref_slice %arg11[%add3A_443] : memref<16384xi32, #tpu.memory_space<hbm>> -> memref<128xi32, #tpu.memory_space<hbm>>
    tpu.wait_dma2 semaphore(%arg37 : memref<!tpu.dma_semaphore, #tpu.memory_space<semaphore_mem>>) src(%dma_wait3A_788 : memref<128xi32, #tpu.memory_space<hbm>>) dst(%dma_wait3A_787 : memref<128xi32, #tpu.memory_space<vmem>>)
    %dma_wait3A_789 = arith.constant 128 : i32
    %dma_wait3A_790 = tpu.memref_slice %arg26[%dma_wait3A_789] : memref<512xi32, #tpu.memory_space<vmem>> -> memref<128xi32, #tpu.memory_space<vmem>>
    %dma_wait3A_791 = tpu.memref_slice %arg11[%add3A_453] : memref<16384xi32, #tpu.memory_space<hbm>> -> memref<128xi32, #tpu.memory_space<hbm>>
    %dma_wait3A_792 = arith.constant 128 : i32
    %dma_wait3A_793 = tpu.memref_slice %arg26[%dma_wait3A_792] : memref<512xi32, #tpu.memory_space<vmem>> -> memref<128xi32, #tpu.memory_space<vmem>>
    %dma_wait3A_794 = tpu.memref_slice %arg11[%add3A_453] : memref<16384xi32, #tpu.memory_space<hbm>> -> memref<128xi32, #tpu.memory_space<hbm>>
    tpu.wait_dma2 semaphore(%arg38 : memref<!tpu.dma_semaphore, #tpu.memory_space<semaphore_mem>>) src(%dma_wait3A_794 : memref<128xi32, #tpu.memory_space<hbm>>) dst(%dma_wait3A_793 : memref<128xi32, #tpu.memory_space<vmem>>)
    %dma_wait3A_795 = arith.constant 256 : i32
    %dma_wait3A_796 = tpu.memref_slice %arg26[%dma_wait3A_795] : memref<512xi32, #tpu.memory_space<vmem>> -> memref<128xi32, #tpu.memory_space<vmem>>
    %dma_wait3A_797 = tpu.memref_slice %arg11[%add3A_463] : memref<16384xi32, #tpu.memory_space<hbm>> -> memref<128xi32, #tpu.memory_space<hbm>>
    %dma_wait3A_798 = arith.constant 256 : i32
    %dma_wait3A_799 = tpu.memref_slice %arg26[%dma_wait3A_798] : memref<512xi32, #tpu.memory_space<vmem>> -> memref<128xi32, #tpu.memory_space<vmem>>
    %dma_wait3A_800 = tpu.memref_slice %arg11[%add3A_463] : memref<16384xi32, #tpu.memory_space<hbm>> -> memref<128xi32, #tpu.memory_space<hbm>>
    tpu.wait_dma2 semaphore(%arg39 : memref<!tpu.dma_semaphore, #tpu.memory_space<semaphore_mem>>) src(%dma_wait3A_800 : memref<128xi32, #tpu.memory_space<hbm>>) dst(%dma_wait3A_799 : memref<128xi32, #tpu.memory_space<vmem>>)
    %dma_wait3A_801 = arith.constant 384 : i32
    %dma_wait3A_802 = tpu.memref_slice %arg26[%dma_wait3A_801] : memref<512xi32, #tpu.memory_space<vmem>> -> memref<128xi32, #tpu.memory_space<vmem>>
    %dma_wait3A_803 = tpu.memref_slice %arg11[%add3A_473] : memref<16384xi32, #tpu.memory_space<hbm>> -> memref<128xi32, #tpu.memory_space<hbm>>
    %dma_wait3A_804 = arith.constant 384 : i32
    %dma_wait3A_805 = tpu.memref_slice %arg26[%dma_wait3A_804] : memref<512xi32, #tpu.memory_space<vmem>> -> memref<128xi32, #tpu.memory_space<vmem>>
    %dma_wait3A_806 = tpu.memref_slice %arg11[%add3A_473] : memref<16384xi32, #tpu.memory_space<hbm>> -> memref<128xi32, #tpu.memory_space<hbm>>
    tpu.wait_dma2 semaphore(%arg40 : memref<!tpu.dma_semaphore, #tpu.memory_space<semaphore_mem>>) src(%dma_wait3A_806 : memref<128xi32, #tpu.memory_space<hbm>>) dst(%dma_wait3A_805 : memref<128xi32, #tpu.memory_space<vmem>>)
    %dma_wait3A_807 = arith.constant 0 : i32
    %dma_wait3A_808 = tpu.memref_slice %arg27[%dma_wait3A_807] : memref<512xi32, #tpu.memory_space<vmem>> -> memref<128xi32, #tpu.memory_space<vmem>>
    %dma_wait3A_809 = tpu.memref_slice %arg12[%add3A_483] : memref<16384xi32, #tpu.memory_space<hbm>> -> memref<128xi32, #tpu.memory_space<hbm>>
    %dma_wait3A_810 = arith.constant 0 : i32
    %dma_wait3A_811 = tpu.memref_slice %arg27[%dma_wait3A_810] : memref<512xi32, #tpu.memory_space<vmem>> -> memref<128xi32, #tpu.memory_space<vmem>>
    %dma_wait3A_812 = tpu.memref_slice %arg12[%add3A_483] : memref<16384xi32, #tpu.memory_space<hbm>> -> memref<128xi32, #tpu.memory_space<hbm>>
    tpu.wait_dma2 semaphore(%arg37 : memref<!tpu.dma_semaphore, #tpu.memory_space<semaphore_mem>>) src(%dma_wait3A_812 : memref<128xi32, #tpu.memory_space<hbm>>) dst(%dma_wait3A_811 : memref<128xi32, #tpu.memory_space<vmem>>)
    %dma_wait3A_813 = arith.constant 128 : i32
    %dma_wait3A_814 = tpu.memref_slice %arg27[%dma_wait3A_813] : memref<512xi32, #tpu.memory_space<vmem>> -> memref<128xi32, #tpu.memory_space<vmem>>
    %dma_wait3A_815 = tpu.memref_slice %arg12[%add3A_493] : memref<16384xi32, #tpu.memory_space<hbm>> -> memref<128xi32, #tpu.memory_space<hbm>>
    %dma_wait3A_816 = arith.constant 128 : i32
    %dma_wait3A_817 = tpu.memref_slice %arg27[%dma_wait3A_816] : memref<512xi32, #tpu.memory_space<vmem>> -> memref<128xi32, #tpu.memory_space<vmem>>
    %dma_wait3A_818 = tpu.memref_slice %arg12[%add3A_493] : memref<16384xi32, #tpu.memory_space<hbm>> -> memref<128xi32, #tpu.memory_space<hbm>>
    tpu.wait_dma2 semaphore(%arg38 : memref<!tpu.dma_semaphore, #tpu.memory_space<semaphore_mem>>) src(%dma_wait3A_818 : memref<128xi32, #tpu.memory_space<hbm>>) dst(%dma_wait3A_817 : memref<128xi32, #tpu.memory_space<vmem>>)
    %dma_wait3A_819 = arith.constant 256 : i32
    %dma_wait3A_820 = tpu.memref_slice %arg27[%dma_wait3A_819] : memref<512xi32, #tpu.memory_space<vmem>> -> memref<128xi32, #tpu.memory_space<vmem>>
    %dma_wait3A_821 = tpu.memref_slice %arg12[%add3A_503] : memref<16384xi32, #tpu.memory_space<hbm>> -> memref<128xi32, #tpu.memory_space<hbm>>
    %dma_wait3A_822 = arith.constant 256 : i32
    %dma_wait3A_823 = tpu.memref_slice %arg27[%dma_wait3A_822] : memref<512xi32, #tpu.memory_space<vmem>> -> memref<128xi32, #tpu.memory_space<vmem>>
    %dma_wait3A_824 = tpu.memref_slice %arg12[%add3A_503] : memref<16384xi32, #tpu.memory_space<hbm>> -> memref<128xi32, #tpu.memory_space<hbm>>
    tpu.wait_dma2 semaphore(%arg39 : memref<!tpu.dma_semaphore, #tpu.memory_space<semaphore_mem>>) src(%dma_wait3A_824 : memref<128xi32, #tpu.memory_space<hbm>>) dst(%dma_wait3A_823 : memref<128xi32, #tpu.memory_space<vmem>>)
    %dma_wait3A_825 = arith.constant 384 : i32
    %dma_wait3A_826 = tpu.memref_slice %arg27[%dma_wait3A_825] : memref<512xi32, #tpu.memory_space<vmem>> -> memref<128xi32, #tpu.memory_space<vmem>>
    %dma_wait3A_827 = tpu.memref_slice %arg12[%add3A_513] : memref<16384xi32, #tpu.memory_space<hbm>> -> memref<128xi32, #tpu.memory_space<hbm>>
    %dma_wait3A_828 = arith.constant 384 : i32
    %dma_wait3A_829 = tpu.memref_slice %arg27[%dma_wait3A_828] : memref<512xi32, #tpu.memory_space<vmem>> -> memref<128xi32, #tpu.memory_space<vmem>>
    %dma_wait3A_830 = tpu.memref_slice %arg12[%add3A_513] : memref<16384xi32, #tpu.memory_space<hbm>> -> memref<128xi32, #tpu.memory_space<hbm>>
    tpu.wait_dma2 semaphore(%arg40 : memref<!tpu.dma_semaphore, #tpu.memory_space<semaphore_mem>>) src(%dma_wait3A_830 : memref<128xi32, #tpu.memory_space<hbm>>) dst(%dma_wait3A_829 : memref<128xi32, #tpu.memory_space<vmem>>)
    %scan3A = arith.constant 0 : i32
    %scan3A_831 = arith.constant 0 : i32
    %scan3A_832 = arith.constant 32 : i32
    %scan3A_833 = arith.addi %scan3A_831, %scan3A_832 : i32
    %scan3A_834 = arith.constant 2 : i32
    %scan3A_835 = scf.for %scan3A_1050 = %scan3A_831 to %scan3A_833 step %scan3A_834 iter_args(%scan3A_1051 = %scan3A) -> (i32)  : i32 {
      %mul3A_1052 = arith.constant 16 : i32
      %mul3A_1053 = arith.muli %scan3A_1050, %mul3A_1052 : i32
      %get3A = arith.index_cast %mul3A_1053 : i32 to index
      %get3A_1054 = tpu.vector_load %arg28[%get3A] {strides = array<i32>} : memref<512xi32, #tpu.memory_space<vmem>>, vector<16xi32>,
      %get3A_1055 = vector.shape_cast %get3A_1054 : vector<16xi32> to vector<16xi32>
      %add3A_1056 = arith.constant 2048 : i32
      %add3A_1057 = vector.broadcast %add3A_1056 : i32 to vector<16xi32>
      %add3A_1058 = arith.addi %get3A_1055, %add3A_1057 : vector<16xi32>
      %swap3A = arith.index_cast %mul3A_1053 : i32 to index
      %swap3A_1059 = tpu.vector_load %arg31[%swap3A] {strides = array<i32>} : memref<512xi32, #tpu.memory_space<vmem>>, vector<16xi32>,
      %swap3A_1060 = vector.shape_cast %swap3A_1059 : vector<16xi32> to vector<16xi32>
      %swap3A_1061 = vector.shape_cast %add3A_1058 : vector<16xi32> to vector<16xi32>
      tpu.vector_store %arg31[%swap3A], %swap3A_1061 {strides = array<i32>} : memref<512xi32, #tpu.memory_space<vmem>>, vector<16xi32>,
      %get3A_1062 = arith.index_cast %mul3A_1053 : i32 to index
      %get3A_1063 = tpu.vector_load %arg29[%get3A_1062] {strides = array<i32>} : memref<512xi32, #tpu.memory_space<vmem>>, vector<16xi32>,
      %get3A_1064 = vector.shape_cast %get3A_1063 : vector<16xi32> to vector<16xi32>
      %add3A_1065 = arith.constant 2184 : i32
      %add3A_1066 = vector.broadcast %add3A_1065 : i32 to vector<16xi32>
      %add3A_1067 = arith.addi %get3A_1064, %add3A_1066 : vector<16xi32>
      %swap3A_1068 = arith.index_cast %mul3A_1053 : i32 to index
      %swap3A_1069 = tpu.vector_load %arg32[%swap3A_1068] {strides = array<i32>} : memref<512xi32, #tpu.memory_space<vmem>>, vector<16xi32>,
      %swap3A_1070 = vector.shape_cast %swap3A_1069 : vector<16xi32> to vector<16xi32>
      %swap3A_1071 = vector.shape_cast %add3A_1067 : vector<16xi32> to vector<16xi32>
      tpu.vector_store %arg32[%swap3A_1068], %swap3A_1071 {strides = array<i32>} : memref<512xi32, #tpu.memory_space<vmem>>, vector<16xi32>,
      %get3A_1072 = arith.index_cast %mul3A_1053 : i32 to index
      %get3A_1073 = tpu.vector_load %arg17[%get3A_1072] {strides = array<i32>} : memref<512xi32, #tpu.memory_space<vmem>>, vector<16xi32>,
      %get3A_1074 = vector.shape_cast %get3A_1073 : vector<16xi32> to vector<16xi32>
      %get3A_1075 = arith.index_cast %mul3A_1053 : i32 to index
      %get3A_1076 = tpu.vector_load %arg18[%get3A_1075] {strides = array<i32>} : memref<512xi32, #tpu.memory_space<vmem>>, vector<16xi32>,
      %get3A_1077 = vector.shape_cast %get3A_1076 : vector<16xi32> to vector<16xi32>
      %shift_left3A = arith.constant 1 : i32
      %shift_left3A_1078 = vector.broadcast %shift_left3A : i32 to vector<16xi32>
      %shift_left3A_1079 = arith.shli %get3A_1077, %shift_left3A_1078 : vector<16xi32>
      %or3A = arith.ori %get3A_1074, %shift_left3A_1079 : vector<16xi32>
      %get3A_1080 = arith.index_cast %mul3A_1053 : i32 to index
      %get3A_1081 = tpu.vector_load %arg19[%get3A_1080] {strides = array<i32>} : memref<512xi32, #tpu.memory_space<vmem>>, vector<16xi32>,
      %get3A_1082 = vector.shape_cast %get3A_1081 : vector<16xi32> to vector<16xi32>
      %shift_left3A_1083 = arith.constant 2 : i32
      %shift_left3A_1084 = vector.broadcast %shift_left3A_1083 : i32 to vector<16xi32>
      %shift_left3A_1085 = arith.shli %get3A_1082, %shift_left3A_1084 : vector<16xi32>
      %or3A_1086 = arith.ori %or3A, %shift_left3A_1085 : vector<16xi32>
      %get3A_1087 = arith.index_cast %mul3A_1053 : i32 to index
      %get3A_1088 = tpu.vector_load %arg20[%get3A_1087] {strides = array<i32>} : memref<512xi32, #tpu.memory_space<vmem>>, vector<16xi32>,
      %get3A_1089 = vector.shape_cast %get3A_1088 : vector<16xi32> to vector<16xi32>
      %shift_left3A_1090 = arith.constant 3 : i32
      %shift_left3A_1091 = vector.broadcast %shift_left3A_1090 : i32 to vector<16xi32>
      %shift_left3A_1092 = arith.shli %get3A_1089, %shift_left3A_1091 : vector<16xi32>
      %or3A_1093 = arith.ori %or3A_1086, %shift_left3A_1092 : vector<16xi32>
      %get3A_1094 = arith.index_cast %mul3A_1053 : i32 to index
      %get3A_1095 = tpu.vector_load %arg21[%get3A_1094] {strides = array<i32>} : memref<512xi32, #tpu.memory_space<vmem>>, vector<16xi32>,
      %get3A_1096 = vector.shape_cast %get3A_1095 : vector<16xi32> to vector<16xi32>
      %shift_left3A_1097 = arith.constant 4 : i32
      %shift_left3A_1098 = vector.broadcast %shift_left3A_1097 : i32 to vector<16xi32>
      %shift_left3A_1099 = arith.shli %get3A_1096, %shift_left3A_1098 : vector<16xi32>
      %or3A_1100 = arith.ori %or3A_1093, %shift_left3A_1099 : vector<16xi32>
      %get3A_1101 = arith.index_cast %mul3A_1053 : i32 to index
      %get3A_1102 = tpu.vector_load %arg22[%get3A_1101] {strides = array<i32>} : memref<512xi32, #tpu.memory_space<vmem>>, vector<16xi32>,
      %get3A_1103 = vector.shape_cast %get3A_1102 : vector<16xi32> to vector<16xi32>
      %shift_left3A_1104 = arith.constant 5 : i32
      %shift_left3A_1105 = vector.broadcast %shift_left3A_1104 : i32 to vector<16xi32>
      %shift_left3A_1106 = arith.shli %get3A_1103, %shift_left3A_1105 : vector<16xi32>
      %or3A_1107 = arith.ori %or3A_1100, %shift_left3A_1106 : vector<16xi32>
      %get3A_1108 = arith.index_cast %mul3A_1053 : i32 to index
      %get3A_1109 = tpu.vector_load %arg23[%get3A_1108] {strides = array<i32>} : memref<512xi32, #tpu.memory_space<vmem>>, vector<16xi32>,
      %get3A_1110 = vector.shape_cast %get3A_1109 : vector<16xi32> to vector<16xi32>
      %shift_left3A_1111 = arith.constant 6 : i32
      %shift_left3A_1112 = vector.broadcast %shift_left3A_1111 : i32 to vector<16xi32>
      %shift_left3A_1113 = arith.shli %get3A_1110, %shift_left3A_1112 : vector<16xi32>
      %or3A_1114 = arith.ori %or3A_1107, %shift_left3A_1113 : vector<16xi32>
      %get3A_1115 = arith.index_cast %mul3A_1053 : i32 to index
      %get3A_1116 = tpu.vector_load %arg24[%get3A_1115] {strides = array<i32>} : memref<512xi32, #tpu.memory_space<vmem>>, vector<16xi32>,
      %get3A_1117 = vector.shape_cast %get3A_1116 : vector<16xi32> to vector<16xi32>
      %shift_left3A_1118 = arith.constant 7 : i32
      %shift_left3A_1119 = vector.broadcast %shift_left3A_1118 : i32 to vector<16xi32>
      %shift_left3A_1120 = arith.shli %get3A_1117, %shift_left3A_1119 : vector<16xi32>
      %or3A_1121 = arith.ori %or3A_1114, %shift_left3A_1120 : vector<16xi32>
      %get3A_1122 = arith.index_cast %mul3A_1053 : i32 to index
      %get3A_1123 = tpu.vector_load %arg25[%get3A_1122] {strides = array<i32>} : memref<512xi32, #tpu.memory_space<vmem>>, vector<16xi32>,
      %get3A_1124 = vector.shape_cast %get3A_1123 : vector<16xi32> to vector<16xi32>
      %shift_left3A_1125 = arith.constant 8 : i32
      %shift_left3A_1126 = vector.broadcast %shift_left3A_1125 : i32 to vector<16xi32>
      %shift_left3A_1127 = arith.shli %get3A_1124, %shift_left3A_1126 : vector<16xi32>
      %or3A_1128 = arith.ori %or3A_1121, %shift_left3A_1127 : vector<16xi32>
      %get3A_1129 = arith.index_cast %mul3A_1053 : i32 to index
      %get3A_1130 = tpu.vector_load %arg26[%get3A_1129] {strides = array<i32>} : memref<512xi32, #tpu.memory_space<vmem>>, vector<16xi32>,
      %get3A_1131 = vector.shape_cast %get3A_1130 : vector<16xi32> to vector<16xi32>
      %shift_left3A_1132 = arith.constant 9 : i32
      %shift_left3A_1133 = vector.broadcast %shift_left3A_1132 : i32 to vector<16xi32>
      %shift_left3A_1134 = arith.shli %get3A_1131, %shift_left3A_1133 : vector<16xi32>
      %or3A_1135 = arith.ori %or3A_1128, %shift_left3A_1134 : vector<16xi32>
      %get3A_1136 = arith.index_cast %mul3A_1053 : i32 to index
      %get3A_1137 = tpu.vector_load %arg27[%get3A_1136] {strides = array<i32>} : memref<512xi32, #tpu.memory_space<vmem>>, vector<16xi32>,
      %get3A_1138 = vector.shape_cast %get3A_1137 : vector<16xi32> to vector<16xi32>
      %shift_left3A_1139 = arith.constant 10 : i32
      %shift_left3A_1140 = vector.broadcast %shift_left3A_1139 : i32 to vector<16xi32>
      %shift_left3A_1141 = arith.shli %get3A_1138, %shift_left3A_1140 : vector<16xi32>
      %or3A_1142 = arith.ori %or3A_1135, %shift_left3A_1141 : vector<16xi32>
      %swap3A_1143 = arith.index_cast %mul3A_1053 : i32 to index
      %swap3A_1144 = tpu.vector_load %arg30[%swap3A_1143] {strides = array<i32>} : memref<512xi32, #tpu.memory_space<vmem>>, vector<16xi32>,
      %swap3A_1145 = vector.shape_cast %swap3A_1144 : vector<16xi32> to vector<16xi32>
      %swap3A_1146 = vector.shape_cast %or3A_1142 : vector<16xi32> to vector<16xi32>
      tpu.vector_store %arg30[%swap3A_1143], %swap3A_1146 {strides = array<i32>} : memref<512xi32, #tpu.memory_space<vmem>>, vector<16xi32>,
      %scan3A_1147 = arith.constant 0 : i32
      %scan3A_1148 = arith.constant 1 : i32
      %scan3A_1149 = arith.addi %scan3A_1050, %scan3A_1148 : i32
      %mul3A_1150 = arith.constant 16 : i32
      %mul3A_1151 = arith.muli %scan3A_1149, %mul3A_1150 : i32
      %get3A_1152 = arith.index_cast %mul3A_1151 : i32 to index
      %get3A_1153 = tpu.vector_load %arg28[%get3A_1152] {strides = array<i32>} : memref<512xi32, #tpu.memory_space<vmem>>, vector<16xi32>,
      %get3A_1154 = vector.shape_cast %get3A_1153 : vector<16xi32> to vector<16xi32>
      %add3A_1155 = arith.constant 2048 : i32
      %add3A_1156 = vector.broadcast %add3A_1155 : i32 to vector<16xi32>
      %add3A_1157 = arith.addi %get3A_1154, %add3A_1156 : vector<16xi32>
      %swap3A_1158 = arith.index_cast %mul3A_1151 : i32 to index
      %swap3A_1159 = tpu.vector_load %arg31[%swap3A_1158] {strides = array<i32>} : memref<512xi32, #tpu.memory_space<vmem>>, vector<16xi32>,
      %swap3A_1160 = vector.shape_cast %swap3A_1159 : vector<16xi32> to vector<16xi32>
      %swap3A_1161 = vector.shape_cast %add3A_1157 : vector<16xi32> to vector<16xi32>
      tpu.vector_store %arg31[%swap3A_1158], %swap3A_1161 {strides = array<i32>} : memref<512xi32, #tpu.memory_space<vmem>>, vector<16xi32>,
      %get3A_1162 = arith.index_cast %mul3A_1151 : i32 to index
      %get3A_1163 = tpu.vector_load %arg29[%get3A_1162] {strides = array<i32>} : memref<512xi32, #tpu.memory_space<vmem>>, vector<16xi32>,
      %get3A_1164 = vector.shape_cast %get3A_1163 : vector<16xi32> to vector<16xi32>
      %add3A_1165 = arith.constant 2184 : i32
      %add3A_1166 = vector.broadcast %add3A_1165 : i32 to vector<16xi32>
      %add3A_1167 = arith.addi %get3A_1164, %add3A_1166 : vector<16xi32>
      %swap3A_1168 = arith.index_cast %mul3A_1151 : i32 to index
      %swap3A_1169 = tpu.vector_load %arg32[%swap3A_1168] {strides = array<i32>} : memref<512xi32, #tpu.memory_space<vmem>>, vector<16xi32>,
      %swap3A_1170 = vector.shape_cast %swap3A_1169 : vector<16xi32> to vector<16xi32>
      %swap3A_1171 = vector.shape_cast %add3A_1167 : vector<16xi32> to vector<16xi32>
      tpu.vector_store %arg32[%swap3A_1168], %swap3A_1171 {strides = array<i32>} : memref<512xi32, #tpu.memory_space<vmem>>, vector<16xi32>,
      %get3A_1172 = arith.index_cast %mul3A_1151 : i32 to index
      %get3A_1173 = tpu.vector_load %arg17[%get3A_1172] {strides = array<i32>} : memref<512xi32, #tpu.memory_space<vmem>>, vector<16xi32>,
      %get3A_1174 = vector.shape_cast %get3A_1173 : vector<16xi32> to vector<16xi32>
      %get3A_1175 = arith.index_cast %mul3A_1151 : i32 to index
      %get3A_1176 = tpu.vector_load %arg18[%get3A_1175] {strides = array<i32>} : memref<512xi32, #tpu.memory_space<vmem>>, vector<16xi32>,
      %get3A_1177 = vector.shape_cast %get3A_1176 : vector<16xi32> to vector<16xi32>
      %shift_left3A_1178 = arith.constant 1 : i32
      %shift_left3A_1179 = vector.broadcast %shift_left3A_1178 : i32 to vector<16xi32>
      %shift_left3A_1180 = arith.shli %get3A_1177, %shift_left3A_1179 : vector<16xi32>
      %or3A_1181 = arith.ori %get3A_1174, %shift_left3A_1180 : vector<16xi32>
      %get3A_1182 = arith.index_cast %mul3A_1151 : i32 to index
      %get3A_1183 = tpu.vector_load %arg19[%get3A_1182] {strides = array<i32>} : memref<512xi32, #tpu.memory_space<vmem>>, vector<16xi32>,
      %get3A_1184 = vector.shape_cast %get3A_1183 : vector<16xi32> to vector<16xi32>
      %shift_left3A_1185 = arith.constant 2 : i32
      %shift_left3A_1186 = vector.broadcast %shift_left3A_1185 : i32 to vector<16xi32>
      %shift_left3A_1187 = arith.shli %get3A_1184, %shift_left3A_1186 : vector<16xi32>
      %or3A_1188 = arith.ori %or3A_1181, %shift_left3A_1187 : vector<16xi32>
      %get3A_1189 = arith.index_cast %mul3A_1151 : i32 to index
      %get3A_1190 = tpu.vector_load %arg20[%get3A_1189] {strides = array<i32>} : memref<512xi32, #tpu.memory_space<vmem>>, vector<16xi32>,
      %get3A_1191 = vector.shape_cast %get3A_1190 : vector<16xi32> to vector<16xi32>
      %shift_left3A_1192 = arith.constant 3 : i32
      %shift_left3A_1193 = vector.broadcast %shift_left3A_1192 : i32 to vector<16xi32>
      %shift_left3A_1194 = arith.shli %get3A_1191, %shift_left3A_1193 : vector<16xi32>
      %or3A_1195 = arith.ori %or3A_1188, %shift_left3A_1194 : vector<16xi32>
      %get3A_1196 = arith.index_cast %mul3A_1151 : i32 to index
      %get3A_1197 = tpu.vector_load %arg21[%get3A_1196] {strides = array<i32>} : memref<512xi32, #tpu.memory_space<vmem>>, vector<16xi32>,
      %get3A_1198 = vector.shape_cast %get3A_1197 : vector<16xi32> to vector<16xi32>
      %shift_left3A_1199 = arith.constant 4 : i32
      %shift_left3A_1200 = vector.broadcast %shift_left3A_1199 : i32 to vector<16xi32>
      %shift_left3A_1201 = arith.shli %get3A_1198, %shift_left3A_1200 : vector<16xi32>
      %or3A_1202 = arith.ori %or3A_1195, %shift_left3A_1201 : vector<16xi32>
      %get3A_1203 = arith.index_cast %mul3A_1151 : i32 to index
      %get3A_1204 = tpu.vector_load %arg22[%get3A_1203] {strides = array<i32>} : memref<512xi32, #tpu.memory_space<vmem>>, vector<16xi32>,
      %get3A_1205 = vector.shape_cast %get3A_1204 : vector<16xi32> to vector<16xi32>
      %shift_left3A_1206 = arith.constant 5 : i32
      %shift_left3A_1207 = vector.broadcast %shift_left3A_1206 : i32 to vector<16xi32>
      %shift_left3A_1208 = arith.shli %get3A_1205, %shift_left3A_1207 : vector<16xi32>
      %or3A_1209 = arith.ori %or3A_1202, %shift_left3A_1208 : vector<16xi32>
      %get3A_1210 = arith.index_cast %mul3A_1151 : i32 to index
      %get3A_1211 = tpu.vector_load %arg23[%get3A_1210] {strides = array<i32>} : memref<512xi32, #tpu.memory_space<vmem>>, vector<16xi32>,
      %get3A_1212 = vector.shape_cast %get3A_1211 : vector<16xi32> to vector<16xi32>
      %shift_left3A_1213 = arith.constant 6 : i32
      %shift_left3A_1214 = vector.broadcast %shift_left3A_1213 : i32 to vector<16xi32>
      %shift_left3A_1215 = arith.shli %get3A_1212, %shift_left3A_1214 : vector<16xi32>
      %or3A_1216 = arith.ori %or3A_1209, %shift_left3A_1215 : vector<16xi32>
      %get3A_1217 = arith.index_cast %mul3A_1151 : i32 to index
      %get3A_1218 = tpu.vector_load %arg24[%get3A_1217] {strides = array<i32>} : memref<512xi32, #tpu.memory_space<vmem>>, vector<16xi32>,
      %get3A_1219 = vector.shape_cast %get3A_1218 : vector<16xi32> to vector<16xi32>
      %shift_left3A_1220 = arith.constant 7 : i32
      %shift_left3A_1221 = vector.broadcast %shift_left3A_1220 : i32 to vector<16xi32>
      %shift_left3A_1222 = arith.shli %get3A_1219, %shift_left3A_1221 : vector<16xi32>
      %or3A_1223 = arith.ori %or3A_1216, %shift_left3A_1222 : vector<16xi32>
      %get3A_1224 = arith.index_cast %mul3A_1151 : i32 to index
      %get3A_1225 = tpu.vector_load %arg25[%get3A_1224] {strides = array<i32>} : memref<512xi32, #tpu.memory_space<vmem>>, vector<16xi32>,
      %get3A_1226 = vector.shape_cast %get3A_1225 : vector<16xi32> to vector<16xi32>
      %shift_left3A_1227 = arith.constant 8 : i32
      %shift_left3A_1228 = vector.broadcast %shift_left3A_1227 : i32 to vector<16xi32>
      %shift_left3A_1229 = arith.shli %get3A_1226, %shift_left3A_1228 : vector<16xi32>
      %or3A_1230 = arith.ori %or3A_1223, %shift_left3A_1229 : vector<16xi32>
      %get3A_1231 = arith.index_cast %mul3A_1151 : i32 to index
      %get3A_1232 = tpu.vector_load %arg26[%get3A_1231] {strides = array<i32>} : memref<512xi32, #tpu.memory_space<vmem>>, vector<16xi32>,
      %get3A_1233 = vector.shape_cast %get3A_1232 : vector<16xi32> to vector<16xi32>
      %shift_left3A_1234 = arith.constant 9 : i32
      %shift_left3A_1235 = vector.broadcast %shift_left3A_1234 : i32 to vector<16xi32>
      %shift_left3A_1236 = arith.shli %get3A_1233, %shift_left3A_1235 : vector<16xi32>
      %or3A_1237 = arith.ori %or3A_1230, %shift_left3A_1236 : vector<16xi32>
      %get3A_1238 = arith.index_cast %mul3A_1151 : i32 to index
      %get3A_1239 = tpu.vector_load %arg27[%get3A_1238] {strides = array<i32>} : memref<512xi32, #tpu.memory_space<vmem>>, vector<16xi32>,
      %get3A_1240 = vector.shape_cast %get3A_1239 : vector<16xi32> to vector<16xi32>
      %shift_left3A_1241 = arith.constant 10 : i32
      %shift_left3A_1242 = vector.broadcast %shift_left3A_1241 : i32 to vector<16xi32>
      %shift_left3A_1243 = arith.shli %get3A_1240, %shift_left3A_1242 : vector<16xi32>
      %or3A_1244 = arith.ori %or3A_1237, %shift_left3A_1243 : vector<16xi32>
      %swap3A_1245 = arith.index_cast %mul3A_1151 : i32 to index
      %swap3A_1246 = tpu.vector_load %arg30[%swap3A_1245] {strides = array<i32>} : memref<512xi32, #tpu.memory_space<vmem>>, vector<16xi32>,
      %swap3A_1247 = vector.shape_cast %swap3A_1246 : vector<16xi32> to vector<16xi32>
      %swap3A_1248 = vector.shape_cast %or3A_1244 : vector<16xi32> to vector<16xi32>
      tpu.vector_store %arg30[%swap3A_1245], %swap3A_1248 {strides = array<i32>} : memref<512xi32, #tpu.memory_space<vmem>>, vector<16xi32>,
      %scan3A_1249 = arith.constant 0 : i32
      scf.yield %scan3A_1249 : i32
    }
    %scan3A_836 = arith.constant 32 : i32
    %dma_start3A_837 = arith.constant 0 : i32
    %dma_start3A_838 = arith.constant 0 : i32
    %dma_start3A_839 = tpu.memref_slice %arg33[%dma_start3A_837, %dma_start3A_838] : memref<512x32xf32, #tpu.memory_space<vmem>> -> memref<128x32xf32, #tpu.memory_space<vmem>>
    %dma_start3A_840 = arith.constant 0 : i32
    %dma_start3A_841 = tpu.memref_slice %arg30[%dma_start3A_840] : memref<512xi32, #tpu.memory_space<vmem>> -> memref<128xi32, #tpu.memory_space<vmem>>
    %dma_start3A_842 = arith.constant 0 : i32
    %dma_start3A_843 = arith.constant 0 : i32
    %dma_start3A_844 = tpu.memref_slice %arg15[%dma_start3A_842, %dma_start3A_843] : memref<2376x32xf32, #tpu.memory_space<hbm>> -> memref<2376x32xf32, #tpu.memory_space<hbm>>
    tpu.enqueue_indirect_dma source(%dma_start3A_844 : memref<2376x32xf32, #tpu.memory_space<hbm>>) target(%dma_start3A_839 : memref<128x32xf32, #tpu.memory_space<vmem>>) offsets(%dma_start3A_841 : memref<128xi32, #tpu.memory_space<vmem>>) semaphore(%arg41 : memref<!tpu.dma_semaphore, #tpu.memory_space<semaphore_mem>>)
    %dma_start3A_845 = arith.constant 0 : i32
    %dma_start3A_846 = arith.constant 0 : i32
    %dma_start3A_847 = tpu.memref_slice %arg34[%dma_start3A_845, %dma_start3A_846] : memref<512x32xf32, #tpu.memory_space<vmem>> -> memref<128x32xf32, #tpu.memory_space<vmem>>
    %dma_start3A_848 = arith.constant 0 : i32
    %dma_start3A_849 = tpu.memref_slice %arg31[%dma_start3A_848] : memref<512xi32, #tpu.memory_space<vmem>> -> memref<128xi32, #tpu.memory_space<vmem>>
    %dma_start3A_850 = arith.constant 0 : i32
    %dma_start3A_851 = arith.constant 0 : i32
    %dma_start3A_852 = tpu.memref_slice %arg15[%dma_start3A_850, %dma_start3A_851] : memref<2376x32xf32, #tpu.memory_space<hbm>> -> memref<2376x32xf32, #tpu.memory_space<hbm>>
    tpu.enqueue_indirect_dma source(%dma_start3A_852 : memref<2376x32xf32, #tpu.memory_space<hbm>>) target(%dma_start3A_847 : memref<128x32xf32, #tpu.memory_space<vmem>>) offsets(%dma_start3A_849 : memref<128xi32, #tpu.memory_space<vmem>>) semaphore(%arg41 : memref<!tpu.dma_semaphore, #tpu.memory_space<semaphore_mem>>)
    %dma_start3A_853 = arith.constant 0 : i32
    %dma_start3A_854 = arith.constant 0 : i32
    %dma_start3A_855 = tpu.memref_slice %arg35[%dma_start3A_853, %dma_start3A_854] : memref<512x32xf32, #tpu.memory_space<vmem>> -> memref<128x32xf32, #tpu.memory_space<vmem>>
    %dma_start3A_856 = arith.constant 0 : i32
    %dma_start3A_857 = tpu.memref_slice %arg32[%dma_start3A_856] : memref<512xi32, #tpu.memory_space<vmem>> -> memref<128xi32, #tpu.memory_space<vmem>>
    %dma_start3A_858 = arith.constant 0 : i32
    %dma_start3A_859 = arith.constant 0 : i32
    %dma_start3A_860 = tpu.memref_slice %arg15[%dma_start3A_858, %dma_start3A_859] : memref<2376x32xf32, #tpu.memory_space<hbm>> -> memref<2376x32xf32, #tpu.memory_space<hbm>>
    tpu.enqueue_indirect_dma source(%dma_start3A_860 : memref<2376x32xf32, #tpu.memory_space<hbm>>) target(%dma_start3A_855 : memref<128x32xf32, #tpu.memory_space<vmem>>) offsets(%dma_start3A_857 : memref<128xi32, #tpu.memory_space<vmem>>) semaphore(%arg41 : memref<!tpu.dma_semaphore, #tpu.memory_space<semaphore_mem>>)
    %dma_start3A_861 = arith.constant 128 : i32
    %dma_start3A_862 = arith.constant 0 : i32
    %dma_start3A_863 = tpu.memref_slice %arg33[%dma_start3A_861, %dma_start3A_862] : memref<512x32xf32, #tpu.memory_space<vmem>> -> memref<128x32xf32, #tpu.memory_space<vmem>>
    %dma_start3A_864 = arith.constant 128 : i32
    %dma_start3A_865 = tpu.memref_slice %arg30[%dma_start3A_864] : memref<512xi32, #tpu.memory_space<vmem>> -> memref<128xi32, #tpu.memory_space<vmem>>
    %dma_start3A_866 = arith.constant 0 : i32
    %dma_start3A_867 = arith.constant 0 : i32
    %dma_start3A_868 = tpu.memref_slice %arg15[%dma_start3A_866, %dma_start3A_867] : memref<2376x32xf32, #tpu.memory_space<hbm>> -> memref<2376x32xf32, #tpu.memory_space<hbm>>
    tpu.enqueue_indirect_dma source(%dma_start3A_868 : memref<2376x32xf32, #tpu.memory_space<hbm>>) target(%dma_start3A_863 : memref<128x32xf32, #tpu.memory_space<vmem>>) offsets(%dma_start3A_865 : memref<128xi32, #tpu.memory_space<vmem>>) semaphore(%arg42 : memref<!tpu.dma_semaphore, #tpu.memory_space<semaphore_mem>>)
    %dma_start3A_869 = arith.constant 128 : i32
    %dma_start3A_870 = arith.constant 0 : i32
    %dma_start3A_871 = tpu.memref_slice %arg34[%dma_start3A_869, %dma_start3A_870] : memref<512x32xf32, #tpu.memory_space<vmem>> -> memref<128x32xf32, #tpu.memory_space<vmem>>
    %dma_start3A_872 = arith.constant 128 : i32
    %dma_start3A_873 = tpu.memref_slice %arg31[%dma_start3A_872] : memref<512xi32, #tpu.memory_space<vmem>> -> memref<128xi32, #tpu.memory_space<vmem>>
    %dma_start3A_874 = arith.constant 0 : i32
    %dma_start3A_875 = arith.constant 0 : i32
    %dma_start3A_876 = tpu.memref_slice %arg15[%dma_start3A_874, %dma_start3A_875] : memref<2376x32xf32, #tpu.memory_space<hbm>> -> memref<2376x32xf32, #tpu.memory_space<hbm>>
    tpu.enqueue_indirect_dma source(%dma_start3A_876 : memref<2376x32xf32, #tpu.memory_space<hbm>>) target(%dma_start3A_871 : memref<128x32xf32, #tpu.memory_space<vmem>>) offsets(%dma_start3A_873 : memref<128xi32, #tpu.memory_space<vmem>>) semaphore(%arg42 : memref<!tpu.dma_semaphore, #tpu.memory_space<semaphore_mem>>)
    %dma_start3A_877 = arith.constant 128 : i32
    %dma_start3A_878 = arith.constant 0 : i32
    %dma_start3A_879 = tpu.memref_slice %arg35[%dma_start3A_877, %dma_start3A_878] : memref<512x32xf32, #tpu.memory_space<vmem>> -> memref<128x32xf32, #tpu.memory_space<vmem>>
    %dma_start3A_880 = arith.constant 128 : i32
    %dma_start3A_881 = tpu.memref_slice %arg32[%dma_start3A_880] : memref<512xi32, #tpu.memory_space<vmem>> -> memref<128xi32, #tpu.memory_space<vmem>>
    %dma_start3A_882 = arith.constant 0 : i32
    %dma_start3A_883 = arith.constant 0 : i32
    %dma_start3A_884 = tpu.memref_slice %arg15[%dma_start3A_882, %dma_start3A_883] : memref<2376x32xf32, #tpu.memory_space<hbm>> -> memref<2376x32xf32, #tpu.memory_space<hbm>>
    tpu.enqueue_indirect_dma source(%dma_start3A_884 : memref<2376x32xf32, #tpu.memory_space<hbm>>) target(%dma_start3A_879 : memref<128x32xf32, #tpu.memory_space<vmem>>) offsets(%dma_start3A_881 : memref<128xi32, #tpu.memory_space<vmem>>) semaphore(%arg42 : memref<!tpu.dma_semaphore, #tpu.memory_space<semaphore_mem>>)
    %dma_start3A_885 = arith.constant 256 : i32
    %dma_start3A_886 = arith.constant 0 : i32
    %dma_start3A_887 = tpu.memref_slice %arg33[%dma_start3A_885, %dma_start3A_886] : memref<512x32xf32, #tpu.memory_space<vmem>> -> memref<128x32xf32, #tpu.memory_space<vmem>>
    %dma_start3A_888 = arith.constant 256 : i32
    %dma_start3A_889 = tpu.memref_slice %arg30[%dma_start3A_888] : memref<512xi32, #tpu.memory_space<vmem>> -> memref<128xi32, #tpu.memory_space<vmem>>
    %dma_start3A_890 = arith.constant 0 : i32
    %dma_start3A_891 = arith.constant 0 : i32
    %dma_start3A_892 = tpu.memref_slice %arg15[%dma_start3A_890, %dma_start3A_891] : memref<2376x32xf32, #tpu.memory_space<hbm>> -> memref<2376x32xf32, #tpu.memory_space<hbm>>
    tpu.enqueue_indirect_dma source(%dma_start3A_892 : memref<2376x32xf32, #tpu.memory_space<hbm>>) target(%dma_start3A_887 : memref<128x32xf32, #tpu.memory_space<vmem>>) offsets(%dma_start3A_889 : memref<128xi32, #tpu.memory_space<vmem>>) semaphore(%arg43 : memref<!tpu.dma_semaphore, #tpu.memory_space<semaphore_mem>>)
    %dma_start3A_893 = arith.constant 256 : i32
    %dma_start3A_894 = arith.constant 0 : i32
    %dma_start3A_895 = tpu.memref_slice %arg34[%dma_start3A_893, %dma_start3A_894] : memref<512x32xf32, #tpu.memory_space<vmem>> -> memref<128x32xf32, #tpu.memory_space<vmem>>
    %dma_start3A_896 = arith.constant 256 : i32
    %dma_start3A_897 = tpu.memref_slice %arg31[%dma_start3A_896] : memref<512xi32, #tpu.memory_space<vmem>> -> memref<128xi32, #tpu.memory_space<vmem>>
    %dma_start3A_898 = arith.constant 0 : i32
    %dma_start3A_899 = arith.constant 0 : i32
    %dma_start3A_900 = tpu.memref_slice %arg15[%dma_start3A_898, %dma_start3A_899] : memref<2376x32xf32, #tpu.memory_space<hbm>> -> memref<2376x32xf32, #tpu.memory_space<hbm>>
    tpu.enqueue_indirect_dma source(%dma_start3A_900 : memref<2376x32xf32, #tpu.memory_space<hbm>>) target(%dma_start3A_895 : memref<128x32xf32, #tpu.memory_space<vmem>>) offsets(%dma_start3A_897 : memref<128xi32, #tpu.memory_space<vmem>>) semaphore(%arg43 : memref<!tpu.dma_semaphore, #tpu.memory_space<semaphore_mem>>)
    %dma_start3A_901 = arith.constant 256 : i32
    %dma_start3A_902 = arith.constant 0 : i32
    %dma_start3A_903 = tpu.memref_slice %arg35[%dma_start3A_901, %dma_start3A_902] : memref<512x32xf32, #tpu.memory_space<vmem>> -> memref<128x32xf32, #tpu.memory_space<vmem>>
    %dma_start3A_904 = arith.constant 256 : i32
    %dma_start3A_905 = tpu.memref_slice %arg32[%dma_start3A_904] : memref<512xi32, #tpu.memory_space<vmem>> -> memref<128xi32, #tpu.memory_space<vmem>>
    %dma_start3A_906 = arith.constant 0 : i32
    %dma_start3A_907 = arith.constant 0 : i32
    %dma_start3A_908 = tpu.memref_slice %arg15[%dma_start3A_906, %dma_start3A_907] : memref<2376x32xf32, #tpu.memory_space<hbm>> -> memref<2376x32xf32, #tpu.memory_space<hbm>>
    tpu.enqueue_indirect_dma source(%dma_start3A_908 : memref<2376x32xf32, #tpu.memory_space<hbm>>) target(%dma_start3A_903 : memref<128x32xf32, #tpu.memory_space<vmem>>) offsets(%dma_start3A_905 : memref<128xi32, #tpu.memory_space<vmem>>) semaphore(%arg43 : memref<!tpu.dma_semaphore, #tpu.memory_space<semaphore_mem>>)
    %dma_start3A_909 = arith.constant 384 : i32
    %dma_start3A_910 = arith.constant 0 : i32
    %dma_start3A_911 = tpu.memref_slice %arg33[%dma_start3A_909, %dma_start3A_910] : memref<512x32xf32, #tpu.memory_space<vmem>> -> memref<128x32xf32, #tpu.memory_space<vmem>>
    %dma_start3A_912 = arith.constant 384 : i32
    %dma_start3A_913 = tpu.memref_slice %arg30[%dma_start3A_912] : memref<512xi32, #tpu.memory_space<vmem>> -> memref<128xi32, #tpu.memory_space<vmem>>
    %dma_start3A_914 = arith.constant 0 : i32
    %dma_start3A_915 = arith.constant 0 : i32
    %dma_start3A_916 = tpu.memref_slice %arg15[%dma_start3A_914, %dma_start3A_915] : memref<2376x32xf32, #tpu.memory_space<hbm>> -> memref<2376x32xf32, #tpu.memory_space<hbm>>
    tpu.enqueue_indirect_dma source(%dma_start3A_916 : memref<2376x32xf32, #tpu.memory_space<hbm>>) target(%dma_start3A_911 : memref<128x32xf32, #tpu.memory_space<vmem>>) offsets(%dma_start3A_913 : memref<128xi32, #tpu.memory_space<vmem>>) semaphore(%arg44 : memref<!tpu.dma_semaphore, #tpu.memory_space<semaphore_mem>>)
    %dma_start3A_917 = arith.constant 384 : i32
    %dma_start3A_918 = arith.constant 0 : i32
    %dma_start3A_919 = tpu.memref_slice %arg34[%dma_start3A_917, %dma_start3A_918] : memref<512x32xf32, #tpu.memory_space<vmem>> -> memref<128x32xf32, #tpu.memory_space<vmem>>
    %dma_start3A_920 = arith.constant 384 : i32
    %dma_start3A_921 = tpu.memref_slice %arg31[%dma_start3A_920] : memref<512xi32, #tpu.memory_space<vmem>> -> memref<128xi32, #tpu.memory_space<vmem>>
    %dma_start3A_922 = arith.constant 0 : i32
    %dma_start3A_923 = arith.constant 0 : i32
    %dma_start3A_924 = tpu.memref_slice %arg15[%dma_start3A_922, %dma_start3A_923] : memref<2376x32xf32, #tpu.memory_space<hbm>> -> memref<2376x32xf32, #tpu.memory_space<hbm>>
    tpu.enqueue_indirect_dma source(%dma_start3A_924 : memref<2376x32xf32, #tpu.memory_space<hbm>>) target(%dma_start3A_919 : memref<128x32xf32, #tpu.memory_space<vmem>>) offsets(%dma_start3A_921 : memref<128xi32, #tpu.memory_space<vmem>>) semaphore(%arg44 : memref<!tpu.dma_semaphore, #tpu.memory_space<semaphore_mem>>)
    %dma_start3A_925 = arith.constant 384 : i32
    %dma_start3A_926 = arith.constant 0 : i32
    %dma_start3A_927 = tpu.memref_slice %arg35[%dma_start3A_925, %dma_start3A_926] : memref<512x32xf32, #tpu.memory_space<vmem>> -> memref<128x32xf32, #tpu.memory_space<vmem>>
    %dma_start3A_928 = arith.constant 384 : i32
    %dma_start3A_929 = tpu.memref_slice %arg32[%dma_start3A_928] : memref<512xi32, #tpu.memory_space<vmem>> -> memref<128xi32, #tpu.memory_space<vmem>>
    %dma_start3A_930 = arith.constant 0 : i32
    %dma_start3A_931 = arith.constant 0 : i32
    %dma_start3A_932 = tpu.memref_slice %arg15[%dma_start3A_930, %dma_start3A_931] : memref<2376x32xf32, #tpu.memory_space<hbm>> -> memref<2376x32xf32, #tpu.memory_space<hbm>>
    tpu.enqueue_indirect_dma source(%dma_start3A_932 : memref<2376x32xf32, #tpu.memory_space<hbm>>) target(%dma_start3A_927 : memref<128x32xf32, #tpu.memory_space<vmem>>) offsets(%dma_start3A_929 : memref<128xi32, #tpu.memory_space<vmem>>) semaphore(%arg44 : memref<!tpu.dma_semaphore, #tpu.memory_space<semaphore_mem>>)
    %dma_wait3A_933 = arith.constant 0 : i32
    %dma_wait3A_934 = arith.constant 0 : i32
    %dma_wait3A_935 = tpu.memref_slice %arg33[%dma_wait3A_933, %dma_wait3A_934] : memref<512x32xf32, #tpu.memory_space<vmem>> -> memref<128x32xf32, #tpu.memory_space<vmem>>
    %dma_wait3A_936 = arith.constant 0 : i32
    %dma_wait3A_937 = tpu.memref_slice %arg30[%dma_wait3A_936] : memref<512xi32, #tpu.memory_space<vmem>> -> memref<128xi32, #tpu.memory_space<vmem>>
    %dma_wait3A_938 = arith.constant 0 : i32
    %dma_wait3A_939 = arith.constant 0 : i32
    %dma_wait3A_940 = tpu.memref_slice %arg15[%dma_wait3A_938, %dma_wait3A_939] : memref<2376x32xf32, #tpu.memory_space<hbm>> -> memref<2376x32xf32, #tpu.memory_space<hbm>>
    tpu.wait_indirect_dma semaphore(%arg41 : memref<!tpu.dma_semaphore, #tpu.memory_space<semaphore_mem>>) src(%dma_wait3A_940 : memref<2376x32xf32, #tpu.memory_space<hbm>>) dst(%dma_wait3A_935 : memref<128x32xf32, #tpu.memory_space<vmem>>)
    %dma_wait3A_941 = arith.constant 0 : i32
    %dma_wait3A_942 = arith.constant 0 : i32
    %dma_wait3A_943 = tpu.memref_slice %arg34[%dma_wait3A_941, %dma_wait3A_942] : memref<512x32xf32, #tpu.memory_space<vmem>> -> memref<128x32xf32, #tpu.memory_space<vmem>>
    %dma_wait3A_944 = arith.constant 0 : i32
    %dma_wait3A_945 = tpu.memref_slice %arg31[%dma_wait3A_944] : memref<512xi32, #tpu.memory_space<vmem>> -> memref<128xi32, #tpu.memory_space<vmem>>
    %dma_wait3A_946 = arith.constant 0 : i32
    %dma_wait3A_947 = arith.constant 0 : i32
    %dma_wait3A_948 = tpu.memref_slice %arg15[%dma_wait3A_946, %dma_wait3A_947] : memref<2376x32xf32, #tpu.memory_space<hbm>> -> memref<2376x32xf32, #tpu.memory_space<hbm>>
    tpu.wait_indirect_dma semaphore(%arg41 : memref<!tpu.dma_semaphore, #tpu.memory_space<semaphore_mem>>) src(%dma_wait3A_948 : memref<2376x32xf32, #tpu.memory_space<hbm>>) dst(%dma_wait3A_943 : memref<128x32xf32, #tpu.memory_space<vmem>>)
    %dma_wait3A_949 = arith.constant 0 : i32
    %dma_wait3A_950 = arith.constant 0 : i32
    %dma_wait3A_951 = tpu.memref_slice %arg35[%dma_wait3A_949, %dma_wait3A_950] : memref<512x32xf32, #tpu.memory_space<vmem>> -> memref<128x32xf32, #tpu.memory_space<vmem>>
    %dma_wait3A_952 = arith.constant 0 : i32
    %dma_wait3A_953 = tpu.memref_slice %arg32[%dma_wait3A_952] : memref<512xi32, #tpu.memory_space<vmem>> -> memref<128xi32, #tpu.memory_space<vmem>>
    %dma_wait3A_954 = arith.constant 0 : i32
    %dma_wait3A_955 = arith.constant 0 : i32
    %dma_wait3A_956 = tpu.memref_slice %arg15[%dma_wait3A_954, %dma_wait3A_955] : memref<2376x32xf32, #tpu.memory_space<hbm>> -> memref<2376x32xf32, #tpu.memory_space<hbm>>
    tpu.wait_indirect_dma semaphore(%arg41 : memref<!tpu.dma_semaphore, #tpu.memory_space<semaphore_mem>>) src(%dma_wait3A_956 : memref<2376x32xf32, #tpu.memory_space<hbm>>) dst(%dma_wait3A_951 : memref<128x32xf32, #tpu.memory_space<vmem>>)
    %parallel_loop3A = arith.constant 0 : i32
    %parallel_loop3A_957 = arith.constant 128 : i32
    %parallel_loop3A_958 = arith.constant 1 : i32
    scf.for %parallel_loop3A_1050 = %parallel_loop3A to %parallel_loop3A_957 step %parallel_loop3A_958  : i32 {
      %parallel_loop3A_1051 = arith.constant 0 : i32
      %parallel_loop3A_1052 = arith.addi %parallel_loop3A_1051, %parallel_loop3A_1050 : i32
      %parallel_loop3A_1053 = arith.index_cast %parallel_loop3A_1052 : i32 to index
      %parallel_loop3A_1054 = arith.constant 0 : index
      %parallel_loop3A_1055 = tpu.vector_load %arg33[%parallel_loop3A_1053, %parallel_loop3A_1054] {strides = array<i32>} : memref<512x32xf32, #tpu.memory_space<vmem>>, vector<1x16xf32>,
      %parallel_loop3A_1056 = vector.shape_cast %parallel_loop3A_1055 : vector<1x16xf32> to vector<16xf32>
      %parallel_loop3A_1057 = arith.index_cast %parallel_loop3A_1052 : i32 to index
      %parallel_loop3A_1058 = arith.constant 0 : index
      %parallel_loop3A_1059 = tpu.vector_load %arg34[%parallel_loop3A_1057, %parallel_loop3A_1058] {strides = array<i32>} : memref<512x32xf32, #tpu.memory_space<vmem>>, vector<1x16xf32>,
      %parallel_loop3A_1060 = vector.shape_cast %parallel_loop3A_1059 : vector<1x16xf32> to vector<16xf32>
      %parallel_loop3A_1061 = arith.addf %parallel_loop3A_1056, %parallel_loop3A_1060 : vector<16xf32>
      %parallel_loop3A_1062 = arith.index_cast %parallel_loop3A_1052 : i32 to index
      %parallel_loop3A_1063 = arith.constant 0 : index
      %parallel_loop3A_1064 = tpu.vector_load %arg35[%parallel_loop3A_1062, %parallel_loop3A_1063] {strides = array<i32>} : memref<512x32xf32, #tpu.memory_space<vmem>>, vector<1x16xf32>,
      %parallel_loop3A_1065 = vector.shape_cast %parallel_loop3A_1064 : vector<1x16xf32> to vector<16xf32>
      %parallel_loop3A_1066 = arith.addf %parallel_loop3A_1061, %parallel_loop3A_1065 : vector<16xf32>
      %parallel_loop3A_1067 = arith.index_cast %parallel_loop3A_1050 : i32 to index
      %parallel_loop3A_1068 = arith.constant 0 : index
      %parallel_loop3A_1069 = tpu.vector_load %arg36[%parallel_loop3A_1067, %parallel_loop3A_1068] {strides = array<i32>} : memref<128x128xf32, #tpu.memory_space<vmem>>, vector<1x16xf32>,
      %parallel_loop3A_1070 = vector.shape_cast %parallel_loop3A_1069 : vector<1x16xf32> to vector<16xf32>
      %parallel_loop3A_1071 = vector.shape_cast %parallel_loop3A_1066 : vector<16xf32> to vector<1x16xf32>
      tpu.vector_store %arg36[%parallel_loop3A_1067, %parallel_loop3A_1068], %parallel_loop3A_1071 {strides = array<i32>} : memref<128x128xf32, #tpu.memory_space<vmem>>, vector<1x16xf32>,
      %parallel_loop3A_1072 = arith.index_cast %parallel_loop3A_1052 : i32 to index
      %parallel_loop3A_1073 = arith.constant 16 : index
      %parallel_loop3A_1074 = tpu.vector_load %arg33[%parallel_loop3A_1072, %parallel_loop3A_1073] {strides = array<i32>} : memref<512x32xf32, #tpu.memory_space<vmem>>, vector<1x16xf32>,
      %parallel_loop3A_1075 = vector.shape_cast %parallel_loop3A_1074 : vector<1x16xf32> to vector<16xf32>
      %parallel_loop3A_1076 = arith.index_cast %parallel_loop3A_1052 : i32 to index
      %parallel_loop3A_1077 = arith.constant 16 : index
      %parallel_loop3A_1078 = tpu.vector_load %arg34[%parallel_loop3A_1076, %parallel_loop3A_1077] {strides = array<i32>} : memref<512x32xf32, #tpu.memory_space<vmem>>, vector<1x16xf32>,
      %parallel_loop3A_1079 = vector.shape_cast %parallel_loop3A_1078 : vector<1x16xf32> to vector<16xf32>
      %parallel_loop3A_1080 = arith.addf %parallel_loop3A_1075, %parallel_loop3A_1079 : vector<16xf32>
      %parallel_loop3A_1081 = arith.index_cast %parallel_loop3A_1052 : i32 to index
      %parallel_loop3A_1082 = arith.constant 16 : index
      %parallel_loop3A_1083 = tpu.vector_load %arg35[%parallel_loop3A_1081, %parallel_loop3A_1082] {strides = array<i32>} : memref<512x32xf32, #tpu.memory_space<vmem>>, vector<1x16xf32>,
      %parallel_loop3A_1084 = vector.shape_cast %parallel_loop3A_1083 : vector<1x16xf32> to vector<16xf32>
      %parallel_loop3A_1085 = arith.addf %parallel_loop3A_1080, %parallel_loop3A_1084 : vector<16xf32>
      %parallel_loop3A_1086 = arith.index_cast %parallel_loop3A_1050 : i32 to index
      %parallel_loop3A_1087 = arith.constant 16 : index
      %parallel_loop3A_1088 = tpu.vector_load %arg36[%parallel_loop3A_1086, %parallel_loop3A_1087] {strides = array<i32>} : memref<128x128xf32, #tpu.memory_space<vmem>>, vector<1x16xf32>,
      %parallel_loop3A_1089 = vector.shape_cast %parallel_loop3A_1088 : vector<1x16xf32> to vector<16xf32>
      %parallel_loop3A_1090 = vector.shape_cast %parallel_loop3A_1085 : vector<16xf32> to vector<1x16xf32>
      tpu.vector_store %arg36[%parallel_loop3A_1086, %parallel_loop3A_1087], %parallel_loop3A_1090 {strides = array<i32>} : memref<128x128xf32, #tpu.memory_space<vmem>>, vector<1x16xf32>,
    } {sc.loop_unroll_factor = 2 : i64, sc.parallel_access}
    %dma_wait3A_959 = arith.constant 128 : i32
    %dma_wait3A_960 = arith.constant 0 : i32
    %dma_wait3A_961 = tpu.memref_slice %arg33[%dma_wait3A_959, %dma_wait3A_960] : memref<512x32xf32, #tpu.memory_space<vmem>> -> memref<128x32xf32, #tpu.memory_space<vmem>>
    %dma_wait3A_962 = arith.constant 128 : i32
    %dma_wait3A_963 = tpu.memref_slice %arg30[%dma_wait3A_962] : memref<512xi32, #tpu.memory_space<vmem>> -> memref<128xi32, #tpu.memory_space<vmem>>
    %dma_wait3A_964 = arith.constant 0 : i32
    %dma_wait3A_965 = arith.constant 0 : i32
    %dma_wait3A_966 = tpu.memref_slice %arg15[%dma_wait3A_964, %dma_wait3A_965] : memref<2376x32xf32, #tpu.memory_space<hbm>> -> memref<2376x32xf32, #tpu.memory_space<hbm>>
    tpu.wait_indirect_dma semaphore(%arg42 : memref<!tpu.dma_semaphore, #tpu.memory_space<semaphore_mem>>) src(%dma_wait3A_966 : memref<2376x32xf32, #tpu.memory_space<hbm>>) dst(%dma_wait3A_961 : memref<128x32xf32, #tpu.memory_space<vmem>>)
    %dma_wait3A_967 = arith.constant 128 : i32
    %dma_wait3A_968 = arith.constant 0 : i32
    %dma_wait3A_969 = tpu.memref_slice %arg34[%dma_wait3A_967, %dma_wait3A_968] : memref<512x32xf32, #tpu.memory_space<vmem>> -> memref<128x32xf32, #tpu.memory_space<vmem>>
    %dma_wait3A_970 = arith.constant 128 : i32
    %dma_wait3A_971 = tpu.memref_slice %arg31[%dma_wait3A_970] : memref<512xi32, #tpu.memory_space<vmem>> -> memref<128xi32, #tpu.memory_space<vmem>>
    %dma_wait3A_972 = arith.constant 0 : i32
    %dma_wait3A_973 = arith.constant 0 : i32
    %dma_wait3A_974 = tpu.memref_slice %arg15[%dma_wait3A_972, %dma_wait3A_973] : memref<2376x32xf32, #tpu.memory_space<hbm>> -> memref<2376x32xf32, #tpu.memory_space<hbm>>
    tpu.wait_indirect_dma semaphore(%arg42 : memref<!tpu.dma_semaphore, #tpu.memory_space<semaphore_mem>>) src(%dma_wait3A_974 : memref<2376x32xf32, #tpu.memory_space<hbm>>) dst(%dma_wait3A_969 : memref<128x32xf32, #tpu.memory_space<vmem>>)
    %dma_wait3A_975 = arith.constant 128 : i32
    %dma_wait3A_976 = arith.constant 0 : i32
    %dma_wait3A_977 = tpu.memref_slice %arg35[%dma_wait3A_975, %dma_wait3A_976] : memref<512x32xf32, #tpu.memory_space<vmem>> -> memref<128x32xf32, #tpu.memory_space<vmem>>
    %dma_wait3A_978 = arith.constant 128 : i32
    %dma_wait3A_979 = tpu.memref_slice %arg32[%dma_wait3A_978] : memref<512xi32, #tpu.memory_space<vmem>> -> memref<128xi32, #tpu.memory_space<vmem>>
    %dma_wait3A_980 = arith.constant 0 : i32
    %dma_wait3A_981 = arith.constant 0 : i32
    %dma_wait3A_982 = tpu.memref_slice %arg15[%dma_wait3A_980, %dma_wait3A_981] : memref<2376x32xf32, #tpu.memory_space<hbm>> -> memref<2376x32xf32, #tpu.memory_space<hbm>>
    tpu.wait_indirect_dma semaphore(%arg42 : memref<!tpu.dma_semaphore, #tpu.memory_space<semaphore_mem>>) src(%dma_wait3A_982 : memref<2376x32xf32, #tpu.memory_space<hbm>>) dst(%dma_wait3A_977 : memref<128x32xf32, #tpu.memory_space<vmem>>)
    %parallel_loop3A_983 = arith.constant 0 : i32
    %parallel_loop3A_984 = arith.constant 128 : i32
    %parallel_loop3A_985 = arith.constant 1 : i32
    scf.for %parallel_loop3A_1050 = %parallel_loop3A_983 to %parallel_loop3A_984 step %parallel_loop3A_985  : i32 {
      %parallel_loop3A_1051 = arith.constant 128 : i32
      %parallel_loop3A_1052 = arith.addi %parallel_loop3A_1051, %parallel_loop3A_1050 : i32
      %parallel_loop3A_1053 = arith.index_cast %parallel_loop3A_1052 : i32 to index
      %parallel_loop3A_1054 = arith.constant 0 : index
      %parallel_loop3A_1055 = tpu.vector_load %arg33[%parallel_loop3A_1053, %parallel_loop3A_1054] {strides = array<i32>} : memref<512x32xf32, #tpu.memory_space<vmem>>, vector<1x16xf32>,
      %parallel_loop3A_1056 = vector.shape_cast %parallel_loop3A_1055 : vector<1x16xf32> to vector<16xf32>
      %parallel_loop3A_1057 = arith.index_cast %parallel_loop3A_1052 : i32 to index
      %parallel_loop3A_1058 = arith.constant 0 : index
      %parallel_loop3A_1059 = tpu.vector_load %arg34[%parallel_loop3A_1057, %parallel_loop3A_1058] {strides = array<i32>} : memref<512x32xf32, #tpu.memory_space<vmem>>, vector<1x16xf32>,
      %parallel_loop3A_1060 = vector.shape_cast %parallel_loop3A_1059 : vector<1x16xf32> to vector<16xf32>
      %parallel_loop3A_1061 = arith.addf %parallel_loop3A_1056, %parallel_loop3A_1060 : vector<16xf32>
      %parallel_loop3A_1062 = arith.index_cast %parallel_loop3A_1052 : i32 to index
      %parallel_loop3A_1063 = arith.constant 0 : index
      %parallel_loop3A_1064 = tpu.vector_load %arg35[%parallel_loop3A_1062, %parallel_loop3A_1063] {strides = array<i32>} : memref<512x32xf32, #tpu.memory_space<vmem>>, vector<1x16xf32>,
      %parallel_loop3A_1065 = vector.shape_cast %parallel_loop3A_1064 : vector<1x16xf32> to vector<16xf32>
      %parallel_loop3A_1066 = arith.addf %parallel_loop3A_1061, %parallel_loop3A_1065 : vector<16xf32>
      %parallel_loop3A_1067 = arith.index_cast %parallel_loop3A_1050 : i32 to index
      %parallel_loop3A_1068 = arith.constant 32 : index
      %parallel_loop3A_1069 = tpu.vector_load %arg36[%parallel_loop3A_1067, %parallel_loop3A_1068] {strides = array<i32>} : memref<128x128xf32, #tpu.memory_space<vmem>>, vector<1x16xf32>,
      %parallel_loop3A_1070 = vector.shape_cast %parallel_loop3A_1069 : vector<1x16xf32> to vector<16xf32>
      %parallel_loop3A_1071 = vector.shape_cast %parallel_loop3A_1066 : vector<16xf32> to vector<1x16xf32>
      tpu.vector_store %arg36[%parallel_loop3A_1067, %parallel_loop3A_1068], %parallel_loop3A_1071 {strides = array<i32>} : memref<128x128xf32, #tpu.memory_space<vmem>>, vector<1x16xf32>,
      %parallel_loop3A_1072 = arith.index_cast %parallel_loop3A_1052 : i32 to index
      %parallel_loop3A_1073 = arith.constant 16 : index
      %parallel_loop3A_1074 = tpu.vector_load %arg33[%parallel_loop3A_1072, %parallel_loop3A_1073] {strides = array<i32>} : memref<512x32xf32, #tpu.memory_space<vmem>>, vector<1x16xf32>,
      %parallel_loop3A_1075 = vector.shape_cast %parallel_loop3A_1074 : vector<1x16xf32> to vector<16xf32>
      %parallel_loop3A_1076 = arith.index_cast %parallel_loop3A_1052 : i32 to index
      %parallel_loop3A_1077 = arith.constant 16 : index
      %parallel_loop3A_1078 = tpu.vector_load %arg34[%parallel_loop3A_1076, %parallel_loop3A_1077] {strides = array<i32>} : memref<512x32xf32, #tpu.memory_space<vmem>>, vector<1x16xf32>,
      %parallel_loop3A_1079 = vector.shape_cast %parallel_loop3A_1078 : vector<1x16xf32> to vector<16xf32>
      %parallel_loop3A_1080 = arith.addf %parallel_loop3A_1075, %parallel_loop3A_1079 : vector<16xf32>
      %parallel_loop3A_1081 = arith.index_cast %parallel_loop3A_1052 : i32 to index
      %parallel_loop3A_1082 = arith.constant 16 : index
      %parallel_loop3A_1083 = tpu.vector_load %arg35[%parallel_loop3A_1081, %parallel_loop3A_1082] {strides = array<i32>} : memref<512x32xf32, #tpu.memory_space<vmem>>, vector<1x16xf32>,
      %parallel_loop3A_1084 = vector.shape_cast %parallel_loop3A_1083 : vector<1x16xf32> to vector<16xf32>
      %parallel_loop3A_1085 = arith.addf %parallel_loop3A_1080, %parallel_loop3A_1084 : vector<16xf32>
      %parallel_loop3A_1086 = arith.index_cast %parallel_loop3A_1050 : i32 to index
      %parallel_loop3A_1087 = arith.constant 48 : index
      %parallel_loop3A_1088 = tpu.vector_load %arg36[%parallel_loop3A_1086, %parallel_loop3A_1087] {strides = array<i32>} : memref<128x128xf32, #tpu.memory_space<vmem>>, vector<1x16xf32>,
      %parallel_loop3A_1089 = vector.shape_cast %parallel_loop3A_1088 : vector<1x16xf32> to vector<16xf32>
      %parallel_loop3A_1090 = vector.shape_cast %parallel_loop3A_1085 : vector<16xf32> to vector<1x16xf32>
      tpu.vector_store %arg36[%parallel_loop3A_1086, %parallel_loop3A_1087], %parallel_loop3A_1090 {strides = array<i32>} : memref<128x128xf32, #tpu.memory_space<vmem>>, vector<1x16xf32>,
    } {sc.loop_unroll_factor = 2 : i64, sc.parallel_access}
    %dma_wait3A_986 = arith.constant 256 : i32
    %dma_wait3A_987 = arith.constant 0 : i32
    %dma_wait3A_988 = tpu.memref_slice %arg33[%dma_wait3A_986, %dma_wait3A_987] : memref<512x32xf32, #tpu.memory_space<vmem>> -> memref<128x32xf32, #tpu.memory_space<vmem>>
    %dma_wait3A_989 = arith.constant 256 : i32
    %dma_wait3A_990 = tpu.memref_slice %arg30[%dma_wait3A_989] : memref<512xi32, #tpu.memory_space<vmem>> -> memref<128xi32, #tpu.memory_space<vmem>>
    %dma_wait3A_991 = arith.constant 0 : i32
    %dma_wait3A_992 = arith.constant 0 : i32
    %dma_wait3A_993 = tpu.memref_slice %arg15[%dma_wait3A_991, %dma_wait3A_992] : memref<2376x32xf32, #tpu.memory_space<hbm>> -> memref<2376x32xf32, #tpu.memory_space<hbm>>
    tpu.wait_indirect_dma semaphore(%arg43 : memref<!tpu.dma_semaphore, #tpu.memory_space<semaphore_mem>>) src(%dma_wait3A_993 : memref<2376x32xf32, #tpu.memory_space<hbm>>) dst(%dma_wait3A_988 : memref<128x32xf32, #tpu.memory_space<vmem>>)
    %dma_wait3A_994 = arith.constant 256 : i32
    %dma_wait3A_995 = arith.constant 0 : i32
    %dma_wait3A_996 = tpu.memref_slice %arg34[%dma_wait3A_994, %dma_wait3A_995] : memref<512x32xf32, #tpu.memory_space<vmem>> -> memref<128x32xf32, #tpu.memory_space<vmem>>
    %dma_wait3A_997 = arith.constant 256 : i32
    %dma_wait3A_998 = tpu.memref_slice %arg31[%dma_wait3A_997] : memref<512xi32, #tpu.memory_space<vmem>> -> memref<128xi32, #tpu.memory_space<vmem>>
    %dma_wait3A_999 = arith.constant 0 : i32
    %dma_wait3A_1000 = arith.constant 0 : i32
    %dma_wait3A_1001 = tpu.memref_slice %arg15[%dma_wait3A_999, %dma_wait3A_1000] : memref<2376x32xf32, #tpu.memory_space<hbm>> -> memref<2376x32xf32, #tpu.memory_space<hbm>>
    tpu.wait_indirect_dma semaphore(%arg43 : memref<!tpu.dma_semaphore, #tpu.memory_space<semaphore_mem>>) src(%dma_wait3A_1001 : memref<2376x32xf32, #tpu.memory_space<hbm>>) dst(%dma_wait3A_996 : memref<128x32xf32, #tpu.memory_space<vmem>>)
    %dma_wait3A_1002 = arith.constant 256 : i32
    %dma_wait3A_1003 = arith.constant 0 : i32
    %dma_wait3A_1004 = tpu.memref_slice %arg35[%dma_wait3A_1002, %dma_wait3A_1003] : memref<512x32xf32, #tpu.memory_space<vmem>> -> memref<128x32xf32, #tpu.memory_space<vmem>>
    %dma_wait3A_1005 = arith.constant 256 : i32
    %dma_wait3A_1006 = tpu.memref_slice %arg32[%dma_wait3A_1005] : memref<512xi32, #tpu.memory_space<vmem>> -> memref<128xi32, #tpu.memory_space<vmem>>
    %dma_wait3A_1007 = arith.constant 0 : i32
    %dma_wait3A_1008 = arith.constant 0 : i32
    %dma_wait3A_1009 = tpu.memref_slice %arg15[%dma_wait3A_1007, %dma_wait3A_1008] : memref<2376x32xf32, #tpu.memory_space<hbm>> -> memref<2376x32xf32, #tpu.memory_space<hbm>>
    tpu.wait_indirect_dma semaphore(%arg43 : memref<!tpu.dma_semaphore, #tpu.memory_space<semaphore_mem>>) src(%dma_wait3A_1009 : memref<2376x32xf32, #tpu.memory_space<hbm>>) dst(%dma_wait3A_1004 : memref<128x32xf32, #tpu.memory_space<vmem>>)
    %parallel_loop3A_1010 = arith.constant 0 : i32
    %parallel_loop3A_1011 = arith.constant 128 : i32
    %parallel_loop3A_1012 = arith.constant 1 : i32
    scf.for %parallel_loop3A_1050 = %parallel_loop3A_1010 to %parallel_loop3A_1011 step %parallel_loop3A_1012  : i32 {
      %parallel_loop3A_1051 = arith.constant 256 : i32
      %parallel_loop3A_1052 = arith.addi %parallel_loop3A_1051, %parallel_loop3A_1050 : i32
      %parallel_loop3A_1053 = arith.index_cast %parallel_loop3A_1052 : i32 to index
      %parallel_loop3A_1054 = arith.constant 0 : index
      %parallel_loop3A_1055 = tpu.vector_load %arg33[%parallel_loop3A_1053, %parallel_loop3A_1054] {strides = array<i32>} : memref<512x32xf32, #tpu.memory_space<vmem>>, vector<1x16xf32>,
      %parallel_loop3A_1056 = vector.shape_cast %parallel_loop3A_1055 : vector<1x16xf32> to vector<16xf32>
      %parallel_loop3A_1057 = arith.index_cast %parallel_loop3A_1052 : i32 to index
      %parallel_loop3A_1058 = arith.constant 0 : index
      %parallel_loop3A_1059 = tpu.vector_load %arg34[%parallel_loop3A_1057, %parallel_loop3A_1058] {strides = array<i32>} : memref<512x32xf32, #tpu.memory_space<vmem>>, vector<1x16xf32>,
      %parallel_loop3A_1060 = vector.shape_cast %parallel_loop3A_1059 : vector<1x16xf32> to vector<16xf32>
      %parallel_loop3A_1061 = arith.addf %parallel_loop3A_1056, %parallel_loop3A_1060 : vector<16xf32>
      %parallel_loop3A_1062 = arith.index_cast %parallel_loop3A_1052 : i32 to index
      %parallel_loop3A_1063 = arith.constant 0 : index
      %parallel_loop3A_1064 = tpu.vector_load %arg35[%parallel_loop3A_1062, %parallel_loop3A_1063] {strides = array<i32>} : memref<512x32xf32, #tpu.memory_space<vmem>>, vector<1x16xf32>,
      %parallel_loop3A_1065 = vector.shape_cast %parallel_loop3A_1064 : vector<1x16xf32> to vector<16xf32>
      %parallel_loop3A_1066 = arith.addf %parallel_loop3A_1061, %parallel_loop3A_1065 : vector<16xf32>
      %parallel_loop3A_1067 = arith.index_cast %parallel_loop3A_1050 : i32 to index
      %parallel_loop3A_1068 = arith.constant 64 : index
      %parallel_loop3A_1069 = tpu.vector_load %arg36[%parallel_loop3A_1067, %parallel_loop3A_1068] {strides = array<i32>} : memref<128x128xf32, #tpu.memory_space<vmem>>, vector<1x16xf32>,
      %parallel_loop3A_1070 = vector.shape_cast %parallel_loop3A_1069 : vector<1x16xf32> to vector<16xf32>
      %parallel_loop3A_1071 = vector.shape_cast %parallel_loop3A_1066 : vector<16xf32> to vector<1x16xf32>
      tpu.vector_store %arg36[%parallel_loop3A_1067, %parallel_loop3A_1068], %parallel_loop3A_1071 {strides = array<i32>} : memref<128x128xf32, #tpu.memory_space<vmem>>, vector<1x16xf32>,
      %parallel_loop3A_1072 = arith.index_cast %parallel_loop3A_1052 : i32 to index
      %parallel_loop3A_1073 = arith.constant 16 : index
      %parallel_loop3A_1074 = tpu.vector_load %arg33[%parallel_loop3A_1072, %parallel_loop3A_1073] {strides = array<i32>} : memref<512x32xf32, #tpu.memory_space<vmem>>, vector<1x16xf32>,
      %parallel_loop3A_1075 = vector.shape_cast %parallel_loop3A_1074 : vector<1x16xf32> to vector<16xf32>
      %parallel_loop3A_1076 = arith.index_cast %parallel_loop3A_1052 : i32 to index
      %parallel_loop3A_1077 = arith.constant 16 : index
      %parallel_loop3A_1078 = tpu.vector_load %arg34[%parallel_loop3A_1076, %parallel_loop3A_1077] {strides = array<i32>} : memref<512x32xf32, #tpu.memory_space<vmem>>, vector<1x16xf32>,
      %parallel_loop3A_1079 = vector.shape_cast %parallel_loop3A_1078 : vector<1x16xf32> to vector<16xf32>
      %parallel_loop3A_1080 = arith.addf %parallel_loop3A_1075, %parallel_loop3A_1079 : vector<16xf32>
      %parallel_loop3A_1081 = arith.index_cast %parallel_loop3A_1052 : i32 to index
      %parallel_loop3A_1082 = arith.constant 16 : index
      %parallel_loop3A_1083 = tpu.vector_load %arg35[%parallel_loop3A_1081, %parallel_loop3A_1082] {strides = array<i32>} : memref<512x32xf32, #tpu.memory_space<vmem>>, vector<1x16xf32>,
      %parallel_loop3A_1084 = vector.shape_cast %parallel_loop3A_1083 : vector<1x16xf32> to vector<16xf32>
      %parallel_loop3A_1085 = arith.addf %parallel_loop3A_1080, %parallel_loop3A_1084 : vector<16xf32>
      %parallel_loop3A_1086 = arith.index_cast %parallel_loop3A_1050 : i32 to index
      %parallel_loop3A_1087 = arith.constant 80 : index
      %parallel_loop3A_1088 = tpu.vector_load %arg36[%parallel_loop3A_1086, %parallel_loop3A_1087] {strides = array<i32>} : memref<128x128xf32, #tpu.memory_space<vmem>>, vector<1x16xf32>,
      %parallel_loop3A_1089 = vector.shape_cast %parallel_loop3A_1088 : vector<1x16xf32> to vector<16xf32>
      %parallel_loop3A_1090 = vector.shape_cast %parallel_loop3A_1085 : vector<16xf32> to vector<1x16xf32>
      tpu.vector_store %arg36[%parallel_loop3A_1086, %parallel_loop3A_1087], %parallel_loop3A_1090 {strides = array<i32>} : memref<128x128xf32, #tpu.memory_space<vmem>>, vector<1x16xf32>,
    } {sc.loop_unroll_factor = 2 : i64, sc.parallel_access}
    %dma_wait3A_1013 = arith.constant 384 : i32
    %dma_wait3A_1014 = arith.constant 0 : i32
    %dma_wait3A_1015 = tpu.memref_slice %arg33[%dma_wait3A_1013, %dma_wait3A_1014] : memref<512x32xf32, #tpu.memory_space<vmem>> -> memref<128x32xf32, #tpu.memory_space<vmem>>
    %dma_wait3A_1016 = arith.constant 384 : i32
    %dma_wait3A_1017 = tpu.memref_slice %arg30[%dma_wait3A_1016] : memref<512xi32, #tpu.memory_space<vmem>> -> memref<128xi32, #tpu.memory_space<vmem>>
    %dma_wait3A_1018 = arith.constant 0 : i32
    %dma_wait3A_1019 = arith.constant 0 : i32
    %dma_wait3A_1020 = tpu.memref_slice %arg15[%dma_wait3A_1018, %dma_wait3A_1019] : memref<2376x32xf32, #tpu.memory_space<hbm>> -> memref<2376x32xf32, #tpu.memory_space<hbm>>
    tpu.wait_indirect_dma semaphore(%arg44 : memref<!tpu.dma_semaphore, #tpu.memory_space<semaphore_mem>>) src(%dma_wait3A_1020 : memref<2376x32xf32, #tpu.memory_space<hbm>>) dst(%dma_wait3A_1015 : memref<128x32xf32, #tpu.memory_space<vmem>>)
    %dma_wait3A_1021 = arith.constant 384 : i32
    %dma_wait3A_1022 = arith.constant 0 : i32
    %dma_wait3A_1023 = tpu.memref_slice %arg34[%dma_wait3A_1021, %dma_wait3A_1022] : memref<512x32xf32, #tpu.memory_space<vmem>> -> memref<128x32xf32, #tpu.memory_space<vmem>>
    %dma_wait3A_1024 = arith.constant 384 : i32
    %dma_wait3A_1025 = tpu.memref_slice %arg31[%dma_wait3A_1024] : memref<512xi32, #tpu.memory_space<vmem>> -> memref<128xi32, #tpu.memory_space<vmem>>
    %dma_wait3A_1026 = arith.constant 0 : i32
    %dma_wait3A_1027 = arith.constant 0 : i32
    %dma_wait3A_1028 = tpu.memref_slice %arg15[%dma_wait3A_1026, %dma_wait3A_1027] : memref<2376x32xf32, #tpu.memory_space<hbm>> -> memref<2376x32xf32, #tpu.memory_space<hbm>>
    tpu.wait_indirect_dma semaphore(%arg44 : memref<!tpu.dma_semaphore, #tpu.memory_space<semaphore_mem>>) src(%dma_wait3A_1028 : memref<2376x32xf32, #tpu.memory_space<hbm>>) dst(%dma_wait3A_1023 : memref<128x32xf32, #tpu.memory_space<vmem>>)
    %dma_wait3A_1029 = arith.constant 384 : i32
    %dma_wait3A_1030 = arith.constant 0 : i32
    %dma_wait3A_1031 = tpu.memref_slice %arg35[%dma_wait3A_1029, %dma_wait3A_1030] : memref<512x32xf32, #tpu.memory_space<vmem>> -> memref<128x32xf32, #tpu.memory_space<vmem>>
    %dma_wait3A_1032 = arith.constant 384 : i32
    %dma_wait3A_1033 = tpu.memref_slice %arg32[%dma_wait3A_1032] : memref<512xi32, #tpu.memory_space<vmem>> -> memref<128xi32, #tpu.memory_space<vmem>>
    %dma_wait3A_1034 = arith.constant 0 : i32
    %dma_wait3A_1035 = arith.constant 0 : i32
    %dma_wait3A_1036 = tpu.memref_slice %arg15[%dma_wait3A_1034, %dma_wait3A_1035] : memref<2376x32xf32, #tpu.memory_space<hbm>> -> memref<2376x32xf32, #tpu.memory_space<hbm>>
    tpu.wait_indirect_dma semaphore(%arg44 : memref<!tpu.dma_semaphore, #tpu.memory_space<semaphore_mem>>) src(%dma_wait3A_1036 : memref<2376x32xf32, #tpu.memory_space<hbm>>) dst(%dma_wait3A_1031 : memref<128x32xf32, #tpu.memory_space<vmem>>)
    %parallel_loop3A_1037 = arith.constant 0 : i32
    %parallel_loop3A_1038 = arith.constant 128 : i32
    %parallel_loop3A_1039 = arith.constant 1 : i32
    scf.for %parallel_loop3A_1050 = %parallel_loop3A_1037 to %parallel_loop3A_1038 step %parallel_loop3A_1039  : i32 {
      %parallel_loop3A_1051 = arith.constant 384 : i32
      %parallel_loop3A_1052 = arith.addi %parallel_loop3A_1051, %parallel_loop3A_1050 : i32
      %parallel_loop3A_1053 = arith.index_cast %parallel_loop3A_1052 : i32 to index
      %parallel_loop3A_1054 = arith.constant 0 : index
      %parallel_loop3A_1055 = tpu.vector_load %arg33[%parallel_loop3A_1053, %parallel_loop3A_1054] {strides = array<i32>} : memref<512x32xf32, #tpu.memory_space<vmem>>, vector<1x16xf32>,
      %parallel_loop3A_1056 = vector.shape_cast %parallel_loop3A_1055 : vector<1x16xf32> to vector<16xf32>
      %parallel_loop3A_1057 = arith.index_cast %parallel_loop3A_1052 : i32 to index
      %parallel_loop3A_1058 = arith.constant 0 : index
      %parallel_loop3A_1059 = tpu.vector_load %arg34[%parallel_loop3A_1057, %parallel_loop3A_1058] {strides = array<i32>} : memref<512x32xf32, #tpu.memory_space<vmem>>, vector<1x16xf32>,
      %parallel_loop3A_1060 = vector.shape_cast %parallel_loop3A_1059 : vector<1x16xf32> to vector<16xf32>
      %parallel_loop3A_1061 = arith.addf %parallel_loop3A_1056, %parallel_loop3A_1060 : vector<16xf32>
      %parallel_loop3A_1062 = arith.index_cast %parallel_loop3A_1052 : i32 to index
      %parallel_loop3A_1063 = arith.constant 0 : index
      %parallel_loop3A_1064 = tpu.vector_load %arg35[%parallel_loop3A_1062, %parallel_loop3A_1063] {strides = array<i32>} : memref<512x32xf32, #tpu.memory_space<vmem>>, vector<1x16xf32>,
      %parallel_loop3A_1065 = vector.shape_cast %parallel_loop3A_1064 : vector<1x16xf32> to vector<16xf32>
      %parallel_loop3A_1066 = arith.addf %parallel_loop3A_1061, %parallel_loop3A_1065 : vector<16xf32>
      %parallel_loop3A_1067 = arith.index_cast %parallel_loop3A_1050 : i32 to index
      %parallel_loop3A_1068 = arith.constant 96 : index
      %parallel_loop3A_1069 = tpu.vector_load %arg36[%parallel_loop3A_1067, %parallel_loop3A_1068] {strides = array<i32>} : memref<128x128xf32, #tpu.memory_space<vmem>>, vector<1x16xf32>,
      %parallel_loop3A_1070 = vector.shape_cast %parallel_loop3A_1069 : vector<1x16xf32> to vector<16xf32>
      %parallel_loop3A_1071 = vector.shape_cast %parallel_loop3A_1066 : vector<16xf32> to vector<1x16xf32>
      tpu.vector_store %arg36[%parallel_loop3A_1067, %parallel_loop3A_1068], %parallel_loop3A_1071 {strides = array<i32>} : memref<128x128xf32, #tpu.memory_space<vmem>>, vector<1x16xf32>,
      %parallel_loop3A_1072 = arith.index_cast %parallel_loop3A_1052 : i32 to index
      %parallel_loop3A_1073 = arith.constant 16 : index
      %parallel_loop3A_1074 = tpu.vector_load %arg33[%parallel_loop3A_1072, %parallel_loop3A_1073] {strides = array<i32>} : memref<512x32xf32, #tpu.memory_space<vmem>>, vector<1x16xf32>,
      %parallel_loop3A_1075 = vector.shape_cast %parallel_loop3A_1074 : vector<1x16xf32> to vector<16xf32>
      %parallel_loop3A_1076 = arith.index_cast %parallel_loop3A_1052 : i32 to index
      %parallel_loop3A_1077 = arith.constant 16 : index
      %parallel_loop3A_1078 = tpu.vector_load %arg34[%parallel_loop3A_1076, %parallel_loop3A_1077] {strides = array<i32>} : memref<512x32xf32, #tpu.memory_space<vmem>>, vector<1x16xf32>,
      %parallel_loop3A_1079 = vector.shape_cast %parallel_loop3A_1078 : vector<1x16xf32> to vector<16xf32>
      %parallel_loop3A_1080 = arith.addf %parallel_loop3A_1075, %parallel_loop3A_1079 : vector<16xf32>
      %parallel_loop3A_1081 = arith.index_cast %parallel_loop3A_1052 : i32 to index
      %parallel_loop3A_1082 = arith.constant 16 : index
      %parallel_loop3A_1083 = tpu.vector_load %arg35[%parallel_loop3A_1081, %parallel_loop3A_1082] {strides = array<i32>} : memref<512x32xf32, #tpu.memory_space<vmem>>, vector<1x16xf32>,
      %parallel_loop3A_1084 = vector.shape_cast %parallel_loop3A_1083 : vector<1x16xf32> to vector<16xf32>
      %parallel_loop3A_1085 = arith.addf %parallel_loop3A_1080, %parallel_loop3A_1084 : vector<16xf32>
      %parallel_loop3A_1086 = arith.index_cast %parallel_loop3A_1050 : i32 to index
      %parallel_loop3A_1087 = arith.constant 112 : index
      %parallel_loop3A_1088 = tpu.vector_load %arg36[%parallel_loop3A_1086, %parallel_loop3A_1087] {strides = array<i32>} : memref<128x128xf32, #tpu.memory_space<vmem>>, vector<1x16xf32>,
      %parallel_loop3A_1089 = vector.shape_cast %parallel_loop3A_1088 : vector<1x16xf32> to vector<16xf32>
      %parallel_loop3A_1090 = vector.shape_cast %parallel_loop3A_1085 : vector<16xf32> to vector<1x16xf32>
      tpu.vector_store %arg36[%parallel_loop3A_1086, %parallel_loop3A_1087], %parallel_loop3A_1090 {strides = array<i32>} : memref<128x128xf32, #tpu.memory_space<vmem>>, vector<1x16xf32>,
    } {sc.loop_unroll_factor = 2 : i64, sc.parallel_access}
    %mul3A_1040 = arith.constant 128 : i32
    %mul3A_1041 = arith.muli %add3A, %mul3A_1040 : i32
    %dma_start3A_1042 = arith.constant 0 : i32
    %dma_start3A_1043 = tpu.memref_slice %arg16[%mul3A_1041, %dma_start3A_1042] : memref<4096x128xf32, #tpu.memory_space<hbm>> -> memref<128x128xf32, #tpu.memory_space<hbm>>
    %dma_start3A_1044 = arith.constant 0 : i32
    %dma_start3A_1045 = tpu.memref_slice %arg16[%mul3A_1041, %dma_start3A_1044] : memref<4096x128xf32, #tpu.memory_space<hbm>> -> memref<128x128xf32, #tpu.memory_space<hbm>>
    tpu.enqueue_dma source(%arg36 : memref<128x128xf32, #tpu.memory_space<vmem>>) target(%dma_start3A_1045 : memref<128x128xf32, #tpu.memory_space<hbm>>) target_semaphore(%arg45 : memref<!tpu.dma_semaphore, #tpu.memory_space<semaphore_mem>>)
    %dma_wait3A_1046 = arith.constant 0 : i32
    %dma_wait3A_1047 = tpu.memref_slice %arg16[%mul3A_1041, %dma_wait3A_1046] : memref<4096x128xf32, #tpu.memory_space<hbm>> -> memref<128x128xf32, #tpu.memory_space<hbm>>
    %dma_wait3A_1048 = arith.constant 0 : i32
    %dma_wait3A_1049 = tpu.memref_slice %arg16[%mul3A_1041, %dma_wait3A_1048] : memref<4096x128xf32, #tpu.memory_space<hbm>> -> memref<128x128xf32, #tpu.memory_space<hbm>>
    tpu.wait_dma2 semaphore(%arg45 : memref<!tpu.dma_semaphore, #tpu.memory_space<semaphore_mem>>) src(%arg36 : memref<128x128xf32, #tpu.memory_space<vmem>>) dst(%dma_wait3A_1049 : memref<128x128xf32, #tpu.memory_space<hbm>>)
    return
  }
}

module attributes {stable_mosaic.version = 14 : i64} {
  func.func @body(%arg0: i32, %arg1: memref<4096x128xf32, #tpu.memory_space<vmem>>, %arg2: memref<32x128xf32, #tpu.memory_space<vmem>>, %arg3: memref<32x128xf32, #tpu.memory_space<vmem>>, %arg4: memref<32x128xf32, #tpu.memory_space<vmem>>, %arg5: memref<32x128xf32, #tpu.memory_space<vmem>>, %arg6: memref<128x128xf32, #tpu.memory_space<vmem>>, %arg7: memref<1x128xf32, #tpu.memory_space<vmem>>, %arg8: memref<12x128xf32, #tpu.memory_space<vmem>>, %arg9: memref<1x12xf32, #tpu.memory_space<vmem>>, %arg10: memref<4x128xf32, #tpu.memory_space<vmem>>, %arg11: memref<12x4096xf32, #tpu.memory_space<vmem>>) attributes {dimension_semantics = [#tpu.dimension_semantics<arbitrary>], iteration_bounds = array<i64: 1>, scalar_prefetch = 0 : i64, scratch_operands = 0 : i64, tpu.core_type = #tpu.core_type<tc>, window_params = [{transform_indices = @transform_0, window_bounds = array<i64: 4096, 128>}, {transform_indices = @transform_1, window_bounds = array<i64: 32, 128>}, {transform_indices = @transform_2, window_bounds = array<i64: 32, 128>}, {transform_indices = @transform_3, window_bounds = array<i64: 32, 128>}, {transform_indices = @transform_4, window_bounds = array<i64: 32, 128>}, {pipeline_mode = #tpu.pipeline_mode<synchronous>, transform_indices = @transform_5, window_bounds = array<i64: 128, 128>}, {pipeline_mode = #tpu.pipeline_mode<synchronous>, transform_indices = @transform_6, window_bounds = array<i64: 1, 128>}, {pipeline_mode = #tpu.pipeline_mode<synchronous>, transform_indices = @transform_7, window_bounds = array<i64: 12, 128>}, {pipeline_mode = #tpu.pipeline_mode<synchronous>, transform_indices = @transform_8, window_bounds = array<i64: 1, 12>}, {pipeline_mode = #tpu.pipeline_mode<synchronous>, transform_indices = @transform_9, window_bounds = array<i64: 4, 128>}, {transform_indices = @transform_10, window_bounds = array<i64: 12, 4096>}]} {
    %iota3A = tpu.iota {dimensions = array<i32: 0>} : vector<4096x32xi32>
    %jit3A = arith.constant 128 : i32
    %div3A = vector.broadcast %jit3A : i32 to vector<4096x32xi32>
    %div3A_0 = arith.divsi %iota3A, %div3A : vector<4096x32xi32>
    %sign3A = arith.constant 0 : i32
    %sign3A_1 = vector.broadcast %sign3A : i32 to vector<4096x32xi32>
    %sign3A_2 = arith.cmpi sgt, %iota3A, %sign3A_1 : vector<4096x32xi32>
    %sign3A_3 = arith.extui %sign3A_2 : vector<4096x32xi1> to vector<4096x32xi32>
    %sign3A_4 = arith.constant 0 : i32
    %sign3A_5 = vector.broadcast %sign3A_4 : i32 to vector<4096x32xi32>
    %sign3A_6 = arith.cmpi slt, %iota3A, %sign3A_5 : vector<4096x32xi32>
    %sign3A_7 = arith.extui %sign3A_6 : vector<4096x32xi1> to vector<4096x32xi32>
    %sign3A_8 = arith.subi %sign3A_3, %sign3A_7 : vector<4096x32xi32>
    %sign3A_9 = arith.constant 0 : i32
    %sign3A_10 = arith.cmpi sgt, %jit3A, %sign3A_9 : i32
    %sign3A_11 = arith.extui %sign3A_10 : i1 to i32
    %sign3A_12 = arith.constant 0 : i32
    %sign3A_13 = arith.cmpi slt, %jit3A, %sign3A_12 : i32
    %sign3A_14 = arith.extui %sign3A_13 : i1 to i32
    %sign3A_15 = arith.subi %sign3A_11, %sign3A_14 : i32
    %ne3A = vector.broadcast %sign3A_15 : i32 to vector<4096x32xi32>
    %ne3A_16 = arith.cmpi ne, %sign3A_8, %ne3A : vector<4096x32xi32>
    %rem3A = vector.broadcast %jit3A : i32 to vector<4096x32xi32>
    %rem3A_17 = arith.remsi %iota3A, %rem3A : vector<4096x32xi32>
    %ne3A_18 = arith.constant 0 : i32
    %ne3A_19 = vector.broadcast %ne3A_18 : i32 to vector<4096x32xi32>
    %ne3A_20 = arith.cmpi ne, %rem3A_17, %ne3A_19 : vector<4096x32xi32>
    %and3A = arith.andi %ne3A_16, %ne3A_20 : vector<4096x32xi1>
    %sub3A = arith.constant 1 : i32
    %sub3A_21 = vector.broadcast %sub3A : i32 to vector<4096x32xi32>
    %sub3A_22 = arith.subi %div3A_0, %sub3A_21 : vector<4096x32xi32>
    %select_n3A = arith.select %and3A, %sub3A_22, %div3A_0 : vector<4096x32xi1>, vector<4096x32xi32>
    %iota3A_23 = tpu.iota {dimensions = array<i32: 1>} : vector<4096x32xi32>
    %eq3A = arith.cmpi eq, %select_n3A, %iota3A_23 : vector<4096x32xi32>
    %convert_element_type3A = arith.extui %eq3A : vector<4096x32xi1> to vector<4096x32xi32>
    %convert_element_type3A_24 = arith.sitofp %convert_element_type3A : vector<4096x32xi32> to vector<4096x32xf32>
    %iota3A_25 = tpu.iota {dimensions = array<i32: 0>} : vector<4096x128xi32>
    %jit3A_26 = arith.constant 128 : i32
    %eq3A_27 = arith.constant 0 : i32
    %eq3A_28 = arith.cmpi eq, %jit3A_26, %eq3A_27 : i32
    %jit3A_29 = arith.constant 1 : i32
    %select_n3A_30 = arith.select %eq3A_28, %jit3A_29, %jit3A_26 : i32
    %rem3A_31 = vector.broadcast %select_n3A_30 : i32 to vector<4096x128xi32>
    %rem3A_32 = arith.remsi %iota3A_25, %rem3A_31 : vector<4096x128xi32>
    %ne3A_33 = arith.constant 0 : i32
    %ne3A_34 = vector.broadcast %ne3A_33 : i32 to vector<4096x128xi32>
    %ne3A_35 = arith.cmpi ne, %rem3A_32, %ne3A_34 : vector<4096x128xi32>
    %lt3A = arith.constant 0 : i32
    %lt3A_36 = vector.broadcast %lt3A : i32 to vector<4096x128xi32>
    %lt3A_37 = arith.cmpi slt, %rem3A_32, %lt3A_36 : vector<4096x128xi32>
    %lt3A_38 = arith.constant 0 : i32
    %lt3A_39 = arith.cmpi slt, %select_n3A_30, %lt3A_38 : i32
    %ne3A_40 = vector.broadcast %lt3A_39 : i1 to vector<4096x128xi1>
    %ne3A_41 = vector.broadcast %ne3A_40 : vector<4096x128xi1> to vector<4096x128xi1>
    %ne3A_42 = arith.xori %lt3A_37, %ne3A_41 : vector<4096x128xi1>
    %and3A_43 = arith.andi %ne3A_42, %ne3A_35 : vector<4096x128xi1>
    %add3A = vector.broadcast %select_n3A_30 : i32 to vector<4096x128xi32>
    %add3A_44 = arith.addi %rem3A_32, %add3A : vector<4096x128xi32>
    %select_n3A_45 = arith.select %and3A_43, %add3A_44, %rem3A_32 : vector<4096x128xi1>, vector<4096x128xi32>
    %iota3A_46 = tpu.iota {dimensions = array<i32: 1>} : vector<4096x128xi32>
    %eq3A_47 = arith.cmpi eq, %select_n3A_45, %iota3A_46 : vector<4096x128xi32>
    %convert_element_type3A_48 = arith.extui %eq3A_47 : vector<4096x128xi1> to vector<4096x128xi32>
    %convert_element_type3A_49 = arith.sitofp %convert_element_type3A_48 : vector<4096x128xi32> to vector<4096x128xf32>
    %get3A = arith.constant 0 : index
    %get3A_50 = arith.constant 0 : index
    %get3A_51 = vector.load %arg2[%get3A, %get3A_50] : memref<32x128xf32, #tpu.memory_space<vmem>>, vector<32x128xf32>
    %dot_general3A = arith.constant dense<0.000000e+00> : vector<4096x128xf32>
    %dot_general3A_52 = tpu.matmul %convert_element_type3A_24, %get3A_51, %dot_general3A {dimension_numbers = #tpu.dot_dimension_numbers<[1], [0], [0], [1], [0, 0, 1, 1], [], []>, transpose_lhs_hint = false} : vector<4096x32xf32>, vector<32x128xf32>, vector<4096x128xf32> -> vector<4096x128xf32>
    %mul3A = arith.mulf %dot_general3A_52, %convert_element_type3A_49 : vector<4096x128xf32>
    %reduce_sum3A = arith.constant dense<0.000000e+00> : vector<4096xf32>
    %reduce_sum3A_53 = vector.multi_reduction <add>, %mul3A, %reduce_sum3A [1] : vector<4096x128xf32> to vector<4096xf32>
    %broadcast_in_dim3A = vector.shape_cast %reduce_sum3A_53 : vector<4096xf32> to vector<4096x1xf32>
    %get3A_54 = arith.constant 0 : index
    %get3A_55 = arith.constant 0 : index
    %get3A_56 = vector.load %arg3[%get3A_54, %get3A_55] : memref<32x128xf32, #tpu.memory_space<vmem>>, vector<32x128xf32>
    %dot_general3A_57 = arith.constant dense<0.000000e+00> : vector<4096x128xf32>
    %dot_general3A_58 = tpu.matmul %convert_element_type3A_24, %get3A_56, %dot_general3A_57 {dimension_numbers = #tpu.dot_dimension_numbers<[1], [0], [0], [1], [0, 0, 1, 1], [], []>, transpose_lhs_hint = false} : vector<4096x32xf32>, vector<32x128xf32>, vector<4096x128xf32> -> vector<4096x128xf32>
    %mul3A_59 = arith.mulf %dot_general3A_58, %convert_element_type3A_49 : vector<4096x128xf32>
    %reduce_sum3A_60 = arith.constant dense<0.000000e+00> : vector<4096xf32>
    %reduce_sum3A_61 = vector.multi_reduction <add>, %mul3A_59, %reduce_sum3A_60 [1] : vector<4096x128xf32> to vector<4096xf32>
    %broadcast_in_dim3A_62 = vector.shape_cast %reduce_sum3A_61 : vector<4096xf32> to vector<4096x1xf32>
    %get3A_63 = arith.constant 0 : index
    %get3A_64 = arith.constant 0 : index
    %get3A_65 = vector.load %arg4[%get3A_63, %get3A_64] : memref<32x128xf32, #tpu.memory_space<vmem>>, vector<32x128xf32>
    %dot_general3A_66 = arith.constant dense<0.000000e+00> : vector<4096x128xf32>
    %dot_general3A_67 = tpu.matmul %convert_element_type3A_24, %get3A_65, %dot_general3A_66 {dimension_numbers = #tpu.dot_dimension_numbers<[1], [0], [0], [1], [0, 0, 1, 1], [], []>, transpose_lhs_hint = false} : vector<4096x32xf32>, vector<32x128xf32>, vector<4096x128xf32> -> vector<4096x128xf32>
    %mul3A_68 = arith.mulf %dot_general3A_67, %convert_element_type3A_49 : vector<4096x128xf32>
    %reduce_sum3A_69 = arith.constant dense<0.000000e+00> : vector<4096xf32>
    %reduce_sum3A_70 = vector.multi_reduction <add>, %mul3A_68, %reduce_sum3A_69 [1] : vector<4096x128xf32> to vector<4096xf32>
    %broadcast_in_dim3A_71 = vector.shape_cast %reduce_sum3A_70 : vector<4096xf32> to vector<4096x1xf32>
    %get3A_72 = arith.constant 0 : index
    %get3A_73 = arith.constant 0 : index
    %get3A_74 = vector.load %arg5[%get3A_72, %get3A_73] : memref<32x128xf32, #tpu.memory_space<vmem>>, vector<32x128xf32>
    %dot_general3A_75 = arith.constant dense<0.000000e+00> : vector<4096x128xf32>
    %dot_general3A_76 = tpu.matmul %convert_element_type3A_24, %get3A_74, %dot_general3A_75 {dimension_numbers = #tpu.dot_dimension_numbers<[1], [0], [0], [1], [0, 0, 1, 1], [], []>, transpose_lhs_hint = false} : vector<4096x32xf32>, vector<32x128xf32>, vector<4096x128xf32> -> vector<4096x128xf32>
    %mul3A_77 = arith.mulf %dot_general3A_76, %convert_element_type3A_49 : vector<4096x128xf32>
    %reduce_sum3A_78 = arith.constant dense<0.000000e+00> : vector<4096xf32>
    %reduce_sum3A_79 = vector.multi_reduction <add>, %mul3A_77, %reduce_sum3A_78 [1] : vector<4096x128xf32> to vector<4096xf32>
    %broadcast_in_dim3A_80 = vector.shape_cast %reduce_sum3A_79 : vector<4096xf32> to vector<4096x1xf32>
    %concatenate3A = tpu.concatenate %broadcast_in_dim3A, %broadcast_in_dim3A_62, %broadcast_in_dim3A_71, %broadcast_in_dim3A_80 in 1 : vector<4096x1xf32>, vector<4096x1xf32>, vector<4096x1xf32>, vector<4096x1xf32> -> vector<4096x4xf32>
    %get3A_81 = arith.constant 0 : index
    %get3A_82 = arith.constant 0 : index
    %get3A_83 = vector.load %arg1[%get3A_81, %get3A_82] : memref<4096x128xf32, #tpu.memory_space<vmem>>, vector<4096x128xf32>
    %get3A_84 = arith.constant 0 : index
    %get3A_85 = arith.constant 0 : index
    %get3A_86 = vector.load %arg10[%get3A_84, %get3A_85] : memref<4x128xf32, #tpu.memory_space<vmem>>, vector<4x128xf32>
    %dot_general3A_87 = arith.constant dense<0.000000e+00> : vector<4096x128xf32>
    %dot_general3A_88 = tpu.matmul %concatenate3A, %get3A_86, %dot_general3A_87 {dimension_numbers = #tpu.dot_dimension_numbers<[1], [0], [0], [1], [0, 0, 1, 1], [], []>, transpose_lhs_hint = false} : vector<4096x4xf32>, vector<4x128xf32>, vector<4096x128xf32> -> vector<4096x128xf32>
    %add3A_89 = arith.addf %get3A_83, %dot_general3A_88 : vector<4096x128xf32>
    %max3A = arith.constant 0.000000e+00 : f32
    %max3A_90 = vector.broadcast %max3A : f32 to vector<4096x128xf32>
    %max3A_91 = arith.maximumf %add3A_89, %max3A_90 : vector<4096x128xf32>
    %get3A_92 = arith.constant 0 : index
    %get3A_93 = arith.constant 0 : index
    %get3A_94 = vector.load %arg6[%get3A_92, %get3A_93] : memref<128x128xf32, #tpu.memory_space<vmem>>, vector<128x128xf32>
    %dot_general3A_95 = arith.constant dense<0.000000e+00> : vector<4096x128xf32>
    %dot_general3A_96 = tpu.matmul %max3A_91, %get3A_94, %dot_general3A_95 {dimension_numbers = #tpu.dot_dimension_numbers<[1], [1], [0], [0], [0, 0, 1, 0], [], []>, transpose_lhs_hint = false} : vector<4096x128xf32>, vector<128x128xf32>, vector<4096x128xf32> -> vector<4096x128xf32>
    %get3A_97 = arith.constant 0 : index
    %get3A_98 = arith.constant 0 : index
    %get3A_99 = vector.load %arg7[%get3A_97, %get3A_98] : memref<1x128xf32, #tpu.memory_space<vmem>>, vector<1x128xf32>
    %add3A_100 = vector.broadcast %get3A_99 : vector<1x128xf32> to vector<4096x128xf32>
    %add3A_101 = arith.addf %dot_general3A_96, %add3A_100 : vector<4096x128xf32>
    %max3A_102 = arith.constant 0.000000e+00 : f32
    %max3A_103 = vector.broadcast %max3A_102 : f32 to vector<4096x128xf32>
    %max3A_104 = arith.maximumf %add3A_101, %max3A_103 : vector<4096x128xf32>
    %get3A_105 = arith.constant 0 : index
    %get3A_106 = arith.constant 0 : index
    %get3A_107 = vector.load %arg8[%get3A_105, %get3A_106] : memref<12x128xf32, #tpu.memory_space<vmem>>, vector<12x128xf32>
    %dot_general3A_108 = arith.constant dense<0.000000e+00> : vector<4096x12xf32>
    %dot_general3A_109 = tpu.matmul %max3A_104, %get3A_107, %dot_general3A_108 {dimension_numbers = #tpu.dot_dimension_numbers<[1], [1], [0], [0], [0, 0, 1, 0], [], []>, transpose_lhs_hint = false} : vector<4096x128xf32>, vector<12x128xf32>, vector<4096x12xf32> -> vector<4096x12xf32>
    %get3A_110 = arith.constant 0 : index
    %get3A_111 = arith.constant 0 : index
    %get3A_112 = vector.load %arg9[%get3A_110, %get3A_111] : memref<1x12xf32, #tpu.memory_space<vmem>>, vector<1x12xf32>
    %add3A_113 = vector.broadcast %get3A_112 : vector<1x12xf32> to vector<4096x12xf32>
    %add3A_114 = arith.addf %dot_general3A_109, %add3A_113 : vector<4096x12xf32>
    %reduce_max3A = arith.constant dense<0xFF800000> : vector<4096xf32>
    %reduce_max3A_115 = vector.multi_reduction <maximumf>, %add3A_114, %reduce_max3A [1] : vector<4096x12xf32> to vector<4096xf32>
    %broadcast_in_dim3A_116 = vector.shape_cast %reduce_max3A_115 : vector<4096xf32> to vector<4096x1xf32>
    %sub3A_117 = vector.broadcast %broadcast_in_dim3A_116 : vector<4096x1xf32> to vector<4096x12xf32>
    %sub3A_118 = arith.subf %add3A_114, %sub3A_117 : vector<4096x12xf32>
    %exp3A = math.exp %sub3A_118 : vector<4096x12xf32>
    %iota3A_119 = tpu.iota {dimensions = array<i32: 0>} : vector<12x12xi32>
    %jit3A_120 = arith.constant 4 : i32
    %eq3A_121 = arith.constant 0 : i32
    %eq3A_122 = arith.cmpi eq, %jit3A_120, %eq3A_121 : i32
    %jit3A_123 = arith.constant 1 : i32
    %select_n3A_124 = arith.select %eq3A_122, %jit3A_123, %jit3A_120 : i32
    %rem3A_125 = vector.broadcast %select_n3A_124 : i32 to vector<12x12xi32>
    %rem3A_126 = arith.remsi %iota3A_119, %rem3A_125 : vector<12x12xi32>
    %ne3A_127 = arith.constant 0 : i32
    %ne3A_128 = vector.broadcast %ne3A_127 : i32 to vector<12x12xi32>
    %ne3A_129 = arith.cmpi ne, %rem3A_126, %ne3A_128 : vector<12x12xi32>
    %lt3A_130 = arith.constant 0 : i32
    %lt3A_131 = vector.broadcast %lt3A_130 : i32 to vector<12x12xi32>
    %lt3A_132 = arith.cmpi slt, %rem3A_126, %lt3A_131 : vector<12x12xi32>
    %lt3A_133 = arith.constant 0 : i32
    %lt3A_134 = arith.cmpi slt, %select_n3A_124, %lt3A_133 : i32
    %ne3A_135 = vector.broadcast %lt3A_134 : i1 to vector<12x12xi1>
    %ne3A_136 = vector.broadcast %ne3A_135 : vector<12x12xi1> to vector<12x12xi1>
    %ne3A_137 = arith.xori %lt3A_132, %ne3A_136 : vector<12x12xi1>
    %and3A_138 = arith.andi %ne3A_137, %ne3A_129 : vector<12x12xi1>
    %add3A_139 = vector.broadcast %select_n3A_124 : i32 to vector<12x12xi32>
    %add3A_140 = arith.addi %rem3A_126, %add3A_139 : vector<12x12xi32>
    %select_n3A_141 = arith.select %and3A_138, %add3A_140, %rem3A_126 : vector<12x12xi1>, vector<12x12xi32>
    %iota3A_142 = tpu.iota {dimensions = array<i32: 1>} : vector<12x12xi32>
    %jit3A_143 = arith.constant 4 : i32
    %eq3A_144 = arith.constant 0 : i32
    %eq3A_145 = arith.cmpi eq, %jit3A_143, %eq3A_144 : i32
    %jit3A_146 = arith.constant 1 : i32
    %select_n3A_147 = arith.select %eq3A_145, %jit3A_146, %jit3A_143 : i32
    %rem3A_148 = vector.broadcast %select_n3A_147 : i32 to vector<12x12xi32>
    %rem3A_149 = arith.remsi %iota3A_142, %rem3A_148 : vector<12x12xi32>
    %ne3A_150 = arith.constant 0 : i32
    %ne3A_151 = vector.broadcast %ne3A_150 : i32 to vector<12x12xi32>
    %ne3A_152 = arith.cmpi ne, %rem3A_149, %ne3A_151 : vector<12x12xi32>
    %lt3A_153 = arith.constant 0 : i32
    %lt3A_154 = vector.broadcast %lt3A_153 : i32 to vector<12x12xi32>
    %lt3A_155 = arith.cmpi slt, %rem3A_149, %lt3A_154 : vector<12x12xi32>
    %lt3A_156 = arith.constant 0 : i32
    %lt3A_157 = arith.cmpi slt, %select_n3A_147, %lt3A_156 : i32
    %ne3A_158 = vector.broadcast %lt3A_157 : i1 to vector<12x12xi1>
    %ne3A_159 = vector.broadcast %ne3A_158 : vector<12x12xi1> to vector<12x12xi1>
    %ne3A_160 = arith.xori %lt3A_155, %ne3A_159 : vector<12x12xi1>
    %and3A_161 = arith.andi %ne3A_160, %ne3A_152 : vector<12x12xi1>
    %add3A_162 = vector.broadcast %select_n3A_147 : i32 to vector<12x12xi32>
    %add3A_163 = arith.addi %rem3A_149, %add3A_162 : vector<12x12xi32>
    %select_n3A_164 = arith.select %and3A_161, %add3A_163, %rem3A_149 : vector<12x12xi1>, vector<12x12xi32>
    %eq3A_165 = arith.cmpi eq, %select_n3A_141, %select_n3A_164 : vector<12x12xi32>
    %convert_element_type3A_166 = arith.extui %eq3A_165 : vector<12x12xi1> to vector<12x12xi32>
    %convert_element_type3A_167 = arith.sitofp %convert_element_type3A_166 : vector<12x12xi32> to vector<12x12xf32>
    %dot_general3A_168 = arith.constant dense<0.000000e+00> : vector<4096x12xf32>
    %dot_general3A_169 = tpu.matmul %exp3A, %convert_element_type3A_167, %dot_general3A_168 {dimension_numbers = #tpu.dot_dimension_numbers<[1], [0], [0], [1], [0, 0, 1, 1], [], []>, transpose_lhs_hint = false} : vector<4096x12xf32>, vector<12x12xf32>, vector<4096x12xf32> -> vector<4096x12xf32>
    %div3A_170 = arith.divf %exp3A, %dot_general3A_169 : vector<4096x12xf32>
    %transpose3A = tpu.transpose %div3A_170, [1, 0] : vector<4096x12xf32> -> vector<12x4096xf32>
    %swap3A = arith.constant 0 : index
    %swap3A_171 = arith.constant 0 : index
    %swap3A_172 = vector.load %arg11[%swap3A, %swap3A_171] : memref<12x4096xf32, #tpu.memory_space<vmem>>, vector<12x4096xf32>
    tpu.vector_store %arg11[%swap3A, %swap3A_171], %transpose3A {strides = array<i32>} : memref<12x4096xf32, #tpu.memory_space<vmem>>, vector<12x4096xf32>,
    return
  }
  func.func @transform_0(%arg0: i32) -> (i32, i32) {
    %c0_i32 = arith.constant 0 : i32
    %c0_i32_0 = arith.constant 0 : i32
    return %arg0, %c0_i32 : i32, i32
  }
  func.func @transform_1(%arg0: i32) -> (i32, i32) {
    %c0_i32 = arith.constant 0 : i32
    %c0_i32_0 = arith.constant 0 : i32
    %c0_i32_1 = arith.constant 0 : i32
    return %c0_i32, %c0_i32_0 : i32, i32
  }
  func.func @transform_2(%arg0: i32) -> (i32, i32) {
    %c1_i32 = arith.constant 1 : i32
    %c0_i32 = arith.constant 0 : i32
    %c0_i32_0 = arith.constant 0 : i32
    return %c1_i32, %c0_i32 : i32, i32
  }
  func.func @transform_3(%arg0: i32) -> (i32, i32) {
    %c2_i32 = arith.constant 2 : i32
    %c0_i32 = arith.constant 0 : i32
    %c0_i32_0 = arith.constant 0 : i32
    return %c2_i32, %c0_i32 : i32, i32
  }
  func.func @transform_4(%arg0: i32) -> (i32, i32) {
    %c3_i32 = arith.constant 3 : i32
    %c0_i32 = arith.constant 0 : i32
    %c0_i32_0 = arith.constant 0 : i32
    return %c3_i32, %c0_i32 : i32, i32
  }
  func.func @transform_5(%arg0: i32) -> (i32, i32) {
    %c0_i32 = arith.constant 0 : i32
    %c0_i32_0 = arith.constant 0 : i32
    %c0_i32_1 = arith.constant 0 : i32
    return %c0_i32, %c0_i32_0 : i32, i32
  }
  func.func @transform_6(%arg0: i32) -> (i32, i32) {
    %c0_i32 = arith.constant 0 : i32
    %c0_i32_0 = arith.constant 0 : i32
    %c0_i32_1 = arith.constant 0 : i32
    return %c0_i32, %c0_i32_0 : i32, i32
  }
  func.func @transform_7(%arg0: i32) -> (i32, i32) {
    %c0_i32 = arith.constant 0 : i32
    %c0_i32_0 = arith.constant 0 : i32
    %c0_i32_1 = arith.constant 0 : i32
    return %c0_i32, %c0_i32_0 : i32, i32
  }
  func.func @transform_8(%arg0: i32) -> (i32, i32) {
    %c0_i32 = arith.constant 0 : i32
    %c0_i32_0 = arith.constant 0 : i32
    %c0_i32_1 = arith.constant 0 : i32
    return %c0_i32, %c0_i32_0 : i32, i32
  }
  func.func @transform_9(%arg0: i32) -> (i32, i32) {
    %c0_i32 = arith.constant 0 : i32
    %c0_i32_0 = arith.constant 0 : i32
    %c0_i32_1 = arith.constant 0 : i32
    return %c0_i32, %c0_i32_0 : i32, i32
  }
  func.func @transform_10(%arg0: i32) -> (i32, i32) {
    %c0_i32 = arith.constant 0 : i32
    %c0_i32_0 = arith.constant 0 : i32
    return %c0_i32, %arg0 : i32, i32
  }
}

module attributes {stable_mosaic.version = 14 : i64} {
  func.func @body(%arg0: memref<2x2xf32, #tpu.memory_space<vmem>>, %arg1: memref<2x2xf32, #tpu.memory_space<vmem>>, %arg2: memref<2x2xf32, #tpu.memory_space<vmem>>, %arg3: memref<2x2xf32, #tpu.memory_space<vmem>>, %arg4: memref<2x2xf32, #tpu.memory_space<vmem>>, %arg5: memref<2x2xf32, #tpu.memory_space<vmem>>, %arg6: memref<2x2xf32, #tpu.memory_space<vmem>>, %arg7: memref<2x2xf32, #tpu.memory_space<vmem>>, %arg8: memref<2x2xf32, #tpu.memory_space<vmem>>, %arg9: memref<2x2xf32, #tpu.memory_space<vmem>>, %arg10: memref<2x2xf32, #tpu.memory_space<vmem>>, %arg11: memref<133x16xf32, #tpu.memory_space<vmem>>, %arg12: memref<188x16xf32, #tpu.memory_space<vmem>>, %arg13: memref<32x55xf32, #tpu.memory_space<vmem>>, %arg14: memref<32xf32, #tpu.memory_space<vmem>>, %arg15: memref<32x32xf32, #tpu.memory_space<vmem>>, %arg16: memref<32xf32, #tpu.memory_space<vmem>>, %arg17: memref<3x32xf32, #tpu.memory_space<vmem>>, %arg18: memref<3xf32, #tpu.memory_space<vmem>>, %arg19: memref<594x128xf32, #tpu.memory_space<vmem>>, %arg20: memref<128x128xf32, #tpu.memory_space<vmem>>, %arg21: memref<12x128xf32, #tpu.memory_space<vmem>>, %arg22: memref<4x128xf32, #tpu.memory_space<vmem>>, %arg23: memref<1x128xf32, #tpu.memory_space<vmem>>, %arg24: memref<1x12xf32, #tpu.memory_space<vmem>>) attributes {dimension_semantics = [], scalar_prefetch = 0 : i64, scratch_operands = 0 : i64, tpu.core_type = #tpu.core_type<tc>} {
    %get3A = arith.constant 0 : index
    %get3A_0 = arith.constant 0 : index
    %get3A_1 = vector.load %arg13[%get3A, %get3A_0] : memref<32x55xf32, #tpu.memory_space<vmem>>, vector<32x55xf32>
    %get3A_2 = arith.constant 0 : index
    %get3A_3 = vector.load %arg14[%get3A_2] : memref<32xf32, #tpu.memory_space<vmem>>, vector<32xf32>
    %broadcast_in_dim3A = vector.shape_cast %get3A_3 : vector<32xf32> to vector<1x32xf32>
    %get3A_4 = arith.constant 0 : index
    %get3A_5 = arith.constant 0 : index
    %get3A_6 = vector.load %arg0[%get3A_4, %get3A_5] : memref<2x2xf32, #tpu.memory_space<vmem>>, vector<2x2xf32>
    %slice3A = vector.extract_strided_slice %get3A_1 {offsets = [0, 0], sizes = [32, 2], strides = [1, 1]} : vector<32x55xf32> to vector<32x2xf32>
    %dot_general3A = arith.constant dense<0.000000e+00> : vector<2x32xf32>
    %dot_general3A_7 = tpu.matmul %get3A_6, %slice3A, %dot_general3A {dimension_numbers = #tpu.dot_dimension_numbers<[1], [1], [0], [0], [0, 0, 1, 0], [], []>, transpose_lhs_hint = false} : vector<2x2xf32>, vector<32x2xf32>, vector<2x32xf32> -> vector<2x32xf32>
    %slice3A_8 = vector.extract_strided_slice %dot_general3A_7 {offsets = [0, 0], sizes = [1, 32], strides = [1, 1]} : vector<2x32xf32> to vector<1x32xf32>
    %add3A = arith.addf %broadcast_in_dim3A, %slice3A_8 : vector<1x32xf32>
    %slice3A_9 = vector.extract_strided_slice %dot_general3A_7 {offsets = [1, 0], sizes = [1, 32], strides = [1, 1]} : vector<2x32xf32> to vector<1x32xf32>
    %slice3A_10 = vector.extract_strided_slice %dot_general3A_7 {offsets = [0, 0], sizes = [1, 32], strides = [1, 1]} : vector<2x32xf32> to vector<1x32xf32>
    %sub3A = arith.subf %slice3A_9, %slice3A_10 : vector<1x32xf32>
    %get3A_11 = arith.constant 0 : index
    %get3A_12 = arith.constant 0 : index
    %get3A_13 = vector.load %arg1[%get3A_11, %get3A_12] : memref<2x2xf32, #tpu.memory_space<vmem>>, vector<2x2xf32>
    %slice3A_14 = vector.extract_strided_slice %get3A_1 {offsets = [0, 2], sizes = [32, 2], strides = [1, 1]} : vector<32x55xf32> to vector<32x2xf32>
    %dot_general3A_15 = arith.constant dense<0.000000e+00> : vector<2x32xf32>
    %dot_general3A_16 = tpu.matmul %get3A_13, %slice3A_14, %dot_general3A_15 {dimension_numbers = #tpu.dot_dimension_numbers<[1], [1], [0], [0], [0, 0, 1, 0], [], []>, transpose_lhs_hint = false} : vector<2x2xf32>, vector<32x2xf32>, vector<2x32xf32> -> vector<2x32xf32>
    %slice3A_17 = vector.extract_strided_slice %dot_general3A_16 {offsets = [0, 0], sizes = [1, 32], strides = [1, 1]} : vector<2x32xf32> to vector<1x32xf32>
    %add3A_18 = arith.addf %add3A, %slice3A_17 : vector<1x32xf32>
    %slice3A_19 = vector.extract_strided_slice %dot_general3A_16 {offsets = [1, 0], sizes = [1, 32], strides = [1, 1]} : vector<2x32xf32> to vector<1x32xf32>
    %slice3A_20 = vector.extract_strided_slice %dot_general3A_16 {offsets = [0, 0], sizes = [1, 32], strides = [1, 1]} : vector<2x32xf32> to vector<1x32xf32>
    %sub3A_21 = arith.subf %slice3A_19, %slice3A_20 : vector<1x32xf32>
    %get3A_22 = arith.constant 0 : index
    %get3A_23 = arith.constant 0 : index
    %get3A_24 = vector.load %arg2[%get3A_22, %get3A_23] : memref<2x2xf32, #tpu.memory_space<vmem>>, vector<2x2xf32>
    %slice3A_25 = vector.extract_strided_slice %get3A_1 {offsets = [0, 4], sizes = [32, 2], strides = [1, 1]} : vector<32x55xf32> to vector<32x2xf32>
    %dot_general3A_26 = arith.constant dense<0.000000e+00> : vector<2x32xf32>
    %dot_general3A_27 = tpu.matmul %get3A_24, %slice3A_25, %dot_general3A_26 {dimension_numbers = #tpu.dot_dimension_numbers<[1], [1], [0], [0], [0, 0, 1, 0], [], []>, transpose_lhs_hint = false} : vector<2x2xf32>, vector<32x2xf32>, vector<2x32xf32> -> vector<2x32xf32>
    %slice3A_28 = vector.extract_strided_slice %dot_general3A_27 {offsets = [0, 0], sizes = [1, 32], strides = [1, 1]} : vector<2x32xf32> to vector<1x32xf32>
    %add3A_29 = arith.addf %add3A_18, %slice3A_28 : vector<1x32xf32>
    %slice3A_30 = vector.extract_strided_slice %dot_general3A_27 {offsets = [1, 0], sizes = [1, 32], strides = [1, 1]} : vector<2x32xf32> to vector<1x32xf32>
    %slice3A_31 = vector.extract_strided_slice %dot_general3A_27 {offsets = [0, 0], sizes = [1, 32], strides = [1, 1]} : vector<2x32xf32> to vector<1x32xf32>
    %sub3A_32 = arith.subf %slice3A_30, %slice3A_31 : vector<1x32xf32>
    %get3A_33 = arith.constant 0 : index
    %get3A_34 = arith.constant 0 : index
    %get3A_35 = vector.load %arg3[%get3A_33, %get3A_34] : memref<2x2xf32, #tpu.memory_space<vmem>>, vector<2x2xf32>
    %slice3A_36 = vector.extract_strided_slice %get3A_1 {offsets = [0, 6], sizes = [32, 2], strides = [1, 1]} : vector<32x55xf32> to vector<32x2xf32>
    %dot_general3A_37 = arith.constant dense<0.000000e+00> : vector<2x32xf32>
    %dot_general3A_38 = tpu.matmul %get3A_35, %slice3A_36, %dot_general3A_37 {dimension_numbers = #tpu.dot_dimension_numbers<[1], [1], [0], [0], [0, 0, 1, 0], [], []>, transpose_lhs_hint = false} : vector<2x2xf32>, vector<32x2xf32>, vector<2x32xf32> -> vector<2x32xf32>
    %slice3A_39 = vector.extract_strided_slice %dot_general3A_38 {offsets = [0, 0], sizes = [1, 32], strides = [1, 1]} : vector<2x32xf32> to vector<1x32xf32>
    %add3A_40 = arith.addf %add3A_29, %slice3A_39 : vector<1x32xf32>
    %slice3A_41 = vector.extract_strided_slice %dot_general3A_38 {offsets = [1, 0], sizes = [1, 32], strides = [1, 1]} : vector<2x32xf32> to vector<1x32xf32>
    %slice3A_42 = vector.extract_strided_slice %dot_general3A_38 {offsets = [0, 0], sizes = [1, 32], strides = [1, 1]} : vector<2x32xf32> to vector<1x32xf32>
    %sub3A_43 = arith.subf %slice3A_41, %slice3A_42 : vector<1x32xf32>
    %get3A_44 = arith.constant 0 : index
    %get3A_45 = arith.constant 0 : index
    %get3A_46 = vector.load %arg4[%get3A_44, %get3A_45] : memref<2x2xf32, #tpu.memory_space<vmem>>, vector<2x2xf32>
    %slice3A_47 = vector.extract_strided_slice %get3A_1 {offsets = [0, 8], sizes = [32, 2], strides = [1, 1]} : vector<32x55xf32> to vector<32x2xf32>
    %dot_general3A_48 = arith.constant dense<0.000000e+00> : vector<2x32xf32>
    %dot_general3A_49 = tpu.matmul %get3A_46, %slice3A_47, %dot_general3A_48 {dimension_numbers = #tpu.dot_dimension_numbers<[1], [1], [0], [0], [0, 0, 1, 0], [], []>, transpose_lhs_hint = false} : vector<2x2xf32>, vector<32x2xf32>, vector<2x32xf32> -> vector<2x32xf32>
    %slice3A_50 = vector.extract_strided_slice %dot_general3A_49 {offsets = [0, 0], sizes = [1, 32], strides = [1, 1]} : vector<2x32xf32> to vector<1x32xf32>
    %add3A_51 = arith.addf %add3A_40, %slice3A_50 : vector<1x32xf32>
    %slice3A_52 = vector.extract_strided_slice %dot_general3A_49 {offsets = [1, 0], sizes = [1, 32], strides = [1, 1]} : vector<2x32xf32> to vector<1x32xf32>
    %slice3A_53 = vector.extract_strided_slice %dot_general3A_49 {offsets = [0, 0], sizes = [1, 32], strides = [1, 1]} : vector<2x32xf32> to vector<1x32xf32>
    %sub3A_54 = arith.subf %slice3A_52, %slice3A_53 : vector<1x32xf32>
    %get3A_55 = arith.constant 0 : index
    %get3A_56 = arith.constant 0 : index
    %get3A_57 = vector.load %arg5[%get3A_55, %get3A_56] : memref<2x2xf32, #tpu.memory_space<vmem>>, vector<2x2xf32>
    %slice3A_58 = vector.extract_strided_slice %get3A_1 {offsets = [0, 10], sizes = [32, 2], strides = [1, 1]} : vector<32x55xf32> to vector<32x2xf32>
    %dot_general3A_59 = arith.constant dense<0.000000e+00> : vector<2x32xf32>
    %dot_general3A_60 = tpu.matmul %get3A_57, %slice3A_58, %dot_general3A_59 {dimension_numbers = #tpu.dot_dimension_numbers<[1], [1], [0], [0], [0, 0, 1, 0], [], []>, transpose_lhs_hint = false} : vector<2x2xf32>, vector<32x2xf32>, vector<2x32xf32> -> vector<2x32xf32>
    %slice3A_61 = vector.extract_strided_slice %dot_general3A_60 {offsets = [0, 0], sizes = [1, 32], strides = [1, 1]} : vector<2x32xf32> to vector<1x32xf32>
    %add3A_62 = arith.addf %add3A_51, %slice3A_61 : vector<1x32xf32>
    %slice3A_63 = vector.extract_strided_slice %dot_general3A_60 {offsets = [1, 0], sizes = [1, 32], strides = [1, 1]} : vector<2x32xf32> to vector<1x32xf32>
    %slice3A_64 = vector.extract_strided_slice %dot_general3A_60 {offsets = [0, 0], sizes = [1, 32], strides = [1, 1]} : vector<2x32xf32> to vector<1x32xf32>
    %sub3A_65 = arith.subf %slice3A_63, %slice3A_64 : vector<1x32xf32>
    %get3A_66 = arith.constant 0 : index
    %get3A_67 = arith.constant 0 : index
    %get3A_68 = vector.load %arg6[%get3A_66, %get3A_67] : memref<2x2xf32, #tpu.memory_space<vmem>>, vector<2x2xf32>
    %slice3A_69 = vector.extract_strided_slice %get3A_1 {offsets = [0, 12], sizes = [32, 2], strides = [1, 1]} : vector<32x55xf32> to vector<32x2xf32>
    %dot_general3A_70 = arith.constant dense<0.000000e+00> : vector<2x32xf32>
    %dot_general3A_71 = tpu.matmul %get3A_68, %slice3A_69, %dot_general3A_70 {dimension_numbers = #tpu.dot_dimension_numbers<[1], [1], [0], [0], [0, 0, 1, 0], [], []>, transpose_lhs_hint = false} : vector<2x2xf32>, vector<32x2xf32>, vector<2x32xf32> -> vector<2x32xf32>
    %slice3A_72 = vector.extract_strided_slice %dot_general3A_71 {offsets = [0, 0], sizes = [1, 32], strides = [1, 1]} : vector<2x32xf32> to vector<1x32xf32>
    %add3A_73 = arith.addf %add3A_62, %slice3A_72 : vector<1x32xf32>
    %slice3A_74 = vector.extract_strided_slice %dot_general3A_71 {offsets = [1, 0], sizes = [1, 32], strides = [1, 1]} : vector<2x32xf32> to vector<1x32xf32>
    %slice3A_75 = vector.extract_strided_slice %dot_general3A_71 {offsets = [0, 0], sizes = [1, 32], strides = [1, 1]} : vector<2x32xf32> to vector<1x32xf32>
    %sub3A_76 = arith.subf %slice3A_74, %slice3A_75 : vector<1x32xf32>
    %get3A_77 = arith.constant 0 : index
    %get3A_78 = arith.constant 0 : index
    %get3A_79 = vector.load %arg7[%get3A_77, %get3A_78] : memref<2x2xf32, #tpu.memory_space<vmem>>, vector<2x2xf32>
    %slice3A_80 = vector.extract_strided_slice %get3A_1 {offsets = [0, 14], sizes = [32, 2], strides = [1, 1]} : vector<32x55xf32> to vector<32x2xf32>
    %dot_general3A_81 = arith.constant dense<0.000000e+00> : vector<2x32xf32>
    %dot_general3A_82 = tpu.matmul %get3A_79, %slice3A_80, %dot_general3A_81 {dimension_numbers = #tpu.dot_dimension_numbers<[1], [1], [0], [0], [0, 0, 1, 0], [], []>, transpose_lhs_hint = false} : vector<2x2xf32>, vector<32x2xf32>, vector<2x32xf32> -> vector<2x32xf32>
    %slice3A_83 = vector.extract_strided_slice %dot_general3A_82 {offsets = [0, 0], sizes = [1, 32], strides = [1, 1]} : vector<2x32xf32> to vector<1x32xf32>
    %add3A_84 = arith.addf %add3A_73, %slice3A_83 : vector<1x32xf32>
    %slice3A_85 = vector.extract_strided_slice %dot_general3A_82 {offsets = [1, 0], sizes = [1, 32], strides = [1, 1]} : vector<2x32xf32> to vector<1x32xf32>
    %slice3A_86 = vector.extract_strided_slice %dot_general3A_82 {offsets = [0, 0], sizes = [1, 32], strides = [1, 1]} : vector<2x32xf32> to vector<1x32xf32>
    %sub3A_87 = arith.subf %slice3A_85, %slice3A_86 : vector<1x32xf32>
    %get3A_88 = arith.constant 0 : index
    %get3A_89 = arith.constant 0 : index
    %get3A_90 = vector.load %arg8[%get3A_88, %get3A_89] : memref<2x2xf32, #tpu.memory_space<vmem>>, vector<2x2xf32>
    %slice3A_91 = vector.extract_strided_slice %get3A_1 {offsets = [0, 16], sizes = [32, 2], strides = [1, 1]} : vector<32x55xf32> to vector<32x2xf32>
    %dot_general3A_92 = arith.constant dense<0.000000e+00> : vector<2x32xf32>
    %dot_general3A_93 = tpu.matmul %get3A_90, %slice3A_91, %dot_general3A_92 {dimension_numbers = #tpu.dot_dimension_numbers<[1], [1], [0], [0], [0, 0, 1, 0], [], []>, transpose_lhs_hint = false} : vector<2x2xf32>, vector<32x2xf32>, vector<2x32xf32> -> vector<2x32xf32>
    %slice3A_94 = vector.extract_strided_slice %dot_general3A_93 {offsets = [0, 0], sizes = [1, 32], strides = [1, 1]} : vector<2x32xf32> to vector<1x32xf32>
    %add3A_95 = arith.addf %add3A_84, %slice3A_94 : vector<1x32xf32>
    %slice3A_96 = vector.extract_strided_slice %dot_general3A_93 {offsets = [1, 0], sizes = [1, 32], strides = [1, 1]} : vector<2x32xf32> to vector<1x32xf32>
    %slice3A_97 = vector.extract_strided_slice %dot_general3A_93 {offsets = [0, 0], sizes = [1, 32], strides = [1, 1]} : vector<2x32xf32> to vector<1x32xf32>
    %sub3A_98 = arith.subf %slice3A_96, %slice3A_97 : vector<1x32xf32>
    %get3A_99 = arith.constant 0 : index
    %get3A_100 = arith.constant 0 : index
    %get3A_101 = vector.load %arg9[%get3A_99, %get3A_100] : memref<2x2xf32, #tpu.memory_space<vmem>>, vector<2x2xf32>
    %slice3A_102 = vector.extract_strided_slice %get3A_1 {offsets = [0, 18], sizes = [32, 2], strides = [1, 1]} : vector<32x55xf32> to vector<32x2xf32>
    %dot_general3A_103 = arith.constant dense<0.000000e+00> : vector<2x32xf32>
    %dot_general3A_104 = tpu.matmul %get3A_101, %slice3A_102, %dot_general3A_103 {dimension_numbers = #tpu.dot_dimension_numbers<[1], [1], [0], [0], [0, 0, 1, 0], [], []>, transpose_lhs_hint = false} : vector<2x2xf32>, vector<32x2xf32>, vector<2x32xf32> -> vector<2x32xf32>
    %slice3A_105 = vector.extract_strided_slice %dot_general3A_104 {offsets = [0, 0], sizes = [1, 32], strides = [1, 1]} : vector<2x32xf32> to vector<1x32xf32>
    %add3A_106 = arith.addf %add3A_95, %slice3A_105 : vector<1x32xf32>
    %slice3A_107 = vector.extract_strided_slice %dot_general3A_104 {offsets = [1, 0], sizes = [1, 32], strides = [1, 1]} : vector<2x32xf32> to vector<1x32xf32>
    %slice3A_108 = vector.extract_strided_slice %dot_general3A_104 {offsets = [0, 0], sizes = [1, 32], strides = [1, 1]} : vector<2x32xf32> to vector<1x32xf32>
    %sub3A_109 = arith.subf %slice3A_107, %slice3A_108 : vector<1x32xf32>
    %get3A_110 = arith.constant 0 : index
    %get3A_111 = arith.constant 0 : index
    %get3A_112 = vector.load %arg10[%get3A_110, %get3A_111] : memref<2x2xf32, #tpu.memory_space<vmem>>, vector<2x2xf32>
    %slice3A_113 = vector.extract_strided_slice %get3A_1 {offsets = [0, 20], sizes = [32, 2], strides = [1, 1]} : vector<32x55xf32> to vector<32x2xf32>
    %dot_general3A_114 = arith.constant dense<0.000000e+00> : vector<2x32xf32>
    %dot_general3A_115 = tpu.matmul %get3A_112, %slice3A_113, %dot_general3A_114 {dimension_numbers = #tpu.dot_dimension_numbers<[1], [1], [0], [0], [0, 0, 1, 0], [], []>, transpose_lhs_hint = false} : vector<2x2xf32>, vector<32x2xf32>, vector<2x32xf32> -> vector<2x32xf32>
    %slice3A_116 = vector.extract_strided_slice %dot_general3A_115 {offsets = [0, 0], sizes = [1, 32], strides = [1, 1]} : vector<2x32xf32> to vector<1x32xf32>
    %add3A_117 = arith.addf %add3A_106, %slice3A_116 : vector<1x32xf32>
    %slice3A_118 = vector.extract_strided_slice %dot_general3A_115 {offsets = [1, 0], sizes = [1, 32], strides = [1, 1]} : vector<2x32xf32> to vector<1x32xf32>
    %slice3A_119 = vector.extract_strided_slice %dot_general3A_115 {offsets = [0, 0], sizes = [1, 32], strides = [1, 1]} : vector<2x32xf32> to vector<1x32xf32>
    %sub3A_120 = arith.subf %slice3A_118, %slice3A_119 : vector<1x32xf32>
    %concatenate3A = tpu.concatenate %sub3A, %sub3A_21, %sub3A_32, %sub3A_43, %sub3A_54, %sub3A_65, %sub3A_76, %sub3A_87, %sub3A_98, %sub3A_109, %sub3A_120 in 0 : vector<1x32xf32>, vector<1x32xf32>, vector<1x32xf32>, vector<1x32xf32>, vector<1x32xf32>, vector<1x32xf32>, vector<1x32xf32>, vector<1x32xf32>, vector<1x32xf32>, vector<1x32xf32>, vector<1x32xf32> -> vector<11x32xf32>
    %iota3A = tpu.iota {dimensions = array<i32: 0>} : vector<512x44xi32>
    %iota3A_121 = tpu.iota {dimensions = array<i32: 1>} : vector<512x44xi32>
    %mul3A = arith.constant 4 : i32
    %mul3A_122 = vector.broadcast %mul3A : i32 to vector<512x44xi32>
    %mul3A_123 = arith.muli %mul3A_122, %iota3A : vector<512x44xi32>
    %jit3A = arith.constant 11 : i32
    %div3A = vector.broadcast %jit3A : i32 to vector<512x44xi32>
    %div3A_124 = arith.divsi %iota3A_121, %div3A : vector<512x44xi32>
    %sign3A = arith.constant 0 : i32
    %sign3A_125 = vector.broadcast %sign3A : i32 to vector<512x44xi32>
    %sign3A_126 = arith.cmpi sgt, %iota3A_121, %sign3A_125 : vector<512x44xi32>
    %sign3A_127 = arith.extui %sign3A_126 : vector<512x44xi1> to vector<512x44xi32>
    %sign3A_128 = arith.constant 0 : i32
    %sign3A_129 = vector.broadcast %sign3A_128 : i32 to vector<512x44xi32>
    %sign3A_130 = arith.cmpi slt, %iota3A_121, %sign3A_129 : vector<512x44xi32>
    %sign3A_131 = arith.extui %sign3A_130 : vector<512x44xi1> to vector<512x44xi32>
    %sign3A_132 = arith.subi %sign3A_127, %sign3A_131 : vector<512x44xi32>
    %sign3A_133 = arith.constant 0 : i32
    %sign3A_134 = arith.cmpi sgt, %jit3A, %sign3A_133 : i32
    %sign3A_135 = arith.extui %sign3A_134 : i1 to i32
    %sign3A_136 = arith.constant 0 : i32
    %sign3A_137 = arith.cmpi slt, %jit3A, %sign3A_136 : i32
    %sign3A_138 = arith.extui %sign3A_137 : i1 to i32
    %sign3A_139 = arith.subi %sign3A_135, %sign3A_138 : i32
    %ne3A = vector.broadcast %sign3A_139 : i32 to vector<512x44xi32>
    %ne3A_140 = arith.cmpi ne, %sign3A_132, %ne3A : vector<512x44xi32>
    %rem3A = vector.broadcast %jit3A : i32 to vector<512x44xi32>
    %rem3A_141 = arith.remsi %iota3A_121, %rem3A : vector<512x44xi32>
    %ne3A_142 = arith.constant 0 : i32
    %ne3A_143 = vector.broadcast %ne3A_142 : i32 to vector<512x44xi32>
    %ne3A_144 = arith.cmpi ne, %rem3A_141, %ne3A_143 : vector<512x44xi32>
    %and3A = arith.andi %ne3A_140, %ne3A_144 : vector<512x44xi1>
    %sub3A_145 = arith.constant 1 : i32
    %sub3A_146 = vector.broadcast %sub3A_145 : i32 to vector<512x44xi32>
    %sub3A_147 = arith.subi %div3A_124, %sub3A_146 : vector<512x44xi32>
    %select_n3A = arith.select %and3A, %sub3A_147, %div3A_124 : vector<512x44xi1>, vector<512x44xi32>
    %add3A_148 = arith.addi %mul3A_123, %select_n3A : vector<512x44xi32>
    %jit3A_149 = arith.constant 11 : i32
    %eq3A = arith.constant 0 : i32
    %eq3A_150 = arith.cmpi eq, %jit3A_149, %eq3A : i32
    %jit3A_151 = arith.constant 1 : i32
    %select_n3A_152 = arith.select %eq3A_150, %jit3A_151, %jit3A_149 : i32
    %rem3A_153 = vector.broadcast %select_n3A_152 : i32 to vector<512x44xi32>
    %rem3A_154 = arith.remsi %iota3A_121, %rem3A_153 : vector<512x44xi32>
    %ne3A_155 = arith.constant 0 : i32
    %ne3A_156 = vector.broadcast %ne3A_155 : i32 to vector<512x44xi32>
    %ne3A_157 = arith.cmpi ne, %rem3A_154, %ne3A_156 : vector<512x44xi32>
    %lt3A = arith.constant 0 : i32
    %lt3A_158 = vector.broadcast %lt3A : i32 to vector<512x44xi32>
    %lt3A_159 = arith.cmpi slt, %rem3A_154, %lt3A_158 : vector<512x44xi32>
    %lt3A_160 = arith.constant 0 : i32
    %lt3A_161 = arith.cmpi slt, %select_n3A_152, %lt3A_160 : i32
    %ne3A_162 = vector.broadcast %lt3A_161 : i1 to vector<512x44xi1>
    %ne3A_163 = vector.broadcast %ne3A_162 : vector<512x44xi1> to vector<512x44xi1>
    %ne3A_164 = arith.xori %lt3A_159, %ne3A_163 : vector<512x44xi1>
    %and3A_165 = arith.andi %ne3A_164, %ne3A_157 : vector<512x44xi1>
    %add3A_166 = vector.broadcast %select_n3A_152 : i32 to vector<512x44xi32>
    %add3A_167 = arith.addi %rem3A_154, %add3A_166 : vector<512x44xi32>
    %select_n3A_168 = arith.select %and3A_165, %add3A_167, %rem3A_154 : vector<512x44xi1>, vector<512x44xi32>
    %shift_right_arithmetic3A = arith.shrsi %add3A_148, %select_n3A_168 : vector<512x44xi32>
    %and3A_169 = arith.constant 1 : i32
    %and3A_170 = vector.broadcast %and3A_169 : i32 to vector<512x44xi32>
    %and3A_171 = arith.andi %shift_right_arithmetic3A, %and3A_170 : vector<512x44xi32>
    %convert_element_type3A = arith.sitofp %and3A_171 : vector<512x44xi32> to vector<512x44xf32>
    %broadcast_in_dim3A_172 = arith.constant 0.000000e+00 : f32
    %broadcast_in_dim3A_173 = vector.broadcast %broadcast_in_dim3A_172 : f32 to vector<11x32xf32>
    %concatenate3A_174 = tpu.concatenate %concatenate3A, %broadcast_in_dim3A_173, %broadcast_in_dim3A_173, %broadcast_in_dim3A_173 in 1 : vector<11x32xf32>, vector<11x32xf32>, vector<11x32xf32>, vector<11x32xf32> -> vector<11x128xf32>
    %concatenate3A_175 = tpu.concatenate %broadcast_in_dim3A_173, %concatenate3A, %broadcast_in_dim3A_173, %broadcast_in_dim3A_173 in 1 : vector<11x32xf32>, vector<11x32xf32>, vector<11x32xf32>, vector<11x32xf32> -> vector<11x128xf32>
    %concatenate3A_176 = tpu.concatenate %broadcast_in_dim3A_173, %broadcast_in_dim3A_173, %concatenate3A, %broadcast_in_dim3A_173 in 1 : vector<11x32xf32>, vector<11x32xf32>, vector<11x32xf32>, vector<11x32xf32> -> vector<11x128xf32>
    %concatenate3A_177 = tpu.concatenate %broadcast_in_dim3A_173, %broadcast_in_dim3A_173, %broadcast_in_dim3A_173, %concatenate3A in 1 : vector<11x32xf32>, vector<11x32xf32>, vector<11x32xf32>, vector<11x32xf32> -> vector<11x128xf32>
    %concatenate3A_178 = tpu.concatenate %concatenate3A_174, %concatenate3A_175, %concatenate3A_176, %concatenate3A_177 in 0 : vector<11x128xf32>, vector<11x128xf32>, vector<11x128xf32>, vector<11x128xf32> -> vector<44x128xf32>
    %concatenate3A_179 = tpu.concatenate %add3A_117, %add3A_117, %add3A_117, %add3A_117 in 1 : vector<1x32xf32>, vector<1x32xf32>, vector<1x32xf32>, vector<1x32xf32> -> vector<1x128xf32>
    %dot_general3A_180 = arith.constant dense<0.000000e+00> : vector<512x128xf32>
    %dot_general3A_181 = tpu.matmul %convert_element_type3A, %concatenate3A_178, %dot_general3A_180 {dimension_numbers = #tpu.dot_dimension_numbers<[1], [0], [0], [1], [0, 0, 1, 1], [], []>, transpose_lhs_hint = false} : vector<512x44xf32>, vector<44x128xf32>, vector<512x128xf32> -> vector<512x128xf32>
    %add3A_182 = vector.broadcast %concatenate3A_179 : vector<1x128xf32> to vector<512x128xf32>
    %add3A_183 = arith.addf %add3A_182, %dot_general3A_181 : vector<512x128xf32>
    %get3A_184 = arith.constant 0 : index
    %get3A_185 = arith.constant 0 : index
    %get3A_186 = vector.load %arg11[%get3A_184, %get3A_185] : memref<133x16xf32, #tpu.memory_space<vmem>>, vector<133x16xf32>
    %slice3A_187 = vector.extract_strided_slice %get3A_1 {offsets = [0, 22], sizes = [32, 16], strides = [1, 1]} : vector<32x55xf32> to vector<32x16xf32>
    %dot_general3A_188 = arith.constant dense<0.000000e+00> : vector<133x32xf32>
    %dot_general3A_189 = tpu.matmul %get3A_186, %slice3A_187, %dot_general3A_188 {dimension_numbers = #tpu.dot_dimension_numbers<[1], [1], [0], [0], [0, 0, 1, 0], [], []>, transpose_lhs_hint = false} : vector<133x16xf32>, vector<32x16xf32>, vector<133x32xf32> -> vector<133x32xf32>
    %get3A_190 = arith.constant 0 : index
    %get3A_191 = arith.constant 0 : index
    %get3A_192 = vector.load %arg12[%get3A_190, %get3A_191] : memref<188x16xf32, #tpu.memory_space<vmem>>, vector<188x16xf32>
    %slice3A_193 = vector.extract_strided_slice %get3A_1 {offsets = [0, 38], sizes = [32, 16], strides = [1, 1]} : vector<32x55xf32> to vector<32x16xf32>
    %dot_general3A_194 = arith.constant dense<0.000000e+00> : vector<188x32xf32>
    %dot_general3A_195 = tpu.matmul %get3A_192, %slice3A_193, %dot_general3A_194 {dimension_numbers = #tpu.dot_dimension_numbers<[1], [1], [0], [0], [0, 0, 1, 0], [], []>, transpose_lhs_hint = false} : vector<188x16xf32>, vector<32x16xf32>, vector<188x32xf32> -> vector<188x32xf32>
    %iota3A_196 = tpu.iota {dimensions = array<i32: 0>} : vector<34x133xi32>
    %iota3A_197 = tpu.iota {dimensions = array<i32: 1>} : vector<34x133xi32>
    %mul3A_198 = arith.constant 4 : i32
    %mul3A_199 = vector.broadcast %mul3A_198 : i32 to vector<34x133xi32>
    %mul3A_200 = arith.muli %mul3A_199, %iota3A_196 : vector<34x133xi32>
    %add3A_201 = arith.constant 0 : i32
    %add3A_202 = vector.broadcast %add3A_201 : i32 to vector<34x133xi32>
    %add3A_203 = arith.addi %mul3A_200, %add3A_202 : vector<34x133xi32>
    %eq3A_204 = arith.cmpi eq, %iota3A_197, %add3A_203 : vector<34x133xi32>
    %convert_element_type3A_205 = arith.extui %eq3A_204 : vector<34x133xi1> to vector<34x133xi32>
    %convert_element_type3A_206 = arith.sitofp %convert_element_type3A_205 : vector<34x133xi32> to vector<34x133xf32>
    %dot_general3A_207 = arith.constant dense<0.000000e+00> : vector<34x32xf32>
    %dot_general3A_208 = tpu.matmul %convert_element_type3A_206, %dot_general3A_189, %dot_general3A_207 {dimension_numbers = #tpu.dot_dimension_numbers<[1], [0], [0], [1], [0, 0, 1, 1], [], []>, transpose_lhs_hint = false} : vector<34x133xf32>, vector<133x32xf32>, vector<34x32xf32> -> vector<34x32xf32>
    %iota3A_209 = tpu.iota {dimensions = array<i32: 0>} : vector<34x133xi32>
    %iota3A_210 = tpu.iota {dimensions = array<i32: 1>} : vector<34x133xi32>
    %mul3A_211 = arith.constant 4 : i32
    %mul3A_212 = vector.broadcast %mul3A_211 : i32 to vector<34x133xi32>
    %mul3A_213 = arith.muli %mul3A_212, %iota3A_209 : vector<34x133xi32>
    %add3A_214 = arith.constant 1 : i32
    %add3A_215 = vector.broadcast %add3A_214 : i32 to vector<34x133xi32>
    %add3A_216 = arith.addi %mul3A_213, %add3A_215 : vector<34x133xi32>
    %eq3A_217 = arith.cmpi eq, %iota3A_210, %add3A_216 : vector<34x133xi32>
    %convert_element_type3A_218 = arith.extui %eq3A_217 : vector<34x133xi1> to vector<34x133xi32>
    %convert_element_type3A_219 = arith.sitofp %convert_element_type3A_218 : vector<34x133xi32> to vector<34x133xf32>
    %dot_general3A_220 = arith.constant dense<0.000000e+00> : vector<34x32xf32>
    %dot_general3A_221 = tpu.matmul %convert_element_type3A_219, %dot_general3A_189, %dot_general3A_220 {dimension_numbers = #tpu.dot_dimension_numbers<[1], [0], [0], [1], [0, 0, 1, 1], [], []>, transpose_lhs_hint = false} : vector<34x133xf32>, vector<133x32xf32>, vector<34x32xf32> -> vector<34x32xf32>
    %iota3A_222 = tpu.iota {dimensions = array<i32: 0>} : vector<34x133xi32>
    %iota3A_223 = tpu.iota {dimensions = array<i32: 1>} : vector<34x133xi32>
    %mul3A_224 = arith.constant 4 : i32
    %mul3A_225 = vector.broadcast %mul3A_224 : i32 to vector<34x133xi32>
    %mul3A_226 = arith.muli %mul3A_225, %iota3A_222 : vector<34x133xi32>
    %add3A_227 = arith.constant 2 : i32
    %add3A_228 = vector.broadcast %add3A_227 : i32 to vector<34x133xi32>
    %add3A_229 = arith.addi %mul3A_226, %add3A_228 : vector<34x133xi32>
    %eq3A_230 = arith.cmpi eq, %iota3A_223, %add3A_229 : vector<34x133xi32>
    %convert_element_type3A_231 = arith.extui %eq3A_230 : vector<34x133xi1> to vector<34x133xi32>
    %convert_element_type3A_232 = arith.sitofp %convert_element_type3A_231 : vector<34x133xi32> to vector<34x133xf32>
    %dot_general3A_233 = arith.constant dense<0.000000e+00> : vector<34x32xf32>
    %dot_general3A_234 = tpu.matmul %convert_element_type3A_232, %dot_general3A_189, %dot_general3A_233 {dimension_numbers = #tpu.dot_dimension_numbers<[1], [0], [0], [1], [0, 0, 1, 1], [], []>, transpose_lhs_hint = false} : vector<34x133xf32>, vector<133x32xf32>, vector<34x32xf32> -> vector<34x32xf32>
    %iota3A_235 = tpu.iota {dimensions = array<i32: 0>} : vector<34x133xi32>
    %iota3A_236 = tpu.iota {dimensions = array<i32: 1>} : vector<34x133xi32>
    %mul3A_237 = arith.constant 4 : i32
    %mul3A_238 = vector.broadcast %mul3A_237 : i32 to vector<34x133xi32>
    %mul3A_239 = arith.muli %mul3A_238, %iota3A_235 : vector<34x133xi32>
    %add3A_240 = arith.constant 3 : i32
    %add3A_241 = vector.broadcast %add3A_240 : i32 to vector<34x133xi32>
    %add3A_242 = arith.addi %mul3A_239, %add3A_241 : vector<34x133xi32>
    %eq3A_243 = arith.cmpi eq, %iota3A_236, %add3A_242 : vector<34x133xi32>
    %convert_element_type3A_244 = arith.extui %eq3A_243 : vector<34x133xi1> to vector<34x133xi32>
    %convert_element_type3A_245 = arith.sitofp %convert_element_type3A_244 : vector<34x133xi32> to vector<34x133xf32>
    %dot_general3A_246 = arith.constant dense<0.000000e+00> : vector<34x32xf32>
    %dot_general3A_247 = tpu.matmul %convert_element_type3A_245, %dot_general3A_189, %dot_general3A_246 {dimension_numbers = #tpu.dot_dimension_numbers<[1], [0], [0], [1], [0, 0, 1, 1], [], []>, transpose_lhs_hint = false} : vector<34x133xf32>, vector<133x32xf32>, vector<34x32xf32> -> vector<34x32xf32>
    %concatenate3A_248 = tpu.concatenate %dot_general3A_208, %dot_general3A_221, %dot_general3A_234, %dot_general3A_247 in 1 : vector<34x32xf32>, vector<34x32xf32>, vector<34x32xf32>, vector<34x32xf32> -> vector<34x128xf32>
    %iota3A_249 = tpu.iota {dimensions = array<i32: 0>} : vector<47x188xi32>
    %iota3A_250 = tpu.iota {dimensions = array<i32: 1>} : vector<47x188xi32>
    %mul3A_251 = arith.constant 4 : i32
    %mul3A_252 = vector.broadcast %mul3A_251 : i32 to vector<47x188xi32>
    %mul3A_253 = arith.muli %mul3A_252, %iota3A_249 : vector<47x188xi32>
    %add3A_254 = arith.constant 0 : i32
    %add3A_255 = vector.broadcast %add3A_254 : i32 to vector<47x188xi32>
    %add3A_256 = arith.addi %mul3A_253, %add3A_255 : vector<47x188xi32>
    %eq3A_257 = arith.cmpi eq, %iota3A_250, %add3A_256 : vector<47x188xi32>
    %convert_element_type3A_258 = arith.extui %eq3A_257 : vector<47x188xi1> to vector<47x188xi32>
    %convert_element_type3A_259 = arith.sitofp %convert_element_type3A_258 : vector<47x188xi32> to vector<47x188xf32>
    %dot_general3A_260 = arith.constant dense<0.000000e+00> : vector<47x32xf32>
    %dot_general3A_261 = tpu.matmul %convert_element_type3A_259, %dot_general3A_195, %dot_general3A_260 {dimension_numbers = #tpu.dot_dimension_numbers<[1], [0], [0], [1], [0, 0, 1, 1], [], []>, transpose_lhs_hint = false} : vector<47x188xf32>, vector<188x32xf32>, vector<47x32xf32> -> vector<47x32xf32>
    %iota3A_262 = tpu.iota {dimensions = array<i32: 0>} : vector<47x188xi32>
    %iota3A_263 = tpu.iota {dimensions = array<i32: 1>} : vector<47x188xi32>
    %mul3A_264 = arith.constant 4 : i32
    %mul3A_265 = vector.broadcast %mul3A_264 : i32 to vector<47x188xi32>
    %mul3A_266 = arith.muli %mul3A_265, %iota3A_262 : vector<47x188xi32>
    %add3A_267 = arith.constant 1 : i32
    %add3A_268 = vector.broadcast %add3A_267 : i32 to vector<47x188xi32>
    %add3A_269 = arith.addi %mul3A_266, %add3A_268 : vector<47x188xi32>
    %eq3A_270 = arith.cmpi eq, %iota3A_263, %add3A_269 : vector<47x188xi32>
    %convert_element_type3A_271 = arith.extui %eq3A_270 : vector<47x188xi1> to vector<47x188xi32>
    %convert_element_type3A_272 = arith.sitofp %convert_element_type3A_271 : vector<47x188xi32> to vector<47x188xf32>
    %dot_general3A_273 = arith.constant dense<0.000000e+00> : vector<47x32xf32>
    %dot_general3A_274 = tpu.matmul %convert_element_type3A_272, %dot_general3A_195, %dot_general3A_273 {dimension_numbers = #tpu.dot_dimension_numbers<[1], [0], [0], [1], [0, 0, 1, 1], [], []>, transpose_lhs_hint = false} : vector<47x188xf32>, vector<188x32xf32>, vector<47x32xf32> -> vector<47x32xf32>
    %iota3A_275 = tpu.iota {dimensions = array<i32: 0>} : vector<47x188xi32>
    %iota3A_276 = tpu.iota {dimensions = array<i32: 1>} : vector<47x188xi32>
    %mul3A_277 = arith.constant 4 : i32
    %mul3A_278 = vector.broadcast %mul3A_277 : i32 to vector<47x188xi32>
    %mul3A_279 = arith.muli %mul3A_278, %iota3A_275 : vector<47x188xi32>
    %add3A_280 = arith.constant 2 : i32
    %add3A_281 = vector.broadcast %add3A_280 : i32 to vector<47x188xi32>
    %add3A_282 = arith.addi %mul3A_279, %add3A_281 : vector<47x188xi32>
    %eq3A_283 = arith.cmpi eq, %iota3A_276, %add3A_282 : vector<47x188xi32>
    %convert_element_type3A_284 = arith.extui %eq3A_283 : vector<47x188xi1> to vector<47x188xi32>
    %convert_element_type3A_285 = arith.sitofp %convert_element_type3A_284 : vector<47x188xi32> to vector<47x188xf32>
    %dot_general3A_286 = arith.constant dense<0.000000e+00> : vector<47x32xf32>
    %dot_general3A_287 = tpu.matmul %convert_element_type3A_285, %dot_general3A_195, %dot_general3A_286 {dimension_numbers = #tpu.dot_dimension_numbers<[1], [0], [0], [1], [0, 0, 1, 1], [], []>, transpose_lhs_hint = false} : vector<47x188xf32>, vector<188x32xf32>, vector<47x32xf32> -> vector<47x32xf32>
    %iota3A_288 = tpu.iota {dimensions = array<i32: 0>} : vector<47x188xi32>
    %iota3A_289 = tpu.iota {dimensions = array<i32: 1>} : vector<47x188xi32>
    %mul3A_290 = arith.constant 4 : i32
    %mul3A_291 = vector.broadcast %mul3A_290 : i32 to vector<47x188xi32>
    %mul3A_292 = arith.muli %mul3A_291, %iota3A_288 : vector<47x188xi32>
    %add3A_293 = arith.constant 3 : i32
    %add3A_294 = vector.broadcast %add3A_293 : i32 to vector<47x188xi32>
    %add3A_295 = arith.addi %mul3A_292, %add3A_294 : vector<47x188xi32>
    %eq3A_296 = arith.cmpi eq, %iota3A_289, %add3A_295 : vector<47x188xi32>
    %convert_element_type3A_297 = arith.extui %eq3A_296 : vector<47x188xi1> to vector<47x188xi32>
    %convert_element_type3A_298 = arith.sitofp %convert_element_type3A_297 : vector<47x188xi32> to vector<47x188xf32>
    %dot_general3A_299 = arith.constant dense<0.000000e+00> : vector<47x32xf32>
    %dot_general3A_300 = tpu.matmul %convert_element_type3A_298, %dot_general3A_195, %dot_general3A_299 {dimension_numbers = #tpu.dot_dimension_numbers<[1], [0], [0], [1], [0, 0, 1, 1], [], []>, transpose_lhs_hint = false} : vector<47x188xf32>, vector<188x32xf32>, vector<47x32xf32> -> vector<47x32xf32>
    %concatenate3A_301 = tpu.concatenate %dot_general3A_261, %dot_general3A_274, %dot_general3A_287, %dot_general3A_300 in 1 : vector<47x32xf32>, vector<47x32xf32>, vector<47x32xf32>, vector<47x32xf32> -> vector<47x128xf32>
    %slice3A_302 = vector.extract_strided_slice %get3A_1 {offsets = [0, 54], sizes = [32, 1], strides = [1, 1]} : vector<32x55xf32> to vector<32x1xf32>
    %broadcast_in_dim3A_303 = arith.constant 1.000000e+00 : f32
    %broadcast_in_dim3A_304 = vector.broadcast %broadcast_in_dim3A_303 : f32 to vector<1x1xf32>
    %dot_general3A_305 = arith.constant dense<0.000000e+00> : vector<1x32xf32>
    %dot_general3A_306 = tpu.matmul %broadcast_in_dim3A_304, %slice3A_302, %dot_general3A_305 {dimension_numbers = #tpu.dot_dimension_numbers<[1], [1], [0], [0], [0, 0, 1, 0], [], []>, transpose_lhs_hint = false} : vector<1x1xf32>, vector<32x1xf32>, vector<1x32xf32> -> vector<1x32xf32>
    %concatenate3A_307 = tpu.concatenate %dot_general3A_306, %dot_general3A_306, %dot_general3A_306, %dot_general3A_306 in 1 : vector<1x32xf32>, vector<1x32xf32>, vector<1x32xf32>, vector<1x32xf32> -> vector<1x128xf32>
    %concatenate3A_308 = tpu.concatenate %add3A_183, %concatenate3A_248, %concatenate3A_301, %concatenate3A_307 in 0 : vector<512x128xf32>, vector<34x128xf32>, vector<47x128xf32>, vector<1x128xf32> -> vector<594x128xf32>
    %swap3A = arith.constant 0 : index
    %swap3A_309 = arith.constant 0 : index
    %swap3A_310 = vector.load %arg19[%swap3A, %swap3A_309] : memref<594x128xf32, #tpu.memory_space<vmem>>, vector<594x128xf32>
    tpu.vector_store %arg19[%swap3A, %swap3A_309], %concatenate3A_308 {strides = array<i32>} : memref<594x128xf32, #tpu.memory_space<vmem>>, vector<594x128xf32>,
    %broadcast_in_dim3A_311 = arith.constant 0.000000e+00 : f32
    %broadcast_in_dim3A_312 = vector.broadcast %broadcast_in_dim3A_311 : f32 to vector<1x32xf32>
    %concatenate3A_313 = tpu.concatenate %dot_general3A_306, %broadcast_in_dim3A_312, %broadcast_in_dim3A_312, %broadcast_in_dim3A_312 in 1 : vector<1x32xf32>, vector<1x32xf32>, vector<1x32xf32>, vector<1x32xf32> -> vector<1x128xf32>
    %concatenate3A_314 = tpu.concatenate %broadcast_in_dim3A_312, %dot_general3A_306, %broadcast_in_dim3A_312, %broadcast_in_dim3A_312 in 1 : vector<1x32xf32>, vector<1x32xf32>, vector<1x32xf32>, vector<1x32xf32> -> vector<1x128xf32>
    %concatenate3A_315 = tpu.concatenate %broadcast_in_dim3A_312, %broadcast_in_dim3A_312, %dot_general3A_306, %broadcast_in_dim3A_312 in 1 : vector<1x32xf32>, vector<1x32xf32>, vector<1x32xf32>, vector<1x32xf32> -> vector<1x128xf32>
    %concatenate3A_316 = tpu.concatenate %broadcast_in_dim3A_312, %broadcast_in_dim3A_312, %broadcast_in_dim3A_312, %dot_general3A_306 in 1 : vector<1x32xf32>, vector<1x32xf32>, vector<1x32xf32>, vector<1x32xf32> -> vector<1x128xf32>
    %concatenate3A_317 = tpu.concatenate %concatenate3A_313, %concatenate3A_314, %concatenate3A_315, %concatenate3A_316 in 0 : vector<1x128xf32>, vector<1x128xf32>, vector<1x128xf32>, vector<1x128xf32> -> vector<4x128xf32>
    %swap3A_318 = arith.constant 0 : index
    %swap3A_319 = arith.constant 0 : index
    %swap3A_320 = vector.load %arg22[%swap3A_318, %swap3A_319] : memref<4x128xf32, #tpu.memory_space<vmem>>, vector<4x128xf32>
    tpu.vector_store %arg22[%swap3A_318, %swap3A_319], %concatenate3A_317 {strides = array<i32>} : memref<4x128xf32, #tpu.memory_space<vmem>>, vector<4x128xf32>,
    %get3A_321 = arith.constant 0 : index
    %get3A_322 = arith.constant 0 : index
    %get3A_323 = vector.load %arg15[%get3A_321, %get3A_322] : memref<32x32xf32, #tpu.memory_space<vmem>>, vector<32x32xf32>
    %broadcast_in_dim3A_324 = arith.constant 0.000000e+00 : f32
    %broadcast_in_dim3A_325 = vector.broadcast %broadcast_in_dim3A_324 : f32 to vector<32x32xf32>
    %concatenate3A_326 = tpu.concatenate %get3A_323, %broadcast_in_dim3A_325, %broadcast_in_dim3A_325, %broadcast_in_dim3A_325 in 1 : vector<32x32xf32>, vector<32x32xf32>, vector<32x32xf32>, vector<32x32xf32> -> vector<32x128xf32>
    %concatenate3A_327 = tpu.concatenate %broadcast_in_dim3A_325, %get3A_323, %broadcast_in_dim3A_325, %broadcast_in_dim3A_325 in 1 : vector<32x32xf32>, vector<32x32xf32>, vector<32x32xf32>, vector<32x32xf32> -> vector<32x128xf32>
    %concatenate3A_328 = tpu.concatenate %broadcast_in_dim3A_325, %broadcast_in_dim3A_325, %get3A_323, %broadcast_in_dim3A_325 in 1 : vector<32x32xf32>, vector<32x32xf32>, vector<32x32xf32>, vector<32x32xf32> -> vector<32x128xf32>
    %concatenate3A_329 = tpu.concatenate %broadcast_in_dim3A_325, %broadcast_in_dim3A_325, %broadcast_in_dim3A_325, %get3A_323 in 1 : vector<32x32xf32>, vector<32x32xf32>, vector<32x32xf32>, vector<32x32xf32> -> vector<32x128xf32>
    %concatenate3A_330 = tpu.concatenate %concatenate3A_326, %concatenate3A_327, %concatenate3A_328, %concatenate3A_329 in 0 : vector<32x128xf32>, vector<32x128xf32>, vector<32x128xf32>, vector<32x128xf32> -> vector<128x128xf32>
    %swap3A_331 = arith.constant 0 : index
    %swap3A_332 = arith.constant 0 : index
    %swap3A_333 = vector.load %arg20[%swap3A_331, %swap3A_332] : memref<128x128xf32, #tpu.memory_space<vmem>>, vector<128x128xf32>
    tpu.vector_store %arg20[%swap3A_331, %swap3A_332], %concatenate3A_330 {strides = array<i32>} : memref<128x128xf32, #tpu.memory_space<vmem>>, vector<128x128xf32>,
    %get3A_334 = arith.constant 0 : index
    %get3A_335 = arith.constant 0 : index
    %get3A_336 = vector.load %arg17[%get3A_334, %get3A_335] : memref<3x32xf32, #tpu.memory_space<vmem>>, vector<3x32xf32>
    %broadcast_in_dim3A_337 = arith.constant 0.000000e+00 : f32
    %broadcast_in_dim3A_338 = vector.broadcast %broadcast_in_dim3A_337 : f32 to vector<1x32xf32>
    %slice3A_339 = vector.extract_strided_slice %get3A_336 {offsets = [0, 0], sizes = [1, 32], strides = [1, 1]} : vector<3x32xf32> to vector<1x32xf32>
    %concatenate3A_340 = tpu.concatenate %slice3A_339, %broadcast_in_dim3A_338, %broadcast_in_dim3A_338, %broadcast_in_dim3A_338 in 1 : vector<1x32xf32>, vector<1x32xf32>, vector<1x32xf32>, vector<1x32xf32> -> vector<1x128xf32>
    %slice3A_341 = vector.extract_strided_slice %get3A_336 {offsets = [0, 0], sizes = [1, 32], strides = [1, 1]} : vector<3x32xf32> to vector<1x32xf32>
    %concatenate3A_342 = tpu.concatenate %broadcast_in_dim3A_338, %slice3A_341, %broadcast_in_dim3A_338, %broadcast_in_dim3A_338 in 1 : vector<1x32xf32>, vector<1x32xf32>, vector<1x32xf32>, vector<1x32xf32> -> vector<1x128xf32>
    %slice3A_343 = vector.extract_strided_slice %get3A_336 {offsets = [0, 0], sizes = [1, 32], strides = [1, 1]} : vector<3x32xf32> to vector<1x32xf32>
    %concatenate3A_344 = tpu.concatenate %broadcast_in_dim3A_338, %broadcast_in_dim3A_338, %slice3A_343, %broadcast_in_dim3A_338 in 1 : vector<1x32xf32>, vector<1x32xf32>, vector<1x32xf32>, vector<1x32xf32> -> vector<1x128xf32>
    %slice3A_345 = vector.extract_strided_slice %get3A_336 {offsets = [0, 0], sizes = [1, 32], strides = [1, 1]} : vector<3x32xf32> to vector<1x32xf32>
    %concatenate3A_346 = tpu.concatenate %broadcast_in_dim3A_338, %broadcast_in_dim3A_338, %broadcast_in_dim3A_338, %slice3A_345 in 1 : vector<1x32xf32>, vector<1x32xf32>, vector<1x32xf32>, vector<1x32xf32> -> vector<1x128xf32>
    %slice3A_347 = vector.extract_strided_slice %get3A_336 {offsets = [1, 0], sizes = [1, 32], strides = [1, 1]} : vector<3x32xf32> to vector<1x32xf32>
    %concatenate3A_348 = tpu.concatenate %slice3A_347, %broadcast_in_dim3A_338, %broadcast_in_dim3A_338, %broadcast_in_dim3A_338 in 1 : vector<1x32xf32>, vector<1x32xf32>, vector<1x32xf32>, vector<1x32xf32> -> vector<1x128xf32>
    %slice3A_349 = vector.extract_strided_slice %get3A_336 {offsets = [1, 0], sizes = [1, 32], strides = [1, 1]} : vector<3x32xf32> to vector<1x32xf32>
    %concatenate3A_350 = tpu.concatenate %broadcast_in_dim3A_338, %slice3A_349, %broadcast_in_dim3A_338, %broadcast_in_dim3A_338 in 1 : vector<1x32xf32>, vector<1x32xf32>, vector<1x32xf32>, vector<1x32xf32> -> vector<1x128xf32>
    %slice3A_351 = vector.extract_strided_slice %get3A_336 {offsets = [1, 0], sizes = [1, 32], strides = [1, 1]} : vector<3x32xf32> to vector<1x32xf32>
    %concatenate3A_352 = tpu.concatenate %broadcast_in_dim3A_338, %broadcast_in_dim3A_338, %slice3A_351, %broadcast_in_dim3A_338 in 1 : vector<1x32xf32>, vector<1x32xf32>, vector<1x32xf32>, vector<1x32xf32> -> vector<1x128xf32>
    %slice3A_353 = vector.extract_strided_slice %get3A_336 {offsets = [1, 0], sizes = [1, 32], strides = [1, 1]} : vector<3x32xf32> to vector<1x32xf32>
    %concatenate3A_354 = tpu.concatenate %broadcast_in_dim3A_338, %broadcast_in_dim3A_338, %broadcast_in_dim3A_338, %slice3A_353 in 1 : vector<1x32xf32>, vector<1x32xf32>, vector<1x32xf32>, vector<1x32xf32> -> vector<1x128xf32>
    %slice3A_355 = vector.extract_strided_slice %get3A_336 {offsets = [2, 0], sizes = [1, 32], strides = [1, 1]} : vector<3x32xf32> to vector<1x32xf32>
    %concatenate3A_356 = tpu.concatenate %slice3A_355, %broadcast_in_dim3A_338, %broadcast_in_dim3A_338, %broadcast_in_dim3A_338 in 1 : vector<1x32xf32>, vector<1x32xf32>, vector<1x32xf32>, vector<1x32xf32> -> vector<1x128xf32>
    %slice3A_357 = vector.extract_strided_slice %get3A_336 {offsets = [2, 0], sizes = [1, 32], strides = [1, 1]} : vector<3x32xf32> to vector<1x32xf32>
    %concatenate3A_358 = tpu.concatenate %broadcast_in_dim3A_338, %slice3A_357, %broadcast_in_dim3A_338, %broadcast_in_dim3A_338 in 1 : vector<1x32xf32>, vector<1x32xf32>, vector<1x32xf32>, vector<1x32xf32> -> vector<1x128xf32>
    %slice3A_359 = vector.extract_strided_slice %get3A_336 {offsets = [2, 0], sizes = [1, 32], strides = [1, 1]} : vector<3x32xf32> to vector<1x32xf32>
    %concatenate3A_360 = tpu.concatenate %broadcast_in_dim3A_338, %broadcast_in_dim3A_338, %slice3A_359, %broadcast_in_dim3A_338 in 1 : vector<1x32xf32>, vector<1x32xf32>, vector<1x32xf32>, vector<1x32xf32> -> vector<1x128xf32>
    %slice3A_361 = vector.extract_strided_slice %get3A_336 {offsets = [2, 0], sizes = [1, 32], strides = [1, 1]} : vector<3x32xf32> to vector<1x32xf32>
    %concatenate3A_362 = tpu.concatenate %broadcast_in_dim3A_338, %broadcast_in_dim3A_338, %broadcast_in_dim3A_338, %slice3A_361 in 1 : vector<1x32xf32>, vector<1x32xf32>, vector<1x32xf32>, vector<1x32xf32> -> vector<1x128xf32>
    %concatenate3A_363 = tpu.concatenate %concatenate3A_340, %concatenate3A_342, %concatenate3A_344, %concatenate3A_346, %concatenate3A_348, %concatenate3A_350, %concatenate3A_352, %concatenate3A_354, %concatenate3A_356, %concatenate3A_358, %concatenate3A_360, %concatenate3A_362 in 0 : vector<1x128xf32>, vector<1x128xf32>, vector<1x128xf32>, vector<1x128xf32>, vector<1x128xf32>, vector<1x128xf32>, vector<1x128xf32>, vector<1x128xf32>, vector<1x128xf32>, vector<1x128xf32>, vector<1x128xf32>, vector<1x128xf32> -> vector<12x128xf32>
    %swap3A_364 = arith.constant 0 : index
    %swap3A_365 = arith.constant 0 : index
    %swap3A_366 = vector.load %arg21[%swap3A_364, %swap3A_365] : memref<12x128xf32, #tpu.memory_space<vmem>>, vector<12x128xf32>
    tpu.vector_store %arg21[%swap3A_364, %swap3A_365], %concatenate3A_363 {strides = array<i32>} : memref<12x128xf32, #tpu.memory_space<vmem>>, vector<12x128xf32>,
    %get3A_367 = arith.constant 0 : index
    %get3A_368 = vector.load %arg16[%get3A_367] : memref<32xf32, #tpu.memory_space<vmem>>, vector<32xf32>
    %broadcast_in_dim3A_369 = vector.shape_cast %get3A_368 : vector<32xf32> to vector<1x32xf32>
    %concatenate3A_370 = tpu.concatenate %broadcast_in_dim3A_369, %broadcast_in_dim3A_369, %broadcast_in_dim3A_369, %broadcast_in_dim3A_369 in 1 : vector<1x32xf32>, vector<1x32xf32>, vector<1x32xf32>, vector<1x32xf32> -> vector<1x128xf32>
    %swap3A_371 = arith.constant 0 : index
    %swap3A_372 = arith.constant 0 : index
    %swap3A_373 = vector.load %arg23[%swap3A_371, %swap3A_372] : memref<1x128xf32, #tpu.memory_space<vmem>>, vector<1x128xf32>
    tpu.vector_store %arg23[%swap3A_371, %swap3A_372], %concatenate3A_370 {strides = array<i32>} : memref<1x128xf32, #tpu.memory_space<vmem>>, vector<1x128xf32>,
    %get3A_374 = arith.constant 0 : index
    %get3A_375 = vector.load %arg18[%get3A_374] : memref<3xf32, #tpu.memory_space<vmem>>, vector<3xf32>
    %broadcast_in_dim3A_376 = vector.shape_cast %get3A_375 : vector<3xf32> to vector<1x3xf32>
    %slice3A_377 = vector.extract_strided_slice %broadcast_in_dim3A_376 {offsets = [0, 0], sizes = [1, 1], strides = [1, 1]} : vector<1x3xf32> to vector<1x1xf32>
    %slice3A_378 = vector.extract_strided_slice %broadcast_in_dim3A_376 {offsets = [0, 0], sizes = [1, 1], strides = [1, 1]} : vector<1x3xf32> to vector<1x1xf32>
    %slice3A_379 = vector.extract_strided_slice %broadcast_in_dim3A_376 {offsets = [0, 0], sizes = [1, 1], strides = [1, 1]} : vector<1x3xf32> to vector<1x1xf32>
    %slice3A_380 = vector.extract_strided_slice %broadcast_in_dim3A_376 {offsets = [0, 0], sizes = [1, 1], strides = [1, 1]} : vector<1x3xf32> to vector<1x1xf32>
    %slice3A_381 = vector.extract_strided_slice %broadcast_in_dim3A_376 {offsets = [0, 1], sizes = [1, 1], strides = [1, 1]} : vector<1x3xf32> to vector<1x1xf32>
    %slice3A_382 = vector.extract_strided_slice %broadcast_in_dim3A_376 {offsets = [0, 1], sizes = [1, 1], strides = [1, 1]} : vector<1x3xf32> to vector<1x1xf32>
    %slice3A_383 = vector.extract_strided_slice %broadcast_in_dim3A_376 {offsets = [0, 1], sizes = [1, 1], strides = [1, 1]} : vector<1x3xf32> to vector<1x1xf32>
    %slice3A_384 = vector.extract_strided_slice %broadcast_in_dim3A_376 {offsets = [0, 1], sizes = [1, 1], strides = [1, 1]} : vector<1x3xf32> to vector<1x1xf32>
    %slice3A_385 = vector.extract_strided_slice %broadcast_in_dim3A_376 {offsets = [0, 2], sizes = [1, 1], strides = [1, 1]} : vector<1x3xf32> to vector<1x1xf32>
    %slice3A_386 = vector.extract_strided_slice %broadcast_in_dim3A_376 {offsets = [0, 2], sizes = [1, 1], strides = [1, 1]} : vector<1x3xf32> to vector<1x1xf32>
    %slice3A_387 = vector.extract_strided_slice %broadcast_in_dim3A_376 {offsets = [0, 2], sizes = [1, 1], strides = [1, 1]} : vector<1x3xf32> to vector<1x1xf32>
    %slice3A_388 = vector.extract_strided_slice %broadcast_in_dim3A_376 {offsets = [0, 2], sizes = [1, 1], strides = [1, 1]} : vector<1x3xf32> to vector<1x1xf32>
    %concatenate3A_389 = tpu.concatenate %slice3A_377, %slice3A_378, %slice3A_379, %slice3A_380, %slice3A_381, %slice3A_382, %slice3A_383, %slice3A_384, %slice3A_385, %slice3A_386, %slice3A_387, %slice3A_388 in 1 : vector<1x1xf32>, vector<1x1xf32>, vector<1x1xf32>, vector<1x1xf32>, vector<1x1xf32>, vector<1x1xf32>, vector<1x1xf32>, vector<1x1xf32>, vector<1x1xf32>, vector<1x1xf32>, vector<1x1xf32>, vector<1x1xf32> -> vector<1x12xf32>
    %swap3A_390 = arith.constant 0 : index
    %swap3A_391 = arith.constant 0 : index
    %swap3A_392 = vector.load %arg24[%swap3A_390, %swap3A_391] : memref<1x12xf32, #tpu.memory_space<vmem>>, vector<1x12xf32>
    tpu.vector_store %arg24[%swap3A_390, %swap3A_391], %concatenate3A_389 {strides = array<i32>} : memref<1x12xf32, #tpu.memory_space<vmem>>, vector<1x12xf32>,
    return
  }
}

</mosaic_0001>

<sc_bundles>
// kernel: kernel.5.cloned.1.call-start
scs
__scs_entry_jumppad:
0x0: {  	(pc) =	sbr.rel $0x88, $3  }
0x1: {  	(tag) =	ssettag $0x0;
	lr =	simm.s32 $0x1  }
0x2: {  	[smem:$0x3F80] =	sst lr;
	_ =	strace $0xD0000000  }
0x3: {  	_ = 	snop  }
0x4: {  	_ = 	snop  }
0x5: {  	_ = 	snop  }
0x6: {  	_ = 	snop  }
0x7: {  	_ = 	snop  }
__scs_overlays_trampoline_lowered:
0x8: {  	[smem:$0x3F8F] =	sst s0  }
0x9: {  	[smem:$0x3F90] =	sst s1  }
0xa: {  	[smem:$0x3F91] =	sst s2  }
0xb: {  	[smem:$0x3F92] =	sst s3  }
0xc: {  	[smem:$0x3F93] =	sst s4  }
0xd: {  	[smem:$0x3F94] =	sst s5  }
0xe: {  	[smem:$0x3F95] =	sst s6  }
0xf: {  	[smem:$0x3F96] =	sst s7  }
0x10: {  	[smem:$0x3F97] =	sst s8  }
0x11: {  	[smem:$0x3F98] =	sst s9;
	s0 =	simm.s32 @!p0 $0x0  }
0x12: {  	s1 =	sld [smem:$0x3F7E];
	s0 =	simm.s32 @p0 $0x1  }
0x13: {  	[smem:$0x3F99] =	sst s0;
	s0 =	simm.s32 @!p1 $0x0  }
0x14: {  	s2 =	sld [smem:$0x3F7D];
	s0 =	simm.s32 @p1 $0x1  }
0x15: {  	[smem:$0x3F9A] =	sst s0;
	s0 =	simm.s32 @!p2 $0x0  }
0x16: {  	s3 =	sld [smem:$0x3FDB];
	s0 =	simm.s32 @p2 $0x1  }
0x17: {  	s4 =	simm.s32 $0x1BF5;
	[smem:$0x3F9C] =	sst s0  }
0x18: {  	s0 =	sld [smem:$0x3F7F];
	_ =	swait.ge [sflag:s4], $0x0  }
0x19: {  	s7 =	sld [smem:$0x3F80]  }
0x1a: {  	s8 =	sadd.s32 $0xFFFFE003, lr  }
0x1b: {  	s9 =	sadd.s32 $0xFFFFFEF7, lr;
	s5 =	simm.s32 $0xFFFFFFFF;
	p2 =	slt.u32 s8, $0xFFFFF086  }
0x1c: {  	p1 =	slt.u32 s9, $0xF7A;
	s5 =	simm.s32 @!p2 $0x0  }
0x1d: {  	s5 =	simm.s32 @p1 $0x1;
	p0 =	seq.s32 s7, s2  }
0x1e: {  	s7 =	smul.u32 @!p0 $0xF7A, s2;
	p2 =	seq.s32 @!p0 s5, $0x0  }
0x1f: {  	s9 =	smul.u32 $0xF7A, s1;
	s8 =	simm.s32 @!p0 $0x1BF5;
	p2 =	por !p2, p0  }
0x20: {  	[sflag:s8] =	ssyncset.s32 @!p0 $0xFFFFF086;
	s6 =	sadd.s32 @!p0 s3, s7;
	s7 =	simm.s32 @!p0 $0x108  }
0x21: {  	s3 =	sadd.s32 s3, s9;
	s6 =	sadd.s32 @!p0 $0x88, s6;
	s7 =	simm.s32 @p2 $0x1082  }
0x22: {  	[simem:s7], [sflag:s8] =	dma.local @!p0 [hbm:s6], $0xF7A  }
0x23: {  	s9 =	sor.u32 $0xD0000000, s2;
	s6 =	simm.s32 $0x108;
	_ =	swait.ge @!p0 [sflag:s8], $0x0  }
0x24: {  	s3 =	sadd.s32 $0x88, s3;
	s6 =	simm.s32 @!p1 $0x1082;
	[sflag:s4] =	ssyncset.s32 $0xFFFFF086  }
0x25: {  	[simem:s6], [sflag:s4] =	dma.local [hbm:s3], $0xF7A  }
0x26: {  	[smem:$0x3F80] =	sst s1;
	(tag) =	ssettag s2;
	_ =	strace s9  }
0x27: {  	s1 =	sld [smem:$0x3F90]  }
0x28: {  	s2 =	sld [smem:$0x3F91]  }
0x29: {  	s4 =	sld [smem:$0x3F93]  }
0x2a: {  	p0 =	seq.s32 s5, $0x0;
	s5 =	sld [smem:$0x3F94]  }
0x2b: {  	s6 =	sld [smem:$0x3F95]  }
0x2c: {  	s7 =	sld [smem:$0x3F96]  }
0x2d: {  	s3 =	simm.s32 $0x108;
	s8 =	sld [smem:$0x3F97]  }
0x2e: {  	s3 =	simm.s32 @!p0 $0x1082;
	s9 =	sld [smem:$0x3F98]  }
0x2f: {  	lr =	sadd.s32 s0, s3;
	s0 =	sld [smem:$0x3F8F]  }
0x30: {  	s3 =	sld [smem:$0x3F92]  }
0x31: {  	[smem:$0x3F9B] =	sst s10  }
0x32: {  	s10 =	sld [smem:$0x3F99];
	_ =	sdelay $0x3  }
0x33: {  	p0 =	seq.s32 s10, $0x1;
	s10 =	sld [smem:$0x3F9B];
	_ =	sdelay $0x3  }
0x34: {  	[smem:$0x3F9B] =	sst s10  }
0x35: {  	s10 =	sld [smem:$0x3F9A];
	_ =	sdelay $0x3  }
0x36: {  	p1 =	seq.s32 s10, $0x1;
	s10 =	sld [smem:$0x3F9B];
	_ =	sdelay $0x3  }
0x37: {  	[smem:$0x3F9B] =	sst s10  }
0x38: {  	s10 =	sld [smem:$0x3F9C]  }
0x39: {  	_ = 	snop;
	(pc) =	sbr.ind lr, $3  }
0x3a: {  	_ = 	snop  }
0x3b: {  	_ = 	snop  }
0x3c: {  	p2 =	seq.s32 s10, $0x1;
	s10 =	sld [smem:$0x3F9B]  }
0x3d: {  	_ =	shalt  }
0x3e: {  	_ =	shalt  }
0x3f: {  	_ =	shalt  }
0x40: {  	_ =	shalt  }
0x41: {  	_ =	shalt  }
0x42: {  	_ =	shalt  }
0x43: {  	_ =	shalt  }
0x44: {  	_ =	shalt  }
0x45: {  	_ =	shalt  }
0x46: {  	_ =	shalt  }
0x47: {  	_ =	shalt  }
0x48: {  	_ =	shalt  }
0x49: {  	_ =	shalt  }
0x4a: {  	_ =	shalt  }
0x4b: {  	_ =	shalt  }
0x4c: {  	_ =	shalt  }
0x4d: {  	_ =	shalt  }
0x4e: {  	_ =	shalt  }
0x4f: {  	_ =	shalt  }
0x50: {  	_ =	shalt  }
0x51: {  	_ =	shalt  }
0x52: {  	_ =	shalt  }
0x53: {  	_ =	shalt  }
0x54: {  	_ =	shalt  }
0x55: {  	_ =	shalt  }
0x56: {  	_ =	shalt  }
0x57: {  	_ =	shalt  }
0x58: {  	_ =	shalt  }
0x59: {  	_ =	shalt  }
0x5a: {  	_ =	shalt  }
0x5b: {  	_ =	shalt  }
0x5c: {  	_ =	shalt  }
0x5d: {  	_ =	shalt  }
0x5e: {  	_ =	shalt  }
0x5f: {  	_ =	shalt  }
0x60: {  	_ =	shalt  }
0x61: {  	_ =	shalt  }
0x62: {  	_ =	shalt  }
0x63: {  	_ =	shalt  }
0x64: {  	_ =	shalt  }
0x65: {  	_ =	shalt  }
0x66: {  	_ =	shalt  }
0x67: {  	_ =	shalt  }
0x68: {  	_ =	shalt  }
0x69: {  	_ =	shalt  }
0x6a: {  	_ =	shalt  }
0x6b: {  	_ =	shalt  }
0x6c: {  	_ =	shalt  }
0x6d: {  	_ =	shalt  }
0x6e: {  	_ =	shalt  }
0x6f: {  	_ =	shalt  }
0x70: {  	_ =	shalt  }
0x71: {  	_ =	shalt  }
0x72: {  	_ =	shalt  }
0x73: {  	_ =	shalt  }
0x74: {  	_ =	shalt  }
0x75: {  	_ =	shalt  }
0x76: {  	_ =	shalt  }
0x77: {  	_ =	shalt  }
0x78: {  	_ =	shalt  }
0x79: {  	_ =	shalt  }
0x7a: {  	_ =	shalt  }
0x7b: {  	_ =	shalt  }
0x7c: {  	_ =	shalt  }
0x7d: {  	_ =	shalt  }
0x7e: {  	_ =	shalt  }
0x7f: {  	_ =	shalt  }
0x80: {  	_ =	shalt  }
0x81: {  	_ =	shalt  }
0x82: {  	_ =	shalt  }
0x83: {  	_ =	shalt  }
0x84: {  	_ =	shalt  }
0x85: {  	_ =	shalt  }
0x86: {  	_ =	shalt  }
0x87: {  	_ =	shalt  }
.Lfunc_end0:
.L_simem_size_0:
called_computation_lowered:
.L_overlay_start_0:
0x88: {  	s2 =	sld [smem:$0x3FD9]  }
0x89: {  	s3 =	sld [smem:$0x3FFE];
	_ =	sdelay $0x1  }
0x8a: {  	s1 =	srdreg.scid  }
0x8b: {  	s0 =	sand.u32 $0x1, s1  }
0x8c: {  	s25 =	sshll.u32 s0, $0xA;
	s2 =	sadd.s32 s3, s2  }
0x8d: {  	s2 =	sadd.s32 s2, s25  }
0x8e: {  	[smem:$0x3FA7] =	sst s2  }
0x8f: {  	_ = 	snop  }
0x90: {  	s2 =	sld [smem:$0x3FC8]  }
0x91: {  	s3 =	sld [smem:$0x3FC6]  }
0x92: {  	s4 =	sld [smem:$0x3FC4]  }
0x93: {  	s5 =	sld [smem:$0x3FC2]  }
0x94: {  	s6 =	sld [smem:$0x3FC0]  }
0x95: {  	s7 =	sld [smem:$0x3FBE]  }
0x96: {  	s8 =	sld [smem:$0x3FBC]  }
0x97: {  	s9 =	sld [smem:$0x3FBA]  }
0x98: {  	s10 =	sld [smem:$0x3FB8]  }
0x99: {  	s11 =	sld [smem:$0x3FB6]  }
0x9a: {  	s12 =	sld [smem:$0x3FB4]  }
0x9b: {  	s13 =	sld [smem:$0x3FB2]  }
0x9c: {  	s14 =	sld [smem:$0x3FB0];
	(tm) =	ssettm $0x1  }
0x9d: {  	s15 =	sld [smem:$0x3FFB];
	_ =	sdelay $0x3  }
0x9e: {  	_ =	strace s15  }
0x9f: {  	s15 =	sld [smem:$0x3FFC];
	_ =	sdelay $0x3  }
0xa0: {  	_ =	strace s15  }
0xa1: {  	s15 =	sld [smem:$0x3FFD];
	_ =	sdelay $0x3  }
0xa2: {  	_ =	strace s15  }
0xa3: {  	_ =	strace $0x8FFFFFFF  }
0xa4: {  	s26 =	sld [smem:$0x3FDB];
	_ =	sdelay $0x1  }
0xa5: {  	s16 =	simm.s32 $_scs_section_size  }
0xa6: {  	s17 =	simm.s32 $_size__tile_task_arg_handler_lowered;
	s18 =	simm.s32 $_tile_task_arg_handler_lowered  }
0xa7: {  	s30 =	simm.s32 $0x1BFF;
	s29 =	sshll.u32 s18, $0x1;
	s16 =	sadd.s32 s16, s26  }
0xa8: {  	s19 =	simm.s32 $0x60;
	s28 =	sshll.u32 s17, $0x1;
	s17 =	sadd.s32 s29, s16  }
0xa9: {  	[timem:s19], [sflag:s30] =	dma.local [hbm:s17], s28  }
0xaa: {  	_ =	swait.ge [sflag:s30], s28  }
0xab: {  	s31 =	simm.s32 $_tile_overlayer_lowered;
	s15 =	ssub.s32 $0x0, s28;
	[sflag:s30] =	ssyncset.done $0x0  }
0xac: {  	s19 =	simm.s32 $_size__tile_overlayer_lowered;
	s17 =	sshll.u32 s31, $0x1;
	[sflag:s30] =	ssyncadd.s32 s15  }
0xad: {  	s21 =	simm.s32 $0x0;
	s20 =	sshll.u32 s19, $0x1;
	s17 =	sadd.s32 s17, s16  }
0xae: {  	[timem:s21], [sflag:s30] =	dma.local [hbm:s17], s20  }
0xaf: {  	_ =	swait.ge [sflag:s30], s20  }
0xb0: {  	s22 =	ssub.s32 $0x0, s20;
	[sflag:s30] =	ssyncset.done $0x0  }
0xb1: {  	[sflag:s30] =	ssyncadd.s32 s22;
	_ =	sdelay $0x1  }
0xb2: {  	s23 =	simm.s32 $0x1B8B  }
0xb3: {  	_ =	swait.ge [sflag:s23], $0x1  }
0xb4: {  	[sflag:s23] =	ssyncset.done $0x0  }
0xb5: {  	s25 =	simm.s32 $0x1B8E;
	s24 =	sld [smem:$0x3FFE];
	[sflag:s23] =	ssyncadd.s32 $0xFFFFFFFF  }
0xb6: {  	s26 =	simm.s32 $execute0_lowered;
	[smem:$0x3FD2] =	sst s25  }
0xb7: {  	s18 =	sshll.u32 s26, $0x1;
	_ =	strace $0x80000046;
	[dreg:$0x1] =	wrdreg $0xFFFFFFFF  }
0xb8: {  	s16 =	sadd.s32 s16, s18;
	s28 =	simm.s32 $_size_execute0_lowered;
	[dreg:$0x0] =	wrdreg $0x0  }
0xb9: {  	s18 =	sshll.u32 s28, $0x1;
	[dreg:$0x2] =	wrdreg s16  }
0xba: {  	[dreg:$0x3] =	wrdreg s18  }
0xbb: {  	[dreg:$0x4] =	wrdreg $0xC0  }
0xbc: {  	_ =	task [dreg:s21], $0x5FFFF  }
0xbd: {  	[dreg:$0x1] =	wrdreg $0xFFFFFFFF  }
0xbe: {  	[dreg:$0x0] =	wrdreg $0x30  }
0xbf: {  	[dreg:$0x2] =	wrdreg $0x0  }
0xc0: {  	[dreg:$0x3] =	wrdreg $0x9  }
0xc1: {  	_ =	task [dreg:s21], $0x4FFFF  }
0xc2: {  	[dreg:$0x1] =	wrdreg $0xFFFFFFFF  }
0xc3: {  	[dreg:$0x0] =	wrdreg $0x60  }
0xc4: {  	[dreg:$0x2] =	wrdreg s2  }
0xc5: {  	[dreg:$0x3] =	wrdreg s3  }
0xc6: {  	[dreg:$0x4] =	wrdreg s4  }
0xc7: {  	[dreg:$0x5] =	wrdreg s5  }
0xc8: {  	[dreg:$0x6] =	wrdreg s6  }
0xc9: {  	[dreg:$0x7] =	wrdreg s7  }
0xca: {  	[dreg:$0x8] =	wrdreg s8  }
0xcb: {  	[dreg:$0x9] =	wrdreg s9  }
0xcc: {  	[dreg:$0xa] =	wrdreg s10  }
0xcd: {  	[dreg:$0xb] =	wrdreg s11  }
0xce: {  	[dreg:$0xc] =	wrdreg s12  }
0xcf: {  	[dreg:$0xd] =	wrdreg s13  }
0xd0: {  	[dreg:$0xe] =	wrdreg s14  }
0xd1: {  	[dreg:$0xf] =	wrdreg s24  }
0xd2: {  	_ =	task.clear_ibuf [dreg:s21], $0x10FFFF;
	_ =	strace $0x90000046  }
0xd3: {  	s29 =	simm.s32 $0x9;
	_ =	strace $0x80000048  }
0xd4: {  	_ =	swait.ge [sflag:s29], $0x1  }
0xd5: {  	[sflag:s29] =	ssyncadd.s32 $0xFFFFFFFF  }
0xd6: {  	_ =	strace $0x90000048  }
0xd7: {  	_ =	sfence  }
0xd8: {  	s30 =	sld [smem:$0x0];
	_ =	sdelay $0x2  }
0xd9: {  	s31 =	sshll.u32 s1, $0xD;
	s1 =	sshrl.u32 s1, $0x2  }
0xda: {  	s3 =	sand.u32 $0x4000, s31;
	s1 =	sadd.s32 s1, s30  }
0xdb: {  	s0 =	sor.u32 s3, s0;
	s1 =	sshll.u32 s1, $0x11  }
0xdc: {  	s0 =	sor.u32 s1, s0  }
0xdd: {  	s0 =	sadd.s32 $0x8F2B, s0  }
0xde: {  	[sflag:s0] =	ssyncadd.remote.s32 $0x1  }
0xdf: {  	_ =	sfence.sel $0xFFFF  }
0xe0: {  	[dreg:$0x0] =	wrdreg $0xFFFFFFFF;
	(pc) =	sbr.abs _section_cstart, $3  }
0xe1: {  	[dreg:$0x1] =	wrdreg $0xFFFFFFFF  }
0xe2: {  	_ =	task.clear_ibuf [dreg:s21], $0x2FFFF;
	_ =	strace $0x9FFFFFFF  }
0xe3: {  	(tm) =	ssettm $0x7FFFFFFF  }
tec
_tile_task_arg_handler_lowered:
.L_overlay_start_1:
0x0: {  	(tag) =	ssettag $0x1  }
0x1: {  	s0 =	rddreg [dreg:$0x0]  }
0x2: {  	s1 =	rddreg [dreg:$0x1]  }
0x3: {  	s2 =	rddreg [dreg:$0x2]  }
0x4: {  	s3 =	rddreg [dreg:$0x3]  }
0x5: {  	s4 =	rddreg [dreg:$0x4]  }
0x6: {  	s5 =	rddreg [dreg:$0x5]  }
0x7: {  	s6 =	rddreg [dreg:$0x6]  }
0x8: {  	s7 =	rddreg [dreg:$0x7]  }
0x9: {  	s8 =	rddreg [dreg:$0x8]  }
0xa: {  	s9 =	rddreg [dreg:$0x9]  }
0xb: {  	s10 =	rddreg [dreg:$0xa]  }
0xc: {  	s11 =	rddreg [dreg:$0xb]  }
0xd: {  	s12 =	rddreg [dreg:$0xc]  }
0xe: {  	s13 =	rddreg [dreg:$0xd]  }
0xf: {  	[smem:s0] =	sst s1  }
0x10: {  	[smem:s0+$0x1] =	sst s2  }
0x11: {  	[smem:s0+$0x2] =	sst s3  }
0x12: {  	[smem:s0+$0x3] =	sst s4  }
0x13: {  	[smem:s0+$0x4] =	sst s5  }
0x14: {  	[smem:s0+$0x5] =	sst s6  }
0x15: {  	[smem:s0+$0x6] =	sst s7  }
0x16: {  	[smem:s0+$0x7] =	sst s8  }
0x17: {  	[smem:s0+$0x8] =	sst s9  }
0x18: {  	[smem:s0+$0x9] =	sst s10  }
0x19: {  	[smem:s0+$0xA] =	sst s11  }
0x1a: {  	[smem:s0+$0xB] =	sst s12  }
0x1b: {  	[smem:s0+$0xC] =	sst s13;
	_ =	shalt  }
.Lfunc_end2:
execute0_lowered:
.L_overlay_start_2:
0x1c: {  	(tag) =	ssettag $0x2  }
0x1d: {  	s3 =	rddreg [dreg:$0x0]  }
0x1e: {  	s4 =	rddreg [dreg:$0x1];
	s0 =	srdreg.scid  }
0x1f: {  	s5 =	rddreg [dreg:$0x2];
	s2 =	stileid.u32;
	s0 =	sand.u32 $0x1, s0  }
0x20: {  	s6 =	rddreg [dreg:$0xb];
	s2 =	sshll.u32 s2, $0x8;
	s8 =	sshll.u32 s0, $0x7  }
0x21: {  	s7 =	rddreg [dreg:$0xc];
	s8 =	sor.u32 s8, s2  }
0x22: {  	s1 =	simm.s32 $0x0;
	s2 =	sshll.u32 s8, $0x4;
	s8 =	sshrl.u32 s8, $0x3  }
0x23: {  	[smem:$0x7FF] =	sst s1;
	s16 =	sadd.s32 s6, s8  }
0x24: {  	s18 =	sadd.s32 s7, s8;
	[dreg:$0xe] =	wrdreg s16  }
0x25: {  	s22 =	sadd.s32 s3, s8;
	[dreg:$0x12] =	wrdreg s18  }
0x26: {  	s0 =	ssub.s32 $0x2, s0;
	s25 =	sadd.s32 s4, s8;
	[dreg:$0x16] =	wrdreg s22  }
0x27: {  	s9 =	sshrl.u32 s0, $0x1;
	s12 =	sadd.s32 s5, s8;
	[dreg:$0x1a] =	wrdreg s25  }
0x28: {  	s0 =	ssub.s32 s0, s9;
	s9 =	sor.u32 $0x200, s8;
	[dreg:$0x1e] =	wrdreg s12  }
0x29: {  	s10 =	sor.u32 $0x400, s8;
	s11 =	sadd.s32 s6, s9;
	s16 =	rddreg [dreg:$0x3]  }
0x2a: {  	s17 =	sadd.s32 s6, s10;
	[dreg:$0xf] =	wrdreg s11  }
0x2b: {  	s19 =	sadd.s32 s7, s9;
	[dreg:$0x10] =	wrdreg s17  }
0x2c: {  	s20 =	sadd.s32 s7, s10;
	[dreg:$0x13] =	wrdreg s19  }
0x2d: {  	s23 =	sadd.s32 s3, s9;
	[dreg:$0x14] =	wrdreg s20  }
0x2e: {  	s24 =	sadd.s32 s3, s10;
	[dreg:$0x17] =	wrdreg s23  }
0x2f: {  	s26 =	sadd.s32 s4, s9;
	[dreg:$0x18] =	wrdreg s24  }
0x30: {  	s13 =	sadd.s32 s5, s9;
	[dreg:$0x1b] =	wrdreg s26  }
0x31: {  	s14 =	sadd.s32 s5, s10;
	[dreg:$0x1f] =	wrdreg s13  }
0x32: {  	[smem:$0x7E2] =	sst s14  }
0x33: {  	s17 =	rddreg [dreg:$0x4];
	s18 =	sadd.s32 s16, s8  }
0x34: {  	s19 =	sadd.s32 s16, s9;
	[smem:$0x7E4] =	sst s18  }
0x35: {  	s11 =	sor.u32 $0x600, s8;
	s20 =	sadd.s32 s16, s10;
	[smem:$0x7E5] =	sst s19  }
0x36: {  	s6 =	sadd.s32 s6, s11;
	[smem:$0x7E6] =	sst s20  }
0x37: {  	s21 =	sadd.s32 s7, s11;
	[dreg:$0x11] =	wrdreg s6  }
0x38: {  	s3 =	sadd.s32 s3, s11;
	[dreg:$0x15] =	wrdreg s21  }
0x39: {  	s7 =	sadd.s32 s4, s11;
	[dreg:$0x19] =	wrdreg s3  }
0x3a: {  	s15 =	sadd.s32 s5, s11;
	[dreg:$0x1d] =	wrdreg s7  }
0x3b: {  	[smem:$0x7E3] =	sst s15  }
0x3c: {  	s22 =	sadd.s32 s17, s8;
	s21 =	rddreg [dreg:$0x5]  }
0x3d: {  	s23 =	sadd.s32 s17, s9;
	[smem:$0x7E8] =	sst s22  }
0x3e: {  	s24 =	sadd.s32 s17, s10;
	[smem:$0x7E9] =	sst s23  }
0x3f: {  	[smem:$0x7EA] =	sst s24  }
0x40: {  	s7 =	rddreg [dreg:$0x7]  }
0x41: {  	s15 =	rddreg [dreg:$0x8]  }
0x42: {  	s22 =	rddreg [dreg:$0x9]  }
0x43: {  	s6 =	sadd.s32 s4, s10;
	s23 =	rddreg [dreg:$0xa]  }
0x44: {  	s3 =	sadd.s32 s16, s11;
	[dreg:$0x1c] =	wrdreg s6  }
0x45: {  	s4 =	sadd.s32 s17, s11;
	[smem:$0x7E7] =	sst s3  }
0x46: {  	[smem:$0x7EB] =	sst s4  }
0x47: {  	s25 =	sadd.s32 s21, s8;
	s6 =	rddreg [dreg:$0x6]  }
0x48: {  	s26 =	sadd.s32 s21, s9;
	[smem:$0x7EC] =	sst s25  }
0x49: {  	s5 =	sadd.s32 s21, s10;
	[smem:$0x7ED] =	sst s26  }
0x4a: {  	s3 =	sadd.s32 s21, s11;
	[smem:$0x7EE] =	sst s5  }
0x4b: {  	s16 =	sadd.s32 s7, s8;
	[smem:$0x7EF] =	sst s3  }
0x4c: {  	s28 =	simm.s32 $0x80;
	s17 =	sadd.s32 s7, s9;
	[smem:$0x7F4] =	sst s16  }
0x4d: {  	s29 =	simm.s32 $0x1;
	s18 =	sadd.s32 s7, s10;
	[smem:$0x7F5] =	sst s17  }
0x4e: {  	s30 =	simm.s32 $0x2;
	s4 =	sadd.s32 s7, s11;
	[smem:$0x7F6] =	sst s18  }
0x4f: {  	s31 =	simm.s32 $0x3;
	s19 =	sadd.s32 s15, s8;
	[smem:$0x7F7] =	sst s4  }
0x50: {  	s20 =	sadd.s32 s15, s9;
	s21 =	sadd.s32 s15, s10;
	[smem:$0x7F8] =	sst s19  }
0x51: {  	s24 =	sadd.s32 s22, s8;
	s7 =	simm.s32 $0x0;
	[smem:$0x7F9] =	sst s20  }
0x52: {  	s12 =	sadd.s32 s6, s8;
	s13 =	sadd.s32 s6, s9;
	[smem:$0x7FA] =	sst s21  }
0x53: {  	s14 =	sadd.s32 s6, s10;
	s3 =	sadd.s32 s6, s11;
	[smem:$0x7FC] =	sst s24  }
0x54: {  	s17 =	sadd.s32 s22, s9;
	s18 =	sadd.s32 s22, s10;
	s25 =	rddreg [dreg:$0xd]  }
0x55: {  	s19 =	sadd.s32 s22, s11;
	s20 =	sadd.s32 s23, s8;
	s26 =	sld [smem:$0x0]  }
0x56: {  	s21 =	sadd.s32 s23, s9;
	s22 =	sadd.s32 s23, s10;
	[smem:$0x7F0] =	sst s12  }
0x57: {  	s23 =	sadd.s32 s23, s11;
	s4 =	simm.s32 $0x7;
	[smem:$0x7F1] =	sst s13  }
0x58: {  	s5 =	simm.s32 $0x8;
	s6 =	simm.s32 $0x9;
	[smem:$0x7F2] =	sst s14  }
0x59: {  	[smem:$0x7F3] =	sst s3;
	s3 =	sadd.s32 s15, s11;
	s2 =	sadd.s32 s2, s25  }
0x5a: {  	s24 =	sadd.s32 $0x2E00, s25;
	[smem:$0x7FB] =	sst s3;
	s25 =	sadd.s32 $0x5400, s2  }
0x5b: {  	s2 =	simm.s32 $0x5;
	s3 =	simm.s32 $0x6;
	[smem:$0x7FD] =	sst s26  }
0x5c: {  	s26 =	smax.u32 s0, $0x1;
	s0 =	simm.s32 $0x4;
	_ =	strace $0x80000047  }
.LBB3_1:
0x5d: {  	s8 =	rddreg [dreg:$0xe]  }
0x5e: {  	s9 =	simm.s32 $0x1600;
	s11 =	rddreg [dreg:$0xf]  }
0x5f: {  	[tilespmem:s9], [sflag:$0x1] =	stream.linear.gather [hbm4b:s8+s1], $0x80, $0x38;
	[tilespmem:$0x12000] =	vst v63  }
0x60: {  	s12 =	simm.s32 $0x1680;
	s13 =	rddreg [dreg:$0x10]  }
0x61: {  	[tilespmem:s12], [sflag:$0x2] =	stream.linear.gather [hbm4b:s11+s1], $0x80, $0x38;
	[tilespmem:$0x12000] =	vst v63  }
0x62: {  	s14 =	simm.s32 $0x1700;
	s15 =	rddreg [dreg:$0x11]  }
0x63: {  	[tilespmem:s14], [sflag:$0x3] =	stream.linear.gather [hbm4b:s13+s1], $0x80, $0x38;
	[tilespmem:$0x12000] =	vst v63  }
0x64: {  	s16 =	simm.s32 $0x1780;
	s9 =	rddreg [dreg:$0x12]  }
0x65: {  	[tilespmem:s16], [sflag:$0x4] =	stream.linear.gather [hbm4b:s15+s1], $0x80, $0x38;
	[tilespmem:$0x12000] =	vst v63  }
0x66: {  	s10 =	simm.s32 $0x1800;
	s11 =	rddreg [dreg:$0x13]  }
0x67: {  	[tilespmem:s10], [sflag:$0x1] =	stream.linear.gather [hbm4b:s9+s1], $0x80, $0x38;
	[tilespmem:$0x12000] =	vst v63  }
0x68: {  	s12 =	simm.s32 $0x1880;
	s13 =	rddreg [dreg:$0x14]  }
0x69: {  	[tilespmem:s12], [sflag:$0x2] =	stream.linear.gather [hbm4b:s11+s1], $0x80, $0x38;
	[tilespmem:$0x12000] =	vst v63  }
0x6a: {  	s14 =	simm.s32 $0x1900;
	s15 =	rddreg [dreg:$0x15]  }
0x6b: {  	[tilespmem:s14], [sflag:$0x3] =	stream.linear.gather [hbm4b:s13+s1], $0x80, $0x38;
	[tilespmem:$0x12000] =	vst v63  }
0x6c: {  	s16 =	simm.s32 $0x1980;
	s9 =	rddreg [dreg:$0x16]  }
0x6d: {  	[tilespmem:s16], [sflag:$0x4] =	stream.linear.gather [hbm4b:s15+s1], $0x80, $0x38;
	[tilespmem:$0x12000] =	vst v63  }
0x6e: {  	s10 =	rddreg [dreg:$0x17]  }
0x6f: {  	[tilespmem:s1], [sflag:$0x1] =	stream.linear.gather [hbm4b:s9+s1], $0x80, $0x38;
	[tilespmem:$0x12000] =	vst v63  }
0x70: {  	s11 =	rddreg [dreg:$0x18]  }
0x71: {  	[tilespmem:s28], [sflag:$0x2] =	stream.linear.gather [hbm4b:s10+s1], $0x80, $0x38;
	[tilespmem:$0x12000] =	vst v63  }
0x72: {  	s12 =	simm.s32 $0x100;
	s13 =	rddreg [dreg:$0x19]  }
0x73: {  	[tilespmem:s12], [sflag:$0x3] =	stream.linear.gather [hbm4b:s11+s1], $0x80, $0x38;
	[tilespmem:$0x12000] =	vst v63  }
0x74: {  	s14 =	simm.s32 $0x180;
	s15 =	rddreg [dreg:$0x1a]  }
0x75: {  	[tilespmem:s14], [sflag:$0x4] =	stream.linear.gather [hbm4b:s13+s1], $0x80, $0x38;
	[tilespmem:$0x12000] =	vst v63  }
0x76: {  	s16 =	simm.s32 $0x200;
	s9 =	rddreg [dreg:$0x1b]  }
0x77: {  	[tilespmem:s16], [sflag:$0x1] =	stream.linear.gather [hbm4b:s15+s1], $0x80, $0x38;
	[tilespmem:$0x12000] =	vst v63  }
0x78: {  	s10 =	simm.s32 $0x280;
	s11 =	rddreg [dreg:$0x1c]  }
0x79: {  	[tilespmem:s10], [sflag:$0x2] =	stream.linear.gather [hbm4b:s9+s1], $0x80, $0x38;
	[tilespmem:$0x12000] =	vst v63  }
0x7a: {  	s12 =	simm.s32 $0x300;
	s13 =	rddreg [dreg:$0x1d]  }
0x7b: {  	[tilespmem:s12], [sflag:$0x3] =	stream.linear.gather [hbm4b:s11+s1], $0x80, $0x38;
	[tilespmem:$0x12000] =	vst v63  }
0x7c: {  	s14 =	simm.s32 $0x380;
	s15 =	rddreg [dreg:$0x1e]  }
0x7d: {  	[tilespmem:s14], [sflag:$0x4] =	stream.linear.gather [hbm4b:s13+s1], $0x80, $0x38;
	[tilespmem:$0x12000] =	vst v63  }
0x7e: {  	s16 =	simm.s32 $0x400;
	s9 =	rddreg [dreg:$0x1f]  }
0x7f: {  	[tilespmem:s16], [sflag:$0x1] =	stream.linear.gather [hbm4b:s15+s1], $0x80, $0x38;
	[tilespmem:$0x12000] =	vst v63  }
0x80: {  	s10 =	simm.s32 $0x480;
	s11 =	sld [smem:$0x7E2]  }
0x81: {  	[tilespmem:s10], [sflag:$0x2] =	stream.linear.gather [hbm4b:s9+s1], $0x80, $0x38;
	[tilespmem:$0x12000] =	vst v63  }
0x82: {  	s12 =	simm.s32 $0x500;
	s13 =	sld [smem:$0x7E3]  }
0x83: {  	[tilespmem:s12], [sflag:$0x3] =	stream.linear.gather [hbm4b:s11+s1], $0x80, $0x38;
	[tilespmem:$0x12000] =	vst v63  }
0x84: {  	s14 =	simm.s32 $0x580;
	s15 =	sld [smem:$0x7E4]  }
0x85: {  	[tilespmem:s14], [sflag:$0x4] =	stream.linear.gather [hbm4b:s13+s1], $0x80, $0x38;
	[tilespmem:$0x12000] =	vst v63  }
0x86: {  	s16 =	simm.s32 $0x600;
	s9 =	sld [smem:$0x7E5]  }
0x87: {  	[tilespmem:s16], [sflag:$0x1] =	stream.linear.gather [hbm4b:s15+s1], $0x80, $0x38;
	[tilespmem:$0x12000] =	vst v63  }
0x88: {  	s10 =	simm.s32 $0x680;
	s11 =	sld [smem:$0x7E6]  }
0x89: {  	[tilespmem:s10], [sflag:$0x2] =	stream.linear.gather [hbm4b:s9+s1], $0x80, $0x38;
	[tilespmem:$0x12000] =	vst v63  }
0x8a: {  	s12 =	simm.s32 $0x700;
	s13 =	sld [smem:$0x7E7]  }
0x8b: {  	[tilespmem:s12], [sflag:$0x3] =	stream.linear.gather [hbm4b:s11+s1], $0x80, $0x38;
	[tilespmem:$0x12000] =	vst v63  }
0x8c: {  	s14 =	simm.s32 $0x780;
	s15 =	sld [smem:$0x7E8]  }
0x8d: {  	[tilespmem:s14], [sflag:$0x4] =	stream.linear.gather [hbm4b:s13+s1], $0x80, $0x38;
	[tilespmem:$0x12000] =	vst v63  }
0x8e: {  	s16 =	simm.s32 $0x800;
	s9 =	sld [smem:$0x7E9]  }
0x8f: {  	[tilespmem:s16], [sflag:$0x1] =	stream.linear.gather [hbm4b:s15+s1], $0x80, $0x38;
	[tilespmem:$0x12000] =	vst v63  }
0x90: {  	s10 =	simm.s32 $0x880;
	s11 =	sld [smem:$0x7EA]  }
0x91: {  	[tilespmem:s10], [sflag:$0x2] =	stream.linear.gather [hbm4b:s9+s1], $0x80, $0x38;
	[tilespmem:$0x12000] =	vst v63  }
0x92: {  	s12 =	simm.s32 $0x900;
	s13 =	sld [smem:$0x7EB]  }
0x93: {  	[tilespmem:s12], [sflag:$0x3] =	stream.linear.gather [hbm4b:s11+s1], $0x80, $0x38;
	[tilespmem:$0x12000] =	vst v63  }
0x94: {  	s14 =	simm.s32 $0x980;
	s15 =	sld [smem:$0x7EC]  }
0x95: {  	[tilespmem:s14], [sflag:$0x4] =	stream.linear.gather [hbm4b:s13+s1], $0x80, $0x38;
	[tilespmem:$0x12000] =	vst v63  }
0x96: {  	s16 =	simm.s32 $0xA00;
	s9 =	sld [smem:$0x7ED]  }
0x97: {  	[tilespmem:s16], [sflag:$0x1] =	stream.linear.gather [hbm4b:s15+s1], $0x80, $0x38;
	[tilespmem:$0x12000] =	vst v63  }
0x98: {  	s10 =	simm.s32 $0xA80;
	s11 =	sld [smem:$0x7EE]  }
0x99: {  	[tilespmem:s10], [sflag:$0x2] =	stream.linear.gather [hbm4b:s9+s1], $0x80, $0x38;
	[tilespmem:$0x12000] =	vst v63  }
0x9a: {  	s12 =	simm.s32 $0xB00;
	s13 =	sld [smem:$0x7EF]  }
0x9b: {  	[tilespmem:s12], [sflag:$0x3] =	stream.linear.gather [hbm4b:s11+s1], $0x80, $0x38;
	[tilespmem:$0x12000] =	vst v63  }
0x9c: {  	s14 =	simm.s32 $0xB80;
	s15 =	sld [smem:$0x7F0]  }
0x9d: {  	[tilespmem:s14], [sflag:$0x4] =	stream.linear.gather [hbm4b:s13+s1], $0x80, $0x38;
	[tilespmem:$0x12000] =	vst v63  }
0x9e: {  	s16 =	simm.s32 $0xC00;
	s9 =	sld [smem:$0x7F1]  }
0x9f: {  	[tilespmem:s16], [sflag:$0x1] =	stream.linear.gather [hbm4b:s15+s1], $0x80, $0x38;
	[tilespmem:$0x12000] =	vst v63  }
0xa0: {  	s10 =	simm.s32 $0xC80;
	s11 =	sld [smem:$0x7F2]  }
0xa1: {  	[tilespmem:s10], [sflag:$0x2] =	stream.linear.gather [hbm4b:s9+s1], $0x80, $0x38;
	[tilespmem:$0x12000] =	vst v63  }
0xa2: {  	s12 =	simm.s32 $0xD00;
	s13 =	sld [smem:$0x7F3]  }
0xa3: {  	[tilespmem:s12], [sflag:$0x3] =	stream.linear.gather [hbm4b:s11+s1], $0x80, $0x38;
	[tilespmem:$0x12000] =	vst v63  }
0xa4: {  	s14 =	simm.s32 $0xD80;
	s15 =	sld [smem:$0x7F4]  }
0xa5: {  	[tilespmem:s14], [sflag:$0x4] =	stream.linear.gather [hbm4b:s13+s1], $0x80, $0x38;
	[tilespmem:$0x12000] =	vst v63  }
0xa6: {  	s16 =	simm.s32 $0xE00;
	s9 =	sld [smem:$0x7F5]  }
0xa7: {  	[tilespmem:s16], [sflag:$0x1] =	stream.linear.gather [hbm4b:s15+s1], $0x80, $0x38;
	[tilespmem:$0x12000] =	vst v63  }
0xa8: {  	s10 =	simm.s32 $0xE80;
	s11 =	sld [smem:$0x7F6]  }
0xa9: {  	[tilespmem:s10], [sflag:$0x2] =	stream.linear.gather [hbm4b:s9+s1], $0x80, $0x38;
	[tilespmem:$0x12000] =	vst v63  }
0xaa: {  	s12 =	simm.s32 $0xF00;
	s13 =	sld [smem:$0x7F7]  }
0xab: {  	[tilespmem:s12], [sflag:$0x3] =	stream.linear.gather [hbm4b:s11+s1], $0x80, $0x38;
	[tilespmem:$0x12000] =	vst v63  }
0xac: {  	s14 =	simm.s32 $0xF80;
	s15 =	sld [smem:$0x7F8]  }
0xad: {  	[tilespmem:s14], [sflag:$0x4] =	stream.linear.gather [hbm4b:s13+s1], $0x80, $0x38;
	[tilespmem:$0x12000] =	vst v63  }
0xae: {  	s16 =	simm.s32 $0x1000;
	s9 =	sld [smem:$0x7F9]  }
0xaf: {  	[tilespmem:s16], [sflag:$0x1] =	stream.linear.gather [hbm4b:s15+s1], $0x80, $0x38;
	[tilespmem:$0x12000] =	vst v63  }
0xb0: {  	s10 =	simm.s32 $0x1080;
	s11 =	sld [smem:$0x7FA]  }
0xb1: {  	[tilespmem:s10], [sflag:$0x2] =	stream.linear.gather [hbm4b:s9+s1], $0x80, $0x38;
	[tilespmem:$0x12000] =	vst v63  }
0xb2: {  	s12 =	simm.s32 $0x1100;
	s13 =	sld [smem:$0x7FB]  }
0xb3: {  	[tilespmem:s12], [sflag:$0x3] =	stream.linear.gather [hbm4b:s11+s1], $0x80, $0x38;
	[tilespmem:$0x12000] =	vst v63  }
0xb4: {  	s14 =	simm.s32 $0x1180;
	s15 =	sld [smem:$0x7FC]  }
0xb5: {  	[tilespmem:s14], [sflag:$0x4] =	stream.linear.gather [hbm4b:s13+s1], $0x80, $0x38;
	[tilespmem:$0x12000] =	vst v63  }
0xb6: {  	s16 =	simm.s32 $0x1200  }
0xb7: {  	[tilespmem:s16], [sflag:$0x1] =	stream.linear.gather [hbm4b:s15+s1], $0x80, $0x38;
	[tilespmem:$0x12000] =	vst v63  }
0xb8: {  	s10 =	simm.s32 $0x1280  }
0xb9: {  	[tilespmem:s10], [sflag:$0x2] =	stream.linear.gather [hbm4b:s17+s1], $0x80, $0x38;
	[tilespmem:$0x12000] =	vst v63  }
0xba: {  	s11 =	simm.s32 $0x1300  }
0xbb: {  	[tilespmem:s11], [sflag:$0x3] =	stream.linear.gather [hbm4b:s18+s1], $0x80, $0x38;
	[tilespmem:$0x12000] =	vst v63  }
0xbc: {  	s12 =	simm.s32 $0x1380  }
0xbd: {  	[tilespmem:s12], [sflag:$0x4] =	stream.linear.gather [hbm4b:s19+s1], $0x80, $0x38;
	[tilespmem:$0x12000] =	vst v63  }
0xbe: {  	s13 =	simm.s32 $0x1400  }
0xbf: {  	[tilespmem:s13], [sflag:$0x1] =	stream.linear.gather [hbm4b:s20+s1], $0x80, $0x38;
	[tilespmem:$0x12000] =	vst v63  }
0xc0: {  	s14 =	simm.s32 $0x1480  }
0xc1: {  	[tilespmem:s14], [sflag:$0x2] =	stream.linear.gather [hbm4b:s21+s1], $0x80, $0x38;
	[tilespmem:$0x12000] =	vst v63  }
0xc2: {  	s15 =	simm.s32 $0x1500  }
0xc3: {  	[tilespmem:s15], [sflag:$0x3] =	stream.linear.gather [hbm4b:s22+s1], $0x80, $0x38;
	[tilespmem:$0x12000] =	vst v63  }
0xc4: {  	s16 =	simm.s32 $0x1580  }
0xc5: {  	[tilespmem:s16], [sflag:$0x4] =	stream.linear.gather [hbm4b:s23+s1], $0x80, $0x38;
	[tilespmem:$0x12000] =	vst v63  }
0xc6: {  	_ =	swait.ge [sflag:s29], $0x80  }
0xc7: {  	[sflag:s29] =	ssyncset.done $0x0  }
0xc8: {  	[sflag:s29] =	ssyncadd.s32 $0xFFFFFF80  }
0xc9: {  	_ =	swait.ge [sflag:s30], $0x80  }
0xca: {  	[sflag:s30] =	ssyncset.done $0x0  }
0xcb: {  	[sflag:s30] =	ssyncadd.s32 $0xFFFFFF80  }
0xcc: {  	_ =	swait.ge [sflag:s31], $0x80  }
0xcd: {  	[sflag:s31] =	ssyncset.done $0x0  }
0xce: {  	[sflag:s31] =	ssyncadd.s32 $0xFFFFFF80  }
0xcf: {  	_ =	swait.ge [sflag:s0], $0x80  }
0xd0: {  	[sflag:s0] =	ssyncset.done $0x0  }
0xd1: {  	[sflag:s0] =	ssyncadd.s32 $0xFFFFFF80  }
0xd2: {  	_ =	swait.ge [sflag:s29], $0x80  }
0xd3: {  	[sflag:s29] =	ssyncset.done $0x0  }
0xd4: {  	[sflag:s29] =	ssyncadd.s32 $0xFFFFFF80  }
0xd5: {  	_ =	swait.ge [sflag:s30], $0x80  }
0xd6: {  	[sflag:s30] =	ssyncset.done $0x0  }
0xd7: {  	[sflag:s30] =	ssyncadd.s32 $0xFFFFFF80  }
0xd8: {  	_ =	swait.ge [sflag:s31], $0x80  }
0xd9: {  	[sflag:s31] =	ssyncset.done $0x0  }
0xda: {  	[sflag:s31] =	ssyncadd.s32 $0xFFFFFF80  }
0xdb: {  	_ =	swait.ge [sflag:s0], $0x80  }
0xdc: {  	[sflag:s0] =	ssyncset.done $0x0  }
0xdd: {  	[sflag:s0] =	ssyncadd.s32 $0xFFFFFF80  }
0xde: {  	_ =	swait.ge [sflag:s29], $0x80  }
0xdf: {  	[sflag:s29] =	ssyncset.done $0x0  }
0xe0: {  	[sflag:s29] =	ssyncadd.s32 $0xFFFFFF80  }
0xe1: {  	_ =	swait.ge [sflag:s30], $0x80  }
0xe2: {  	[sflag:s30] =	ssyncset.done $0x0  }
0xe3: {  	[sflag:s30] =	ssyncadd.s32 $0xFFFFFF80  }
0xe4: {  	_ =	swait.ge [sflag:s31], $0x80  }
0xe5: {  	[sflag:s31] =	ssyncset.done $0x0  }
0xe6: {  	[sflag:s31] =	ssyncadd.s32 $0xFFFFFF80  }
0xe7: {  	_ =	swait.ge [sflag:s0], $0x80  }
0xe8: {  	[sflag:s0] =	ssyncset.done $0x0  }
0xe9: {  	[sflag:s0] =	ssyncadd.s32 $0xFFFFFF80  }
0xea: {  	_ =	swait.ge [sflag:s29], $0x80  }
0xeb: {  	[sflag:s29] =	ssyncset.done $0x0  }
0xec: {  	[sflag:s29] =	ssyncadd.s32 $0xFFFFFF80  }
0xed: {  	_ =	swait.ge [sflag:s30], $0x80  }
0xee: {  	[sflag:s30] =	ssyncset.done $0x0  }
0xef: {  	[sflag:s30] =	ssyncadd.s32 $0xFFFFFF80  }
0xf0: {  	_ =	swait.ge [sflag:s31], $0x80  }
0xf1: {  	[sflag:s31] =	ssyncset.done $0x0  }
0xf2: {  	[sflag:s31] =	ssyncadd.s32 $0xFFFFFF80  }
0xf3: {  	_ =	swait.ge [sflag:s0], $0x80  }
0xf4: {  	[sflag:s0] =	ssyncset.done $0x0  }
0xf5: {  	[sflag:s0] =	ssyncadd.s32 $0xFFFFFF80  }
0xf6: {  	_ =	swait.ge [sflag:s29], $0x80  }
0xf7: {  	[sflag:s29] =	ssyncset.done $0x0  }
0xf8: {  	[sflag:s29] =	ssyncadd.s32 $0xFFFFFF80  }
0xf9: {  	_ =	swait.ge [sflag:s30], $0x80  }
0xfa: {  	[sflag:s30] =	ssyncset.done $0x0  }
0xfb: {  	[sflag:s30] =	ssyncadd.s32 $0xFFFFFF80  }
0xfc: {  	_ =	swait.ge [sflag:s31], $0x80  }
0xfd: {  	[sflag:s31] =	ssyncset.done $0x0  }
0xfe: {  	[sflag:s31] =	ssyncadd.s32 $0xFFFFFF80  }
0xff: {  	_ =	swait.ge [sflag:s0], $0x80  }
0x100: {  	[sflag:s0] =	ssyncset.done $0x0  }
0x101: {  	[sflag:s0] =	ssyncadd.s32 $0xFFFFFF80  }
0x102: {  	_ =	swait.ge [sflag:s29], $0x80  }
0x103: {  	[sflag:s29] =	ssyncset.done $0x0  }
0x104: {  	[sflag:s29] =	ssyncadd.s32 $0xFFFFFF80  }
0x105: {  	_ =	swait.ge [sflag:s30], $0x80  }
0x106: {  	[sflag:s30] =	ssyncset.done $0x0  }
0x107: {  	[sflag:s30] =	ssyncadd.s32 $0xFFFFFF80  }
0x108: {  	_ =	swait.ge [sflag:s31], $0x80  }
0x109: {  	[sflag:s31] =	ssyncset.done $0x0  }
0x10a: {  	[sflag:s31] =	ssyncadd.s32 $0xFFFFFF80  }
0x10b: {  	_ =	swait.ge [sflag:s0], $0x80  }
0x10c: {  	[sflag:s0] =	ssyncset.done $0x0  }
0x10d: {  	[sflag:s0] =	ssyncadd.s32 $0xFFFFFF80  }
0x10e: {  	_ =	swait.ge [sflag:s29], $0x80  }
0x10f: {  	[sflag:s29] =	ssyncset.done $0x0  }
0x110: {  	[sflag:s29] =	ssyncadd.s32 $0xFFFFFF80  }
0x111: {  	_ =	swait.ge [sflag:s30], $0x80  }
0x112: {  	[sflag:s30] =	ssyncset.done $0x0  }
0x113: {  	[sflag:s30] =	ssyncadd.s32 $0xFFFFFF80  }
0x114: {  	_ =	swait.ge [sflag:s31], $0x80  }
0x115: {  	[sflag:s31] =	ssyncset.done $0x0  }
0x116: {  	[sflag:s31] =	ssyncadd.s32 $0xFFFFFF80  }
0x117: {  	_ =	swait.ge [sflag:s0], $0x80  }
0x118: {  	[sflag:s0] =	ssyncset.done $0x0  }
0x119: {  	[sflag:s0] =	ssyncadd.s32 $0xFFFFFF80  }
0x11a: {  	_ =	swait.ge [sflag:s29], $0x80  }
0x11b: {  	[sflag:s29] =	ssyncset.done $0x0  }
0x11c: {  	[sflag:s29] =	ssyncadd.s32 $0xFFFFFF80  }
0x11d: {  	_ =	swait.ge [sflag:s30], $0x80  }
0x11e: {  	[sflag:s30] =	ssyncset.done $0x0  }
0x11f: {  	[sflag:s30] =	ssyncadd.s32 $0xFFFFFF80  }
0x120: {  	_ =	swait.ge [sflag:s31], $0x80  }
0x121: {  	[sflag:s31] =	ssyncset.done $0x0  }
0x122: {  	[sflag:s31] =	ssyncadd.s32 $0xFFFFFF80  }
0x123: {  	_ =	swait.ge [sflag:s0], $0x80  }
0x124: {  	[sflag:s0] =	ssyncset.done $0x0  }
0x125: {  	[sflag:s0] =	ssyncadd.s32 $0xFFFFFF80  }
0x126: {  	_ =	swait.ge [sflag:s29], $0x80  }
0x127: {  	[sflag:s29] =	ssyncset.done $0x0  }
0x128: {  	[sflag:s29] =	ssyncadd.s32 $0xFFFFFF80  }
0x129: {  	_ =	swait.ge [sflag:s30], $0x80  }
0x12a: {  	[sflag:s30] =	ssyncset.done $0x0  }
0x12b: {  	[sflag:s30] =	ssyncadd.s32 $0xFFFFFF80  }
0x12c: {  	_ =	swait.ge [sflag:s31], $0x80  }
0x12d: {  	[sflag:s31] =	ssyncset.done $0x0  }
0x12e: {  	[sflag:s31] =	ssyncadd.s32 $0xFFFFFF80  }
0x12f: {  	_ =	swait.ge [sflag:s0], $0x80  }
0x130: {  	[sflag:s0] =	ssyncset.done $0x0  }
0x131: {  	[sflag:s0] =	ssyncadd.s32 $0xFFFFFF80  }
0x132: {  	_ =	swait.ge [sflag:s29], $0x80  }
0x133: {  	[sflag:s29] =	ssyncset.done $0x0  }
0x134: {  	[sflag:s29] =	ssyncadd.s32 $0xFFFFFF80  }
0x135: {  	_ =	swait.ge [sflag:s30], $0x80  }
0x136: {  	[sflag:s30] =	ssyncset.done $0x0  }
0x137: {  	[sflag:s30] =	ssyncadd.s32 $0xFFFFFF80  }
0x138: {  	_ =	swait.ge [sflag:s31], $0x80  }
0x139: {  	[sflag:s31] =	ssyncset.done $0x0  }
0x13a: {  	[sflag:s31] =	ssyncadd.s32 $0xFFFFFF80  }
0x13b: {  	_ =	swait.ge [sflag:s0], $0x80  }
0x13c: {  	[sflag:s0] =	ssyncset.done $0x0  }
0x13d: {  	[sflag:s0] =	ssyncadd.s32 $0xFFFFFF80  }
0x13e: {  	_ =	swait.ge [sflag:s29], $0x80  }
0x13f: {  	[sflag:s29] =	ssyncset.done $0x0  }
0x140: {  	[sflag:s29] =	ssyncadd.s32 $0xFFFFFF80  }
0x141: {  	_ =	swait.ge [sflag:s30], $0x80  }
0x142: {  	[sflag:s30] =	ssyncset.done $0x0  }
0x143: {  	[sflag:s30] =	ssyncadd.s32 $0xFFFFFF80  }
0x144: {  	_ =	swait.ge [sflag:s31], $0x80  }
0x145: {  	[sflag:s31] =	ssyncset.done $0x0  }
0x146: {  	[sflag:s31] =	ssyncadd.s32 $0xFFFFFF80  }
0x147: {  	_ =	swait.ge [sflag:s0], $0x80  }
0x148: {  	[sflag:s0] =	ssyncset.done $0x0  }
0x149: {  	[sflag:s0] =	ssyncadd.s32 $0xFFFFFF80  }
0x14a: {  	_ =	swait.ge [sflag:s29], $0x80  }
0x14b: {  	[sflag:s29] =	ssyncset.done $0x0  }
0x14c: {  	[sflag:s29] =	ssyncadd.s32 $0xFFFFFF80  }
0x14d: {  	_ =	swait.ge [sflag:s30], $0x80  }
0x14e: {  	[sflag:s30] =	ssyncset.done $0x0  }
0x14f: {  	[sflag:s30] =	ssyncadd.s32 $0xFFFFFF80  }
0x150: {  	_ =	swait.ge [sflag:s31], $0x80  }
0x151: {  	[sflag:s31] =	ssyncset.done $0x0  }
0x152: {  	[sflag:s31] =	ssyncadd.s32 $0xFFFFFF80  }
0x153: {  	_ =	swait.ge [sflag:s0], $0x80  }
0x154: {  	[sflag:s0] =	ssyncset.done $0x0  }
0x155: {  	[sflag:s0] =	ssyncadd.s32 $0xFFFFFF80  }
0x156: {  	_ =	swait.ge [sflag:s29], $0x80  }
0x157: {  	[sflag:s29] =	ssyncset.done $0x0  }
0x158: {  	[sflag:s29] =	ssyncadd.s32 $0xFFFFFF80  }
0x159: {  	_ =	swait.ge [sflag:s30], $0x80  }
0x15a: {  	[sflag:s30] =	ssyncset.done $0x0  }
0x15b: {  	[sflag:s30] =	ssyncadd.s32 $0xFFFFFF80  }
0x15c: {  	_ =	swait.ge [sflag:s31], $0x80  }
0x15d: {  	[sflag:s31] =	ssyncset.done $0x0  }
0x15e: {  	[sflag:s31] =	ssyncadd.s32 $0xFFFFFF80  }
0x15f: {  	_ =	swait.ge [sflag:s0], $0x80  }
0x160: {  	[sflag:s0] =	ssyncset.done $0x0  }
0x161: {  	s8 =	simm.s32 $0x0;
	[sflag:s0] =	ssyncadd.s32 $0xFFFFFF80  }
0x162: {  	v0 =	vld [tilespmem:s8+$0x10]  }
0x163: {  	v1 =	vld [tilespmem:s8+$0x210]  }
0x164: {  	v2 =	vld [tilespmem:s8+$0x410]  }
0x165: {  	v3 =	vld [tilespmem:s8+$0x610]  }
0x166: {  	v4 =	vld [tilespmem:s8+$0x810]  }
0x167: {  	v5 =	vld [tilespmem:s8+$0xA10]  }
0x168: {  	v6 =	vld [tilespmem:s8+$0xC10]  }
0x169: {  	v7 =	vld [tilespmem:s8+$0xE10];
	v1 =	vshll.u32 v1, $0x1  }
0x16a: {  	v0 =	vor.u32 v0, v1;
	v1 =	vshll.u32 v2, $0x2;
	v2 =	vld [tilespmem:s8+$0x1010]  }
0x16b: {  	v0 =	vor.u32 v1, v0;
	v1 =	vshll.u32 v3, $0x3;
	v3 =	vld [tilespmem:s8+$0x1210]  }
0x16c: {  	v0 =	vor.u32 v1, v0;
	v1 =	vshll.u32 v4, $0x4;
	v4 =	vld [tilespmem:s8+$0x1410]  }
0x16d: {  	v0 =	vor.u32 v1, v0;
	v1 =	vshll.u32 v5, $0x5;
	v5 =	vld [tilespmem:s8+$0x200]  }
0x16e: {  	v0 =	vor.u32 v1, v0;
	v1 =	vshll.u32 v6, $0x6;
	v6 =	vld [tilespmem:s8+$0x0]  }
0x16f: {  	v0 =	vor.u32 v1, v0;
	v1 =	vshll.u32 v7, $0x7;
	v7 =	vld [tilespmem:s8+$0x400]  }
0x170: {  	v0 =	vor.u32 v1, v0;
	v1 =	vshll.u32 v2, $0x8;
	v2 =	vld [tilespmem:s8+$0x600]  }
0x171: {  	v0 =	vor.u32 v1, v0;
	v1 =	vshll.u32 v3, $0x9;
	v3 =	vld [tilespmem:s8+$0x800]  }
0x172: {  	v0 =	vor.u32 v1, v0;
	v1 =	vshll.u32 v4, $0xA;
	v4 =	vld [tilespmem:s8+$0xA00]  }
0x173: {  	v5 =	vshll.u32 v5, $0x1;
	v0 =	vor.u32 v1, v0;
	v1 =	vld [tilespmem:s8+$0xC00]  }
0x174: {  	[tilespmem:s8+$0x1A10] =	vst v0;
	v0 =	vor.u32 v6, v5;
	v5 =	vshll.u32 v7, $0x2;
	v6 =	vld [tilespmem:s8+$0xE00]  }
0x175: {  	v7 =	vld [tilespmem:s8+$0x1000];
	v0 =	vor.u32 v5, v0;
	v2 =	vshll.u32 v2, $0x3  }
0x176: {  	v0 =	vor.u32 v2, v0;
	v2 =	vshll.u32 v3, $0x4;
	v3 =	vld [tilespmem:s8+$0x1200]  }
0x177: {  	v5 =	vor.u32 v2, v0;
	v4 =	vshll.u32 v4, $0x5;
	v2 =	vld [tilespmem:s8+$0x1400]  }
0x178: {  	v0 =	vld [tilespmem:s8+$0x1600];
	v4 =	vor.u32 v4, v5;
	v5 =	vshll.u32 v1, $0x6  }
0x179: {  	v1 =	vld [tilespmem:s8+$0x1800];
	v4 =	vor.u32 v5, v4;
	v5 =	vshll.u32 v6, $0x7  }
0x17a: {  	s9 =	simm.s32 $0x0;
	s10 =	simm.s32 $0x80;
	v6 =	vshll.u32 v7, $0x8;
	v5 =	vor.u32 v5, v4;
	v4 =	vld [tilespmem:s8+$0x1610]  }
.LBB3_2:
0x17b: {  	s11 =	sshra.s32 s10, $0x2;
	v5 =	vor.u32 v6, v5;
	v3 =	vshll.u32 v3, $0x9;
	v6 =	vld [tilespmem:s8+$0x1810]  }
0x17c: {  	s9 =	sadd.s32 $0x2, s9;
	v7 =	vld [tilespmem:s11+$0x10];
	v3 =	vor.u32 v3, v5;
	v2 =	vshll.u32 v2, $0xA  }
0x17d: {  	p0 =	slt.u32 s9, $0x1E;
	v5 =	vld [tilespmem:s11+$0x210];
	v0 =	vadd.s32 $0x800, v0;
	v2 =	vor.u32 v2, v3  }
0x17e: {  	v3 =	vld [tilespmem:s11+$0x410];
	v1 =	vadd.s32 $0x888, v1;
	[tilespmem:s8+$0x1A00] =	vst v2  }
0x17f: {  	v2 =	vld [tilespmem:s11+$0x610];
	[tilespmem:s8+$0x1C00] =	vst v0;
	v0 =	vadd.s32 $0x800, v4  }
0x180: {  	v4 =	vld [tilespmem:s11+$0x810];
	[tilespmem:s8+$0x1E00] =	vst v1;
	v1 =	vadd.s32 $0x888, v6  }
0x181: {  	v6 =	vld [tilespmem:s11+$0xA10];
	[tilespmem:s8+$0x1C10] =	vst v0  }
0x182: {  	v0 =	vshll.u32 v5, $0x1;
	v5 =	vld [tilespmem:s11+$0xC10];
	[tilespmem:s8+$0x1E10] =	vst v1;
	s8 =	smov.u32 s11  }
0x183: {  	v0 =	vor.u32 v7, v0;
	v1 =	vshll.u32 v3, $0x2;
	v3 =	vld [tilespmem:s8+$0xE10]  }
0x184: {  	v0 =	vor.u32 v1, v0;
	v1 =	vshll.u32 v2, $0x3;
	v2 =	vld [tilespmem:s8+$0x1010]  }
0x185: {  	v0 =	vor.u32 v1, v0;
	v1 =	vshll.u32 v4, $0x4;
	v4 =	vld [tilespmem:s8+$0x1210]  }
0x186: {  	v0 =	vor.u32 v1, v0;
	v1 =	vshll.u32 v6, $0x5;
	v6 =	vld [tilespmem:s8+$0x1410]  }
0x187: {  	v7 =	vld [tilespmem:s8+$0x200];
	v0 =	vor.u32 v1, v0;
	v1 =	vshll.u32 v5, $0x6  }
0x188: {  	v5 =	vld [tilespmem:s8+$0x0];
	v0 =	vor.u32 v1, v0;
	v1 =	vshll.u32 v3, $0x7  }
0x189: {  	v3 =	vld [tilespmem:s8+$0x400];
	v0 =	vor.u32 v1, v0;
	v1 =	vshll.u32 v2, $0x8  }
0x18a: {  	v2 =	vld [tilespmem:s8+$0x600];
	v0 =	vor.u32 v1, v0;
	v1 =	vshll.u32 v4, $0x9  }
0x18b: {  	v4 =	vld [tilespmem:s8+$0x800];
	v0 =	vor.u32 v1, v0;
	v1 =	vshll.u32 v6, $0xA  }
0x18c: {  	v6 =	vshll.u32 v7, $0x1;
	v7 =	vld [tilespmem:s8+$0xA00];
	v0 =	vor.u32 v1, v0  }
0x18d: {  	v1 =	vor.u32 v5, v6;
	v5 =	vld [tilespmem:s8+$0xC00];
	[tilespmem:s8+$0x1A10] =	vst v0  }
0x18e: {  	v0 =	vshll.u32 v3, $0x2;
	v6 =	vld [tilespmem:s8+$0xE00]  }
0x18f: {  	v0 =	vor.u32 v0, v1;
	v1 =	vshll.u32 v2, $0x3;
	v8 =	vld [tilespmem:s8+$0x1000]  }
.Ltmp0:
0x190: {  	v0 =	vor.u32 v1, v0;
	v1 =	vshll.u32 v4, $0x4;
	v3 =	vld [tilespmem:s8+$0x1200];
	(pc) =	sbr.rel @p0 .LBB3_2-.Ltmp0, $4  }
0x191: {  	v1 =	vor.u32 v1, v0;
	v4 =	vshll.u32 v7, $0x5;
	v2 =	vld [tilespmem:s8+$0x1400]  }
0x192: {  	v0 =	vld [tilespmem:s8+$0x1600];
	v4 =	vor.u32 v4, v1;
	v5 =	vshll.u32 v5, $0x6  }
0x193: {  	v1 =	vld [tilespmem:s8+$0x1800];
	v4 =	vor.u32 v5, v4;
	v5 =	vshll.u32 v6, $0x7  }
0x194: {  	s10 =	sadd.s32 $0x80, s10;
	v5 =	vor.u32 v5, v4;
	v6 =	vshll.u32 v8, $0x8;
	v4 =	vld [tilespmem:s8+$0x1610]  }
0x195: {  	v5 =	vor.u32 v6, v5;
	v3 =	vshll.u32 v3, $0x9  }
0x196: {  	v6 =	vld [tilespmem:s8+$0x1810];
	v3 =	vor.u32 v3, v5;
	v2 =	vshll.u32 v2, $0xA  }
0x197: {  	v2 =	vor.u32 v2, v3  }
0x198: {  	v0 =	vadd.s32 $0x800, v0;
	[tilespmem:s8+$0x1A00] =	vst v2  }
0x199: {  	v1 =	vadd.s32 $0x888, v1;
	[tilespmem:s8+$0x1C00] =	vst v0  }
0x19a: {  	v0 =	vadd.s32 $0x800, v4;
	[tilespmem:s8+$0x1E00] =	vst v1  }
0x19b: {  	v1 =	vadd.s32 $0x888, v6;
	[tilespmem:s8+$0x1C10] =	vst v0  }
0x19c: {  	s10 =	simm.s32 $0x1A00;
	s9 =	simm.s32 $0x2000;
	[tilespmem:s8+$0x1E10] =	vst v1  }
0x19d: {  	[tilespmem:s9], [sflag:$0x5] =	stream.indirect.gather [hbm4b:s24+s28], $0x20, s10, s28, $0xb8;
	[tilespmem:$0x12000] =	vst v63  }
0x19e: {  	s11 =	simm.s32 $0x1C00;
	s12 =	simm.s32 $0x6000  }
0x19f: {  	[tilespmem:s12], [sflag:$0x5] =	stream.indirect.gather [hbm4b:s24+s28], $0x20, s11, s28, $0xb8;
	[tilespmem:$0x12000] =	vst v63  }
0x1a0: {  	s13 =	simm.s32 $0x1E00;
	s14 =	simm.s32 $0xA000  }
0x1a1: {  	[tilespmem:s14], [sflag:$0x5] =	stream.indirect.gather [hbm4b:s24+s28], $0x20, s13, s28, $0xb8;
	[tilespmem:$0x12000] =	vst v63  }
0x1a2: {  	s15 =	simm.s32 $0x1A80;
	s16 =	simm.s32 $0x3000  }
0x1a3: {  	[tilespmem:s16], [sflag:$0x6] =	stream.indirect.gather [hbm4b:s24+s28], $0x20, s15, s28, $0xb8;
	[tilespmem:$0x12000] =	vst v63  }
0x1a4: {  	s9 =	simm.s32 $0x1C80;
	s10 =	simm.s32 $0x7000  }
0x1a5: {  	[tilespmem:s10], [sflag:$0x6] =	stream.indirect.gather [hbm4b:s24+s28], $0x20, s9, s28, $0xb8;
	[tilespmem:$0x12000] =	vst v63  }
0x1a6: {  	s11 =	simm.s32 $0x1E80;
	s12 =	simm.s32 $0xB000  }
0x1a7: {  	[tilespmem:s12], [sflag:$0x6] =	stream.indirect.gather [hbm4b:s24+s28], $0x20, s11, s28, $0xb8;
	[tilespmem:$0x12000] =	vst v63  }
0x1a8: {  	s13 =	simm.s32 $0x1B00;
	s14 =	simm.s32 $0x4000  }
0x1a9: {  	[tilespmem:s14], [sflag:$0x7] =	stream.indirect.gather [hbm4b:s24+s28], $0x20, s13, s28, $0xb8;
	[tilespmem:$0x12000] =	vst v63  }
0x1aa: {  	s15 =	simm.s32 $0x1D00;
	s16 =	simm.s32 $0x8000  }
0x1ab: {  	[tilespmem:s16], [sflag:$0x7] =	stream.indirect.gather [hbm4b:s24+s28], $0x20, s15, s28, $0xb8;
	[tilespmem:$0x12000] =	vst v63  }
0x1ac: {  	s9 =	simm.s32 $0x1F00;
	s10 =	simm.s32 $0xC000  }
0x1ad: {  	[tilespmem:s10], [sflag:$0x7] =	stream.indirect.gather [hbm4b:s24+s28], $0x20, s9, s28, $0xb8;
	[tilespmem:$0x12000] =	vst v63  }
0x1ae: {  	s11 =	simm.s32 $0x1B80;
	s12 =	simm.s32 $0x5000  }
0x1af: {  	[tilespmem:s12], [sflag:$0x8] =	stream.indirect.gather [hbm4b:s24+s28], $0x20, s11, s28, $0xb8;
	[tilespmem:$0x12000] =	vst v63  }
0x1b0: {  	s13 =	simm.s32 $0x1D80;
	s14 =	simm.s32 $0x9000  }
0x1b1: {  	[tilespmem:s14], [sflag:$0x8] =	stream.indirect.gather [hbm4b:s24+s28], $0x20, s13, s28, $0xb8;
	[tilespmem:$0x12000] =	vst v63  }
0x1b2: {  	s15 =	simm.s32 $0x1F80;
	s16 =	simm.s32 $0xD000  }
0x1b3: {  	[tilespmem:s16], [sflag:$0x8] =	stream.indirect.gather [hbm4b:s24+s28], $0x20, s15, s28, $0xb8;
	[tilespmem:$0x12000] =	vst v63  }
0x1b4: {  	_ =	swait.ge [sflag:s2], $0x1000  }
0x1b5: {  	[sflag:s2] =	ssyncset.done $0x0  }
0x1b6: {  	[sflag:s2] =	ssyncadd.s32 $0xFFFFF000  }
0x1b7: {  	_ =	swait.ge [sflag:s2], $0x1000  }
0x1b8: {  	[sflag:s2] =	ssyncset.done $0x0  }
0x1b9: {  	[sflag:s2] =	ssyncadd.s32 $0xFFFFF000  }
0x1ba: {  	_ =	swait.ge [sflag:s2], $0x1000  }
0x1bb: {  	[sflag:s2] =	ssyncset.done $0x0  }
0x1bc: {  	s12 =	simm.s32 $0x2020;
	[sflag:s2] =	ssyncadd.s32 $0xFFFFF000  }
0x1bd: {  	s14 =	simm.s32 $0x6020;
	v0 =	vld [tilespmem:s12+$0x0]  }
0x1be: {  	v1 =	vld [tilespmem:s14+$0x0]  }
0x1bf: {  	s15 =	simm.s32 $0xA020  }
0x1c0: {  	v2 =	vld [tilespmem:s15+$0x0];
	_ =	sdelay $0x2  }
0x1c1: {  	v0 =	vadd.f32 v1, v0  }
0x1c2: {  	s9 =	simm.s32 $0x2060;
	v3 =	vld [tilespmem:s12+$0xFFFFFFE0]  }
0x1c3: {  	v5 =	vld [tilespmem:s9+$0x0];
	v0 =	vadd.f32 v2, v0  }
0x1c4: {  	s8 =	simm.s32 $0xE090;
	v1 =	vld [tilespmem:s14+$0xFFFFFFE0]  }
0x1c5: {  	v2 =	vld [tilespmem:s15+$0xFFFFFFE0];
	[tilespmem:s8+$0xFFFFFFF0] =	vst v0  }
0x1c6: {  	v0 =	vld [tilespmem:s12+$0x10]  }
0x1c7: {  	s10 =	simm.s32 $0x6060;
	v4 =	vld [tilespmem:s14+$0x10]  }
0x1c8: {  	v6 =	vld [tilespmem:s10+$0x0]  }
0x1c9: {  	s11 =	simm.s32 $0xA060;
	v1 =	vadd.f32 v1, v3;
	v7 =	vld [tilespmem:s15+$0x10]  }
0x1ca: {  	v8 =	vld [tilespmem:s11+$0x0]  }
0x1cb: {  	v3 =	vld [tilespmem:s9+$0xFFFFFFE0];
	v2 =	vadd.f32 v2, v1  }
0x1cc: {  	v1 =	vld [tilespmem:s10+$0xFFFFFFE0];
	v9 =	vadd.f32 v4, v0  }
0x1cd: {  	[tilespmem:s8+$0xFFFFFF70] =	vst v2;
	v2 =	vadd.f32 v6, v5;
	v4 =	vld [tilespmem:s11+$0xFFFFFFE0]  }
0x1ce: {  	v0 =	vld [tilespmem:s12+$0xFFFFFFF0];
	v7 =	vadd.f32 v7, v9  }
0x1cf: {  	s13 =	simm.s32 $0x2;
	s16 =	simm.s32 $0xA060;
	v5 =	vld [tilespmem:s14+$0xFFFFFFF0];
	v6 =	vadd.f32 v8, v2  }
0x1d0: {  	s14 =	simm.s32 $0x20A0;
	s12 =	simm.s32 $0xE190;
	v2 =	vld [tilespmem:s15+$0xFFFFFFF0];
	s15 =	simm.s32 $0x6060;
	[tilespmem:s8+$0x0] =	vst v7  }
.LBB3_4:
0x1d1: {  	v7 =	vld [tilespmem:s14+$0x0];
	v1 =	vadd.f32 v1, v3;
	[tilespmem:s12+$0xFFFFFFF0] =	vst v6  }
0x1d2: {  	v6 =	vld [tilespmem:s9+$0x10]  }
0x1d3: {  	s15 =	sadd.s32 $0x40, s15;
	v1 =	vadd.f32 v4, v1;
	v4 =	vld [tilespmem:s10+$0x10]  }
0x1d4: {  	v8 =	vld [tilespmem:s15+$0x0];
	v0 =	vadd.f32 v5, v0  }
0x1d5: {  	s13 =	sadd.s32 $0x2, s13;
	s16 =	sadd.s32 $0x40, s16;
	[tilespmem:s12+$0xFFFFFF70] =	vst v1;
	v5 =	vld [tilespmem:s11+$0x10]  }
0x1d6: {  	p0 =	slt.u32 s13, $0x7E;
	v9 =	vld [tilespmem:s16+$0x0];
	v0 =	vadd.f32 v2, v0  }
0x1d7: {  	v1 =	vld [tilespmem:s15+$0xFFFFFFE0]  }
.Ltmp1:
0x1d8: {  	v3 =	vld [tilespmem:s14+$0xFFFFFFE0];
	v2 =	vadd.f32 v4, v6;
	[tilespmem:s8+$0xFFFFFF80] =	vst v0;
	s8 =	smov.u32 s12;
	(pc) =	sbr.rel @p0 .LBB3_4-.Ltmp1, $4  }
0x1d9: {  	v4 =	vld [tilespmem:s16+$0xFFFFFFE0];
	v6 =	vadd.f32 v8, v7  }
0x1da: {  	v0 =	vld [tilespmem:s9+$0xFFFFFFF0];
	v7 =	vadd.f32 v5, v2;
	s9 =	smov.u32 s14  }
0x1db: {  	v6 =	vadd.f32 v9, v6;
	v5 =	vld [tilespmem:s10+$0xFFFFFFF0];
	s10 =	smov.u32 s15  }
0x1dc: {  	s12 =	sadd.s32 $0x100, s12;
	s14 =	sadd.s32 $0x40, s14;
	v2 =	vld [tilespmem:s11+$0xFFFFFFF0];
	[tilespmem:s8+$0x0] =	vst v7;
	s11 =	smov.u32 s16  }
0x1dd: {  	v1 =	vadd.f32 v1, v3;
	_ =	sdelay $0x1  }
0x1de: {  	[tilespmem:s12+$0xFFFFFFF0] =	vst v6;
	v1 =	vadd.f32 v4, v1  }
0x1df: {  	v3 =	vld [tilespmem:s9+$0x10]  }
0x1e0: {  	v4 =	vld [tilespmem:s10+$0x10];
	[tilespmem:s12+$0xFFFFFF70] =	vst v1  }
0x1e1: {  	v1 =	vld [tilespmem:s9+$0xFFFFFFF0]  }
0x1e2: {  	v6 =	vld [tilespmem:s10+$0xFFFFFFF0]  }
0x1e3: {  	v7 =	vld [tilespmem:s11+$0x10]  }
0x1e4: {  	v8 =	vld [tilespmem:s11+$0xFFFFFFF0]  }
0x1e5: {  	v0 =	vadd.f32 v5, v0  }
0x1e6: {  	v3 =	vadd.f32 v4, v3  }
0x1e7: {  	v0 =	vadd.f32 v2, v0;
	v1 =	vadd.f32 v6, v1  }
0x1e8: {  	v2 =	vadd.f32 v7, v3  }
0x1e9: {  	[tilespmem:s8+$0xFFFFFF80] =	vst v0;
	v0 =	vadd.f32 v8, v1  }
0x1ea: {  	[tilespmem:s12+$0x0] =	vst v2  }
0x1eb: {  	[tilespmem:s12+$0xFFFFFF80] =	vst v0  }
0x1ec: {  	_ =	swait.ge [sflag:s3], $0x1000  }
0x1ed: {  	[sflag:s3] =	ssyncset.done $0x0  }
0x1ee: {  	[sflag:s3] =	ssyncadd.s32 $0xFFFFF000  }
0x1ef: {  	_ =	swait.ge [sflag:s3], $0x1000  }
0x1f0: {  	[sflag:s3] =	ssyncset.done $0x0  }
0x1f1: {  	[sflag:s3] =	ssyncadd.s32 $0xFFFFF000  }
0x1f2: {  	_ =	swait.ge [sflag:s3], $0x1000  }
0x1f3: {  	[sflag:s3] =	ssyncset.done $0x0  }
0x1f4: {  	s16 =	simm.s32 $0x3030;
	[sflag:s3] =	ssyncadd.s32 $0xFFFFF000  }
0x1f5: {  	s14 =	simm.s32 $0x7030;
	v0 =	vld [tilespmem:s16+$0xFFFFFFF0]  }
0x1f6: {  	v1 =	vld [tilespmem:s14+$0xFFFFFFF0]  }
0x1f7: {  	s15 =	simm.s32 $0xB030  }
0x1f8: {  	v2 =	vld [tilespmem:s15+$0xFFFFFFF0];
	_ =	sdelay $0x2  }
0x1f9: {  	v0 =	vadd.f32 v1, v0  }
0x1fa: {  	s9 =	simm.s32 $0x3070;
	v3 =	vld [tilespmem:s16+$0xFFFFFFD0]  }
0x1fb: {  	v5 =	vld [tilespmem:s9+$0xFFFFFFF0];
	v0 =	vadd.f32 v2, v0  }
0x1fc: {  	s8 =	simm.s32 $0xE0A0;
	v1 =	vld [tilespmem:s14+$0xFFFFFFD0]  }
0x1fd: {  	v2 =	vld [tilespmem:s15+$0xFFFFFFD0];
	[tilespmem:s8+$0x0] =	vst v0  }
0x1fe: {  	v0 =	vld [tilespmem:s16+$0x0]  }
0x1ff: {  	s10 =	simm.s32 $0x7070;
	v4 =	vld [tilespmem:s14+$0x0]  }
0x200: {  	v6 =	vld [tilespmem:s10+$0xFFFFFFF0]  }
0x201: {  	s11 =	simm.s32 $0xB070;
	v1 =	vadd.f32 v1, v3;
	v7 =	vld [tilespmem:s15+$0x0]  }
0x202: {  	v8 =	vld [tilespmem:s11+$0xFFFFFFF0]  }
0x203: {  	v3 =	vld [tilespmem:s9+$0xFFFFFFD0];
	v2 =	vadd.f32 v2, v1  }
0x204: {  	v1 =	vld [tilespmem:s10+$0xFFFFFFD0];
	v9 =	vadd.f32 v4, v0  }
0x205: {  	[tilespmem:s8+$0xFFFFFF80] =	vst v2;
	v2 =	vadd.f32 v6, v5;
	v4 =	vld [tilespmem:s11+$0xFFFFFFD0]  }
0x206: {  	v0 =	vld [tilespmem:s16+$0xFFFFFFE0];
	v7 =	vadd.f32 v7, v9  }
0x207: {  	s13 =	simm.s32 $0x2;
	s12 =	simm.s32 $0xE1A0;
	v5 =	vld [tilespmem:s14+$0xFFFFFFE0];
	v6 =	vadd.f32 v8, v2  }
0x208: {  	s14 =	simm.s32 $0x30B0;
	s16 =	simm.s32 $0xB070;
	v2 =	vld [tilespmem:s15+$0xFFFFFFE0];
	s15 =	simm.s32 $0x7070;
	[tilespmem:s8+$0x10] =	vst v7  }
.LBB3_6:
0x209: {  	v7 =	vld [tilespmem:s14+$0xFFFFFFF0];
	v1 =	vadd.f32 v1, v3;
	[tilespmem:s12+$0x0] =	vst v6  }
0x20a: {  	v6 =	vld [tilespmem:s9+$0x0]  }
0x20b: {  	s15 =	sadd.s32 $0x40, s15;
	v1 =	vadd.f32 v4, v1;
	v4 =	vld [tilespmem:s10+$0x0]  }
0x20c: {  	v8 =	vld [tilespmem:s15+$0xFFFFFFF0];
	v0 =	vadd.f32 v5, v0  }
0x20d: {  	s13 =	sadd.s32 $0x2, s13;
	s16 =	sadd.s32 $0x40, s16;
	[tilespmem:s12+$0xFFFFFF80] =	vst v1;
	v5 =	vld [tilespmem:s11+$0x0]  }
0x20e: {  	p0 =	slt.u32 s13, $0x7E;
	v9 =	vld [tilespmem:s16+$0xFFFFFFF0];
	v0 =	vadd.f32 v2, v0  }
0x20f: {  	v1 =	vld [tilespmem:s15+$0xFFFFFFD0]  }
.Ltmp2:
0x210: {  	v3 =	vld [tilespmem:s14+$0xFFFFFFD0];
	v2 =	vadd.f32 v4, v6;
	[tilespmem:s8+$0xFFFFFF90] =	vst v0;
	s8 =	smov.u32 s12;
	(pc) =	sbr.rel @p0 .LBB3_6-.Ltmp2, $4  }
0x211: {  	v4 =	vld [tilespmem:s16+$0xFFFFFFD0];
	v6 =	vadd.f32 v8, v7  }
0x212: {  	v0 =	vld [tilespmem:s9+$0xFFFFFFE0];
	v7 =	vadd.f32 v5, v2;
	s9 =	smov.u32 s14  }
0x213: {  	v6 =	vadd.f32 v9, v6;
	v5 =	vld [tilespmem:s10+$0xFFFFFFE0];
	s10 =	smov.u32 s15  }
0x214: {  	s12 =	sadd.s32 $0x100, s12;
	s14 =	sadd.s32 $0x40, s14;
	v2 =	vld [tilespmem:s11+$0xFFFFFFE0];
	[tilespmem:s8+$0x10] =	vst v7;
	s11 =	smov.u32 s16  }
0x215: {  	v1 =	vadd.f32 v1, v3;
	_ =	sdelay $0x1  }
0x216: {  	[tilespmem:s12+$0x0] =	vst v6;
	v1 =	vadd.f32 v4, v1  }
0x217: {  	v3 =	vld [tilespmem:s9+$0x0]  }
0x218: {  	v4 =	vld [tilespmem:s10+$0x0];
	[tilespmem:s12+$0xFFFFFF80] =	vst v1  }
0x219: {  	v1 =	vld [tilespmem:s9+$0xFFFFFFE0]  }
0x21a: {  	v6 =	vld [tilespmem:s10+$0xFFFFFFE0]  }
0x21b: {  	v7 =	vld [tilespmem:s11+$0x0]  }
0x21c: {  	v8 =	vld [tilespmem:s11+$0xFFFFFFE0]  }
0x21d: {  	v0 =	vadd.f32 v5, v0  }
0x21e: {  	v3 =	vadd.f32 v4, v3  }
0x21f: {  	v0 =	vadd.f32 v2, v0;
	v1 =	vadd.f32 v6, v1  }
0x220: {  	v2 =	vadd.f32 v7, v3  }
0x221: {  	[tilespmem:s8+$0xFFFFFF90] =	vst v0;
	v0 =	vadd.f32 v8, v1  }
0x222: {  	[tilespmem:s12+$0x10] =	vst v2  }
0x223: {  	[tilespmem:s12+$0xFFFFFF90] =	vst v0  }
0x224: {  	_ =	swait.ge [sflag:s4], $0x1000  }
0x225: {  	[sflag:s4] =	ssyncset.done $0x0  }
0x226: {  	[sflag:s4] =	ssyncadd.s32 $0xFFFFF000  }
0x227: {  	_ =	swait.ge [sflag:s4], $0x1000  }
0x228: {  	[sflag:s4] =	ssyncset.done $0x0  }
0x229: {  	[sflag:s4] =	ssyncadd.s32 $0xFFFFF000  }
0x22a: {  	_ =	swait.ge [sflag:s4], $0x1000  }
0x22b: {  	[sflag:s4] =	ssyncset.done $0x0  }
0x22c: {  	s16 =	simm.s32 $0x4030;
	[sflag:s4] =	ssyncadd.s32 $0xFFFFF000  }
0x22d: {  	s14 =	simm.s32 $0x8030;
	v0 =	vld [tilespmem:s16+$0xFFFFFFF0]  }
0x22e: {  	v1 =	vld [tilespmem:s14+$0xFFFFFFF0]  }
0x22f: {  	s15 =	simm.s32 $0xC030  }
0x230: {  	v2 =	vld [tilespmem:s15+$0xFFFFFFF0];
	_ =	sdelay $0x2  }
0x231: {  	v0 =	vadd.f32 v1, v0  }
0x232: {  	s9 =	simm.s32 $0x4070;
	v3 =	vld [tilespmem:s16+$0xFFFFFFD0]  }
0x233: {  	v5 =	vld [tilespmem:s9+$0xFFFFFFF0];
	v0 =	vadd.f32 v2, v0  }
0x234: {  	s8 =	simm.s32 $0xE0C0;
	v1 =	vld [tilespmem:s14+$0xFFFFFFD0]  }
0x235: {  	v2 =	vld [tilespmem:s15+$0xFFFFFFD0];
	[tilespmem:s8+$0x0] =	vst v0  }
0x236: {  	v0 =	vld [tilespmem:s16+$0x0]  }
0x237: {  	s10 =	simm.s32 $0x8070;
	v4 =	vld [tilespmem:s14+$0x0]  }
0x238: {  	v6 =	vld [tilespmem:s10+$0xFFFFFFF0]  }
0x239: {  	s11 =	simm.s32 $0xC070;
	v1 =	vadd.f32 v1, v3;
	v7 =	vld [tilespmem:s15+$0x0]  }
0x23a: {  	v8 =	vld [tilespmem:s11+$0xFFFFFFF0]  }
0x23b: {  	v3 =	vld [tilespmem:s9+$0xFFFFFFD0];
	v2 =	vadd.f32 v2, v1  }
0x23c: {  	v1 =	vld [tilespmem:s10+$0xFFFFFFD0];
	v9 =	vadd.f32 v4, v0  }
0x23d: {  	[tilespmem:s8+$0xFFFFFF80] =	vst v2;
	v2 =	vadd.f32 v6, v5;
	v4 =	vld [tilespmem:s11+$0xFFFFFFD0]  }
0x23e: {  	v0 =	vld [tilespmem:s16+$0xFFFFFFE0];
	v7 =	vadd.f32 v7, v9  }
0x23f: {  	s13 =	simm.s32 $0x2;
	s12 =	simm.s32 $0xE1C0;
	v5 =	vld [tilespmem:s14+$0xFFFFFFE0];
	v6 =	vadd.f32 v8, v2  }
0x240: {  	s14 =	simm.s32 $0x40B0;
	s16 =	simm.s32 $0xC070;
	v2 =	vld [tilespmem:s15+$0xFFFFFFE0];
	s15 =	simm.s32 $0x8070;
	[tilespmem:s8+$0x10] =	vst v7  }
.LBB3_8:
0x241: {  	v7 =	vld [tilespmem:s14+$0xFFFFFFF0];
	v1 =	vadd.f32 v1, v3;
	[tilespmem:s12+$0x0] =	vst v6  }
0x242: {  	v6 =	vld [tilespmem:s9+$0x0]  }
0x243: {  	s15 =	sadd.s32 $0x40, s15;
	v1 =	vadd.f32 v4, v1;
	v4 =	vld [tilespmem:s10+$0x0]  }
0x244: {  	v8 =	vld [tilespmem:s15+$0xFFFFFFF0];
	v0 =	vadd.f32 v5, v0  }
0x245: {  	s13 =	sadd.s32 $0x2, s13;
	s16 =	sadd.s32 $0x40, s16;
	[tilespmem:s12+$0xFFFFFF80] =	vst v1;
	v5 =	vld [tilespmem:s11+$0x0]  }
0x246: {  	p0 =	slt.u32 s13, $0x7E;
	v9 =	vld [tilespmem:s16+$0xFFFFFFF0];
	v0 =	vadd.f32 v2, v0  }
0x247: {  	v1 =	vld [tilespmem:s15+$0xFFFFFFD0]  }
.Ltmp3:
0x248: {  	v3 =	vld [tilespmem:s14+$0xFFFFFFD0];
	v2 =	vadd.f32 v4, v6;
	[tilespmem:s8+$0xFFFFFF90] =	vst v0;
	s8 =	smov.u32 s12;
	(pc) =	sbr.rel @p0 .LBB3_8-.Ltmp3, $4  }
0x249: {  	v4 =	vld [tilespmem:s16+$0xFFFFFFD0];
	v6 =	vadd.f32 v8, v7  }
0x24a: {  	v0 =	vld [tilespmem:s9+$0xFFFFFFE0];
	v7 =	vadd.f32 v5, v2;
	s9 =	smov.u32 s14  }
0x24b: {  	v6 =	vadd.f32 v9, v6;
	v5 =	vld [tilespmem:s10+$0xFFFFFFE0];
	s10 =	smov.u32 s15  }
0x24c: {  	s12 =	sadd.s32 $0x100, s12;
	s14 =	sadd.s32 $0x40, s14;
	v2 =	vld [tilespmem:s11+$0xFFFFFFE0];
	[tilespmem:s8+$0x10] =	vst v7;
	s11 =	smov.u32 s16  }
0x24d: {  	v1 =	vadd.f32 v1, v3;
	_ =	sdelay $0x1  }
0x24e: {  	[tilespmem:s12+$0x0] =	vst v6;
	v1 =	vadd.f32 v4, v1  }
0x24f: {  	v3 =	vld [tilespmem:s9+$0x0]  }
0x250: {  	v4 =	vld [tilespmem:s10+$0x0];
	[tilespmem:s12+$0xFFFFFF80] =	vst v1  }
0x251: {  	v1 =	vld [tilespmem:s9+$0xFFFFFFE0]  }
0x252: {  	v6 =	vld [tilespmem:s10+$0xFFFFFFE0]  }
0x253: {  	v7 =	vld [tilespmem:s11+$0x0]  }
0x254: {  	v8 =	vld [tilespmem:s11+$0xFFFFFFE0]  }
0x255: {  	v0 =	vadd.f32 v5, v0  }
0x256: {  	v3 =	vadd.f32 v4, v3  }
0x257: {  	v0 =	vadd.f32 v2, v0;
	v1 =	vadd.f32 v6, v1  }
0x258: {  	v2 =	vadd.f32 v7, v3  }
0x259: {  	[tilespmem:s8+$0xFFFFFF90] =	vst v0;
	v0 =	vadd.f32 v8, v1  }
0x25a: {  	[tilespmem:s12+$0x10] =	vst v2  }
0x25b: {  	[tilespmem:s12+$0xFFFFFF90] =	vst v0  }
0x25c: {  	_ =	swait.ge [sflag:s5], $0x1000  }
0x25d: {  	[sflag:s5] =	ssyncset.done $0x0  }
0x25e: {  	[sflag:s5] =	ssyncadd.s32 $0xFFFFF000  }
0x25f: {  	_ =	swait.ge [sflag:s5], $0x1000  }
0x260: {  	[sflag:s5] =	ssyncset.done $0x0  }
0x261: {  	[sflag:s5] =	ssyncadd.s32 $0xFFFFF000  }
0x262: {  	_ =	swait.ge [sflag:s5], $0x1000  }
0x263: {  	[sflag:s5] =	ssyncset.done $0x0  }
0x264: {  	s16 =	simm.s32 $0x5030;
	[sflag:s5] =	ssyncadd.s32 $0xFFFFF000  }
0x265: {  	s14 =	simm.s32 $0x9030;
	v0 =	vld [tilespmem:s16+$0xFFFFFFF0]  }
0x266: {  	v1 =	vld [tilespmem:s14+$0xFFFFFFF0]  }
0x267: {  	s15 =	simm.s32 $0xD030  }
0x268: {  	v2 =	vld [tilespmem:s15+$0xFFFFFFF0];
	_ =	sdelay $0x2  }
0x269: {  	v0 =	vadd.f32 v1, v0  }
0x26a: {  	s9 =	simm.s32 $0x5070;
	v3 =	vld [tilespmem:s16+$0xFFFFFFD0]  }
0x26b: {  	v5 =	vld [tilespmem:s9+$0xFFFFFFF0];
	v0 =	vadd.f32 v2, v0  }
0x26c: {  	s8 =	simm.s32 $0xE0E0;
	v1 =	vld [tilespmem:s14+$0xFFFFFFD0]  }
0x26d: {  	v2 =	vld [tilespmem:s15+$0xFFFFFFD0];
	[tilespmem:s8+$0x0] =	vst v0  }
0x26e: {  	v0 =	vld [tilespmem:s16+$0x0]  }
0x26f: {  	s10 =	simm.s32 $0x9070;
	v4 =	vld [tilespmem:s14+$0x0]  }
0x270: {  	v6 =	vld [tilespmem:s10+$0xFFFFFFF0]  }
0x271: {  	s11 =	simm.s32 $0xD070;
	v1 =	vadd.f32 v1, v3;
	v7 =	vld [tilespmem:s15+$0x0]  }
0x272: {  	v8 =	vld [tilespmem:s11+$0xFFFFFFF0]  }
0x273: {  	v3 =	vld [tilespmem:s9+$0xFFFFFFD0];
	v2 =	vadd.f32 v2, v1  }
0x274: {  	v1 =	vld [tilespmem:s10+$0xFFFFFFD0];
	v9 =	vadd.f32 v4, v0  }
0x275: {  	[tilespmem:s8+$0xFFFFFF80] =	vst v2;
	v2 =	vadd.f32 v6, v5;
	v4 =	vld [tilespmem:s11+$0xFFFFFFD0]  }
0x276: {  	v0 =	vld [tilespmem:s16+$0xFFFFFFE0];
	v7 =	vadd.f32 v7, v9  }
0x277: {  	s13 =	simm.s32 $0x2;
	s12 =	simm.s32 $0xE1E0;
	v5 =	vld [tilespmem:s14+$0xFFFFFFE0];
	v6 =	vadd.f32 v8, v2  }
0x278: {  	s14 =	simm.s32 $0x50B0;
	s16 =	simm.s32 $0xD070;
	v2 =	vld [tilespmem:s15+$0xFFFFFFE0];
	s15 =	simm.s32 $0x9070;
	[tilespmem:s8+$0x10] =	vst v7  }
.LBB3_10:
0x279: {  	v7 =	vld [tilespmem:s14+$0xFFFFFFF0];
	v1 =	vadd.f32 v1, v3;
	[tilespmem:s12+$0x0] =	vst v6  }
0x27a: {  	v6 =	vld [tilespmem:s9+$0x0]  }
0x27b: {  	s15 =	sadd.s32 $0x40, s15;
	v1 =	vadd.f32 v4, v1;
	v4 =	vld [tilespmem:s10+$0x0]  }
0x27c: {  	v8 =	vld [tilespmem:s15+$0xFFFFFFF0];
	v0 =	vadd.f32 v5, v0  }
0x27d: {  	s13 =	sadd.s32 $0x2, s13;
	s16 =	sadd.s32 $0x40, s16;
	[tilespmem:s12+$0xFFFFFF80] =	vst v1;
	v5 =	vld [tilespmem:s11+$0x0]  }
0x27e: {  	p0 =	slt.u32 s13, $0x7E;
	v9 =	vld [tilespmem:s16+$0xFFFFFFF0];
	v0 =	vadd.f32 v2, v0  }
0x27f: {  	v1 =	vld [tilespmem:s15+$0xFFFFFFD0]  }
.Ltmp4:
0x280: {  	v3 =	vld [tilespmem:s14+$0xFFFFFFD0];
	v2 =	vadd.f32 v4, v6;
	[tilespmem:s8+$0xFFFFFF90] =	vst v0;
	s8 =	smov.u32 s12;
	(pc) =	sbr.rel @p0 .LBB3_10-.Ltmp4, $4  }
0x281: {  	v4 =	vld [tilespmem:s16+$0xFFFFFFD0];
	v6 =	vadd.f32 v8, v7  }
0x282: {  	v0 =	vld [tilespmem:s9+$0xFFFFFFE0];
	v7 =	vadd.f32 v5, v2;
	s9 =	smov.u32 s14  }
0x283: {  	v6 =	vadd.f32 v9, v6;
	v5 =	vld [tilespmem:s10+$0xFFFFFFE0];
	s10 =	smov.u32 s15  }
0x284: {  	s12 =	sadd.s32 $0x100, s12;
	s14 =	sadd.s32 $0x40, s14;
	v2 =	vld [tilespmem:s11+$0xFFFFFFE0];
	[tilespmem:s8+$0x10] =	vst v7;
	s11 =	smov.u32 s16  }
0x285: {  	v1 =	vadd.f32 v1, v3;
	_ =	sdelay $0x1  }
0x286: {  	[tilespmem:s12+$0x0] =	vst v6;
	v1 =	vadd.f32 v4, v1  }
0x287: {  	v59 =	vld [tilespmem:s9+$0x0]  }
0x288: {  	v60 =	vld [tilespmem:s10+$0x0];
	[tilespmem:s12+$0xFFFFFF80] =	vst v1  }
0x289: {  	v1 =	vld [tilespmem:s9+$0xFFFFFFE0]  }
0x28a: {  	v61 =	vld [tilespmem:s10+$0xFFFFFFE0]  }
0x28b: {  	v7 =	vld [tilespmem:s11+$0x0]  }
0x28c: {  	v8 =	vld [tilespmem:s11+$0xFFFFFFE0]  }
0x28d: {  	v0 =	vadd.f32 v5, v0  }
0x28e: {  	v3 =	vadd.f32 v60, v59  }
0x28f: {  	v0 =	vadd.f32 v2, v0;
	v1 =	vadd.f32 v61, v1  }
0x290: {  	v62 =	vadd.f32 v7, v3  }
0x291: {  	s7 =	sadd.s32 $0x1, s7;
	[tilespmem:s8+$0xFFFFFF90] =	vst v0;
	v63 =	vadd.f32 v8, v1  }
0x292: {  	p0 =	sne.s32 s7, s26;
	[tilespmem:s12+$0x10] =	vst v62  }
.Ltmp5:
0x293: {  	s16 =	simm.s32 $0xE000;
	[tilespmem:s12+$0xFFFFFF90] =	vst v63;
	(pc) =	sbr.rel @p0 .LBB3_1-.Ltmp5, $4  }
0x294: {  	[hbm4b:s25+s1] =	stream.linear.scatter [tilespmem:s16], [sflag:$0x9], $0x4000, $0x38;
	[tilespmem:$0x12000] =	vst v63  }
0x295: {  	_ =	swait.ge [sflag:s6], $0x4000  }
0x296: {  	[sflag:s6] =	ssyncset.done $0x0  }
0x297: {  	[sflag:s6] =	ssyncadd.s32 $0xFFFFC000  }
0x298: {  	_ =	sfence.sel $0x180000  }
0x299: {  	[bflag:$0x0] =	sbarrier.arrive $0xFFFF  }
0x29a: {  	_ =	strace $0x90000047  }
0x29b: {  	s0 =	stileid.u32;
	[bflag:$0x2] =	sbarrier.arrive $0xFFFF  }
0x29c: {  	p0 =	sne.s32 s0, $0x0;
	s0 =	sld [smem:$0x7FD];
	_ =	sdelay $0x2  }
0x29d: {  	s0 =	sadd.s32 @!p0 $0x100000, s0  }
0x29e: {  	[sflag:s0] =	ssyncadd.tile.s32 @!p0 $0x1;
	_ =	shalt  }
.Lfunc_end3:
_tile_overlayer_lowered:
.L_overlay_start_3:
0x29f: {  	(tag) =	ssettag $0x3  }
0x2a0: {  	s0 =	rddreg [dreg:$0x0];
	s2 =	stileid.u32  }
0x2a1: {  	s1 =	rddreg [dreg:$0x1];
	p0 =	sne.s32 s2, $0x0  }
0x2a2: {  	s3 =	rddreg [dreg:$0x2];
	[bflag:$0x3] =	sbarrier.arrive $0xFFFF;
	s2 =	simm.s32 @!p0 $0x1C0A  }
0x2a3: {  	[timem:s3], [sflag:s2] =	dma.local @!p0 [hbm:s0], s1  }
0x2a4: {  	s0 =	simm.s32 @!p0 $0xA  }
0x2a5: {  	_ =	swait.ge @!p0 [sflag:s0], s1  }
0x2a6: {  	s1 =	ssub.s32 @!p0 $0x0, s1;
	[sflag:s0] =	ssyncset.done @!p0 $0x0  }
0x2a7: {  	[sflag:s0] =	ssyncadd.s32 @!p0 s1  }
0x2a8: {  	[bflag:$0x3] =	sbarrier.arrive $0xFFFF  }
0x2a9: {  	_ =	shalt  }

</sc_bundles>
